<compile_context>
chip_gen: v7x
topology: tpu7x:2x2x1
jax: 0.10.2.dev20260603
libtpu: 0.0.44.dev20260713+nightly
codegen_flags: <defaults>
</compile_context>

<pallas_src>
import functools

import jax
import jax.numpy as jnp
from jax import lax
from jax.experimental import pallas as pl
from jax.experimental.pallas import tpu as pltpu
from jax.experimental.pallas import tpu_sc as plsc

LATENT = 64
BATCH = 16384
LANES = 128

_info = plsc.get_sparse_core_info()
_NC = _info.num_cores
_NS = _info.num_subcores
_L = _info.num_lanes
_NW = _NC * _NS
_BPW = BATCH // _NW
_CHUNK = 128
_NCHUNK = _BPW // _CHUNK
_NGROUP = _BPW // _L

_mesh = plsc.VectorSubcoreMesh(core_axis_name="c", subcore_axis_name="s")


@functools.partial(
    pl.kernel,
    out_type=jax.ShapeDtypeStruct((BATCH,), jnp.float32),
    mesh=_mesh,
    compiler_params=pltpu.CompilerParams(
        needs_layout_passes=False, use_tc_tiling_on_sc=True),
    scratch_types=[
        pltpu.VMEM((_BPW,), jnp.int32),
        pltpu.VMEM((_BPW,), jnp.int32),
        pltpu.VMEM((2, LATENT, LANES), jnp.float32),
        pltpu.VMEM((2, LATENT, LANES), jnp.float32),
        pltpu.VMEM((_L, LATENT), jnp.float32),
        pltpu.VMEM((_L, LATENT), jnp.float32),
        pltpu.VMEM((_BPW,), jnp.float32),
        pltpu.VMEM((_BPW,), jnp.float32),
        pltpu.VMEM((_L,), jnp.float32),
        pltpu.VMEM((_BPW,), jnp.float32),
        pltpu.SemaphoreType.DMA,
    ],
)
def _sc_scores(uid_hbm, iid_hbm, ut_hbm, it_hbm, ubias_hbm, ibias_hbm,
               gb_hbm, out_hbm,
               uid_v, iid_v, ublk_v, iblk_v, ucmp_v, icmp_v,
               ubias_v, ibias_v, gb_v, out_v, sem):
    wid = lax.axis_index("s") * _NC + lax.axis_index("c")
    base = wid * _BPW

    pltpu.sync_copy(uid_hbm.at[pl.ds(base, _BPW)], uid_v)
    pltpu.sync_copy(iid_hbm.at[pl.ds(base, _BPW)], iid_v)
    pltpu.sync_copy(gb_hbm, gb_v)

    bias_copies = []
    for k in range(_NCHUNK):
        sl = pl.ds(k * _CHUNK, _CHUNK)
        bias_copies.append(pltpu.async_copy(
            ubias_hbm.at[uid_v.at[sl]], ubias_v.at[sl], sem))
        bias_copies.append(pltpu.async_copy(
            ibias_hbm.at[iid_v.at[sl]], ibias_v.at[sl], sem))
    for c in bias_copies:
        c.wait()

    gb = gb_v[...]
    lane = lax.iota(jnp.int32, _L)
    zero16 = jnp.zeros((_L,), jnp.int32)

    def _enqueue(tab_hbm, blk_v, r, slot):
        s0 = (r // LANES) * LANES
        return pltpu.async_copy(
            tab_hbm.at[:, pl.ds(s0, LANES)], blk_v.at[slot], sem)

    def _extract(blk_v, cmp_v, r, slot, j):
        col = zero16 + (r % LANES)
        slot_v = zero16 + slot
        for c in range(LATENT // _L):
            dl = c * _L + lane
            vals = plsc.load_gather(blk_v, [slot_v, dl, col])
            plsc.store_scatter(cmp_v, [zero16 + j, dl], vals)

    def group(g, carry):
        ruv = uid_v[pl.ds(g * _L, _L)]
        riv = iid_v[pl.ds(g * _L, _L)]

        pending = (_enqueue(ut_hbm, ublk_v, ruv[0], 0),
                   _enqueue(it_hbm, iblk_v, riv[0], 0))
        for j in range(_L):
            if j + 1 < _L:
                nxt = (_enqueue(ut_hbm, ublk_v, ruv[j + 1], (j + 1) % 2),
                       _enqueue(it_hbm, iblk_v, riv[j + 1], (j + 1) % 2))
            pending[0].wait()
            pending[1].wait()
            _extract(ublk_v, ucmp_v, ruv[j], j % 2, j)
            _extract(iblk_v, icmp_v, riv[j], j % 2, j)
            if j + 1 < _L:
                pending = nxt

        accs = [jnp.zeros((_L,), jnp.float32) for _ in range(4)]
        for d in range(LATENT):
            dsplat = zero16 + d
            gu = plsc.load_gather(ucmp_v, [lane, dsplat])
            gi = plsc.load_gather(icmp_v, [lane, dsplat])
            accs[d % 4] = accs[d % 4] + gu * gi
        res = (accs[0] + accs[1]) + (accs[2] + accs[3])
        res = res + ubias_v[pl.ds(g * _L, _L)] + ibias_v[pl.ds(g * _L, _L)] + gb
        out_v[pl.ds(g * _L, _L)] = res
        return carry

    lax.fori_loop(0, _NGROUP, group, 0)

    pltpu.sync_copy(out_v, out_hbm.at[pl.ds(base, _BPW)])


def kernel(user_ids, item_ids, user_embedding, item_embedding,
           user_bias, item_bias, global_bias):
    uid = user_ids.astype(jnp.int32)
    iid = item_ids.astype(jnp.int32)
    ub = user_bias.reshape(-1)
    ib = item_bias.reshape(-1)
    gb16 = jnp.broadcast_to(global_bias.astype(jnp.float32), (_L,))
    return _sc_scores(uid, iid, user_embedding.T, item_embedding.T,
                      ub, ib, gb16)

# --- scband reference (transcript-rebuilt; emitter-appended) ---
"""Pipeline reference for scband-bias-svdnet-34385508171981 (READ-ONLY COPY).

The authoritative reference and input builder live on the scoring server;
editing this copy changes nothing except your own understanding.
"""

import jax, jax.numpy as jnp
import numpy as np

NUM_USERS = 1000000
NUM_ITEMS = 1000000
LATENT = 64
BATCH = 16384


def setup_inputs(seed: int = 0) -> dict:
    key = jax.random.key(seed)
    k1, k2, k3, k4 = jax.random.split(key, 4)
    user_ids = jax.random.randint(k1, (BATCH,), 0, NUM_USERS, dtype=jnp.int64 if jax.config.jax_enable_x64 else jnp.int32)
    item_ids = jax.random.randint(k2, (BATCH,), 0, NUM_ITEMS, dtype=jnp.int64 if jax.config.jax_enable_x64 else jnp.int32)
    user_embedding = jax.random.normal(k3, (NUM_USERS, LATENT), dtype=jnp.float32) * 0.1
    item_embedding = jax.random.normal(k4, (NUM_ITEMS, LATENT), dtype=jnp.float32) * 0.1
    user_bias = jnp.zeros((NUM_USERS, 1), dtype=jnp.float32)
    item_bias = jnp.zeros((NUM_ITEMS, 1), dtype=jnp.float32)
    global_bias = jnp.zeros((1,), dtype=jnp.float32)
    return {
        "user_ids": user_ids,
        "item_ids": item_ids,
        "user_embedding": user_embedding,
        "item_embedding": item_embedding,
        "user_bias": user_bias,
        "item_bias": item_bias,
        "global_bias": global_bias,
    }


def reference(user_ids, item_ids, user_embedding, item_embedding, user_bias, item_bias, global_bias):
    user_embed = jnp.take(user_embedding, user_ids, axis=0)  # [B, d]
    item_embed = jnp.take(item_embedding, item_ids, axis=0)  # [B, d]
    u_bias = jnp.take(user_bias, user_ids, axis=0).squeeze(-1)  # [B]
    i_bias = jnp.take(item_bias, item_ids, axis=0).squeeze(-1)  # [B]
    dot_product = (user_embed * item_embed).sum(axis=1)  # [B]
    predictions = global_bias + u_bias + i_bias + dot_product
    return predictions

if __name__ == "__main__":
    import jax
    _d = setup_inputs()
    print(jax.jit(kernel)(*tuple(_d.values())))

</pallas_src>

<mosaic_0001>
#map = affine_map<(d0, d1) -> (0)>
#map1 = affine_map<(d0, d1) -> (0, 0)>
module attributes {stable_mosaic.version = 14 : i64} {
  func.func @_sc_scores(%arg0: i32, %arg1: i32, %arg2: memref<16384xi32, #tpu.memory_space<hbm>>, %arg3: memref<16384xi32, #tpu.memory_space<hbm>>, %arg4: memref<64x1000000xf32, #tpu.memory_space<hbm>>, %arg5: memref<64x1000000xf32, #tpu.memory_space<hbm>>, %arg6: memref<1000000xf32, #tpu.memory_space<hbm>>, %arg7: memref<1000000xf32, #tpu.memory_space<hbm>>, %arg8: memref<16xf32, #tpu.memory_space<hbm>>, %arg9: memref<16384xf32, #tpu.memory_space<hbm>>, %arg10: memref<512xi32, #tpu.memory_space<vmem>>, %arg11: memref<512xi32, #tpu.memory_space<vmem>>, %arg12: memref<2x64x128xf32, #tpu.memory_space<vmem>>, %arg13: memref<2x64x128xf32, #tpu.memory_space<vmem>>, %arg14: memref<16x64xf32, #tpu.memory_space<vmem>>, %arg15: memref<16x64xf32, #tpu.memory_space<vmem>>, %arg16: memref<512xf32, #tpu.memory_space<vmem>>, %arg17: memref<512xf32, #tpu.memory_space<vmem>>, %arg18: memref<16xf32, #tpu.memory_space<vmem>>, %arg19: memref<512xf32, #tpu.memory_space<vmem>>, %arg20: memref<!tpu.dma_semaphore, #tpu.memory_space<semaphore_mem>>) attributes {dimension_semantics = [#tpu.dimension_semantics<core_parallel>, #tpu.dimension_semantics<subcore_parallel>], iteration_bounds = array<i64: 2, 16>, scalar_prefetch = 0 : i64, scratch_operands = 11 : i64, tpu.core_type = #tpu.core_type<sc_vector_subcore>, window_params = [{transform_indices = #map}, {transform_indices = #map}, {transform_indices = #map1}, {transform_indices = #map1}, {transform_indices = #map}, {transform_indices = #map}, {transform_indices = #map}, {transform_indices = #map}]} {
    %mul3A = arith.constant 2 : i32
    %mul3A_0 = arith.muli %arg1, %mul3A : i32
    %add3A = arith.addi %mul3A_0, %arg0 : i32
    %mul3A_1 = arith.constant 512 : i32
    %mul3A_2 = arith.muli %add3A, %mul3A_1 : i32
    "tpu.region"() ({
      %run_scoped3A = tpu.sem_alloc : memref<!tpu.dma_semaphore, #tpu.memory_space<semaphore_mem>>
      %dma_start3A_104 = tpu.memref_slice %arg2[%mul3A_2] : memref<16384xi32, #tpu.memory_space<hbm>> -> memref<512xi32, #tpu.memory_space<hbm>>
      %dma_start3A_105 = tpu.memref_slice %arg2[%mul3A_2] : memref<16384xi32, #tpu.memory_space<hbm>> -> memref<512xi32, #tpu.memory_space<hbm>>
      tpu.enqueue_dma source(%dma_start3A_105 : memref<512xi32, #tpu.memory_space<hbm>>) target(%arg10 : memref<512xi32, #tpu.memory_space<vmem>>) target_semaphore(%run_scoped3A : memref<!tpu.dma_semaphore, #tpu.memory_space<semaphore_mem>>)
      %dma_wait3A_106 = tpu.memref_slice %arg2[%mul3A_2] : memref<16384xi32, #tpu.memory_space<hbm>> -> memref<512xi32, #tpu.memory_space<hbm>>
      %dma_wait3A_107 = tpu.memref_slice %arg2[%mul3A_2] : memref<16384xi32, #tpu.memory_space<hbm>> -> memref<512xi32, #tpu.memory_space<hbm>>
      tpu.wait_dma2 semaphore(%run_scoped3A : memref<!tpu.dma_semaphore, #tpu.memory_space<semaphore_mem>>) src(%dma_wait3A_107 : memref<512xi32, #tpu.memory_space<hbm>>) dst(%arg10 : memref<512xi32, #tpu.memory_space<vmem>>)
      tpu.yield
    }) : () -> ()
    "tpu.region"() ({
      %run_scoped3A = tpu.sem_alloc : memref<!tpu.dma_semaphore, #tpu.memory_space<semaphore_mem>>
      %dma_start3A_104 = tpu.memref_slice %arg3[%mul3A_2] : memref<16384xi32, #tpu.memory_space<hbm>> -> memref<512xi32, #tpu.memory_space<hbm>>
      %dma_start3A_105 = tpu.memref_slice %arg3[%mul3A_2] : memref<16384xi32, #tpu.memory_space<hbm>> -> memref<512xi32, #tpu.memory_space<hbm>>
      tpu.enqueue_dma source(%dma_start3A_105 : memref<512xi32, #tpu.memory_space<hbm>>) target(%arg11 : memref<512xi32, #tpu.memory_space<vmem>>) target_semaphore(%run_scoped3A : memref<!tpu.dma_semaphore, #tpu.memory_space<semaphore_mem>>)
      %dma_wait3A_106 = tpu.memref_slice %arg3[%mul3A_2] : memref<16384xi32, #tpu.memory_space<hbm>> -> memref<512xi32, #tpu.memory_space<hbm>>
      %dma_wait3A_107 = tpu.memref_slice %arg3[%mul3A_2] : memref<16384xi32, #tpu.memory_space<hbm>> -> memref<512xi32, #tpu.memory_space<hbm>>
      tpu.wait_dma2 semaphore(%run_scoped3A : memref<!tpu.dma_semaphore, #tpu.memory_space<semaphore_mem>>) src(%dma_wait3A_107 : memref<512xi32, #tpu.memory_space<hbm>>) dst(%arg11 : memref<512xi32, #tpu.memory_space<vmem>>)
      tpu.yield
    }) : () -> ()
    "tpu.region"() ({
      %run_scoped3A = tpu.sem_alloc : memref<!tpu.dma_semaphore, #tpu.memory_space<semaphore_mem>>
      tpu.enqueue_dma source(%arg8 : memref<16xf32, #tpu.memory_space<hbm>>) target(%arg18 : memref<16xf32, #tpu.memory_space<vmem>>) target_semaphore(%run_scoped3A : memref<!tpu.dma_semaphore, #tpu.memory_space<semaphore_mem>>)
      tpu.wait_dma2 semaphore(%run_scoped3A : memref<!tpu.dma_semaphore, #tpu.memory_space<semaphore_mem>>) src(%arg8 : memref<16xf32, #tpu.memory_space<hbm>>) dst(%arg18 : memref<16xf32, #tpu.memory_space<vmem>>)
      tpu.yield
    }) : () -> ()
    %dma_start3A = arith.constant 0 : i32
    %dma_start3A_3 = tpu.memref_slice %arg16[%dma_start3A] : memref<512xf32, #tpu.memory_space<vmem>> -> memref<128xf32, #tpu.memory_space<vmem>>
    %dma_start3A_4 = arith.constant 0 : i32
    %dma_start3A_5 = tpu.memref_slice %arg10[%dma_start3A_4] : memref<512xi32, #tpu.memory_space<vmem>> -> memref<128xi32, #tpu.memory_space<vmem>>
    %dma_start3A_6 = arith.constant 0 : i32
    %dma_start3A_7 = tpu.memref_slice %arg6[%dma_start3A_6] : memref<1000000xf32, #tpu.memory_space<hbm>> -> memref<1000000xf32, #tpu.memory_space<hbm>>
    tpu.enqueue_indirect_dma source(%dma_start3A_7 : memref<1000000xf32, #tpu.memory_space<hbm>>) target(%dma_start3A_3 : memref<128xf32, #tpu.memory_space<vmem>>) offsets(%dma_start3A_5 : memref<128xi32, #tpu.memory_space<vmem>>) semaphore(%arg20 : memref<!tpu.dma_semaphore, #tpu.memory_space<semaphore_mem>>)
    %dma_start3A_8 = arith.constant 0 : i32
    %dma_start3A_9 = tpu.memref_slice %arg17[%dma_start3A_8] : memref<512xf32, #tpu.memory_space<vmem>> -> memref<128xf32, #tpu.memory_space<vmem>>
    %dma_start3A_10 = arith.constant 0 : i32
    %dma_start3A_11 = tpu.memref_slice %arg11[%dma_start3A_10] : memref<512xi32, #tpu.memory_space<vmem>> -> memref<128xi32, #tpu.memory_space<vmem>>
    %dma_start3A_12 = arith.constant 0 : i32
    %dma_start3A_13 = tpu.memref_slice %arg7[%dma_start3A_12] : memref<1000000xf32, #tpu.memory_space<hbm>> -> memref<1000000xf32, #tpu.memory_space<hbm>>
    tpu.enqueue_indirect_dma source(%dma_start3A_13 : memref<1000000xf32, #tpu.memory_space<hbm>>) target(%dma_start3A_9 : memref<128xf32, #tpu.memory_space<vmem>>) offsets(%dma_start3A_11 : memref<128xi32, #tpu.memory_space<vmem>>) semaphore(%arg20 : memref<!tpu.dma_semaphore, #tpu.memory_space<semaphore_mem>>)
    %dma_start3A_14 = arith.constant 128 : i32
    %dma_start3A_15 = tpu.memref_slice %arg16[%dma_start3A_14] : memref<512xf32, #tpu.memory_space<vmem>> -> memref<128xf32, #tpu.memory_space<vmem>>
    %dma_start3A_16 = arith.constant 128 : i32
    %dma_start3A_17 = tpu.memref_slice %arg10[%dma_start3A_16] : memref<512xi32, #tpu.memory_space<vmem>> -> memref<128xi32, #tpu.memory_space<vmem>>
    %dma_start3A_18 = arith.constant 0 : i32
    %dma_start3A_19 = tpu.memref_slice %arg6[%dma_start3A_18] : memref<1000000xf32, #tpu.memory_space<hbm>> -> memref<1000000xf32, #tpu.memory_space<hbm>>
    tpu.enqueue_indirect_dma source(%dma_start3A_19 : memref<1000000xf32, #tpu.memory_space<hbm>>) target(%dma_start3A_15 : memref<128xf32, #tpu.memory_space<vmem>>) offsets(%dma_start3A_17 : memref<128xi32, #tpu.memory_space<vmem>>) semaphore(%arg20 : memref<!tpu.dma_semaphore, #tpu.memory_space<semaphore_mem>>)
    %dma_start3A_20 = arith.constant 128 : i32
    %dma_start3A_21 = tpu.memref_slice %arg17[%dma_start3A_20] : memref<512xf32, #tpu.memory_space<vmem>> -> memref<128xf32, #tpu.memory_space<vmem>>
    %dma_start3A_22 = arith.constant 128 : i32
    %dma_start3A_23 = tpu.memref_slice %arg11[%dma_start3A_22] : memref<512xi32, #tpu.memory_space<vmem>> -> memref<128xi32, #tpu.memory_space<vmem>>
    %dma_start3A_24 = arith.constant 0 : i32
    %dma_start3A_25 = tpu.memref_slice %arg7[%dma_start3A_24] : memref<1000000xf32, #tpu.memory_space<hbm>> -> memref<1000000xf32, #tpu.memory_space<hbm>>
    tpu.enqueue_indirect_dma source(%dma_start3A_25 : memref<1000000xf32, #tpu.memory_space<hbm>>) target(%dma_start3A_21 : memref<128xf32, #tpu.memory_space<vmem>>) offsets(%dma_start3A_23 : memref<128xi32, #tpu.memory_space<vmem>>) semaphore(%arg20 : memref<!tpu.dma_semaphore, #tpu.memory_space<semaphore_mem>>)
    %dma_start3A_26 = arith.constant 256 : i32
    %dma_start3A_27 = tpu.memref_slice %arg16[%dma_start3A_26] : memref<512xf32, #tpu.memory_space<vmem>> -> memref<128xf32, #tpu.memory_space<vmem>>
    %dma_start3A_28 = arith.constant 256 : i32
    %dma_start3A_29 = tpu.memref_slice %arg10[%dma_start3A_28] : memref<512xi32, #tpu.memory_space<vmem>> -> memref<128xi32, #tpu.memory_space<vmem>>
    %dma_start3A_30 = arith.constant 0 : i32
    %dma_start3A_31 = tpu.memref_slice %arg6[%dma_start3A_30] : memref<1000000xf32, #tpu.memory_space<hbm>> -> memref<1000000xf32, #tpu.memory_space<hbm>>
    tpu.enqueue_indirect_dma source(%dma_start3A_31 : memref<1000000xf32, #tpu.memory_space<hbm>>) target(%dma_start3A_27 : memref<128xf32, #tpu.memory_space<vmem>>) offsets(%dma_start3A_29 : memref<128xi32, #tpu.memory_space<vmem>>) semaphore(%arg20 : memref<!tpu.dma_semaphore, #tpu.memory_space<semaphore_mem>>)
    %dma_start3A_32 = arith.constant 256 : i32
    %dma_start3A_33 = tpu.memref_slice %arg17[%dma_start3A_32] : memref<512xf32, #tpu.memory_space<vmem>> -> memref<128xf32, #tpu.memory_space<vmem>>
    %dma_start3A_34 = arith.constant 256 : i32
    %dma_start3A_35 = tpu.memref_slice %arg11[%dma_start3A_34] : memref<512xi32, #tpu.memory_space<vmem>> -> memref<128xi32, #tpu.memory_space<vmem>>
    %dma_start3A_36 = arith.constant 0 : i32
    %dma_start3A_37 = tpu.memref_slice %arg7[%dma_start3A_36] : memref<1000000xf32, #tpu.memory_space<hbm>> -> memref<1000000xf32, #tpu.memory_space<hbm>>
    tpu.enqueue_indirect_dma source(%dma_start3A_37 : memref<1000000xf32, #tpu.memory_space<hbm>>) target(%dma_start3A_33 : memref<128xf32, #tpu.memory_space<vmem>>) offsets(%dma_start3A_35 : memref<128xi32, #tpu.memory_space<vmem>>) semaphore(%arg20 : memref<!tpu.dma_semaphore, #tpu.memory_space<semaphore_mem>>)
    %dma_start3A_38 = arith.constant 384 : i32
    %dma_start3A_39 = tpu.memref_slice %arg16[%dma_start3A_38] : memref<512xf32, #tpu.memory_space<vmem>> -> memref<128xf32, #tpu.memory_space<vmem>>
    %dma_start3A_40 = arith.constant 384 : i32
    %dma_start3A_41 = tpu.memref_slice %arg10[%dma_start3A_40] : memref<512xi32, #tpu.memory_space<vmem>> -> memref<128xi32, #tpu.memory_space<vmem>>
    %dma_start3A_42 = arith.constant 0 : i32
    %dma_start3A_43 = tpu.memref_slice %arg6[%dma_start3A_42] : memref<1000000xf32, #tpu.memory_space<hbm>> -> memref<1000000xf32, #tpu.memory_space<hbm>>
    tpu.enqueue_indirect_dma source(%dma_start3A_43 : memref<1000000xf32, #tpu.memory_space<hbm>>) target(%dma_start3A_39 : memref<128xf32, #tpu.memory_space<vmem>>) offsets(%dma_start3A_41 : memref<128xi32, #tpu.memory_space<vmem>>) semaphore(%arg20 : memref<!tpu.dma_semaphore, #tpu.memory_space<semaphore_mem>>)
    %dma_start3A_44 = arith.constant 384 : i32
    %dma_start3A_45 = tpu.memref_slice %arg17[%dma_start3A_44] : memref<512xf32, #tpu.memory_space<vmem>> -> memref<128xf32, #tpu.memory_space<vmem>>
    %dma_start3A_46 = arith.constant 384 : i32
    %dma_start3A_47 = tpu.memref_slice %arg11[%dma_start3A_46] : memref<512xi32, #tpu.memory_space<vmem>> -> memref<128xi32, #tpu.memory_space<vmem>>
    %dma_start3A_48 = arith.constant 0 : i32
    %dma_start3A_49 = tpu.memref_slice %arg7[%dma_start3A_48] : memref<1000000xf32, #tpu.memory_space<hbm>> -> memref<1000000xf32, #tpu.memory_space<hbm>>
    tpu.enqueue_indirect_dma source(%dma_start3A_49 : memref<1000000xf32, #tpu.memory_space<hbm>>) target(%dma_start3A_45 : memref<128xf32, #tpu.memory_space<vmem>>) offsets(%dma_start3A_47 : memref<128xi32, #tpu.memory_space<vmem>>) semaphore(%arg20 : memref<!tpu.dma_semaphore, #tpu.memory_space<semaphore_mem>>)
    %dma_wait3A = arith.constant 0 : i32
    %dma_wait3A_50 = tpu.memref_slice %arg16[%dma_wait3A] : memref<512xf32, #tpu.memory_space<vmem>> -> memref<128xf32, #tpu.memory_space<vmem>>
    %dma_wait3A_51 = arith.constant 0 : i32
    %dma_wait3A_52 = tpu.memref_slice %arg10[%dma_wait3A_51] : memref<512xi32, #tpu.memory_space<vmem>> -> memref<128xi32, #tpu.memory_space<vmem>>
    %dma_wait3A_53 = arith.constant 0 : i32
    %dma_wait3A_54 = tpu.memref_slice %arg6[%dma_wait3A_53] : memref<1000000xf32, #tpu.memory_space<hbm>> -> memref<1000000xf32, #tpu.memory_space<hbm>>
    tpu.wait_indirect_dma semaphore(%arg20 : memref<!tpu.dma_semaphore, #tpu.memory_space<semaphore_mem>>) src(%dma_wait3A_54 : memref<1000000xf32, #tpu.memory_space<hbm>>) dst(%dma_wait3A_50 : memref<128xf32, #tpu.memory_space<vmem>>)
    %dma_wait3A_55 = arith.constant 0 : i32
    %dma_wait3A_56 = tpu.memref_slice %arg17[%dma_wait3A_55] : memref<512xf32, #tpu.memory_space<vmem>> -> memref<128xf32, #tpu.memory_space<vmem>>
    %dma_wait3A_57 = arith.constant 0 : i32
    %dma_wait3A_58 = tpu.memref_slice %arg11[%dma_wait3A_57] : memref<512xi32, #tpu.memory_space<vmem>> -> memref<128xi32, #tpu.memory_space<vmem>>
    %dma_wait3A_59 = arith.constant 0 : i32
    %dma_wait3A_60 = tpu.memref_slice %arg7[%dma_wait3A_59] : memref<1000000xf32, #tpu.memory_space<hbm>> -> memref<1000000xf32, #tpu.memory_space<hbm>>
    tpu.wait_indirect_dma semaphore(%arg20 : memref<!tpu.dma_semaphore, #tpu.memory_space<semaphore_mem>>) src(%dma_wait3A_60 : memref<1000000xf32, #tpu.memory_space<hbm>>) dst(%dma_wait3A_56 : memref<128xf32, #tpu.memory_space<vmem>>)
    %dma_wait3A_61 = arith.constant 128 : i32
    %dma_wait3A_62 = tpu.memref_slice %arg16[%dma_wait3A_61] : memref<512xf32, #tpu.memory_space<vmem>> -> memref<128xf32, #tpu.memory_space<vmem>>
    %dma_wait3A_63 = arith.constant 128 : i32
    %dma_wait3A_64 = tpu.memref_slice %arg10[%dma_wait3A_63] : memref<512xi32, #tpu.memory_space<vmem>> -> memref<128xi32, #tpu.memory_space<vmem>>
    %dma_wait3A_65 = arith.constant 0 : i32
    %dma_wait3A_66 = tpu.memref_slice %arg6[%dma_wait3A_65] : memref<1000000xf32, #tpu.memory_space<hbm>> -> memref<1000000xf32, #tpu.memory_space<hbm>>
    tpu.wait_indirect_dma semaphore(%arg20 : memref<!tpu.dma_semaphore, #tpu.memory_space<semaphore_mem>>) src(%dma_wait3A_66 : memref<1000000xf32, #tpu.memory_space<hbm>>) dst(%dma_wait3A_62 : memref<128xf32, #tpu.memory_space<vmem>>)
    %dma_wait3A_67 = arith.constant 128 : i32
    %dma_wait3A_68 = tpu.memref_slice %arg17[%dma_wait3A_67] : memref<512xf32, #tpu.memory_space<vmem>> -> memref<128xf32, #tpu.memory_space<vmem>>
    %dma_wait3A_69 = arith.constant 128 : i32
    %dma_wait3A_70 = tpu.memref_slice %arg11[%dma_wait3A_69] : memref<512xi32, #tpu.memory_space<vmem>> -> memref<128xi32, #tpu.memory_space<vmem>>
    %dma_wait3A_71 = arith.constant 0 : i32
    %dma_wait3A_72 = tpu.memref_slice %arg7[%dma_wait3A_71] : memref<1000000xf32, #tpu.memory_space<hbm>> -> memref<1000000xf32, #tpu.memory_space<hbm>>
    tpu.wait_indirect_dma semaphore(%arg20 : memref<!tpu.dma_semaphore, #tpu.memory_space<semaphore_mem>>) src(%dma_wait3A_72 : memref<1000000xf32, #tpu.memory_space<hbm>>) dst(%dma_wait3A_68 : memref<128xf32, #tpu.memory_space<vmem>>)
    %dma_wait3A_73 = arith.constant 256 : i32
    %dma_wait3A_74 = tpu.memref_slice %arg16[%dma_wait3A_73] : memref<512xf32, #tpu.memory_space<vmem>> -> memref<128xf32, #tpu.memory_space<vmem>>
    %dma_wait3A_75 = arith.constant 256 : i32
    %dma_wait3A_76 = tpu.memref_slice %arg10[%dma_wait3A_75] : memref<512xi32, #tpu.memory_space<vmem>> -> memref<128xi32, #tpu.memory_space<vmem>>
    %dma_wait3A_77 = arith.constant 0 : i32
    %dma_wait3A_78 = tpu.memref_slice %arg6[%dma_wait3A_77] : memref<1000000xf32, #tpu.memory_space<hbm>> -> memref<1000000xf32, #tpu.memory_space<hbm>>
    tpu.wait_indirect_dma semaphore(%arg20 : memref<!tpu.dma_semaphore, #tpu.memory_space<semaphore_mem>>) src(%dma_wait3A_78 : memref<1000000xf32, #tpu.memory_space<hbm>>) dst(%dma_wait3A_74 : memref<128xf32, #tpu.memory_space<vmem>>)
    %dma_wait3A_79 = arith.constant 256 : i32
    %dma_wait3A_80 = tpu.memref_slice %arg17[%dma_wait3A_79] : memref<512xf32, #tpu.memory_space<vmem>> -> memref<128xf32, #tpu.memory_space<vmem>>
    %dma_wait3A_81 = arith.constant 256 : i32
    %dma_wait3A_82 = tpu.memref_slice %arg11[%dma_wait3A_81] : memref<512xi32, #tpu.memory_space<vmem>> -> memref<128xi32, #tpu.memory_space<vmem>>
    %dma_wait3A_83 = arith.constant 0 : i32
    %dma_wait3A_84 = tpu.memref_slice %arg7[%dma_wait3A_83] : memref<1000000xf32, #tpu.memory_space<hbm>> -> memref<1000000xf32, #tpu.memory_space<hbm>>
    tpu.wait_indirect_dma semaphore(%arg20 : memref<!tpu.dma_semaphore, #tpu.memory_space<semaphore_mem>>) src(%dma_wait3A_84 : memref<1000000xf32, #tpu.memory_space<hbm>>) dst(%dma_wait3A_80 : memref<128xf32, #tpu.memory_space<vmem>>)
    %dma_wait3A_85 = arith.constant 384 : i32
    %dma_wait3A_86 = tpu.memref_slice %arg16[%dma_wait3A_85] : memref<512xf32, #tpu.memory_space<vmem>> -> memref<128xf32, #tpu.memory_space<vmem>>
    %dma_wait3A_87 = arith.constant 384 : i32
    %dma_wait3A_88 = tpu.memref_slice %arg10[%dma_wait3A_87] : memref<512xi32, #tpu.memory_space<vmem>> -> memref<128xi32, #tpu.memory_space<vmem>>
    %dma_wait3A_89 = arith.constant 0 : i32
    %dma_wait3A_90 = tpu.memref_slice %arg6[%dma_wait3A_89] : memref<1000000xf32, #tpu.memory_space<hbm>> -> memref<1000000xf32, #tpu.memory_space<hbm>>
    tpu.wait_indirect_dma semaphore(%arg20 : memref<!tpu.dma_semaphore, #tpu.memory_space<semaphore_mem>>) src(%dma_wait3A_90 : memref<1000000xf32, #tpu.memory_space<hbm>>) dst(%dma_wait3A_86 : memref<128xf32, #tpu.memory_space<vmem>>)
    %dma_wait3A_91 = arith.constant 384 : i32
    %dma_wait3A_92 = tpu.memref_slice %arg17[%dma_wait3A_91] : memref<512xf32, #tpu.memory_space<vmem>> -> memref<128xf32, #tpu.memory_space<vmem>>
    %dma_wait3A_93 = arith.constant 384 : i32
    %dma_wait3A_94 = tpu.memref_slice %arg11[%dma_wait3A_93] : memref<512xi32, #tpu.memory_space<vmem>> -> memref<128xi32, #tpu.memory_space<vmem>>
    %dma_wait3A_95 = arith.constant 0 : i32
    %dma_wait3A_96 = tpu.memref_slice %arg7[%dma_wait3A_95] : memref<1000000xf32, #tpu.memory_space<hbm>> -> memref<1000000xf32, #tpu.memory_space<hbm>>
    tpu.wait_indirect_dma semaphore(%arg20 : memref<!tpu.dma_semaphore, #tpu.memory_space<semaphore_mem>>) src(%dma_wait3A_96 : memref<1000000xf32, #tpu.memory_space<hbm>>) dst(%dma_wait3A_92 : memref<128xf32, #tpu.memory_space<vmem>>)
    %get3A = arith.constant 0 : index
    %get3A_97 = tpu.vector_load %arg18[%get3A] {strides = array<i32>} : memref<16xf32, #tpu.memory_space<vmem>>, vector<16xf32>,
    %iota3A = tpu.iota {dimensions = array<i32: 0>} : vector<16xi32>
    %broadcast_in_dim3A = arith.constant 0 : i32
    %broadcast_in_dim3A_98 = vector.broadcast %broadcast_in_dim3A : i32 to vector<16xi32>
    %scan3A = arith.constant 0 : i32
    %scan3A_99 = arith.constant 0 : i32
    %scan3A_100 = arith.constant 32 : i32
    %scan3A_101 = arith.addi %scan3A_99, %scan3A_100 : i32
    %scan3A_102 = arith.constant 1 : i32
    scf.for %scan3A_104 = %scan3A_99 to %scan3A_101 step %scan3A_102  : i32 {
      %mul3A_105 = arith.constant 16 : i32
      %mul3A_106 = arith.muli %scan3A_104, %mul3A_105 : i32
      %get3A_107 = arith.index_cast %mul3A_106 : i32 to index
      %get3A_108 = tpu.vector_load %arg10[%get3A_107] {strides = array<i32>} : memref<512xi32, #tpu.memory_space<vmem>>, vector<16xi32>,
      %mul3A_109 = arith.constant 16 : i32
      %mul3A_110 = arith.muli %scan3A_104, %mul3A_109 : i32
      %get3A_111 = arith.index_cast %mul3A_110 : i32 to index
      %get3A_112 = tpu.vector_load %arg11[%get3A_111] {strides = array<i32>} : memref<512xi32, #tpu.memory_space<vmem>>, vector<16xi32>,
      %slice3A = vector.extract_strided_slice %get3A_108 {offsets = [0], sizes = [1], strides = [1]} : vector<16xi32> to vector<1xi32>
      %squeeze3A = vector.extract %slice3A[0] : i32 from vector<1xi32>
      %jit3A = arith.constant 128 : i32
      %div3A = arith.divsi %squeeze3A, %jit3A : i32
      %sign3A = arith.constant 0 : i32
      %sign3A_113 = arith.cmpi sgt, %squeeze3A, %sign3A : i32
      %sign3A_114 = arith.extui %sign3A_113 : i1 to i32
      %sign3A_115 = arith.constant 0 : i32
      %sign3A_116 = arith.cmpi slt, %squeeze3A, %sign3A_115 : i32
      %sign3A_117 = arith.extui %sign3A_116 : i1 to i32
      %sign3A_118 = arith.subi %sign3A_114, %sign3A_117 : i32
      %sign3A_119 = arith.constant 0 : i32
      %sign3A_120 = arith.cmpi sgt, %jit3A, %sign3A_119 : i32
      %sign3A_121 = arith.extui %sign3A_120 : i1 to i32
      %sign3A_122 = arith.constant 0 : i32
      %sign3A_123 = arith.cmpi slt, %jit3A, %sign3A_122 : i32
      %sign3A_124 = arith.extui %sign3A_123 : i1 to i32
      %sign3A_125 = arith.subi %sign3A_121, %sign3A_124 : i32
      %ne3A = arith.cmpi ne, %sign3A_118, %sign3A_125 : i32
      %rem3A = arith.remsi %squeeze3A, %jit3A : i32
      %ne3A_126 = arith.constant 0 : i32
      %ne3A_127 = arith.cmpi ne, %rem3A, %ne3A_126 : i32
      %and3A = arith.andi %ne3A, %ne3A_127 : i1
      %sub3A = arith.constant 1 : i32
      %sub3A_128 = arith.subi %div3A, %sub3A : i32
      %select_n3A = arith.select %and3A, %sub3A_128, %div3A : i32
      %mul3A_129 = arith.constant 128 : i32
      %mul3A_130 = arith.muli %select_n3A, %mul3A_129 : i32
      %dma_start3A_131 = arith.constant 0 : i32
      %dma_start3A_132 = arith.constant 0 : i32
      %dma_start3A_133 = arith.constant 0 : i32
      %dma_start3A_134 = tpu.memref_slice %arg12[%dma_start3A_131, %dma_start3A_132, %dma_start3A_133] : memref<2x64x128xf32, #tpu.memory_space<vmem>> -> memref<1x64x128xf32, #tpu.memory_space<vmem>>
      %dma_start3A_135 = tpu.memref_squeeze %dma_start3A_134 : memref<1x64x128xf32, #tpu.memory_space<vmem>> -> memref<64x128xf32, #tpu.memory_space<vmem>>
      %dma_start3A_136 = arith.constant 0 : i32
      %dma_start3A_137 = tpu.memref_slice %arg4[%dma_start3A_136, %mul3A_130] : memref<64x1000000xf32, #tpu.memory_space<hbm>> -> memref<64x128xf32, #tpu.memory_space<hbm>>
      %dma_start3A_138 = arith.constant 0 : i32
      %dma_start3A_139 = arith.constant 0 : i32
      %dma_start3A_140 = tpu.memref_slice %arg12[%dma_start3A_131, %dma_start3A_138, %dma_start3A_139] : memref<2x64x128xf32, #tpu.memory_space<vmem>> -> memref<1x64x128xf32, #tpu.memory_space<vmem>>
      %dma_start3A_141 = tpu.memref_squeeze %dma_start3A_140 : memref<1x64x128xf32, #tpu.memory_space<vmem>> -> memref<64x128xf32, #tpu.memory_space<vmem>>
      %dma_start3A_142 = arith.constant 0 : i32
      %dma_start3A_143 = tpu.memref_slice %arg4[%dma_start3A_142, %mul3A_130] : memref<64x1000000xf32, #tpu.memory_space<hbm>> -> memref<64x128xf32, #tpu.memory_space<hbm>>
      tpu.enqueue_dma source(%dma_start3A_143 : memref<64x128xf32, #tpu.memory_space<hbm>>) target(%dma_start3A_141 : memref<64x128xf32, #tpu.memory_space<vmem>>) target_semaphore(%arg20 : memref<!tpu.dma_semaphore, #tpu.memory_space<semaphore_mem>>)
      %slice3A_144 = vector.extract_strided_slice %get3A_112 {offsets = [0], sizes = [1], strides = [1]} : vector<16xi32> to vector<1xi32>
      %squeeze3A_145 = vector.extract %slice3A_144[0] : i32 from vector<1xi32>
      %jit3A_146 = arith.constant 128 : i32
      %div3A_147 = arith.divsi %squeeze3A_145, %jit3A_146 : i32
      %sign3A_148 = arith.constant 0 : i32
      %sign3A_149 = arith.cmpi sgt, %squeeze3A_145, %sign3A_148 : i32
      %sign3A_150 = arith.extui %sign3A_149 : i1 to i32
      %sign3A_151 = arith.constant 0 : i32
      %sign3A_152 = arith.cmpi slt, %squeeze3A_145, %sign3A_151 : i32
      %sign3A_153 = arith.extui %sign3A_152 : i1 to i32
      %sign3A_154 = arith.subi %sign3A_150, %sign3A_153 : i32
      %sign3A_155 = arith.constant 0 : i32
      %sign3A_156 = arith.cmpi sgt, %jit3A_146, %sign3A_155 : i32
      %sign3A_157 = arith.extui %sign3A_156 : i1 to i32
      %sign3A_158 = arith.constant 0 : i32
      %sign3A_159 = arith.cmpi slt, %jit3A_146, %sign3A_158 : i32
      %sign3A_160 = arith.extui %sign3A_159 : i1 to i32
      %sign3A_161 = arith.subi %sign3A_157, %sign3A_160 : i32
      %ne3A_162 = arith.cmpi ne, %sign3A_154, %sign3A_161 : i32
      %rem3A_163 = arith.remsi %squeeze3A_145, %jit3A_146 : i32
      %ne3A_164 = arith.constant 0 : i32
      %ne3A_165 = arith.cmpi ne, %rem3A_163, %ne3A_164 : i32
      %and3A_166 = arith.andi %ne3A_162, %ne3A_165 : i1
      %sub3A_167 = arith.constant 1 : i32
      %sub3A_168 = arith.subi %div3A_147, %sub3A_167 : i32
      %select_n3A_169 = arith.select %and3A_166, %sub3A_168, %div3A_147 : i32
      %mul3A_170 = arith.constant 128 : i32
      %mul3A_171 = arith.muli %select_n3A_169, %mul3A_170 : i32
      %dma_start3A_172 = arith.constant 0 : i32
      %dma_start3A_173 = arith.constant 0 : i32
      %dma_start3A_174 = arith.constant 0 : i32
      %dma_start3A_175 = tpu.memref_slice %arg13[%dma_start3A_172, %dma_start3A_173, %dma_start3A_174] : memref<2x64x128xf32, #tpu.memory_space<vmem>> -> memref<1x64x128xf32, #tpu.memory_space<vmem>>
      %dma_start3A_176 = tpu.memref_squeeze %dma_start3A_175 : memref<1x64x128xf32, #tpu.memory_space<vmem>> -> memref<64x128xf32, #tpu.memory_space<vmem>>
      %dma_start3A_177 = arith.constant 0 : i32
      %dma_start3A_178 = tpu.memref_slice %arg5[%dma_start3A_177, %mul3A_171] : memref<64x1000000xf32, #tpu.memory_space<hbm>> -> memref<64x128xf32, #tpu.memory_space<hbm>>
      %dma_start3A_179 = arith.constant 0 : i32
      %dma_start3A_180 = arith.constant 0 : i32
      %dma_start3A_181 = tpu.memref_slice %arg13[%dma_start3A_172, %dma_start3A_179, %dma_start3A_180] : memref<2x64x128xf32, #tpu.memory_space<vmem>> -> memref<1x64x128xf32, #tpu.memory_space<vmem>>
      %dma_start3A_182 = tpu.memref_squeeze %dma_start3A_181 : memref<1x64x128xf32, #tpu.memory_space<vmem>> -> memref<64x128xf32, #tpu.memory_space<vmem>>
      %dma_start3A_183 = arith.constant 0 : i32
      %dma_start3A_184 = tpu.memref_slice %arg5[%dma_start3A_183, %mul3A_171] : memref<64x1000000xf32, #tpu.memory_space<hbm>> -> memref<64x128xf32, #tpu.memory_space<hbm>>
      tpu.enqueue_dma source(%dma_start3A_184 : memref<64x128xf32, #tpu.memory_space<hbm>>) target(%dma_start3A_182 : memref<64x128xf32, #tpu.memory_space<vmem>>) target_semaphore(%arg20 : memref<!tpu.dma_semaphore, #tpu.memory_space<semaphore_mem>>)
      %slice3A_185 = vector.extract_strided_slice %get3A_108 {offsets = [1], sizes = [1], strides = [1]} : vector<16xi32> to vector<1xi32>
      %squeeze3A_186 = vector.extract %slice3A_185[0] : i32 from vector<1xi32>
      %jit3A_187 = arith.constant 128 : i32
      %div3A_188 = arith.divsi %squeeze3A_186, %jit3A_187 : i32
      %sign3A_189 = arith.constant 0 : i32
      %sign3A_190 = arith.cmpi sgt, %squeeze3A_186, %sign3A_189 : i32
      %sign3A_191 = arith.extui %sign3A_190 : i1 to i32
      %sign3A_192 = arith.constant 0 : i32
      %sign3A_193 = arith.cmpi slt, %squeeze3A_186, %sign3A_192 : i32
      %sign3A_194 = arith.extui %sign3A_193 : i1 to i32
      %sign3A_195 = arith.subi %sign3A_191, %sign3A_194 : i32
      %sign3A_196 = arith.constant 0 : i32
      %sign3A_197 = arith.cmpi sgt, %jit3A_187, %sign3A_196 : i32
      %sign3A_198 = arith.extui %sign3A_197 : i1 to i32
      %sign3A_199 = arith.constant 0 : i32
      %sign3A_200 = arith.cmpi slt, %jit3A_187, %sign3A_199 : i32
      %sign3A_201 = arith.extui %sign3A_200 : i1 to i32
      %sign3A_202 = arith.subi %sign3A_198, %sign3A_201 : i32
      %ne3A_203 = arith.cmpi ne, %sign3A_195, %sign3A_202 : i32
      %rem3A_204 = arith.remsi %squeeze3A_186, %jit3A_187 : i32
      %ne3A_205 = arith.constant 0 : i32
      %ne3A_206 = arith.cmpi ne, %rem3A_204, %ne3A_205 : i32
      %and3A_207 = arith.andi %ne3A_203, %ne3A_206 : i1
      %sub3A_208 = arith.constant 1 : i32
      %sub3A_209 = arith.subi %div3A_188, %sub3A_208 : i32
      %select_n3A_210 = arith.select %and3A_207, %sub3A_209, %div3A_188 : i32
      %mul3A_211 = arith.constant 128 : i32
      %mul3A_212 = arith.muli %select_n3A_210, %mul3A_211 : i32
      %dma_start3A_213 = arith.constant 1 : i32
      %dma_start3A_214 = arith.constant 0 : i32
      %dma_start3A_215 = arith.constant 0 : i32
      %dma_start3A_216 = tpu.memref_slice %arg12[%dma_start3A_213, %dma_start3A_214, %dma_start3A_215] : memref<2x64x128xf32, #tpu.memory_space<vmem>> -> memref<1x64x128xf32, #tpu.memory_space<vmem>>
      %dma_start3A_217 = tpu.memref_squeeze %dma_start3A_216 : memref<1x64x128xf32, #tpu.memory_space<vmem>> -> memref<64x128xf32, #tpu.memory_space<vmem>>
      %dma_start3A_218 = arith.constant 0 : i32
      %dma_start3A_219 = tpu.memref_slice %arg4[%dma_start3A_218, %mul3A_212] : memref<64x1000000xf32, #tpu.memory_space<hbm>> -> memref<64x128xf32, #tpu.memory_space<hbm>>
      %dma_start3A_220 = arith.constant 0 : i32
      %dma_start3A_221 = arith.constant 0 : i32
      %dma_start3A_222 = tpu.memref_slice %arg12[%dma_start3A_213, %dma_start3A_220, %dma_start3A_221] : memref<2x64x128xf32, #tpu.memory_space<vmem>> -> memref<1x64x128xf32, #tpu.memory_space<vmem>>
      %dma_start3A_223 = tpu.memref_squeeze %dma_start3A_222 : memref<1x64x128xf32, #tpu.memory_space<vmem>> -> memref<64x128xf32, #tpu.memory_space<vmem>>
      %dma_start3A_224 = arith.constant 0 : i32
      %dma_start3A_225 = tpu.memref_slice %arg4[%dma_start3A_224, %mul3A_212] : memref<64x1000000xf32, #tpu.memory_space<hbm>> -> memref<64x128xf32, #tpu.memory_space<hbm>>
      tpu.enqueue_dma source(%dma_start3A_225 : memref<64x128xf32, #tpu.memory_space<hbm>>) target(%dma_start3A_223 : memref<64x128xf32, #tpu.memory_space<vmem>>) target_semaphore(%arg20 : memref<!tpu.dma_semaphore, #tpu.memory_space<semaphore_mem>>)
      %slice3A_226 = vector.extract_strided_slice %get3A_112 {offsets = [1], sizes = [1], strides = [1]} : vector<16xi32> to vector<1xi32>
      %squeeze3A_227 = vector.extract %slice3A_226[0] : i32 from vector<1xi32>
      %jit3A_228 = arith.constant 128 : i32
      %div3A_229 = arith.divsi %squeeze3A_227, %jit3A_228 : i32
      %sign3A_230 = arith.constant 0 : i32
      %sign3A_231 = arith.cmpi sgt, %squeeze3A_227, %sign3A_230 : i32
      %sign3A_232 = arith.extui %sign3A_231 : i1 to i32
      %sign3A_233 = arith.constant 0 : i32
      %sign3A_234 = arith.cmpi slt, %squeeze3A_227, %sign3A_233 : i32
      %sign3A_235 = arith.extui %sign3A_234 : i1 to i32
      %sign3A_236 = arith.subi %sign3A_232, %sign3A_235 : i32
      %sign3A_237 = arith.constant 0 : i32
      %sign3A_238 = arith.cmpi sgt, %jit3A_228, %sign3A_237 : i32
      %sign3A_239 = arith.extui %sign3A_238 : i1 to i32
      %sign3A_240 = arith.constant 0 : i32
      %sign3A_241 = arith.cmpi slt, %jit3A_228, %sign3A_240 : i32
      %sign3A_242 = arith.extui %sign3A_241 : i1 to i32
      %sign3A_243 = arith.subi %sign3A_239, %sign3A_242 : i32
      %ne3A_244 = arith.cmpi ne, %sign3A_236, %sign3A_243 : i32
      %rem3A_245 = arith.remsi %squeeze3A_227, %jit3A_228 : i32
      %ne3A_246 = arith.constant 0 : i32
      %ne3A_247 = arith.cmpi ne, %rem3A_245, %ne3A_246 : i32
      %and3A_248 = arith.andi %ne3A_244, %ne3A_247 : i1
      %sub3A_249 = arith.constant 1 : i32
      %sub3A_250 = arith.subi %div3A_229, %sub3A_249 : i32
      %select_n3A_251 = arith.select %and3A_248, %sub3A_250, %div3A_229 : i32
      %mul3A_252 = arith.constant 128 : i32
      %mul3A_253 = arith.muli %select_n3A_251, %mul3A_252 : i32
      %dma_start3A_254 = arith.constant 1 : i32
      %dma_start3A_255 = arith.constant 0 : i32
      %dma_start3A_256 = arith.constant 0 : i32
      %dma_start3A_257 = tpu.memref_slice %arg13[%dma_start3A_254, %dma_start3A_255, %dma_start3A_256] : memref<2x64x128xf32, #tpu.memory_space<vmem>> -> memref<1x64x128xf32, #tpu.memory_space<vmem>>
      %dma_start3A_258 = tpu.memref_squeeze %dma_start3A_257 : memref<1x64x128xf32, #tpu.memory_space<vmem>> -> memref<64x128xf32, #tpu.memory_space<vmem>>
      %dma_start3A_259 = arith.constant 0 : i32
      %dma_start3A_260 = tpu.memref_slice %arg5[%dma_start3A_259, %mul3A_253] : memref<64x1000000xf32, #tpu.memory_space<hbm>> -> memref<64x128xf32, #tpu.memory_space<hbm>>
      %dma_start3A_261 = arith.constant 0 : i32
      %dma_start3A_262 = arith.constant 0 : i32
      %dma_start3A_263 = tpu.memref_slice %arg13[%dma_start3A_254, %dma_start3A_261, %dma_start3A_262] : memref<2x64x128xf32, #tpu.memory_space<vmem>> -> memref<1x64x128xf32, #tpu.memory_space<vmem>>
      %dma_start3A_264 = tpu.memref_squeeze %dma_start3A_263 : memref<1x64x128xf32, #tpu.memory_space<vmem>> -> memref<64x128xf32, #tpu.memory_space<vmem>>
      %dma_start3A_265 = arith.constant 0 : i32
      %dma_start3A_266 = tpu.memref_slice %arg5[%dma_start3A_265, %mul3A_253] : memref<64x1000000xf32, #tpu.memory_space<hbm>> -> memref<64x128xf32, #tpu.memory_space<hbm>>
      tpu.enqueue_dma source(%dma_start3A_266 : memref<64x128xf32, #tpu.memory_space<hbm>>) target(%dma_start3A_264 : memref<64x128xf32, #tpu.memory_space<vmem>>) target_semaphore(%arg20 : memref<!tpu.dma_semaphore, #tpu.memory_space<semaphore_mem>>)
      %dma_wait3A_267 = arith.constant 0 : i32
      %dma_wait3A_268 = arith.constant 0 : i32
      %dma_wait3A_269 = arith.constant 0 : i32
      %dma_wait3A_270 = tpu.memref_slice %arg12[%dma_wait3A_267, %dma_wait3A_268, %dma_wait3A_269] : memref<2x64x128xf32, #tpu.memory_space<vmem>> -> memref<1x64x128xf32, #tpu.memory_space<vmem>>
      %dma_wait3A_271 = tpu.memref_squeeze %dma_wait3A_270 : memref<1x64x128xf32, #tpu.memory_space<vmem>> -> memref<64x128xf32, #tpu.memory_space<vmem>>
      %dma_wait3A_272 = arith.constant 0 : i32
      %dma_wait3A_273 = tpu.memref_slice %arg4[%dma_wait3A_272, %mul3A_130] : memref<64x1000000xf32, #tpu.memory_space<hbm>> -> memref<64x128xf32, #tpu.memory_space<hbm>>
      %dma_wait3A_274 = arith.constant 0 : i32
      %dma_wait3A_275 = arith.constant 0 : i32
      %dma_wait3A_276 = tpu.memref_slice %arg12[%dma_wait3A_267, %dma_wait3A_274, %dma_wait3A_275] : memref<2x64x128xf32, #tpu.memory_space<vmem>> -> memref<1x64x128xf32, #tpu.memory_space<vmem>>
      %dma_wait3A_277 = tpu.memref_squeeze %dma_wait3A_276 : memref<1x64x128xf32, #tpu.memory_space<vmem>> -> memref<64x128xf32, #tpu.memory_space<vmem>>
      %dma_wait3A_278 = arith.constant 0 : i32
      %dma_wait3A_279 = tpu.memref_slice %arg4[%dma_wait3A_278, %mul3A_130] : memref<64x1000000xf32, #tpu.memory_space<hbm>> -> memref<64x128xf32, #tpu.memory_space<hbm>>
      tpu.wait_dma2 semaphore(%arg20 : memref<!tpu.dma_semaphore, #tpu.memory_space<semaphore_mem>>) src(%dma_wait3A_279 : memref<64x128xf32, #tpu.memory_space<hbm>>) dst(%dma_wait3A_277 : memref<64x128xf32, #tpu.memory_space<vmem>>)
      %dma_wait3A_280 = arith.constant 0 : i32
      %dma_wait3A_281 = arith.constant 0 : i32
      %dma_wait3A_282 = arith.constant 0 : i32
      %dma_wait3A_283 = tpu.memref_slice %arg13[%dma_wait3A_280, %dma_wait3A_281, %dma_wait3A_282] : memref<2x64x128xf32, #tpu.memory_space<vmem>> -> memref<1x64x128xf32, #tpu.memory_space<vmem>>
      %dma_wait3A_284 = tpu.memref_squeeze %dma_wait3A_283 : memref<1x64x128xf32, #tpu.memory_space<vmem>> -> memref<64x128xf32, #tpu.memory_space<vmem>>
      %dma_wait3A_285 = arith.constant 0 : i32
      %dma_wait3A_286 = tpu.memref_slice %arg5[%dma_wait3A_285, %mul3A_171] : memref<64x1000000xf32, #tpu.memory_space<hbm>> -> memref<64x128xf32, #tpu.memory_space<hbm>>
      %dma_wait3A_287 = arith.constant 0 : i32
      %dma_wait3A_288 = arith.constant 0 : i32
      %dma_wait3A_289 = tpu.memref_slice %arg13[%dma_wait3A_280, %dma_wait3A_287, %dma_wait3A_288] : memref<2x64x128xf32, #tpu.memory_space<vmem>> -> memref<1x64x128xf32, #tpu.memory_space<vmem>>
      %dma_wait3A_290 = tpu.memref_squeeze %dma_wait3A_289 : memref<1x64x128xf32, #tpu.memory_space<vmem>> -> memref<64x128xf32, #tpu.memory_space<vmem>>
      %dma_wait3A_291 = arith.constant 0 : i32
      %dma_wait3A_292 = tpu.memref_slice %arg5[%dma_wait3A_291, %mul3A_171] : memref<64x1000000xf32, #tpu.memory_space<hbm>> -> memref<64x128xf32, #tpu.memory_space<hbm>>
      tpu.wait_dma2 semaphore(%arg20 : memref<!tpu.dma_semaphore, #tpu.memory_space<semaphore_mem>>) src(%dma_wait3A_292 : memref<64x128xf32, #tpu.memory_space<hbm>>) dst(%dma_wait3A_290 : memref<64x128xf32, #tpu.memory_space<vmem>>)
      %slice3A_293 = vector.extract_strided_slice %get3A_108 {offsets = [0], sizes = [1], strides = [1]} : vector<16xi32> to vector<1xi32>
      %squeeze3A_294 = vector.extract %slice3A_293[0] : i32 from vector<1xi32>
      %jit3A_295 = arith.constant 128 : i32
      %eq3A = arith.constant 0 : i32
      %eq3A_296 = arith.cmpi eq, %jit3A_295, %eq3A : i32
      %jit3A_297 = arith.constant 1 : i32
      %select_n3A_298 = arith.select %eq3A_296, %jit3A_297, %jit3A_295 : i32
      %rem3A_299 = arith.remsi %squeeze3A_294, %select_n3A_298 : i32
      %ne3A_300 = arith.constant 0 : i32
      %ne3A_301 = arith.cmpi ne, %rem3A_299, %ne3A_300 : i32
      %lt3A = arith.constant 0 : i32
      %lt3A_302 = arith.cmpi slt, %rem3A_299, %lt3A : i32
      %lt3A_303 = arith.constant 0 : i32
      %lt3A_304 = arith.cmpi slt, %select_n3A_298, %lt3A_303 : i32
      %ne3A_305 = arith.xori %lt3A_302, %lt3A_304 : i1
      %and3A_306 = arith.andi %ne3A_305, %ne3A_301 : i1
      %add3A_307 = arith.addi %rem3A_299, %select_n3A_298 : i32
      %select_n3A_308 = arith.select %and3A_306, %add3A_307, %rem3A_299 : i32
      %add3A_309 = vector.broadcast %select_n3A_308 : i32 to vector<16xi32>
      %add3A_310 = arith.addi %broadcast_in_dim3A_98, %add3A_309 : vector<16xi32>
      %add3A_311 = arith.constant 0 : i32
      %add3A_312 = vector.broadcast %add3A_311 : i32 to vector<16xi32>
      %add3A_313 = arith.addi %broadcast_in_dim3A_98, %add3A_312 : vector<16xi32>
      %add3A_314 = arith.constant 0 : i32
      %add3A_315 = vector.broadcast %add3A_314 : i32 to vector<16xi32>
      %add3A_316 = arith.addi %add3A_315, %iota3A : vector<16xi32>
      %gather3A = tpu.vector_load_idx %arg12[%add3A_313, %add3A_316, %add3A_310] : memref<2x64x128xf32, #tpu.memory_space<vmem>>[vector<16xi32>, vector<16xi32>, vector<16xi32>], vector<16xf32>,
      %add3A_317 = arith.constant 0 : i32
      %add3A_318 = vector.broadcast %add3A_317 : i32 to vector<16xi32>
      %add3A_319 = arith.addi %broadcast_in_dim3A_98, %add3A_318 : vector<16xi32>
      tpu.vector_store_idx %arg14[%add3A_319, %add3A_316], %gather3A : memref<16x64xf32, #tpu.memory_space<vmem>>[vector<16xi32>, vector<16xi32>], vector<16xf32>,
      %add3A_320 = arith.constant 16 : i32
      %add3A_321 = vector.broadcast %add3A_320 : i32 to vector<16xi32>
      %add3A_322 = arith.addi %add3A_321, %iota3A : vector<16xi32>
      %gather3A_323 = tpu.vector_load_idx %arg12[%add3A_313, %add3A_322, %add3A_310] : memref<2x64x128xf32, #tpu.memory_space<vmem>>[vector<16xi32>, vector<16xi32>, vector<16xi32>], vector<16xf32>,
      %add3A_324 = arith.constant 0 : i32
      %add3A_325 = vector.broadcast %add3A_324 : i32 to vector<16xi32>
      %add3A_326 = arith.addi %broadcast_in_dim3A_98, %add3A_325 : vector<16xi32>
      tpu.vector_store_idx %arg14[%add3A_326, %add3A_322], %gather3A_323 : memref<16x64xf32, #tpu.memory_space<vmem>>[vector<16xi32>, vector<16xi32>], vector<16xf32>,
      %add3A_327 = arith.constant 32 : i32
      %add3A_328 = vector.broadcast %add3A_327 : i32 to vector<16xi32>
      %add3A_329 = arith.addi %add3A_328, %iota3A : vector<16xi32>
      %gather3A_330 = tpu.vector_load_idx %arg12[%add3A_313, %add3A_329, %add3A_310] : memref<2x64x128xf32, #tpu.memory_space<vmem>>[vector<16xi32>, vector<16xi32>, vector<16xi32>], vector<16xf32>,
      %add3A_331 = arith.constant 0 : i32
      %add3A_332 = vector.broadcast %add3A_331 : i32 to vector<16xi32>
      %add3A_333 = arith.addi %broadcast_in_dim3A_98, %add3A_332 : vector<16xi32>
      tpu.vector_store_idx %arg14[%add3A_333, %add3A_329], %gather3A_330 : memref<16x64xf32, #tpu.memory_space<vmem>>[vector<16xi32>, vector<16xi32>], vector<16xf32>,
      %add3A_334 = arith.constant 48 : i32
      %add3A_335 = vector.broadcast %add3A_334 : i32 to vector<16xi32>
      %add3A_336 = arith.addi %add3A_335, %iota3A : vector<16xi32>
      %gather3A_337 = tpu.vector_load_idx %arg12[%add3A_313, %add3A_336, %add3A_310] : memref<2x64x128xf32, #tpu.memory_space<vmem>>[vector<16xi32>, vector<16xi32>, vector<16xi32>], vector<16xf32>,
      %add3A_338 = arith.constant 0 : i32
      %add3A_339 = vector.broadcast %add3A_338 : i32 to vector<16xi32>
      %add3A_340 = arith.addi %broadcast_in_dim3A_98, %add3A_339 : vector<16xi32>
      tpu.vector_store_idx %arg14[%add3A_340, %add3A_336], %gather3A_337 : memref<16x64xf32, #tpu.memory_space<vmem>>[vector<16xi32>, vector<16xi32>], vector<16xf32>,
      %slice3A_341 = vector.extract_strided_slice %get3A_112 {offsets = [0], sizes = [1], strides = [1]} : vector<16xi32> to vector<1xi32>
      %squeeze3A_342 = vector.extract %slice3A_341[0] : i32 from vector<1xi32>
      %jit3A_343 = arith.constant 128 : i32
      %eq3A_344 = arith.constant 0 : i32
      %eq3A_345 = arith.cmpi eq, %jit3A_343, %eq3A_344 : i32
      %jit3A_346 = arith.constant 1 : i32
      %select_n3A_347 = arith.select %eq3A_345, %jit3A_346, %jit3A_343 : i32
      %rem3A_348 = arith.remsi %squeeze3A_342, %select_n3A_347 : i32
      %ne3A_349 = arith.constant 0 : i32
      %ne3A_350 = arith.cmpi ne, %rem3A_348, %ne3A_349 : i32
      %lt3A_351 = arith.constant 0 : i32
      %lt3A_352 = arith.cmpi slt, %rem3A_348, %lt3A_351 : i32
      %lt3A_353 = arith.constant 0 : i32
      %lt3A_354 = arith.cmpi slt, %select_n3A_347, %lt3A_353 : i32
      %ne3A_355 = arith.xori %lt3A_352, %lt3A_354 : i1
      %and3A_356 = arith.andi %ne3A_355, %ne3A_350 : i1
      %add3A_357 = arith.addi %rem3A_348, %select_n3A_347 : i32
      %select_n3A_358 = arith.select %and3A_356, %add3A_357, %rem3A_348 : i32
      %add3A_359 = vector.broadcast %select_n3A_358 : i32 to vector<16xi32>
      %add3A_360 = arith.addi %broadcast_in_dim3A_98, %add3A_359 : vector<16xi32>
      %add3A_361 = arith.constant 0 : i32
      %add3A_362 = vector.broadcast %add3A_361 : i32 to vector<16xi32>
      %add3A_363 = arith.addi %broadcast_in_dim3A_98, %add3A_362 : vector<16xi32>
      %add3A_364 = arith.constant 0 : i32
      %add3A_365 = vector.broadcast %add3A_364 : i32 to vector<16xi32>
      %add3A_366 = arith.addi %add3A_365, %iota3A : vector<16xi32>
      %gather3A_367 = tpu.vector_load_idx %arg13[%add3A_363, %add3A_366, %add3A_360] : memref<2x64x128xf32, #tpu.memory_space<vmem>>[vector<16xi32>, vector<16xi32>, vector<16xi32>], vector<16xf32>,
      %add3A_368 = arith.constant 0 : i32
      %add3A_369 = vector.broadcast %add3A_368 : i32 to vector<16xi32>
      %add3A_370 = arith.addi %broadcast_in_dim3A_98, %add3A_369 : vector<16xi32>
      tpu.vector_store_idx %arg15[%add3A_370, %add3A_366], %gather3A_367 : memref<16x64xf32, #tpu.memory_space<vmem>>[vector<16xi32>, vector<16xi32>], vector<16xf32>,
      %add3A_371 = arith.constant 16 : i32
      %add3A_372 = vector.broadcast %add3A_371 : i32 to vector<16xi32>
      %add3A_373 = arith.addi %add3A_372, %iota3A : vector<16xi32>
      %gather3A_374 = tpu.vector_load_idx %arg13[%add3A_363, %add3A_373, %add3A_360] : memref<2x64x128xf32, #tpu.memory_space<vmem>>[vector<16xi32>, vector<16xi32>, vector<16xi32>], vector<16xf32>,
      %add3A_375 = arith.constant 0 : i32
      %add3A_376 = vector.broadcast %add3A_375 : i32 to vector<16xi32>
      %add3A_377 = arith.addi %broadcast_in_dim3A_98, %add3A_376 : vector<16xi32>
      tpu.vector_store_idx %arg15[%add3A_377, %add3A_373], %gather3A_374 : memref<16x64xf32, #tpu.memory_space<vmem>>[vector<16xi32>, vector<16xi32>], vector<16xf32>,
      %add3A_378 = arith.constant 32 : i32
      %add3A_379 = vector.broadcast %add3A_378 : i32 to vector<16xi32>
      %add3A_380 = arith.addi %add3A_379, %iota3A : vector<16xi32>
      %gather3A_381 = tpu.vector_load_idx %arg13[%add3A_363, %add3A_380, %add3A_360] : memref<2x64x128xf32, #tpu.memory_space<vmem>>[vector<16xi32>, vector<16xi32>, vector<16xi32>], vector<16xf32>,
      %add3A_382 = arith.constant 0 : i32
      %add3A_383 = vector.broadcast %add3A_382 : i32 to vector<16xi32>
      %add3A_384 = arith.addi %broadcast_in_dim3A_98, %add3A_383 : vector<16xi32>
      tpu.vector_store_idx %arg15[%add3A_384, %add3A_380], %gather3A_381 : memref<16x64xf32, #tpu.memory_space<vmem>>[vector<16xi32>, vector<16xi32>], vector<16xf32>,
      %add3A_385 = arith.constant 48 : i32
      %add3A_386 = vector.broadcast %add3A_385 : i32 to vector<16xi32>
      %add3A_387 = arith.addi %add3A_386, %iota3A : vector<16xi32>
      %gather3A_388 = tpu.vector_load_idx %arg13[%add3A_363, %add3A_387, %add3A_360] : memref<2x64x128xf32, #tpu.memory_space<vmem>>[vector<16xi32>, vector<16xi32>, vector<16xi32>], vector<16xf32>,
      %add3A_389 = arith.constant 0 : i32
      %add3A_390 = vector.broadcast %add3A_389 : i32 to vector<16xi32>
      %add3A_391 = arith.addi %broadcast_in_dim3A_98, %add3A_390 : vector<16xi32>
      tpu.vector_store_idx %arg15[%add3A_391, %add3A_387], %gather3A_388 : memref<16x64xf32, #tpu.memory_space<vmem>>[vector<16xi32>, vector<16xi32>], vector<16xf32>,
      %slice3A_392 = vector.extract_strided_slice %get3A_108 {offsets = [2], sizes = [1], strides = [1]} : vector<16xi32> to vector<1xi32>
      %squeeze3A_393 = vector.extract %slice3A_392[0] : i32 from vector<1xi32>
      %jit3A_394 = arith.constant 128 : i32
      %div3A_395 = arith.divsi %squeeze3A_393, %jit3A_394 : i32
      %sign3A_396 = arith.constant 0 : i32
      %sign3A_397 = arith.cmpi sgt, %squeeze3A_393, %sign3A_396 : i32
      %sign3A_398 = arith.extui %sign3A_397 : i1 to i32
      %sign3A_399 = arith.constant 0 : i32
      %sign3A_400 = arith.cmpi slt, %squeeze3A_393, %sign3A_399 : i32
      %sign3A_401 = arith.extui %sign3A_400 : i1 to i32
      %sign3A_402 = arith.subi %sign3A_398, %sign3A_401 : i32
      %sign3A_403 = arith.constant 0 : i32
      %sign3A_404 = arith.cmpi sgt, %jit3A_394, %sign3A_403 : i32
      %sign3A_405 = arith.extui %sign3A_404 : i1 to i32
      %sign3A_406 = arith.constant 0 : i32
      %sign3A_407 = arith.cmpi slt, %jit3A_394, %sign3A_406 : i32
      %sign3A_408 = arith.extui %sign3A_407 : i1 to i32
      %sign3A_409 = arith.subi %sign3A_405, %sign3A_408 : i32
      %ne3A_410 = arith.cmpi ne, %sign3A_402, %sign3A_409 : i32
      %rem3A_411 = arith.remsi %squeeze3A_393, %jit3A_394 : i32
      %ne3A_412 = arith.constant 0 : i32
      %ne3A_413 = arith.cmpi ne, %rem3A_411, %ne3A_412 : i32
      %and3A_414 = arith.andi %ne3A_410, %ne3A_413 : i1
      %sub3A_415 = arith.constant 1 : i32
      %sub3A_416 = arith.subi %div3A_395, %sub3A_415 : i32
      %select_n3A_417 = arith.select %and3A_414, %sub3A_416, %div3A_395 : i32
      %mul3A_418 = arith.constant 128 : i32
      %mul3A_419 = arith.muli %select_n3A_417, %mul3A_418 : i32
      %dma_start3A_420 = arith.constant 0 : i32
      %dma_start3A_421 = arith.constant 0 : i32
      %dma_start3A_422 = arith.constant 0 : i32
      %dma_start3A_423 = tpu.memref_slice %arg12[%dma_start3A_420, %dma_start3A_421, %dma_start3A_422] : memref<2x64x128xf32, #tpu.memory_space<vmem>> -> memref<1x64x128xf32, #tpu.memory_space<vmem>>
      %dma_start3A_424 = tpu.memref_squeeze %dma_start3A_423 : memref<1x64x128xf32, #tpu.memory_space<vmem>> -> memref<64x128xf32, #tpu.memory_space<vmem>>
      %dma_start3A_425 = arith.constant 0 : i32
      %dma_start3A_426 = tpu.memref_slice %arg4[%dma_start3A_425, %mul3A_419] : memref<64x1000000xf32, #tpu.memory_space<hbm>> -> memref<64x128xf32, #tpu.memory_space<hbm>>
      %dma_start3A_427 = arith.constant 0 : i32
      %dma_start3A_428 = arith.constant 0 : i32
      %dma_start3A_429 = tpu.memref_slice %arg12[%dma_start3A_420, %dma_start3A_427, %dma_start3A_428] : memref<2x64x128xf32, #tpu.memory_space<vmem>> -> memref<1x64x128xf32, #tpu.memory_space<vmem>>
      %dma_start3A_430 = tpu.memref_squeeze %dma_start3A_429 : memref<1x64x128xf32, #tpu.memory_space<vmem>> -> memref<64x128xf32, #tpu.memory_space<vmem>>
      %dma_start3A_431 = arith.constant 0 : i32
      %dma_start3A_432 = tpu.memref_slice %arg4[%dma_start3A_431, %mul3A_419] : memref<64x1000000xf32, #tpu.memory_space<hbm>> -> memref<64x128xf32, #tpu.memory_space<hbm>>
      tpu.enqueue_dma source(%dma_start3A_432 : memref<64x128xf32, #tpu.memory_space<hbm>>) target(%dma_start3A_430 : memref<64x128xf32, #tpu.memory_space<vmem>>) target_semaphore(%arg20 : memref<!tpu.dma_semaphore, #tpu.memory_space<semaphore_mem>>)
      %slice3A_433 = vector.extract_strided_slice %get3A_112 {offsets = [2], sizes = [1], strides = [1]} : vector<16xi32> to vector<1xi32>
      %squeeze3A_434 = vector.extract %slice3A_433[0] : i32 from vector<1xi32>
      %jit3A_435 = arith.constant 128 : i32
      %div3A_436 = arith.divsi %squeeze3A_434, %jit3A_435 : i32
      %sign3A_437 = arith.constant 0 : i32
      %sign3A_438 = arith.cmpi sgt, %squeeze3A_434, %sign3A_437 : i32
      %sign3A_439 = arith.extui %sign3A_438 : i1 to i32
      %sign3A_440 = arith.constant 0 : i32
      %sign3A_441 = arith.cmpi slt, %squeeze3A_434, %sign3A_440 : i32
      %sign3A_442 = arith.extui %sign3A_441 : i1 to i32
      %sign3A_443 = arith.subi %sign3A_439, %sign3A_442 : i32
      %sign3A_444 = arith.constant 0 : i32
      %sign3A_445 = arith.cmpi sgt, %jit3A_435, %sign3A_444 : i32
      %sign3A_446 = arith.extui %sign3A_445 : i1 to i32
      %sign3A_447 = arith.constant 0 : i32
      %sign3A_448 = arith.cmpi slt, %jit3A_435, %sign3A_447 : i32
      %sign3A_449 = arith.extui %sign3A_448 : i1 to i32
      %sign3A_450 = arith.subi %sign3A_446, %sign3A_449 : i32
      %ne3A_451 = arith.cmpi ne, %sign3A_443, %sign3A_450 : i32
      %rem3A_452 = arith.remsi %squeeze3A_434, %jit3A_435 : i32
      %ne3A_453 = arith.constant 0 : i32
      %ne3A_454 = arith.cmpi ne, %rem3A_452, %ne3A_453 : i32
      %and3A_455 = arith.andi %ne3A_451, %ne3A_454 : i1
      %sub3A_456 = arith.constant 1 : i32
      %sub3A_457 = arith.subi %div3A_436, %sub3A_456 : i32
      %select_n3A_458 = arith.select %and3A_455, %sub3A_457, %div3A_436 : i32
      %mul3A_459 = arith.constant 128 : i32
      %mul3A_460 = arith.muli %select_n3A_458, %mul3A_459 : i32
      %dma_start3A_461 = arith.constant 0 : i32
      %dma_start3A_462 = arith.constant 0 : i32
      %dma_start3A_463 = arith.constant 0 : i32
      %dma_start3A_464 = tpu.memref_slice %arg13[%dma_start3A_461, %dma_start3A_462, %dma_start3A_463] : memref<2x64x128xf32, #tpu.memory_space<vmem>> -> memref<1x64x128xf32, #tpu.memory_space<vmem>>
      %dma_start3A_465 = tpu.memref_squeeze %dma_start3A_464 : memref<1x64x128xf32, #tpu.memory_space<vmem>> -> memref<64x128xf32, #tpu.memory_space<vmem>>
      %dma_start3A_466 = arith.constant 0 : i32
      %dma_start3A_467 = tpu.memref_slice %arg5[%dma_start3A_466, %mul3A_460] : memref<64x1000000xf32, #tpu.memory_space<hbm>> -> memref<64x128xf32, #tpu.memory_space<hbm>>
      %dma_start3A_468 = arith.constant 0 : i32
      %dma_start3A_469 = arith.constant 0 : i32
      %dma_start3A_470 = tpu.memref_slice %arg13[%dma_start3A_461, %dma_start3A_468, %dma_start3A_469] : memref<2x64x128xf32, #tpu.memory_space<vmem>> -> memref<1x64x128xf32, #tpu.memory_space<vmem>>
      %dma_start3A_471 = tpu.memref_squeeze %dma_start3A_470 : memref<1x64x128xf32, #tpu.memory_space<vmem>> -> memref<64x128xf32, #tpu.memory_space<vmem>>
      %dma_start3A_472 = arith.constant 0 : i32
      %dma_start3A_473 = tpu.memref_slice %arg5[%dma_start3A_472, %mul3A_460] : memref<64x1000000xf32, #tpu.memory_space<hbm>> -> memref<64x128xf32, #tpu.memory_space<hbm>>
      tpu.enqueue_dma source(%dma_start3A_473 : memref<64x128xf32, #tpu.memory_space<hbm>>) target(%dma_start3A_471 : memref<64x128xf32, #tpu.memory_space<vmem>>) target_semaphore(%arg20 : memref<!tpu.dma_semaphore, #tpu.memory_space<semaphore_mem>>)
      %dma_wait3A_474 = arith.constant 1 : i32
      %dma_wait3A_475 = arith.constant 0 : i32
      %dma_wait3A_476 = arith.constant 0 : i32
      %dma_wait3A_477 = tpu.memref_slice %arg12[%dma_wait3A_474, %dma_wait3A_475, %dma_wait3A_476] : memref<2x64x128xf32, #tpu.memory_space<vmem>> -> memref<1x64x128xf32, #tpu.memory_space<vmem>>
      %dma_wait3A_478 = tpu.memref_squeeze %dma_wait3A_477 : memref<1x64x128xf32, #tpu.memory_space<vmem>> -> memref<64x128xf32, #tpu.memory_space<vmem>>
      %dma_wait3A_479 = arith.constant 0 : i32
      %dma_wait3A_480 = tpu.memref_slice %arg4[%dma_wait3A_479, %mul3A_212] : memref<64x1000000xf32, #tpu.memory_space<hbm>> -> memref<64x128xf32, #tpu.memory_space<hbm>>
      %dma_wait3A_481 = arith.constant 0 : i32
      %dma_wait3A_482 = arith.constant 0 : i32
      %dma_wait3A_483 = tpu.memref_slice %arg12[%dma_wait3A_474, %dma_wait3A_481, %dma_wait3A_482] : memref<2x64x128xf32, #tpu.memory_space<vmem>> -> memref<1x64x128xf32, #tpu.memory_space<vmem>>
      %dma_wait3A_484 = tpu.memref_squeeze %dma_wait3A_483 : memref<1x64x128xf32, #tpu.memory_space<vmem>> -> memref<64x128xf32, #tpu.memory_space<vmem>>
      %dma_wait3A_485 = arith.constant 0 : i32
      %dma_wait3A_486 = tpu.memref_slice %arg4[%dma_wait3A_485, %mul3A_212] : memref<64x1000000xf32, #tpu.memory_space<hbm>> -> memref<64x128xf32, #tpu.memory_space<hbm>>
      tpu.wait_dma2 semaphore(%arg20 : memref<!tpu.dma_semaphore, #tpu.memory_space<semaphore_mem>>) src(%dma_wait3A_486 : memref<64x128xf32, #tpu.memory_space<hbm>>) dst(%dma_wait3A_484 : memref<64x128xf32, #tpu.memory_space<vmem>>)
      %dma_wait3A_487 = arith.constant 1 : i32
      %dma_wait3A_488 = arith.constant 0 : i32
      %dma_wait3A_489 = arith.constant 0 : i32
      %dma_wait3A_490 = tpu.memref_slice %arg13[%dma_wait3A_487, %dma_wait3A_488, %dma_wait3A_489] : memref<2x64x128xf32, #tpu.memory_space<vmem>> -> memref<1x64x128xf32, #tpu.memory_space<vmem>>
      %dma_wait3A_491 = tpu.memref_squeeze %dma_wait3A_490 : memref<1x64x128xf32, #tpu.memory_space<vmem>> -> memref<64x128xf32, #tpu.memory_space<vmem>>
      %dma_wait3A_492 = arith.constant 0 : i32
      %dma_wait3A_493 = tpu.memref_slice %arg5[%dma_wait3A_492, %mul3A_253] : memref<64x1000000xf32, #tpu.memory_space<hbm>> -> memref<64x128xf32, #tpu.memory_space<hbm>>
      %dma_wait3A_494 = arith.constant 0 : i32
      %dma_wait3A_495 = arith.constant 0 : i32
      %dma_wait3A_496 = tpu.memref_slice %arg13[%dma_wait3A_487, %dma_wait3A_494, %dma_wait3A_495] : memref<2x64x128xf32, #tpu.memory_space<vmem>> -> memref<1x64x128xf32, #tpu.memory_space<vmem>>
      %dma_wait3A_497 = tpu.memref_squeeze %dma_wait3A_496 : memref<1x64x128xf32, #tpu.memory_space<vmem>> -> memref<64x128xf32, #tpu.memory_space<vmem>>
      %dma_wait3A_498 = arith.constant 0 : i32
      %dma_wait3A_499 = tpu.memref_slice %arg5[%dma_wait3A_498, %mul3A_253] : memref<64x1000000xf32, #tpu.memory_space<hbm>> -> memref<64x128xf32, #tpu.memory_space<hbm>>
      tpu.wait_dma2 semaphore(%arg20 : memref<!tpu.dma_semaphore, #tpu.memory_space<semaphore_mem>>) src(%dma_wait3A_499 : memref<64x128xf32, #tpu.memory_space<hbm>>) dst(%dma_wait3A_497 : memref<64x128xf32, #tpu.memory_space<vmem>>)
      %slice3A_500 = vector.extract_strided_slice %get3A_108 {offsets = [1], sizes = [1], strides = [1]} : vector<16xi32> to vector<1xi32>
      %squeeze3A_501 = vector.extract %slice3A_500[0] : i32 from vector<1xi32>
      %jit3A_502 = arith.constant 128 : i32
      %eq3A_503 = arith.constant 0 : i32
      %eq3A_504 = arith.cmpi eq, %jit3A_502, %eq3A_503 : i32
      %jit3A_505 = arith.constant 1 : i32
      %select_n3A_506 = arith.select %eq3A_504, %jit3A_505, %jit3A_502 : i32
      %rem3A_507 = arith.remsi %squeeze3A_501, %select_n3A_506 : i32
      %ne3A_508 = arith.constant 0 : i32
      %ne3A_509 = arith.cmpi ne, %rem3A_507, %ne3A_508 : i32
      %lt3A_510 = arith.constant 0 : i32
      %lt3A_511 = arith.cmpi slt, %rem3A_507, %lt3A_510 : i32
      %lt3A_512 = arith.constant 0 : i32
      %lt3A_513 = arith.cmpi slt, %select_n3A_506, %lt3A_512 : i32
      %ne3A_514 = arith.xori %lt3A_511, %lt3A_513 : i1
      %and3A_515 = arith.andi %ne3A_514, %ne3A_509 : i1
      %add3A_516 = arith.addi %rem3A_507, %select_n3A_506 : i32
      %select_n3A_517 = arith.select %and3A_515, %add3A_516, %rem3A_507 : i32
      %add3A_518 = vector.broadcast %select_n3A_517 : i32 to vector<16xi32>
      %add3A_519 = arith.addi %broadcast_in_dim3A_98, %add3A_518 : vector<16xi32>
      %add3A_520 = arith.constant 1 : i32
      %add3A_521 = vector.broadcast %add3A_520 : i32 to vector<16xi32>
      %add3A_522 = arith.addi %broadcast_in_dim3A_98, %add3A_521 : vector<16xi32>
      %add3A_523 = arith.constant 0 : i32
      %add3A_524 = vector.broadcast %add3A_523 : i32 to vector<16xi32>
      %add3A_525 = arith.addi %add3A_524, %iota3A : vector<16xi32>
      %gather3A_526 = tpu.vector_load_idx %arg12[%add3A_522, %add3A_525, %add3A_519] : memref<2x64x128xf32, #tpu.memory_space<vmem>>[vector<16xi32>, vector<16xi32>, vector<16xi32>], vector<16xf32>,
      %add3A_527 = arith.constant 1 : i32
      %add3A_528 = vector.broadcast %add3A_527 : i32 to vector<16xi32>
      %add3A_529 = arith.addi %broadcast_in_dim3A_98, %add3A_528 : vector<16xi32>
      tpu.vector_store_idx %arg14[%add3A_529, %add3A_525], %gather3A_526 : memref<16x64xf32, #tpu.memory_space<vmem>>[vector<16xi32>, vector<16xi32>], vector<16xf32>,
      %add3A_530 = arith.constant 16 : i32
      %add3A_531 = vector.broadcast %add3A_530 : i32 to vector<16xi32>
      %add3A_532 = arith.addi %add3A_531, %iota3A : vector<16xi32>
      %gather3A_533 = tpu.vector_load_idx %arg12[%add3A_522, %add3A_532, %add3A_519] : memref<2x64x128xf32, #tpu.memory_space<vmem>>[vector<16xi32>, vector<16xi32>, vector<16xi32>], vector<16xf32>,
      %add3A_534 = arith.constant 1 : i32
      %add3A_535 = vector.broadcast %add3A_534 : i32 to vector<16xi32>
      %add3A_536 = arith.addi %broadcast_in_dim3A_98, %add3A_535 : vector<16xi32>
      tpu.vector_store_idx %arg14[%add3A_536, %add3A_532], %gather3A_533 : memref<16x64xf32, #tpu.memory_space<vmem>>[vector<16xi32>, vector<16xi32>], vector<16xf32>,
      %add3A_537 = arith.constant 32 : i32
      %add3A_538 = vector.broadcast %add3A_537 : i32 to vector<16xi32>
      %add3A_539 = arith.addi %add3A_538, %iota3A : vector<16xi32>
      %gather3A_540 = tpu.vector_load_idx %arg12[%add3A_522, %add3A_539, %add3A_519] : memref<2x64x128xf32, #tpu.memory_space<vmem>>[vector<16xi32>, vector<16xi32>, vector<16xi32>], vector<16xf32>,
      %add3A_541 = arith.constant 1 : i32
      %add3A_542 = vector.broadcast %add3A_541 : i32 to vector<16xi32>
      %add3A_543 = arith.addi %broadcast_in_dim3A_98, %add3A_542 : vector<16xi32>
      tpu.vector_store_idx %arg14[%add3A_543, %add3A_539], %gather3A_540 : memref<16x64xf32, #tpu.memory_space<vmem>>[vector<16xi32>, vector<16xi32>], vector<16xf32>,
      %add3A_544 = arith.constant 48 : i32
      %add3A_545 = vector.broadcast %add3A_544 : i32 to vector<16xi32>
      %add3A_546 = arith.addi %add3A_545, %iota3A : vector<16xi32>
      %gather3A_547 = tpu.vector_load_idx %arg12[%add3A_522, %add3A_546, %add3A_519] : memref<2x64x128xf32, #tpu.memory_space<vmem>>[vector<16xi32>, vector<16xi32>, vector<16xi32>], vector<16xf32>,
      %add3A_548 = arith.constant 1 : i32
      %add3A_549 = vector.broadcast %add3A_548 : i32 to vector<16xi32>
      %add3A_550 = arith.addi %broadcast_in_dim3A_98, %add3A_549 : vector<16xi32>
      tpu.vector_store_idx %arg14[%add3A_550, %add3A_546], %gather3A_547 : memref<16x64xf32, #tpu.memory_space<vmem>>[vector<16xi32>, vector<16xi32>], vector<16xf32>,
      %slice3A_551 = vector.extract_strided_slice %get3A_112 {offsets = [1], sizes = [1], strides = [1]} : vector<16xi32> to vector<1xi32>
      %squeeze3A_552 = vector.extract %slice3A_551[0] : i32 from vector<1xi32>
      %jit3A_553 = arith.constant 128 : i32
      %eq3A_554 = arith.constant 0 : i32
      %eq3A_555 = arith.cmpi eq, %jit3A_553, %eq3A_554 : i32
      %jit3A_556 = arith.constant 1 : i32
      %select_n3A_557 = arith.select %eq3A_555, %jit3A_556, %jit3A_553 : i32
      %rem3A_558 = arith.remsi %squeeze3A_552, %select_n3A_557 : i32
      %ne3A_559 = arith.constant 0 : i32
      %ne3A_560 = arith.cmpi ne, %rem3A_558, %ne3A_559 : i32
      %lt3A_561 = arith.constant 0 : i32
      %lt3A_562 = arith.cmpi slt, %rem3A_558, %lt3A_561 : i32
      %lt3A_563 = arith.constant 0 : i32
      %lt3A_564 = arith.cmpi slt, %select_n3A_557, %lt3A_563 : i32
      %ne3A_565 = arith.xori %lt3A_562, %lt3A_564 : i1
      %and3A_566 = arith.andi %ne3A_565, %ne3A_560 : i1
      %add3A_567 = arith.addi %rem3A_558, %select_n3A_557 : i32
      %select_n3A_568 = arith.select %and3A_566, %add3A_567, %rem3A_558 : i32
      %add3A_569 = vector.broadcast %select_n3A_568 : i32 to vector<16xi32>
      %add3A_570 = arith.addi %broadcast_in_dim3A_98, %add3A_569 : vector<16xi32>
      %add3A_571 = arith.constant 1 : i32
      %add3A_572 = vector.broadcast %add3A_571 : i32 to vector<16xi32>
      %add3A_573 = arith.addi %broadcast_in_dim3A_98, %add3A_572 : vector<16xi32>
      %add3A_574 = arith.constant 0 : i32
      %add3A_575 = vector.broadcast %add3A_574 : i32 to vector<16xi32>
      %add3A_576 = arith.addi %add3A_575, %iota3A : vector<16xi32>
      %gather3A_577 = tpu.vector_load_idx %arg13[%add3A_573, %add3A_576, %add3A_570] : memref<2x64x128xf32, #tpu.memory_space<vmem>>[vector<16xi32>, vector<16xi32>, vector<16xi32>], vector<16xf32>,
      %add3A_578 = arith.constant 1 : i32
      %add3A_579 = vector.broadcast %add3A_578 : i32 to vector<16xi32>
      %add3A_580 = arith.addi %broadcast_in_dim3A_98, %add3A_579 : vector<16xi32>
      tpu.vector_store_idx %arg15[%add3A_580, %add3A_576], %gather3A_577 : memref<16x64xf32, #tpu.memory_space<vmem>>[vector<16xi32>, vector<16xi32>], vector<16xf32>,
      %add3A_581 = arith.constant 16 : i32
      %add3A_582 = vector.broadcast %add3A_581 : i32 to vector<16xi32>
      %add3A_583 = arith.addi %add3A_582, %iota3A : vector<16xi32>
      %gather3A_584 = tpu.vector_load_idx %arg13[%add3A_573, %add3A_583, %add3A_570] : memref<2x64x128xf32, #tpu.memory_space<vmem>>[vector<16xi32>, vector<16xi32>, vector<16xi32>], vector<16xf32>,
      %add3A_585 = arith.constant 1 : i32
      %add3A_586 = vector.broadcast %add3A_585 : i32 to vector<16xi32>
      %add3A_587 = arith.addi %broadcast_in_dim3A_98, %add3A_586 : vector<16xi32>
      tpu.vector_store_idx %arg15[%add3A_587, %add3A_583], %gather3A_584 : memref<16x64xf32, #tpu.memory_space<vmem>>[vector<16xi32>, vector<16xi32>], vector<16xf32>,
      %add3A_588 = arith.constant 32 : i32
      %add3A_589 = vector.broadcast %add3A_588 : i32 to vector<16xi32>
      %add3A_590 = arith.addi %add3A_589, %iota3A : vector<16xi32>
      %gather3A_591 = tpu.vector_load_idx %arg13[%add3A_573, %add3A_590, %add3A_570] : memref<2x64x128xf32, #tpu.memory_space<vmem>>[vector<16xi32>, vector<16xi32>, vector<16xi32>], vector<16xf32>,
      %add3A_592 = arith.constant 1 : i32
      %add3A_593 = vector.broadcast %add3A_592 : i32 to vector<16xi32>
      %add3A_594 = arith.addi %broadcast_in_dim3A_98, %add3A_593 : vector<16xi32>
      tpu.vector_store_idx %arg15[%add3A_594, %add3A_590], %gather3A_591 : memref<16x64xf32, #tpu.memory_space<vmem>>[vector<16xi32>, vector<16xi32>], vector<16xf32>,
      %add3A_595 = arith.constant 48 : i32
      %add3A_596 = vector.broadcast %add3A_595 : i32 to vector<16xi32>
      %add3A_597 = arith.addi %add3A_596, %iota3A : vector<16xi32>
      %gather3A_598 = tpu.vector_load_idx %arg13[%add3A_573, %add3A_597, %add3A_570] : memref<2x64x128xf32, #tpu.memory_space<vmem>>[vector<16xi32>, vector<16xi32>, vector<16xi32>], vector<16xf32>,
      %add3A_599 = arith.constant 1 : i32
      %add3A_600 = vector.broadcast %add3A_599 : i32 to vector<16xi32>
      %add3A_601 = arith.addi %broadcast_in_dim3A_98, %add3A_600 : vector<16xi32>
      tpu.vector_store_idx %arg15[%add3A_601, %add3A_597], %gather3A_598 : memref<16x64xf32, #tpu.memory_space<vmem>>[vector<16xi32>, vector<16xi32>], vector<16xf32>,
      %slice3A_602 = vector.extract_strided_slice %get3A_108 {offsets = [3], sizes = [1], strides = [1]} : vector<16xi32> to vector<1xi32>
      %squeeze3A_603 = vector.extract %slice3A_602[0] : i32 from vector<1xi32>
      %jit3A_604 = arith.constant 128 : i32
      %div3A_605 = arith.divsi %squeeze3A_603, %jit3A_604 : i32
      %sign3A_606 = arith.constant 0 : i32
      %sign3A_607 = arith.cmpi sgt, %squeeze3A_603, %sign3A_606 : i32
      %sign3A_608 = arith.extui %sign3A_607 : i1 to i32
      %sign3A_609 = arith.constant 0 : i32
      %sign3A_610 = arith.cmpi slt, %squeeze3A_603, %sign3A_609 : i32
      %sign3A_611 = arith.extui %sign3A_610 : i1 to i32
      %sign3A_612 = arith.subi %sign3A_608, %sign3A_611 : i32
      %sign3A_613 = arith.constant 0 : i32
      %sign3A_614 = arith.cmpi sgt, %jit3A_604, %sign3A_613 : i32
      %sign3A_615 = arith.extui %sign3A_614 : i1 to i32
      %sign3A_616 = arith.constant 0 : i32
      %sign3A_617 = arith.cmpi slt, %jit3A_604, %sign3A_616 : i32
      %sign3A_618 = arith.extui %sign3A_617 : i1 to i32
      %sign3A_619 = arith.subi %sign3A_615, %sign3A_618 : i32
      %ne3A_620 = arith.cmpi ne, %sign3A_612, %sign3A_619 : i32
      %rem3A_621 = arith.remsi %squeeze3A_603, %jit3A_604 : i32
      %ne3A_622 = arith.constant 0 : i32
      %ne3A_623 = arith.cmpi ne, %rem3A_621, %ne3A_622 : i32
      %and3A_624 = arith.andi %ne3A_620, %ne3A_623 : i1
      %sub3A_625 = arith.constant 1 : i32
      %sub3A_626 = arith.subi %div3A_605, %sub3A_625 : i32
      %select_n3A_627 = arith.select %and3A_624, %sub3A_626, %div3A_605 : i32
      %mul3A_628 = arith.constant 128 : i32
      %mul3A_629 = arith.muli %select_n3A_627, %mul3A_628 : i32
      %dma_start3A_630 = arith.constant 1 : i32
      %dma_start3A_631 = arith.constant 0 : i32
      %dma_start3A_632 = arith.constant 0 : i32
      %dma_start3A_633 = tpu.memref_slice %arg12[%dma_start3A_630, %dma_start3A_631, %dma_start3A_632] : memref<2x64x128xf32, #tpu.memory_space<vmem>> -> memref<1x64x128xf32, #tpu.memory_space<vmem>>
      %dma_start3A_634 = tpu.memref_squeeze %dma_start3A_633 : memref<1x64x128xf32, #tpu.memory_space<vmem>> -> memref<64x128xf32, #tpu.memory_space<vmem>>
      %dma_start3A_635 = arith.constant 0 : i32
      %dma_start3A_636 = tpu.memref_slice %arg4[%dma_start3A_635, %mul3A_629] : memref<64x1000000xf32, #tpu.memory_space<hbm>> -> memref<64x128xf32, #tpu.memory_space<hbm>>
      %dma_start3A_637 = arith.constant 0 : i32
      %dma_start3A_638 = arith.constant 0 : i32
      %dma_start3A_639 = tpu.memref_slice %arg12[%dma_start3A_630, %dma_start3A_637, %dma_start3A_638] : memref<2x64x128xf32, #tpu.memory_space<vmem>> -> memref<1x64x128xf32, #tpu.memory_space<vmem>>
      %dma_start3A_640 = tpu.memref_squeeze %dma_start3A_639 : memref<1x64x128xf32, #tpu.memory_space<vmem>> -> memref<64x128xf32, #tpu.memory_space<vmem>>
      %dma_start3A_641 = arith.constant 0 : i32
      %dma_start3A_642 = tpu.memref_slice %arg4[%dma_start3A_641, %mul3A_629] : memref<64x1000000xf32, #tpu.memory_space<hbm>> -> memref<64x128xf32, #tpu.memory_space<hbm>>
      tpu.enqueue_dma source(%dma_start3A_642 : memref<64x128xf32, #tpu.memory_space<hbm>>) target(%dma_start3A_640 : memref<64x128xf32, #tpu.memory_space<vmem>>) target_semaphore(%arg20 : memref<!tpu.dma_semaphore, #tpu.memory_space<semaphore_mem>>)
      %slice3A_643 = vector.extract_strided_slice %get3A_112 {offsets = [3], sizes = [1], strides = [1]} : vector<16xi32> to vector<1xi32>
      %squeeze3A_644 = vector.extract %slice3A_643[0] : i32 from vector<1xi32>
      %jit3A_645 = arith.constant 128 : i32
      %div3A_646 = arith.divsi %squeeze3A_644, %jit3A_645 : i32
      %sign3A_647 = arith.constant 0 : i32
      %sign3A_648 = arith.cmpi sgt, %squeeze3A_644, %sign3A_647 : i32
      %sign3A_649 = arith.extui %sign3A_648 : i1 to i32
      %sign3A_650 = arith.constant 0 : i32
      %sign3A_651 = arith.cmpi slt, %squeeze3A_644, %sign3A_650 : i32
      %sign3A_652 = arith.extui %sign3A_651 : i1 to i32
      %sign3A_653 = arith.subi %sign3A_649, %sign3A_652 : i32
      %sign3A_654 = arith.constant 0 : i32
      %sign3A_655 = arith.cmpi sgt, %jit3A_645, %sign3A_654 : i32
      %sign3A_656 = arith.extui %sign3A_655 : i1 to i32
      %sign3A_657 = arith.constant 0 : i32
      %sign3A_658 = arith.cmpi slt, %jit3A_645, %sign3A_657 : i32
      %sign3A_659 = arith.extui %sign3A_658 : i1 to i32
      %sign3A_660 = arith.subi %sign3A_656, %sign3A_659 : i32
      %ne3A_661 = arith.cmpi ne, %sign3A_653, %sign3A_660 : i32
      %rem3A_662 = arith.remsi %squeeze3A_644, %jit3A_645 : i32
      %ne3A_663 = arith.constant 0 : i32
      %ne3A_664 = arith.cmpi ne, %rem3A_662, %ne3A_663 : i32
      %and3A_665 = arith.andi %ne3A_661, %ne3A_664 : i1
      %sub3A_666 = arith.constant 1 : i32
      %sub3A_667 = arith.subi %div3A_646, %sub3A_666 : i32
      %select_n3A_668 = arith.select %and3A_665, %sub3A_667, %div3A_646 : i32
      %mul3A_669 = arith.constant 128 : i32
      %mul3A_670 = arith.muli %select_n3A_668, %mul3A_669 : i32
      %dma_start3A_671 = arith.constant 1 : i32
      %dma_start3A_672 = arith.constant 0 : i32
      %dma_start3A_673 = arith.constant 0 : i32
      %dma_start3A_674 = tpu.memref_slice %arg13[%dma_start3A_671, %dma_start3A_672, %dma_start3A_673] : memref<2x64x128xf32, #tpu.memory_space<vmem>> -> memref<1x64x128xf32, #tpu.memory_space<vmem>>
      %dma_start3A_675 = tpu.memref_squeeze %dma_start3A_674 : memref<1x64x128xf32, #tpu.memory_space<vmem>> -> memref<64x128xf32, #tpu.memory_space<vmem>>
      %dma_start3A_676 = arith.constant 0 : i32
      %dma_start3A_677 = tpu.memref_slice %arg5[%dma_start3A_676, %mul3A_670] : memref<64x1000000xf32, #tpu.memory_space<hbm>> -> memref<64x128xf32, #tpu.memory_space<hbm>>
      %dma_start3A_678 = arith.constant 0 : i32
      %dma_start3A_679 = arith.constant 0 : i32
      %dma_start3A_680 = tpu.memref_slice %arg13[%dma_start3A_671, %dma_start3A_678, %dma_start3A_679] : memref<2x64x128xf32, #tpu.memory_space<vmem>> -> memref<1x64x128xf32, #tpu.memory_space<vmem>>
      %dma_start3A_681 = tpu.memref_squeeze %dma_start3A_680 : memref<1x64x128xf32, #tpu.memory_space<vmem>> -> memref<64x128xf32, #tpu.memory_space<vmem>>
      %dma_start3A_682 = arith.constant 0 : i32
      %dma_start3A_683 = tpu.memref_slice %arg5[%dma_start3A_682, %mul3A_670] : memref<64x1000000xf32, #tpu.memory_space<hbm>> -> memref<64x128xf32, #tpu.memory_space<hbm>>
      tpu.enqueue_dma source(%dma_start3A_683 : memref<64x128xf32, #tpu.memory_space<hbm>>) target(%dma_start3A_681 : memref<64x128xf32, #tpu.memory_space<vmem>>) target_semaphore(%arg20 : memref<!tpu.dma_semaphore, #tpu.memory_space<semaphore_mem>>)
      %dma_wait3A_684 = arith.constant 0 : i32
      %dma_wait3A_685 = arith.constant 0 : i32
      %dma_wait3A_686 = arith.constant 0 : i32
      %dma_wait3A_687 = tpu.memref_slice %arg12[%dma_wait3A_684, %dma_wait3A_685, %dma_wait3A_686] : memref<2x64x128xf32, #tpu.memory_space<vmem>> -> memref<1x64x128xf32, #tpu.memory_space<vmem>>
      %dma_wait3A_688 = tpu.memref_squeeze %dma_wait3A_687 : memref<1x64x128xf32, #tpu.memory_space<vmem>> -> memref<64x128xf32, #tpu.memory_space<vmem>>
      %dma_wait3A_689 = arith.constant 0 : i32
      %dma_wait3A_690 = tpu.memref_slice %arg4[%dma_wait3A_689, %mul3A_419] : memref<64x1000000xf32, #tpu.memory_space<hbm>> -> memref<64x128xf32, #tpu.memory_space<hbm>>
      %dma_wait3A_691 = arith.constant 0 : i32
      %dma_wait3A_692 = arith.constant 0 : i32
      %dma_wait3A_693 = tpu.memref_slice %arg12[%dma_wait3A_684, %dma_wait3A_691, %dma_wait3A_692] : memref<2x64x128xf32, #tpu.memory_space<vmem>> -> memref<1x64x128xf32, #tpu.memory_space<vmem>>
      %dma_wait3A_694 = tpu.memref_squeeze %dma_wait3A_693 : memref<1x64x128xf32, #tpu.memory_space<vmem>> -> memref<64x128xf32, #tpu.memory_space<vmem>>
      %dma_wait3A_695 = arith.constant 0 : i32
      %dma_wait3A_696 = tpu.memref_slice %arg4[%dma_wait3A_695, %mul3A_419] : memref<64x1000000xf32, #tpu.memory_space<hbm>> -> memref<64x128xf32, #tpu.memory_space<hbm>>
      tpu.wait_dma2 semaphore(%arg20 : memref<!tpu.dma_semaphore, #tpu.memory_space<semaphore_mem>>) src(%dma_wait3A_696 : memref<64x128xf32, #tpu.memory_space<hbm>>) dst(%dma_wait3A_694 : memref<64x128xf32, #tpu.memory_space<vmem>>)
      %dma_wait3A_697 = arith.constant 0 : i32
      %dma_wait3A_698 = arith.constant 0 : i32
      %dma_wait3A_699 = arith.constant 0 : i32
      %dma_wait3A_700 = tpu.memref_slice %arg13[%dma_wait3A_697, %dma_wait3A_698, %dma_wait3A_699] : memref<2x64x128xf32, #tpu.memory_space<vmem>> -> memref<1x64x128xf32, #tpu.memory_space<vmem>>
      %dma_wait3A_701 = tpu.memref_squeeze %dma_wait3A_700 : memref<1x64x128xf32, #tpu.memory_space<vmem>> -> memref<64x128xf32, #tpu.memory_space<vmem>>
      %dma_wait3A_702 = arith.constant 0 : i32
      %dma_wait3A_703 = tpu.memref_slice %arg5[%dma_wait3A_702, %mul3A_460] : memref<64x1000000xf32, #tpu.memory_space<hbm>> -> memref<64x128xf32, #tpu.memory_space<hbm>>
      %dma_wait3A_704 = arith.constant 0 : i32
      %dma_wait3A_705 = arith.constant 0 : i32
      %dma_wait3A_706 = tpu.memref_slice %arg13[%dma_wait3A_697, %dma_wait3A_704, %dma_wait3A_705] : memref<2x64x128xf32, #tpu.memory_space<vmem>> -> memref<1x64x128xf32, #tpu.memory_space<vmem>>
      %dma_wait3A_707 = tpu.memref_squeeze %dma_wait3A_706 : memref<1x64x128xf32, #tpu.memory_space<vmem>> -> memref<64x128xf32, #tpu.memory_space<vmem>>
      %dma_wait3A_708 = arith.constant 0 : i32
      %dma_wait3A_709 = tpu.memref_slice %arg5[%dma_wait3A_708, %mul3A_460] : memref<64x1000000xf32, #tpu.memory_space<hbm>> -> memref<64x128xf32, #tpu.memory_space<hbm>>
      tpu.wait_dma2 semaphore(%arg20 : memref<!tpu.dma_semaphore, #tpu.memory_space<semaphore_mem>>) src(%dma_wait3A_709 : memref<64x128xf32, #tpu.memory_space<hbm>>) dst(%dma_wait3A_707 : memref<64x128xf32, #tpu.memory_space<vmem>>)
      %slice3A_710 = vector.extract_strided_slice %get3A_108 {offsets = [2], sizes = [1], strides = [1]} : vector<16xi32> to vector<1xi32>
      %squeeze3A_711 = vector.extract %slice3A_710[0] : i32 from vector<1xi32>
      %jit3A_712 = arith.constant 128 : i32
      %eq3A_713 = arith.constant 0 : i32
      %eq3A_714 = arith.cmpi eq, %jit3A_712, %eq3A_713 : i32
      %jit3A_715 = arith.constant 1 : i32
      %select_n3A_716 = arith.select %eq3A_714, %jit3A_715, %jit3A_712 : i32
      %rem3A_717 = arith.remsi %squeeze3A_711, %select_n3A_716 : i32
      %ne3A_718 = arith.constant 0 : i32
      %ne3A_719 = arith.cmpi ne, %rem3A_717, %ne3A_718 : i32
      %lt3A_720 = arith.constant 0 : i32
      %lt3A_721 = arith.cmpi slt, %rem3A_717, %lt3A_720 : i32
      %lt3A_722 = arith.constant 0 : i32
      %lt3A_723 = arith.cmpi slt, %select_n3A_716, %lt3A_722 : i32
      %ne3A_724 = arith.xori %lt3A_721, %lt3A_723 : i1
      %and3A_725 = arith.andi %ne3A_724, %ne3A_719 : i1
      %add3A_726 = arith.addi %rem3A_717, %select_n3A_716 : i32
      %select_n3A_727 = arith.select %and3A_725, %add3A_726, %rem3A_717 : i32
      %add3A_728 = vector.broadcast %select_n3A_727 : i32 to vector<16xi32>
      %add3A_729 = arith.addi %broadcast_in_dim3A_98, %add3A_728 : vector<16xi32>
      %add3A_730 = arith.constant 0 : i32
      %add3A_731 = vector.broadcast %add3A_730 : i32 to vector<16xi32>
      %add3A_732 = arith.addi %broadcast_in_dim3A_98, %add3A_731 : vector<16xi32>
      %add3A_733 = arith.constant 0 : i32
      %add3A_734 = vector.broadcast %add3A_733 : i32 to vector<16xi32>
      %add3A_735 = arith.addi %add3A_734, %iota3A : vector<16xi32>
      %gather3A_736 = tpu.vector_load_idx %arg12[%add3A_732, %add3A_735, %add3A_729] : memref<2x64x128xf32, #tpu.memory_space<vmem>>[vector<16xi32>, vector<16xi32>, vector<16xi32>], vector<16xf32>,
      %add3A_737 = arith.constant 2 : i32
      %add3A_738 = vector.broadcast %add3A_737 : i32 to vector<16xi32>
      %add3A_739 = arith.addi %broadcast_in_dim3A_98, %add3A_738 : vector<16xi32>
      tpu.vector_store_idx %arg14[%add3A_739, %add3A_735], %gather3A_736 : memref<16x64xf32, #tpu.memory_space<vmem>>[vector<16xi32>, vector<16xi32>], vector<16xf32>,
      %add3A_740 = arith.constant 16 : i32
      %add3A_741 = vector.broadcast %add3A_740 : i32 to vector<16xi32>
      %add3A_742 = arith.addi %add3A_741, %iota3A : vector<16xi32>
      %gather3A_743 = tpu.vector_load_idx %arg12[%add3A_732, %add3A_742, %add3A_729] : memref<2x64x128xf32, #tpu.memory_space<vmem>>[vector<16xi32>, vector<16xi32>, vector<16xi32>], vector<16xf32>,
      %add3A_744 = arith.constant 2 : i32
      %add3A_745 = vector.broadcast %add3A_744 : i32 to vector<16xi32>
      %add3A_746 = arith.addi %broadcast_in_dim3A_98, %add3A_745 : vector<16xi32>
      tpu.vector_store_idx %arg14[%add3A_746, %add3A_742], %gather3A_743 : memref<16x64xf32, #tpu.memory_space<vmem>>[vector<16xi32>, vector<16xi32>], vector<16xf32>,
      %add3A_747 = arith.constant 32 : i32
      %add3A_748 = vector.broadcast %add3A_747 : i32 to vector<16xi32>
      %add3A_749 = arith.addi %add3A_748, %iota3A : vector<16xi32>
      %gather3A_750 = tpu.vector_load_idx %arg12[%add3A_732, %add3A_749, %add3A_729] : memref<2x64x128xf32, #tpu.memory_space<vmem>>[vector<16xi32>, vector<16xi32>, vector<16xi32>], vector<16xf32>,
      %add3A_751 = arith.constant 2 : i32
      %add3A_752 = vector.broadcast %add3A_751 : i32 to vector<16xi32>
      %add3A_753 = arith.addi %broadcast_in_dim3A_98, %add3A_752 : vector<16xi32>
      tpu.vector_store_idx %arg14[%add3A_753, %add3A_749], %gather3A_750 : memref<16x64xf32, #tpu.memory_space<vmem>>[vector<16xi32>, vector<16xi32>], vector<16xf32>,
      %add3A_754 = arith.constant 48 : i32
      %add3A_755 = vector.broadcast %add3A_754 : i32 to vector<16xi32>
      %add3A_756 = arith.addi %add3A_755, %iota3A : vector<16xi32>
      %gather3A_757 = tpu.vector_load_idx %arg12[%add3A_732, %add3A_756, %add3A_729] : memref<2x64x128xf32, #tpu.memory_space<vmem>>[vector<16xi32>, vector<16xi32>, vector<16xi32>], vector<16xf32>,
      %add3A_758 = arith.constant 2 : i32
      %add3A_759 = vector.broadcast %add3A_758 : i32 to vector<16xi32>
      %add3A_760 = arith.addi %broadcast_in_dim3A_98, %add3A_759 : vector<16xi32>
      tpu.vector_store_idx %arg14[%add3A_760, %add3A_756], %gather3A_757 : memref<16x64xf32, #tpu.memory_space<vmem>>[vector<16xi32>, vector<16xi32>], vector<16xf32>,
      %slice3A_761 = vector.extract_strided_slice %get3A_112 {offsets = [2], sizes = [1], strides = [1]} : vector<16xi32> to vector<1xi32>
      %squeeze3A_762 = vector.extract %slice3A_761[0] : i32 from vector<1xi32>
      %jit3A_763 = arith.constant 128 : i32
      %eq3A_764 = arith.constant 0 : i32
      %eq3A_765 = arith.cmpi eq, %jit3A_763, %eq3A_764 : i32
      %jit3A_766 = arith.constant 1 : i32
      %select_n3A_767 = arith.select %eq3A_765, %jit3A_766, %jit3A_763 : i32
      %rem3A_768 = arith.remsi %squeeze3A_762, %select_n3A_767 : i32
      %ne3A_769 = arith.constant 0 : i32
      %ne3A_770 = arith.cmpi ne, %rem3A_768, %ne3A_769 : i32
      %lt3A_771 = arith.constant 0 : i32
      %lt3A_772 = arith.cmpi slt, %rem3A_768, %lt3A_771 : i32
      %lt3A_773 = arith.constant 0 : i32
      %lt3A_774 = arith.cmpi slt, %select_n3A_767, %lt3A_773 : i32
      %ne3A_775 = arith.xori %lt3A_772, %lt3A_774 : i1
      %and3A_776 = arith.andi %ne3A_775, %ne3A_770 : i1
      %add3A_777 = arith.addi %rem3A_768, %select_n3A_767 : i32
      %select_n3A_778 = arith.select %and3A_776, %add3A_777, %rem3A_768 : i32
      %add3A_779 = vector.broadcast %select_n3A_778 : i32 to vector<16xi32>
      %add3A_780 = arith.addi %broadcast_in_dim3A_98, %add3A_779 : vector<16xi32>
      %add3A_781 = arith.constant 0 : i32
      %add3A_782 = vector.broadcast %add3A_781 : i32 to vector<16xi32>
      %add3A_783 = arith.addi %broadcast_in_dim3A_98, %add3A_782 : vector<16xi32>
      %add3A_784 = arith.constant 0 : i32
      %add3A_785 = vector.broadcast %add3A_784 : i32 to vector<16xi32>
      %add3A_786 = arith.addi %add3A_785, %iota3A : vector<16xi32>
      %gather3A_787 = tpu.vector_load_idx %arg13[%add3A_783, %add3A_786, %add3A_780] : memref<2x64x128xf32, #tpu.memory_space<vmem>>[vector<16xi32>, vector<16xi32>, vector<16xi32>], vector<16xf32>,
      %add3A_788 = arith.constant 2 : i32
      %add3A_789 = vector.broadcast %add3A_788 : i32 to vector<16xi32>
      %add3A_790 = arith.addi %broadcast_in_dim3A_98, %add3A_789 : vector<16xi32>
      tpu.vector_store_idx %arg15[%add3A_790, %add3A_786], %gather3A_787 : memref<16x64xf32, #tpu.memory_space<vmem>>[vector<16xi32>, vector<16xi32>], vector<16xf32>,
      %add3A_791 = arith.constant 16 : i32
      %add3A_792 = vector.broadcast %add3A_791 : i32 to vector<16xi32>
      %add3A_793 = arith.addi %add3A_792, %iota3A : vector<16xi32>
      %gather3A_794 = tpu.vector_load_idx %arg13[%add3A_783, %add3A_793, %add3A_780] : memref<2x64x128xf32, #tpu.memory_space<vmem>>[vector<16xi32>, vector<16xi32>, vector<16xi32>], vector<16xf32>,
      %add3A_795 = arith.constant 2 : i32
      %add3A_796 = vector.broadcast %add3A_795 : i32 to vector<16xi32>
      %add3A_797 = arith.addi %broadcast_in_dim3A_98, %add3A_796 : vector<16xi32>
      tpu.vector_store_idx %arg15[%add3A_797, %add3A_793], %gather3A_794 : memref<16x64xf32, #tpu.memory_space<vmem>>[vector<16xi32>, vector<16xi32>], vector<16xf32>,
      %add3A_798 = arith.constant 32 : i32
      %add3A_799 = vector.broadcast %add3A_798 : i32 to vector<16xi32>
      %add3A_800 = arith.addi %add3A_799, %iota3A : vector<16xi32>
      %gather3A_801 = tpu.vector_load_idx %arg13[%add3A_783, %add3A_800, %add3A_780] : memref<2x64x128xf32, #tpu.memory_space<vmem>>[vector<16xi32>, vector<16xi32>, vector<16xi32>], vector<16xf32>,
      %add3A_802 = arith.constant 2 : i32
      %add3A_803 = vector.broadcast %add3A_802 : i32 to vector<16xi32>
      %add3A_804 = arith.addi %broadcast_in_dim3A_98, %add3A_803 : vector<16xi32>
      tpu.vector_store_idx %arg15[%add3A_804, %add3A_800], %gather3A_801 : memref<16x64xf32, #tpu.memory_space<vmem>>[vector<16xi32>, vector<16xi32>], vector<16xf32>,
      %add3A_805 = arith.constant 48 : i32
      %add3A_806 = vector.broadcast %add3A_805 : i32 to vector<16xi32>
      %add3A_807 = arith.addi %add3A_806, %iota3A : vector<16xi32>
      %gather3A_808 = tpu.vector_load_idx %arg13[%add3A_783, %add3A_807, %add3A_780] : memref<2x64x128xf32, #tpu.memory_space<vmem>>[vector<16xi32>, vector<16xi32>, vector<16xi32>], vector<16xf32>,
      %add3A_809 = arith.constant 2 : i32
      %add3A_810 = vector.broadcast %add3A_809 : i32 to vector<16xi32>
      %add3A_811 = arith.addi %broadcast_in_dim3A_98, %add3A_810 : vector<16xi32>
      tpu.vector_store_idx %arg15[%add3A_811, %add3A_807], %gather3A_808 : memref<16x64xf32, #tpu.memory_space<vmem>>[vector<16xi32>, vector<16xi32>], vector<16xf32>,
      %slice3A_812 = vector.extract_strided_slice %get3A_108 {offsets = [4], sizes = [1], strides = [1]} : vector<16xi32> to vector<1xi32>
      %squeeze3A_813 = vector.extract %slice3A_812[0] : i32 from vector<1xi32>
      %jit3A_814 = arith.constant 128 : i32
      %div3A_815 = arith.divsi %squeeze3A_813, %jit3A_814 : i32
      %sign3A_816 = arith.constant 0 : i32
      %sign3A_817 = arith.cmpi sgt, %squeeze3A_813, %sign3A_816 : i32
      %sign3A_818 = arith.extui %sign3A_817 : i1 to i32
      %sign3A_819 = arith.constant 0 : i32
      %sign3A_820 = arith.cmpi slt, %squeeze3A_813, %sign3A_819 : i32
      %sign3A_821 = arith.extui %sign3A_820 : i1 to i32
      %sign3A_822 = arith.subi %sign3A_818, %sign3A_821 : i32
      %sign3A_823 = arith.constant 0 : i32
      %sign3A_824 = arith.cmpi sgt, %jit3A_814, %sign3A_823 : i32
      %sign3A_825 = arith.extui %sign3A_824 : i1 to i32
      %sign3A_826 = arith.constant 0 : i32
      %sign3A_827 = arith.cmpi slt, %jit3A_814, %sign3A_826 : i32
      %sign3A_828 = arith.extui %sign3A_827 : i1 to i32
      %sign3A_829 = arith.subi %sign3A_825, %sign3A_828 : i32
      %ne3A_830 = arith.cmpi ne, %sign3A_822, %sign3A_829 : i32
      %rem3A_831 = arith.remsi %squeeze3A_813, %jit3A_814 : i32
      %ne3A_832 = arith.constant 0 : i32
      %ne3A_833 = arith.cmpi ne, %rem3A_831, %ne3A_832 : i32
      %and3A_834 = arith.andi %ne3A_830, %ne3A_833 : i1
      %sub3A_835 = arith.constant 1 : i32
      %sub3A_836 = arith.subi %div3A_815, %sub3A_835 : i32
      %select_n3A_837 = arith.select %and3A_834, %sub3A_836, %div3A_815 : i32
      %mul3A_838 = arith.constant 128 : i32
      %mul3A_839 = arith.muli %select_n3A_837, %mul3A_838 : i32
      %dma_start3A_840 = arith.constant 0 : i32
      %dma_start3A_841 = arith.constant 0 : i32
      %dma_start3A_842 = arith.constant 0 : i32
      %dma_start3A_843 = tpu.memref_slice %arg12[%dma_start3A_840, %dma_start3A_841, %dma_start3A_842] : memref<2x64x128xf32, #tpu.memory_space<vmem>> -> memref<1x64x128xf32, #tpu.memory_space<vmem>>
      %dma_start3A_844 = tpu.memref_squeeze %dma_start3A_843 : memref<1x64x128xf32, #tpu.memory_space<vmem>> -> memref<64x128xf32, #tpu.memory_space<vmem>>
      %dma_start3A_845 = arith.constant 0 : i32
      %dma_start3A_846 = tpu.memref_slice %arg4[%dma_start3A_845, %mul3A_839] : memref<64x1000000xf32, #tpu.memory_space<hbm>> -> memref<64x128xf32, #tpu.memory_space<hbm>>
      %dma_start3A_847 = arith.constant 0 : i32
      %dma_start3A_848 = arith.constant 0 : i32
      %dma_start3A_849 = tpu.memref_slice %arg12[%dma_start3A_840, %dma_start3A_847, %dma_start3A_848] : memref<2x64x128xf32, #tpu.memory_space<vmem>> -> memref<1x64x128xf32, #tpu.memory_space<vmem>>
      %dma_start3A_850 = tpu.memref_squeeze %dma_start3A_849 : memref<1x64x128xf32, #tpu.memory_space<vmem>> -> memref<64x128xf32, #tpu.memory_space<vmem>>
      %dma_start3A_851 = arith.constant 0 : i32
      %dma_start3A_852 = tpu.memref_slice %arg4[%dma_start3A_851, %mul3A_839] : memref<64x1000000xf32, #tpu.memory_space<hbm>> -> memref<64x128xf32, #tpu.memory_space<hbm>>
      tpu.enqueue_dma source(%dma_start3A_852 : memref<64x128xf32, #tpu.memory_space<hbm>>) target(%dma_start3A_850 : memref<64x128xf32, #tpu.memory_space<vmem>>) target_semaphore(%arg20 : memref<!tpu.dma_semaphore, #tpu.memory_space<semaphore_mem>>)
      %slice3A_853 = vector.extract_strided_slice %get3A_112 {offsets = [4], sizes = [1], strides = [1]} : vector<16xi32> to vector<1xi32>
      %squeeze3A_854 = vector.extract %slice3A_853[0] : i32 from vector<1xi32>
      %jit3A_855 = arith.constant 128 : i32
      %div3A_856 = arith.divsi %squeeze3A_854, %jit3A_855 : i32
      %sign3A_857 = arith.constant 0 : i32
      %sign3A_858 = arith.cmpi sgt, %squeeze3A_854, %sign3A_857 : i32
      %sign3A_859 = arith.extui %sign3A_858 : i1 to i32
      %sign3A_860 = arith.constant 0 : i32
      %sign3A_861 = arith.cmpi slt, %squeeze3A_854, %sign3A_860 : i32
      %sign3A_862 = arith.extui %sign3A_861 : i1 to i32
      %sign3A_863 = arith.subi %sign3A_859, %sign3A_862 : i32
      %sign3A_864 = arith.constant 0 : i32
      %sign3A_865 = arith.cmpi sgt, %jit3A_855, %sign3A_864 : i32
      %sign3A_866 = arith.extui %sign3A_865 : i1 to i32
      %sign3A_867 = arith.constant 0 : i32
      %sign3A_868 = arith.cmpi slt, %jit3A_855, %sign3A_867 : i32
      %sign3A_869 = arith.extui %sign3A_868 : i1 to i32
      %sign3A_870 = arith.subi %sign3A_866, %sign3A_869 : i32
      %ne3A_871 = arith.cmpi ne, %sign3A_863, %sign3A_870 : i32
      %rem3A_872 = arith.remsi %squeeze3A_854, %jit3A_855 : i32
      %ne3A_873 = arith.constant 0 : i32
      %ne3A_874 = arith.cmpi ne, %rem3A_872, %ne3A_873 : i32
      %and3A_875 = arith.andi %ne3A_871, %ne3A_874 : i1
      %sub3A_876 = arith.constant 1 : i32
      %sub3A_877 = arith.subi %div3A_856, %sub3A_876 : i32
      %select_n3A_878 = arith.select %and3A_875, %sub3A_877, %div3A_856 : i32
      %mul3A_879 = arith.constant 128 : i32
      %mul3A_880 = arith.muli %select_n3A_878, %mul3A_879 : i32
      %dma_start3A_881 = arith.constant 0 : i32
      %dma_start3A_882 = arith.constant 0 : i32
      %dma_start3A_883 = arith.constant 0 : i32
      %dma_start3A_884 = tpu.memref_slice %arg13[%dma_start3A_881, %dma_start3A_882, %dma_start3A_883] : memref<2x64x128xf32, #tpu.memory_space<vmem>> -> memref<1x64x128xf32, #tpu.memory_space<vmem>>
      %dma_start3A_885 = tpu.memref_squeeze %dma_start3A_884 : memref<1x64x128xf32, #tpu.memory_space<vmem>> -> memref<64x128xf32, #tpu.memory_space<vmem>>
      %dma_start3A_886 = arith.constant 0 : i32
      %dma_start3A_887 = tpu.memref_slice %arg5[%dma_start3A_886, %mul3A_880] : memref<64x1000000xf32, #tpu.memory_space<hbm>> -> memref<64x128xf32, #tpu.memory_space<hbm>>
      %dma_start3A_888 = arith.constant 0 : i32
      %dma_start3A_889 = arith.constant 0 : i32
      %dma_start3A_890 = tpu.memref_slice %arg13[%dma_start3A_881, %dma_start3A_888, %dma_start3A_889] : memref<2x64x128xf32, #tpu.memory_space<vmem>> -> memref<1x64x128xf32, #tpu.memory_space<vmem>>
      %dma_start3A_891 = tpu.memref_squeeze %dma_start3A_890 : memref<1x64x128xf32, #tpu.memory_space<vmem>> -> memref<64x128xf32, #tpu.memory_space<vmem>>
      %dma_start3A_892 = arith.constant 0 : i32
      %dma_start3A_893 = tpu.memref_slice %arg5[%dma_start3A_892, %mul3A_880] : memref<64x1000000xf32, #tpu.memory_space<hbm>> -> memref<64x128xf32, #tpu.memory_space<hbm>>
      tpu.enqueue_dma source(%dma_start3A_893 : memref<64x128xf32, #tpu.memory_space<hbm>>) target(%dma_start3A_891 : memref<64x128xf32, #tpu.memory_space<vmem>>) target_semaphore(%arg20 : memref<!tpu.dma_semaphore, #tpu.memory_space<semaphore_mem>>)
      %dma_wait3A_894 = arith.constant 1 : i32
      %dma_wait3A_895 = arith.constant 0 : i32
      %dma_wait3A_896 = arith.constant 0 : i32
      %dma_wait3A_897 = tpu.memref_slice %arg12[%dma_wait3A_894, %dma_wait3A_895, %dma_wait3A_896] : memref<2x64x128xf32, #tpu.memory_space<vmem>> -> memref<1x64x128xf32, #tpu.memory_space<vmem>>
      %dma_wait3A_898 = tpu.memref_squeeze %dma_wait3A_897 : memref<1x64x128xf32, #tpu.memory_space<vmem>> -> memref<64x128xf32, #tpu.memory_space<vmem>>
      %dma_wait3A_899 = arith.constant 0 : i32
      %dma_wait3A_900 = tpu.memref_slice %arg4[%dma_wait3A_899, %mul3A_629] : memref<64x1000000xf32, #tpu.memory_space<hbm>> -> memref<64x128xf32, #tpu.memory_space<hbm>>
      %dma_wait3A_901 = arith.constant 0 : i32
      %dma_wait3A_902 = arith.constant 0 : i32
      %dma_wait3A_903 = tpu.memref_slice %arg12[%dma_wait3A_894, %dma_wait3A_901, %dma_wait3A_902] : memref<2x64x128xf32, #tpu.memory_space<vmem>> -> memref<1x64x128xf32, #tpu.memory_space<vmem>>
      %dma_wait3A_904 = tpu.memref_squeeze %dma_wait3A_903 : memref<1x64x128xf32, #tpu.memory_space<vmem>> -> memref<64x128xf32, #tpu.memory_space<vmem>>
      %dma_wait3A_905 = arith.constant 0 : i32
      %dma_wait3A_906 = tpu.memref_slice %arg4[%dma_wait3A_905, %mul3A_629] : memref<64x1000000xf32, #tpu.memory_space<hbm>> -> memref<64x128xf32, #tpu.memory_space<hbm>>
      tpu.wait_dma2 semaphore(%arg20 : memref<!tpu.dma_semaphore, #tpu.memory_space<semaphore_mem>>) src(%dma_wait3A_906 : memref<64x128xf32, #tpu.memory_space<hbm>>) dst(%dma_wait3A_904 : memref<64x128xf32, #tpu.memory_space<vmem>>)
      %dma_wait3A_907 = arith.constant 1 : i32
      %dma_wait3A_908 = arith.constant 0 : i32
      %dma_wait3A_909 = arith.constant 0 : i32
      %dma_wait3A_910 = tpu.memref_slice %arg13[%dma_wait3A_907, %dma_wait3A_908, %dma_wait3A_909] : memref<2x64x128xf32, #tpu.memory_space<vmem>> -> memref<1x64x128xf32, #tpu.memory_space<vmem>>
      %dma_wait3A_911 = tpu.memref_squeeze %dma_wait3A_910 : memref<1x64x128xf32, #tpu.memory_space<vmem>> -> memref<64x128xf32, #tpu.memory_space<vmem>>
      %dma_wait3A_912 = arith.constant 0 : i32
      %dma_wait3A_913 = tpu.memref_slice %arg5[%dma_wait3A_912, %mul3A_670] : memref<64x1000000xf32, #tpu.memory_space<hbm>> -> memref<64x128xf32, #tpu.memory_space<hbm>>
      %dma_wait3A_914 = arith.constant 0 : i32
      %dma_wait3A_915 = arith.constant 0 : i32
      %dma_wait3A_916 = tpu.memref_slice %arg13[%dma_wait3A_907, %dma_wait3A_914, %dma_wait3A_915] : memref<2x64x128xf32, #tpu.memory_space<vmem>> -> memref<1x64x128xf32, #tpu.memory_space<vmem>>
      %dma_wait3A_917 = tpu.memref_squeeze %dma_wait3A_916 : memref<1x64x128xf32, #tpu.memory_space<vmem>> -> memref<64x128xf32, #tpu.memory_space<vmem>>
      %dma_wait3A_918 = arith.constant 0 : i32
      %dma_wait3A_919 = tpu.memref_slice %arg5[%dma_wait3A_918, %mul3A_670] : memref<64x1000000xf32, #tpu.memory_space<hbm>> -> memref<64x128xf32, #tpu.memory_space<hbm>>
      tpu.wait_dma2 semaphore(%arg20 : memref<!tpu.dma_semaphore, #tpu.memory_space<semaphore_mem>>) src(%dma_wait3A_919 : memref<64x128xf32, #tpu.memory_space<hbm>>) dst(%dma_wait3A_917 : memref<64x128xf32, #tpu.memory_space<vmem>>)
      %slice3A_920 = vector.extract_strided_slice %get3A_108 {offsets = [3], sizes = [1], strides = [1]} : vector<16xi32> to vector<1xi32>
      %squeeze3A_921 = vector.extract %slice3A_920[0] : i32 from vector<1xi32>
      %jit3A_922 = arith.constant 128 : i32
      %eq3A_923 = arith.constant 0 : i32
      %eq3A_924 = arith.cmpi eq, %jit3A_922, %eq3A_923 : i32
      %jit3A_925 = arith.constant 1 : i32
      %select_n3A_926 = arith.select %eq3A_924, %jit3A_925, %jit3A_922 : i32
      %rem3A_927 = arith.remsi %squeeze3A_921, %select_n3A_926 : i32
      %ne3A_928 = arith.constant 0 : i32
      %ne3A_929 = arith.cmpi ne, %rem3A_927, %ne3A_928 : i32
      %lt3A_930 = arith.constant 0 : i32
      %lt3A_931 = arith.cmpi slt, %rem3A_927, %lt3A_930 : i32
      %lt3A_932 = arith.constant 0 : i32
      %lt3A_933 = arith.cmpi slt, %select_n3A_926, %lt3A_932 : i32
      %ne3A_934 = arith.xori %lt3A_931, %lt3A_933 : i1
      %and3A_935 = arith.andi %ne3A_934, %ne3A_929 : i1
      %add3A_936 = arith.addi %rem3A_927, %select_n3A_926 : i32
      %select_n3A_937 = arith.select %and3A_935, %add3A_936, %rem3A_927 : i32
      %add3A_938 = vector.broadcast %select_n3A_937 : i32 to vector<16xi32>
      %add3A_939 = arith.addi %broadcast_in_dim3A_98, %add3A_938 : vector<16xi32>
      %add3A_940 = arith.constant 1 : i32
      %add3A_941 = vector.broadcast %add3A_940 : i32 to vector<16xi32>
      %add3A_942 = arith.addi %broadcast_in_dim3A_98, %add3A_941 : vector<16xi32>
      %add3A_943 = arith.constant 0 : i32
      %add3A_944 = vector.broadcast %add3A_943 : i32 to vector<16xi32>
      %add3A_945 = arith.addi %add3A_944, %iota3A : vector<16xi32>
      %gather3A_946 = tpu.vector_load_idx %arg12[%add3A_942, %add3A_945, %add3A_939] : memref<2x64x128xf32, #tpu.memory_space<vmem>>[vector<16xi32>, vector<16xi32>, vector<16xi32>], vector<16xf32>,
      %add3A_947 = arith.constant 3 : i32
      %add3A_948 = vector.broadcast %add3A_947 : i32 to vector<16xi32>
      %add3A_949 = arith.addi %broadcast_in_dim3A_98, %add3A_948 : vector<16xi32>
      tpu.vector_store_idx %arg14[%add3A_949, %add3A_945], %gather3A_946 : memref<16x64xf32, #tpu.memory_space<vmem>>[vector<16xi32>, vector<16xi32>], vector<16xf32>,
      %add3A_950 = arith.constant 16 : i32
      %add3A_951 = vector.broadcast %add3A_950 : i32 to vector<16xi32>
      %add3A_952 = arith.addi %add3A_951, %iota3A : vector<16xi32>
      %gather3A_953 = tpu.vector_load_idx %arg12[%add3A_942, %add3A_952, %add3A_939] : memref<2x64x128xf32, #tpu.memory_space<vmem>>[vector<16xi32>, vector<16xi32>, vector<16xi32>], vector<16xf32>,
      %add3A_954 = arith.constant 3 : i32
      %add3A_955 = vector.broadcast %add3A_954 : i32 to vector<16xi32>
      %add3A_956 = arith.addi %broadcast_in_dim3A_98, %add3A_955 : vector<16xi32>
      tpu.vector_store_idx %arg14[%add3A_956, %add3A_952], %gather3A_953 : memref<16x64xf32, #tpu.memory_space<vmem>>[vector<16xi32>, vector<16xi32>], vector<16xf32>,
      %add3A_957 = arith.constant 32 : i32
      %add3A_958 = vector.broadcast %add3A_957 : i32 to vector<16xi32>
      %add3A_959 = arith.addi %add3A_958, %iota3A : vector<16xi32>
      %gather3A_960 = tpu.vector_load_idx %arg12[%add3A_942, %add3A_959, %add3A_939] : memref<2x64x128xf32, #tpu.memory_space<vmem>>[vector<16xi32>, vector<16xi32>, vector<16xi32>], vector<16xf32>,
      %add3A_961 = arith.constant 3 : i32
      %add3A_962 = vector.broadcast %add3A_961 : i32 to vector<16xi32>
      %add3A_963 = arith.addi %broadcast_in_dim3A_98, %add3A_962 : vector<16xi32>
      tpu.vector_store_idx %arg14[%add3A_963, %add3A_959], %gather3A_960 : memref<16x64xf32, #tpu.memory_space<vmem>>[vector<16xi32>, vector<16xi32>], vector<16xf32>,
      %add3A_964 = arith.constant 48 : i32
      %add3A_965 = vector.broadcast %add3A_964 : i32 to vector<16xi32>
      %add3A_966 = arith.addi %add3A_965, %iota3A : vector<16xi32>
      %gather3A_967 = tpu.vector_load_idx %arg12[%add3A_942, %add3A_966, %add3A_939] : memref<2x64x128xf32, #tpu.memory_space<vmem>>[vector<16xi32>, vector<16xi32>, vector<16xi32>], vector<16xf32>,
      %add3A_968 = arith.constant 3 : i32
      %add3A_969 = vector.broadcast %add3A_968 : i32 to vector<16xi32>
      %add3A_970 = arith.addi %broadcast_in_dim3A_98, %add3A_969 : vector<16xi32>
      tpu.vector_store_idx %arg14[%add3A_970, %add3A_966], %gather3A_967 : memref<16x64xf32, #tpu.memory_space<vmem>>[vector<16xi32>, vector<16xi32>], vector<16xf32>,
      %slice3A_971 = vector.extract_strided_slice %get3A_112 {offsets = [3], sizes = [1], strides = [1]} : vector<16xi32> to vector<1xi32>
      %squeeze3A_972 = vector.extract %slice3A_971[0] : i32 from vector<1xi32>
      %jit3A_973 = arith.constant 128 : i32
      %eq3A_974 = arith.constant 0 : i32
      %eq3A_975 = arith.cmpi eq, %jit3A_973, %eq3A_974 : i32
      %jit3A_976 = arith.constant 1 : i32
      %select_n3A_977 = arith.select %eq3A_975, %jit3A_976, %jit3A_973 : i32
      %rem3A_978 = arith.remsi %squeeze3A_972, %select_n3A_977 : i32
      %ne3A_979 = arith.constant 0 : i32
      %ne3A_980 = arith.cmpi ne, %rem3A_978, %ne3A_979 : i32
      %lt3A_981 = arith.constant 0 : i32
      %lt3A_982 = arith.cmpi slt, %rem3A_978, %lt3A_981 : i32
      %lt3A_983 = arith.constant 0 : i32
      %lt3A_984 = arith.cmpi slt, %select_n3A_977, %lt3A_983 : i32
      %ne3A_985 = arith.xori %lt3A_982, %lt3A_984 : i1
      %and3A_986 = arith.andi %ne3A_985, %ne3A_980 : i1
      %add3A_987 = arith.addi %rem3A_978, %select_n3A_977 : i32
      %select_n3A_988 = arith.select %and3A_986, %add3A_987, %rem3A_978 : i32
      %add3A_989 = vector.broadcast %select_n3A_988 : i32 to vector<16xi32>
      %add3A_990 = arith.addi %broadcast_in_dim3A_98, %add3A_989 : vector<16xi32>
      %add3A_991 = arith.constant 1 : i32
      %add3A_992 = vector.broadcast %add3A_991 : i32 to vector<16xi32>
      %add3A_993 = arith.addi %broadcast_in_dim3A_98, %add3A_992 : vector<16xi32>
      %add3A_994 = arith.constant 0 : i32
      %add3A_995 = vector.broadcast %add3A_994 : i32 to vector<16xi32>
      %add3A_996 = arith.addi %add3A_995, %iota3A : vector<16xi32>
      %gather3A_997 = tpu.vector_load_idx %arg13[%add3A_993, %add3A_996, %add3A_990] : memref<2x64x128xf32, #tpu.memory_space<vmem>>[vector<16xi32>, vector<16xi32>, vector<16xi32>], vector<16xf32>,
      %add3A_998 = arith.constant 3 : i32
      %add3A_999 = vector.broadcast %add3A_998 : i32 to vector<16xi32>
      %add3A_1000 = arith.addi %broadcast_in_dim3A_98, %add3A_999 : vector<16xi32>
      tpu.vector_store_idx %arg15[%add3A_1000, %add3A_996], %gather3A_997 : memref<16x64xf32, #tpu.memory_space<vmem>>[vector<16xi32>, vector<16xi32>], vector<16xf32>,
      %add3A_1001 = arith.constant 16 : i32
      %add3A_1002 = vector.broadcast %add3A_1001 : i32 to vector<16xi32>
      %add3A_1003 = arith.addi %add3A_1002, %iota3A : vector<16xi32>
      %gather3A_1004 = tpu.vector_load_idx %arg13[%add3A_993, %add3A_1003, %add3A_990] : memref<2x64x128xf32, #tpu.memory_space<vmem>>[vector<16xi32>, vector<16xi32>, vector<16xi32>], vector<16xf32>,
      %add3A_1005 = arith.constant 3 : i32
      %add3A_1006 = vector.broadcast %add3A_1005 : i32 to vector<16xi32>
      %add3A_1007 = arith.addi %broadcast_in_dim3A_98, %add3A_1006 : vector<16xi32>
      tpu.vector_store_idx %arg15[%add3A_1007, %add3A_1003], %gather3A_1004 : memref<16x64xf32, #tpu.memory_space<vmem>>[vector<16xi32>, vector<16xi32>], vector<16xf32>,
      %add3A_1008 = arith.constant 32 : i32
      %add3A_1009 = vector.broadcast %add3A_1008 : i32 to vector<16xi32>
      %add3A_1010 = arith.addi %add3A_1009, %iota3A : vector<16xi32>
      %gather3A_1011 = tpu.vector_load_idx %arg13[%add3A_993, %add3A_1010, %add3A_990] : memref<2x64x128xf32, #tpu.memory_space<vmem>>[vector<16xi32>, vector<16xi32>, vector<16xi32>], vector<16xf32>,
      %add3A_1012 = arith.constant 3 : i32
      %add3A_1013 = vector.broadcast %add3A_1012 : i32 to vector<16xi32>
      %add3A_1014 = arith.addi %broadcast_in_dim3A_98, %add3A_1013 : vector<16xi32>
      tpu.vector_store_idx %arg15[%add3A_1014, %add3A_1010], %gather3A_1011 : memref<16x64xf32, #tpu.memory_space<vmem>>[vector<16xi32>, vector<16xi32>], vector<16xf32>,
      %add3A_1015 = arith.constant 48 : i32
      %add3A_1016 = vector.broadcast %add3A_1015 : i32 to vector<16xi32>
      %add3A_1017 = arith.addi %add3A_1016, %iota3A : vector<16xi32>
      %gather3A_1018 = tpu.vector_load_idx %arg13[%add3A_993, %add3A_1017, %add3A_990] : memref<2x64x128xf32, #tpu.memory_space<vmem>>[vector<16xi32>, vector<16xi32>, vector<16xi32>], vector<16xf32>,
      %add3A_1019 = arith.constant 3 : i32
      %add3A_1020 = vector.broadcast %add3A_1019 : i32 to vector<16xi32>
      %add3A_1021 = arith.addi %broadcast_in_dim3A_98, %add3A_1020 : vector<16xi32>
      tpu.vector_store_idx %arg15[%add3A_1021, %add3A_1017], %gather3A_1018 : memref<16x64xf32, #tpu.memory_space<vmem>>[vector<16xi32>, vector<16xi32>], vector<16xf32>,
      %slice3A_1022 = vector.extract_strided_slice %get3A_108 {offsets = [5], sizes = [1], strides = [1]} : vector<16xi32> to vector<1xi32>
      %squeeze3A_1023 = vector.extract %slice3A_1022[0] : i32 from vector<1xi32>
      %jit3A_1024 = arith.constant 128 : i32
      %div3A_1025 = arith.divsi %squeeze3A_1023, %jit3A_1024 : i32
      %sign3A_1026 = arith.constant 0 : i32
      %sign3A_1027 = arith.cmpi sgt, %squeeze3A_1023, %sign3A_1026 : i32
      %sign3A_1028 = arith.extui %sign3A_1027 : i1 to i32
      %sign3A_1029 = arith.constant 0 : i32
      %sign3A_1030 = arith.cmpi slt, %squeeze3A_1023, %sign3A_1029 : i32
      %sign3A_1031 = arith.extui %sign3A_1030 : i1 to i32
      %sign3A_1032 = arith.subi %sign3A_1028, %sign3A_1031 : i32
      %sign3A_1033 = arith.constant 0 : i32
      %sign3A_1034 = arith.cmpi sgt, %jit3A_1024, %sign3A_1033 : i32
      %sign3A_1035 = arith.extui %sign3A_1034 : i1 to i32
      %sign3A_1036 = arith.constant 0 : i32
      %sign3A_1037 = arith.cmpi slt, %jit3A_1024, %sign3A_1036 : i32
      %sign3A_1038 = arith.extui %sign3A_1037 : i1 to i32
      %sign3A_1039 = arith.subi %sign3A_1035, %sign3A_1038 : i32
      %ne3A_1040 = arith.cmpi ne, %sign3A_1032, %sign3A_1039 : i32
      %rem3A_1041 = arith.remsi %squeeze3A_1023, %jit3A_1024 : i32
      %ne3A_1042 = arith.constant 0 : i32
      %ne3A_1043 = arith.cmpi ne, %rem3A_1041, %ne3A_1042 : i32
      %and3A_1044 = arith.andi %ne3A_1040, %ne3A_1043 : i1
      %sub3A_1045 = arith.constant 1 : i32
      %sub3A_1046 = arith.subi %div3A_1025, %sub3A_1045 : i32
      %select_n3A_1047 = arith.select %and3A_1044, %sub3A_1046, %div3A_1025 : i32
      %mul3A_1048 = arith.constant 128 : i32
      %mul3A_1049 = arith.muli %select_n3A_1047, %mul3A_1048 : i32
      %dma_start3A_1050 = arith.constant 1 : i32
      %dma_start3A_1051 = arith.constant 0 : i32
      %dma_start3A_1052 = arith.constant 0 : i32
      %dma_start3A_1053 = tpu.memref_slice %arg12[%dma_start3A_1050, %dma_start3A_1051, %dma_start3A_1052] : memref<2x64x128xf32, #tpu.memory_space<vmem>> -> memref<1x64x128xf32, #tpu.memory_space<vmem>>
      %dma_start3A_1054 = tpu.memref_squeeze %dma_start3A_1053 : memref<1x64x128xf32, #tpu.memory_space<vmem>> -> memref<64x128xf32, #tpu.memory_space<vmem>>
      %dma_start3A_1055 = arith.constant 0 : i32
      %dma_start3A_1056 = tpu.memref_slice %arg4[%dma_start3A_1055, %mul3A_1049] : memref<64x1000000xf32, #tpu.memory_space<hbm>> -> memref<64x128xf32, #tpu.memory_space<hbm>>
      %dma_start3A_1057 = arith.constant 0 : i32
      %dma_start3A_1058 = arith.constant 0 : i32
      %dma_start3A_1059 = tpu.memref_slice %arg12[%dma_start3A_1050, %dma_start3A_1057, %dma_start3A_1058] : memref<2x64x128xf32, #tpu.memory_space<vmem>> -> memref<1x64x128xf32, #tpu.memory_space<vmem>>
      %dma_start3A_1060 = tpu.memref_squeeze %dma_start3A_1059 : memref<1x64x128xf32, #tpu.memory_space<vmem>> -> memref<64x128xf32, #tpu.memory_space<vmem>>
      %dma_start3A_1061 = arith.constant 0 : i32
      %dma_start3A_1062 = tpu.memref_slice %arg4[%dma_start3A_1061, %mul3A_1049] : memref<64x1000000xf32, #tpu.memory_space<hbm>> -> memref<64x128xf32, #tpu.memory_space<hbm>>
      tpu.enqueue_dma source(%dma_start3A_1062 : memref<64x128xf32, #tpu.memory_space<hbm>>) target(%dma_start3A_1060 : memref<64x128xf32, #tpu.memory_space<vmem>>) target_semaphore(%arg20 : memref<!tpu.dma_semaphore, #tpu.memory_space<semaphore_mem>>)
      %slice3A_1063 = vector.extract_strided_slice %get3A_112 {offsets = [5], sizes = [1], strides = [1]} : vector<16xi32> to vector<1xi32>
      %squeeze3A_1064 = vector.extract %slice3A_1063[0] : i32 from vector<1xi32>
      %jit3A_1065 = arith.constant 128 : i32
      %div3A_1066 = arith.divsi %squeeze3A_1064, %jit3A_1065 : i32
      %sign3A_1067 = arith.constant 0 : i32
      %sign3A_1068 = arith.cmpi sgt, %squeeze3A_1064, %sign3A_1067 : i32
      %sign3A_1069 = arith.extui %sign3A_1068 : i1 to i32
      %sign3A_1070 = arith.constant 0 : i32
      %sign3A_1071 = arith.cmpi slt, %squeeze3A_1064, %sign3A_1070 : i32
      %sign3A_1072 = arith.extui %sign3A_1071 : i1 to i32
      %sign3A_1073 = arith.subi %sign3A_1069, %sign3A_1072 : i32
      %sign3A_1074 = arith.constant 0 : i32
      %sign3A_1075 = arith.cmpi sgt, %jit3A_1065, %sign3A_1074 : i32
      %sign3A_1076 = arith.extui %sign3A_1075 : i1 to i32
      %sign3A_1077 = arith.constant 0 : i32
      %sign3A_1078 = arith.cmpi slt, %jit3A_1065, %sign3A_1077 : i32
      %sign3A_1079 = arith.extui %sign3A_1078 : i1 to i32
      %sign3A_1080 = arith.subi %sign3A_1076, %sign3A_1079 : i32
      %ne3A_1081 = arith.cmpi ne, %sign3A_1073, %sign3A_1080 : i32
      %rem3A_1082 = arith.remsi %squeeze3A_1064, %jit3A_1065 : i32
      %ne3A_1083 = arith.constant 0 : i32
      %ne3A_1084 = arith.cmpi ne, %rem3A_1082, %ne3A_1083 : i32
      %and3A_1085 = arith.andi %ne3A_1081, %ne3A_1084 : i1
      %sub3A_1086 = arith.constant 1 : i32
      %sub3A_1087 = arith.subi %div3A_1066, %sub3A_1086 : i32
      %select_n3A_1088 = arith.select %and3A_1085, %sub3A_1087, %div3A_1066 : i32
      %mul3A_1089 = arith.constant 128 : i32
      %mul3A_1090 = arith.muli %select_n3A_1088, %mul3A_1089 : i32
      %dma_start3A_1091 = arith.constant 1 : i32
      %dma_start3A_1092 = arith.constant 0 : i32
      %dma_start3A_1093 = arith.constant 0 : i32
      %dma_start3A_1094 = tpu.memref_slice %arg13[%dma_start3A_1091, %dma_start3A_1092, %dma_start3A_1093] : memref<2x64x128xf32, #tpu.memory_space<vmem>> -> memref<1x64x128xf32, #tpu.memory_space<vmem>>
      %dma_start3A_1095 = tpu.memref_squeeze %dma_start3A_1094 : memref<1x64x128xf32, #tpu.memory_space<vmem>> -> memref<64x128xf32, #tpu.memory_space<vmem>>
      %dma_start3A_1096 = arith.constant 0 : i32
      %dma_start3A_1097 = tpu.memref_slice %arg5[%dma_start3A_1096, %mul3A_1090] : memref<64x1000000xf32, #tpu.memory_space<hbm>> -> memref<64x128xf32, #tpu.memory_space<hbm>>
      %dma_start3A_1098 = arith.constant 0 : i32
      %dma_start3A_1099 = arith.constant 0 : i32
      %dma_start3A_1100 = tpu.memref_slice %arg13[%dma_start3A_1091, %dma_start3A_1098, %dma_start3A_1099] : memref<2x64x128xf32, #tpu.memory_space<vmem>> -> memref<1x64x128xf32, #tpu.memory_space<vmem>>
      %dma_start3A_1101 = tpu.memref_squeeze %dma_start3A_1100 : memref<1x64x128xf32, #tpu.memory_space<vmem>> -> memref<64x128xf32, #tpu.memory_space<vmem>>
      %dma_start3A_1102 = arith.constant 0 : i32
      %dma_start3A_1103 = tpu.memref_slice %arg5[%dma_start3A_1102, %mul3A_1090] : memref<64x1000000xf32, #tpu.memory_space<hbm>> -> memref<64x128xf32, #tpu.memory_space<hbm>>
      tpu.enqueue_dma source(%dma_start3A_1103 : memref<64x128xf32, #tpu.memory_space<hbm>>) target(%dma_start3A_1101 : memref<64x128xf32, #tpu.memory_space<vmem>>) target_semaphore(%arg20 : memref<!tpu.dma_semaphore, #tpu.memory_space<semaphore_mem>>)
      %dma_wait3A_1104 = arith.constant 0 : i32
      %dma_wait3A_1105 = arith.constant 0 : i32
      %dma_wait3A_1106 = arith.constant 0 : i32
      %dma_wait3A_1107 = tpu.memref_slice %arg12[%dma_wait3A_1104, %dma_wait3A_1105, %dma_wait3A_1106] : memref<2x64x128xf32, #tpu.memory_space<vmem>> -> memref<1x64x128xf32, #tpu.memory_space<vmem>>
      %dma_wait3A_1108 = tpu.memref_squeeze %dma_wait3A_1107 : memref<1x64x128xf32, #tpu.memory_space<vmem>> -> memref<64x128xf32, #tpu.memory_space<vmem>>
      %dma_wait3A_1109 = arith.constant 0 : i32
      %dma_wait3A_1110 = tpu.memref_slice %arg4[%dma_wait3A_1109, %mul3A_839] : memref<64x1000000xf32, #tpu.memory_space<hbm>> -> memref<64x128xf32, #tpu.memory_space<hbm>>
      %dma_wait3A_1111 = arith.constant 0 : i32
      %dma_wait3A_1112 = arith.constant 0 : i32
      %dma_wait3A_1113 = tpu.memref_slice %arg12[%dma_wait3A_1104, %dma_wait3A_1111, %dma_wait3A_1112] : memref<2x64x128xf32, #tpu.memory_space<vmem>> -> memref<1x64x128xf32, #tpu.memory_space<vmem>>
      %dma_wait3A_1114 = tpu.memref_squeeze %dma_wait3A_1113 : memref<1x64x128xf32, #tpu.memory_space<vmem>> -> memref<64x128xf32, #tpu.memory_space<vmem>>
      %dma_wait3A_1115 = arith.constant 0 : i32
      %dma_wait3A_1116 = tpu.memref_slice %arg4[%dma_wait3A_1115, %mul3A_839] : memref<64x1000000xf32, #tpu.memory_space<hbm>> -> memref<64x128xf32, #tpu.memory_space<hbm>>
      tpu.wait_dma2 semaphore(%arg20 : memref<!tpu.dma_semaphore, #tpu.memory_space<semaphore_mem>>) src(%dma_wait3A_1116 : memref<64x128xf32, #tpu.memory_space<hbm>>) dst(%dma_wait3A_1114 : memref<64x128xf32, #tpu.memory_space<vmem>>)
      %dma_wait3A_1117 = arith.constant 0 : i32
      %dma_wait3A_1118 = arith.constant 0 : i32
      %dma_wait3A_1119 = arith.constant 0 : i32
      %dma_wait3A_1120 = tpu.memref_slice %arg13[%dma_wait3A_1117, %dma_wait3A_1118, %dma_wait3A_1119] : memref<2x64x128xf32, #tpu.memory_space<vmem>> -> memref<1x64x128xf32, #tpu.memory_space<vmem>>
      %dma_wait3A_1121 = tpu.memref_squeeze %dma_wait3A_1120 : memref<1x64x128xf32, #tpu.memory_space<vmem>> -> memref<64x128xf32, #tpu.memory_space<vmem>>
      %dma_wait3A_1122 = arith.constant 0 : i32
      %dma_wait3A_1123 = tpu.memref_slice %arg5[%dma_wait3A_1122, %mul3A_880] : memref<64x1000000xf32, #tpu.memory_space<hbm>> -> memref<64x128xf32, #tpu.memory_space<hbm>>
      %dma_wait3A_1124 = arith.constant 0 : i32
      %dma_wait3A_1125 = arith.constant 0 : i32
      %dma_wait3A_1126 = tpu.memref_slice %arg13[%dma_wait3A_1117, %dma_wait3A_1124, %dma_wait3A_1125] : memref<2x64x128xf32, #tpu.memory_space<vmem>> -> memref<1x64x128xf32, #tpu.memory_space<vmem>>
      %dma_wait3A_1127 = tpu.memref_squeeze %dma_wait3A_1126 : memref<1x64x128xf32, #tpu.memory_space<vmem>> -> memref<64x128xf32, #tpu.memory_space<vmem>>
      %dma_wait3A_1128 = arith.constant 0 : i32
      %dma_wait3A_1129 = tpu.memref_slice %arg5[%dma_wait3A_1128, %mul3A_880] : memref<64x1000000xf32, #tpu.memory_space<hbm>> -> memref<64x128xf32, #tpu.memory_space<hbm>>
      tpu.wait_dma2 semaphore(%arg20 : memref<!tpu.dma_semaphore, #tpu.memory_space<semaphore_mem>>) src(%dma_wait3A_1129 : memref<64x128xf32, #tpu.memory_space<hbm>>) dst(%dma_wait3A_1127 : memref<64x128xf32, #tpu.memory_space<vmem>>)
      %slice3A_1130 = vector.extract_strided_slice %get3A_108 {offsets = [4], sizes = [1], strides = [1]} : vector<16xi32> to vector<1xi32>
      %squeeze3A_1131 = vector.extract %slice3A_1130[0] : i32 from vector<1xi32>
      %jit3A_1132 = arith.constant 128 : i32
      %eq3A_1133 = arith.constant 0 : i32
      %eq3A_1134 = arith.cmpi eq, %jit3A_1132, %eq3A_1133 : i32
      %jit3A_1135 = arith.constant 1 : i32
      %select_n3A_1136 = arith.select %eq3A_1134, %jit3A_1135, %jit3A_1132 : i32
      %rem3A_1137 = arith.remsi %squeeze3A_1131, %select_n3A_1136 : i32
      %ne3A_1138 = arith.constant 0 : i32
      %ne3A_1139 = arith.cmpi ne, %rem3A_1137, %ne3A_1138 : i32
      %lt3A_1140 = arith.constant 0 : i32
      %lt3A_1141 = arith.cmpi slt, %rem3A_1137, %lt3A_1140 : i32
      %lt3A_1142 = arith.constant 0 : i32
      %lt3A_1143 = arith.cmpi slt, %select_n3A_1136, %lt3A_1142 : i32
      %ne3A_1144 = arith.xori %lt3A_1141, %lt3A_1143 : i1
      %and3A_1145 = arith.andi %ne3A_1144, %ne3A_1139 : i1
      %add3A_1146 = arith.addi %rem3A_1137, %select_n3A_1136 : i32
      %select_n3A_1147 = arith.select %and3A_1145, %add3A_1146, %rem3A_1137 : i32
      %add3A_1148 = vector.broadcast %select_n3A_1147 : i32 to vector<16xi32>
      %add3A_1149 = arith.addi %broadcast_in_dim3A_98, %add3A_1148 : vector<16xi32>
      %add3A_1150 = arith.constant 0 : i32
      %add3A_1151 = vector.broadcast %add3A_1150 : i32 to vector<16xi32>
      %add3A_1152 = arith.addi %broadcast_in_dim3A_98, %add3A_1151 : vector<16xi32>
      %add3A_1153 = arith.constant 0 : i32
      %add3A_1154 = vector.broadcast %add3A_1153 : i32 to vector<16xi32>
      %add3A_1155 = arith.addi %add3A_1154, %iota3A : vector<16xi32>
      %gather3A_1156 = tpu.vector_load_idx %arg12[%add3A_1152, %add3A_1155, %add3A_1149] : memref<2x64x128xf32, #tpu.memory_space<vmem>>[vector<16xi32>, vector<16xi32>, vector<16xi32>], vector<16xf32>,
      %add3A_1157 = arith.constant 4 : i32
      %add3A_1158 = vector.broadcast %add3A_1157 : i32 to vector<16xi32>
      %add3A_1159 = arith.addi %broadcast_in_dim3A_98, %add3A_1158 : vector<16xi32>
      tpu.vector_store_idx %arg14[%add3A_1159, %add3A_1155], %gather3A_1156 : memref<16x64xf32, #tpu.memory_space<vmem>>[vector<16xi32>, vector<16xi32>], vector<16xf32>,
      %add3A_1160 = arith.constant 16 : i32
      %add3A_1161 = vector.broadcast %add3A_1160 : i32 to vector<16xi32>
      %add3A_1162 = arith.addi %add3A_1161, %iota3A : vector<16xi32>
      %gather3A_1163 = tpu.vector_load_idx %arg12[%add3A_1152, %add3A_1162, %add3A_1149] : memref<2x64x128xf32, #tpu.memory_space<vmem>>[vector<16xi32>, vector<16xi32>, vector<16xi32>], vector<16xf32>,
      %add3A_1164 = arith.constant 4 : i32
      %add3A_1165 = vector.broadcast %add3A_1164 : i32 to vector<16xi32>
      %add3A_1166 = arith.addi %broadcast_in_dim3A_98, %add3A_1165 : vector<16xi32>
      tpu.vector_store_idx %arg14[%add3A_1166, %add3A_1162], %gather3A_1163 : memref<16x64xf32, #tpu.memory_space<vmem>>[vector<16xi32>, vector<16xi32>], vector<16xf32>,
      %add3A_1167 = arith.constant 32 : i32
      %add3A_1168 = vector.broadcast %add3A_1167 : i32 to vector<16xi32>
      %add3A_1169 = arith.addi %add3A_1168, %iota3A : vector<16xi32>
      %gather3A_1170 = tpu.vector_load_idx %arg12[%add3A_1152, %add3A_1169, %add3A_1149] : memref<2x64x128xf32, #tpu.memory_space<vmem>>[vector<16xi32>, vector<16xi32>, vector<16xi32>], vector<16xf32>,
      %add3A_1171 = arith.constant 4 : i32
      %add3A_1172 = vector.broadcast %add3A_1171 : i32 to vector<16xi32>
      %add3A_1173 = arith.addi %broadcast_in_dim3A_98, %add3A_1172 : vector<16xi32>
      tpu.vector_store_idx %arg14[%add3A_1173, %add3A_1169], %gather3A_1170 : memref<16x64xf32, #tpu.memory_space<vmem>>[vector<16xi32>, vector<16xi32>], vector<16xf32>,
      %add3A_1174 = arith.constant 48 : i32
      %add3A_1175 = vector.broadcast %add3A_1174 : i32 to vector<16xi32>
      %add3A_1176 = arith.addi %add3A_1175, %iota3A : vector<16xi32>
      %gather3A_1177 = tpu.vector_load_idx %arg12[%add3A_1152, %add3A_1176, %add3A_1149] : memref<2x64x128xf32, #tpu.memory_space<vmem>>[vector<16xi32>, vector<16xi32>, vector<16xi32>], vector<16xf32>,
      %add3A_1178 = arith.constant 4 : i32
      %add3A_1179 = vector.broadcast %add3A_1178 : i32 to vector<16xi32>
      %add3A_1180 = arith.addi %broadcast_in_dim3A_98, %add3A_1179 : vector<16xi32>
      tpu.vector_store_idx %arg14[%add3A_1180, %add3A_1176], %gather3A_1177 : memref<16x64xf32, #tpu.memory_space<vmem>>[vector<16xi32>, vector<16xi32>], vector<16xf32>,
      %slice3A_1181 = vector.extract_strided_slice %get3A_112 {offsets = [4], sizes = [1], strides = [1]} : vector<16xi32> to vector<1xi32>
      %squeeze3A_1182 = vector.extract %slice3A_1181[0] : i32 from vector<1xi32>
      %jit3A_1183 = arith.constant 128 : i32
      %eq3A_1184 = arith.constant 0 : i32
      %eq3A_1185 = arith.cmpi eq, %jit3A_1183, %eq3A_1184 : i32
      %jit3A_1186 = arith.constant 1 : i32
      %select_n3A_1187 = arith.select %eq3A_1185, %jit3A_1186, %jit3A_1183 : i32
      %rem3A_1188 = arith.remsi %squeeze3A_1182, %select_n3A_1187 : i32
      %ne3A_1189 = arith.constant 0 : i32
      %ne3A_1190 = arith.cmpi ne, %rem3A_1188, %ne3A_1189 : i32
      %lt3A_1191 = arith.constant 0 : i32
      %lt3A_1192 = arith.cmpi slt, %rem3A_1188, %lt3A_1191 : i32
      %lt3A_1193 = arith.constant 0 : i32
      %lt3A_1194 = arith.cmpi slt, %select_n3A_1187, %lt3A_1193 : i32
      %ne3A_1195 = arith.xori %lt3A_1192, %lt3A_1194 : i1
      %and3A_1196 = arith.andi %ne3A_1195, %ne3A_1190 : i1
      %add3A_1197 = arith.addi %rem3A_1188, %select_n3A_1187 : i32
      %select_n3A_1198 = arith.select %and3A_1196, %add3A_1197, %rem3A_1188 : i32
      %add3A_1199 = vector.broadcast %select_n3A_1198 : i32 to vector<16xi32>
      %add3A_1200 = arith.addi %broadcast_in_dim3A_98, %add3A_1199 : vector<16xi32>
      %add3A_1201 = arith.constant 0 : i32
      %add3A_1202 = vector.broadcast %add3A_1201 : i32 to vector<16xi32>
      %add3A_1203 = arith.addi %broadcast_in_dim3A_98, %add3A_1202 : vector<16xi32>
      %add3A_1204 = arith.constant 0 : i32
      %add3A_1205 = vector.broadcast %add3A_1204 : i32 to vector<16xi32>
      %add3A_1206 = arith.addi %add3A_1205, %iota3A : vector<16xi32>
      %gather3A_1207 = tpu.vector_load_idx %arg13[%add3A_1203, %add3A_1206, %add3A_1200] : memref<2x64x128xf32, #tpu.memory_space<vmem>>[vector<16xi32>, vector<16xi32>, vector<16xi32>], vector<16xf32>,
      %add3A_1208 = arith.constant 4 : i32
      %add3A_1209 = vector.broadcast %add3A_1208 : i32 to vector<16xi32>
      %add3A_1210 = arith.addi %broadcast_in_dim3A_98, %add3A_1209 : vector<16xi32>
      tpu.vector_store_idx %arg15[%add3A_1210, %add3A_1206], %gather3A_1207 : memref<16x64xf32, #tpu.memory_space<vmem>>[vector<16xi32>, vector<16xi32>], vector<16xf32>,
      %add3A_1211 = arith.constant 16 : i32
      %add3A_1212 = vector.broadcast %add3A_1211 : i32 to vector<16xi32>
      %add3A_1213 = arith.addi %add3A_1212, %iota3A : vector<16xi32>
      %gather3A_1214 = tpu.vector_load_idx %arg13[%add3A_1203, %add3A_1213, %add3A_1200] : memref<2x64x128xf32, #tpu.memory_space<vmem>>[vector<16xi32>, vector<16xi32>, vector<16xi32>], vector<16xf32>,
      %add3A_1215 = arith.constant 4 : i32
      %add3A_1216 = vector.broadcast %add3A_1215 : i32 to vector<16xi32>
      %add3A_1217 = arith.addi %broadcast_in_dim3A_98, %add3A_1216 : vector<16xi32>
      tpu.vector_store_idx %arg15[%add3A_1217, %add3A_1213], %gather3A_1214 : memref<16x64xf32, #tpu.memory_space<vmem>>[vector<16xi32>, vector<16xi32>], vector<16xf32>,
      %add3A_1218 = arith.constant 32 : i32
      %add3A_1219 = vector.broadcast %add3A_1218 : i32 to vector<16xi32>
      %add3A_1220 = arith.addi %add3A_1219, %iota3A : vector<16xi32>
      %gather3A_1221 = tpu.vector_load_idx %arg13[%add3A_1203, %add3A_1220, %add3A_1200] : memref<2x64x128xf32, #tpu.memory_space<vmem>>[vector<16xi32>, vector<16xi32>, vector<16xi32>], vector<16xf32>,
      %add3A_1222 = arith.constant 4 : i32
      %add3A_1223 = vector.broadcast %add3A_1222 : i32 to vector<16xi32>
      %add3A_1224 = arith.addi %broadcast_in_dim3A_98, %add3A_1223 : vector<16xi32>
      tpu.vector_store_idx %arg15[%add3A_1224, %add3A_1220], %gather3A_1221 : memref<16x64xf32, #tpu.memory_space<vmem>>[vector<16xi32>, vector<16xi32>], vector<16xf32>,
      %add3A_1225 = arith.constant 48 : i32
      %add3A_1226 = vector.broadcast %add3A_1225 : i32 to vector<16xi32>
      %add3A_1227 = arith.addi %add3A_1226, %iota3A : vector<16xi32>
      %gather3A_1228 = tpu.vector_load_idx %arg13[%add3A_1203, %add3A_1227, %add3A_1200] : memref<2x64x128xf32, #tpu.memory_space<vmem>>[vector<16xi32>, vector<16xi32>, vector<16xi32>], vector<16xf32>,
      %add3A_1229 = arith.constant 4 : i32
      %add3A_1230 = vector.broadcast %add3A_1229 : i32 to vector<16xi32>
      %add3A_1231 = arith.addi %broadcast_in_dim3A_98, %add3A_1230 : vector<16xi32>
      tpu.vector_store_idx %arg15[%add3A_1231, %add3A_1227], %gather3A_1228 : memref<16x64xf32, #tpu.memory_space<vmem>>[vector<16xi32>, vector<16xi32>], vector<16xf32>,
      %slice3A_1232 = vector.extract_strided_slice %get3A_108 {offsets = [6], sizes = [1], strides = [1]} : vector<16xi32> to vector<1xi32>
      %squeeze3A_1233 = vector.extract %slice3A_1232[0] : i32 from vector<1xi32>
      %jit3A_1234 = arith.constant 128 : i32
      %div3A_1235 = arith.divsi %squeeze3A_1233, %jit3A_1234 : i32
      %sign3A_1236 = arith.constant 0 : i32
      %sign3A_1237 = arith.cmpi sgt, %squeeze3A_1233, %sign3A_1236 : i32
      %sign3A_1238 = arith.extui %sign3A_1237 : i1 to i32
      %sign3A_1239 = arith.constant 0 : i32
      %sign3A_1240 = arith.cmpi slt, %squeeze3A_1233, %sign3A_1239 : i32
      %sign3A_1241 = arith.extui %sign3A_1240 : i1 to i32
      %sign3A_1242 = arith.subi %sign3A_1238, %sign3A_1241 : i32
      %sign3A_1243 = arith.constant 0 : i32
      %sign3A_1244 = arith.cmpi sgt, %jit3A_1234, %sign3A_1243 : i32
      %sign3A_1245 = arith.extui %sign3A_1244 : i1 to i32
      %sign3A_1246 = arith.constant 0 : i32
      %sign3A_1247 = arith.cmpi slt, %jit3A_1234, %sign3A_1246 : i32
      %sign3A_1248 = arith.extui %sign3A_1247 : i1 to i32
      %sign3A_1249 = arith.subi %sign3A_1245, %sign3A_1248 : i32
      %ne3A_1250 = arith.cmpi ne, %sign3A_1242, %sign3A_1249 : i32
      %rem3A_1251 = arith.remsi %squeeze3A_1233, %jit3A_1234 : i32
      %ne3A_1252 = arith.constant 0 : i32
      %ne3A_1253 = arith.cmpi ne, %rem3A_1251, %ne3A_1252 : i32
      %and3A_1254 = arith.andi %ne3A_1250, %ne3A_1253 : i1
      %sub3A_1255 = arith.constant 1 : i32
      %sub3A_1256 = arith.subi %div3A_1235, %sub3A_1255 : i32
      %select_n3A_1257 = arith.select %and3A_1254, %sub3A_1256, %div3A_1235 : i32
      %mul3A_1258 = arith.constant 128 : i32
      %mul3A_1259 = arith.muli %select_n3A_1257, %mul3A_1258 : i32
      %dma_start3A_1260 = arith.constant 0 : i32
      %dma_start3A_1261 = arith.constant 0 : i32
      %dma_start3A_1262 = arith.constant 0 : i32
      %dma_start3A_1263 = tpu.memref_slice %arg12[%dma_start3A_1260, %dma_start3A_1261, %dma_start3A_1262] : memref<2x64x128xf32, #tpu.memory_space<vmem>> -> memref<1x64x128xf32, #tpu.memory_space<vmem>>
      %dma_start3A_1264 = tpu.memref_squeeze %dma_start3A_1263 : memref<1x64x128xf32, #tpu.memory_space<vmem>> -> memref<64x128xf32, #tpu.memory_space<vmem>>
      %dma_start3A_1265 = arith.constant 0 : i32
      %dma_start3A_1266 = tpu.memref_slice %arg4[%dma_start3A_1265, %mul3A_1259] : memref<64x1000000xf32, #tpu.memory_space<hbm>> -> memref<64x128xf32, #tpu.memory_space<hbm>>
      %dma_start3A_1267 = arith.constant 0 : i32
      %dma_start3A_1268 = arith.constant 0 : i32
      %dma_start3A_1269 = tpu.memref_slice %arg12[%dma_start3A_1260, %dma_start3A_1267, %dma_start3A_1268] : memref<2x64x128xf32, #tpu.memory_space<vmem>> -> memref<1x64x128xf32, #tpu.memory_space<vmem>>
      %dma_start3A_1270 = tpu.memref_squeeze %dma_start3A_1269 : memref<1x64x128xf32, #tpu.memory_space<vmem>> -> memref<64x128xf32, #tpu.memory_space<vmem>>
      %dma_start3A_1271 = arith.constant 0 : i32
      %dma_start3A_1272 = tpu.memref_slice %arg4[%dma_start3A_1271, %mul3A_1259] : memref<64x1000000xf32, #tpu.memory_space<hbm>> -> memref<64x128xf32, #tpu.memory_space<hbm>>
      tpu.enqueue_dma source(%dma_start3A_1272 : memref<64x128xf32, #tpu.memory_space<hbm>>) target(%dma_start3A_1270 : memref<64x128xf32, #tpu.memory_space<vmem>>) target_semaphore(%arg20 : memref<!tpu.dma_semaphore, #tpu.memory_space<semaphore_mem>>)
      %slice3A_1273 = vector.extract_strided_slice %get3A_112 {offsets = [6], sizes = [1], strides = [1]} : vector<16xi32> to vector<1xi32>
      %squeeze3A_1274 = vector.extract %slice3A_1273[0] : i32 from vector<1xi32>
      %jit3A_1275 = arith.constant 128 : i32
      %div3A_1276 = arith.divsi %squeeze3A_1274, %jit3A_1275 : i32
      %sign3A_1277 = arith.constant 0 : i32
      %sign3A_1278 = arith.cmpi sgt, %squeeze3A_1274, %sign3A_1277 : i32
      %sign3A_1279 = arith.extui %sign3A_1278 : i1 to i32
      %sign3A_1280 = arith.constant 0 : i32
      %sign3A_1281 = arith.cmpi slt, %squeeze3A_1274, %sign3A_1280 : i32
      %sign3A_1282 = arith.extui %sign3A_1281 : i1 to i32
      %sign3A_1283 = arith.subi %sign3A_1279, %sign3A_1282 : i32
      %sign3A_1284 = arith.constant 0 : i32
      %sign3A_1285 = arith.cmpi sgt, %jit3A_1275, %sign3A_1284 : i32
      %sign3A_1286 = arith.extui %sign3A_1285 : i1 to i32
      %sign3A_1287 = arith.constant 0 : i32
      %sign3A_1288 = arith.cmpi slt, %jit3A_1275, %sign3A_1287 : i32
      %sign3A_1289 = arith.extui %sign3A_1288 : i1 to i32
      %sign3A_1290 = arith.subi %sign3A_1286, %sign3A_1289 : i32
      %ne3A_1291 = arith.cmpi ne, %sign3A_1283, %sign3A_1290 : i32
      %rem3A_1292 = arith.remsi %squeeze3A_1274, %jit3A_1275 : i32
      %ne3A_1293 = arith.constant 0 : i32
      %ne3A_1294 = arith.cmpi ne, %rem3A_1292, %ne3A_1293 : i32
      %and3A_1295 = arith.andi %ne3A_1291, %ne3A_1294 : i1
      %sub3A_1296 = arith.constant 1 : i32
      %sub3A_1297 = arith.subi %div3A_1276, %sub3A_1296 : i32
      %select_n3A_1298 = arith.select %and3A_1295, %sub3A_1297, %div3A_1276 : i32
      %mul3A_1299 = arith.constant 128 : i32
      %mul3A_1300 = arith.muli %select_n3A_1298, %mul3A_1299 : i32
      %dma_start3A_1301 = arith.constant 0 : i32
      %dma_start3A_1302 = arith.constant 0 : i32
      %dma_start3A_1303 = arith.constant 0 : i32
      %dma_start3A_1304 = tpu.memref_slice %arg13[%dma_start3A_1301, %dma_start3A_1302, %dma_start3A_1303] : memref<2x64x128xf32, #tpu.memory_space<vmem>> -> memref<1x64x128xf32, #tpu.memory_space<vmem>>
      %dma_start3A_1305 = tpu.memref_squeeze %dma_start3A_1304 : memref<1x64x128xf32, #tpu.memory_space<vmem>> -> memref<64x128xf32, #tpu.memory_space<vmem>>
      %dma_start3A_1306 = arith.constant 0 : i32
      %dma_start3A_1307 = tpu.memref_slice %arg5[%dma_start3A_1306, %mul3A_1300] : memref<64x1000000xf32, #tpu.memory_space<hbm>> -> memref<64x128xf32, #tpu.memory_space<hbm>>
      %dma_start3A_1308 = arith.constant 0 : i32
      %dma_start3A_1309 = arith.constant 0 : i32
      %dma_start3A_1310 = tpu.memref_slice %arg13[%dma_start3A_1301, %dma_start3A_1308, %dma_start3A_1309] : memref<2x64x128xf32, #tpu.memory_space<vmem>> -> memref<1x64x128xf32, #tpu.memory_space<vmem>>
      %dma_start3A_1311 = tpu.memref_squeeze %dma_start3A_1310 : memref<1x64x128xf32, #tpu.memory_space<vmem>> -> memref<64x128xf32, #tpu.memory_space<vmem>>
      %dma_start3A_1312 = arith.constant 0 : i32
      %dma_start3A_1313 = tpu.memref_slice %arg5[%dma_start3A_1312, %mul3A_1300] : memref<64x1000000xf32, #tpu.memory_space<hbm>> -> memref<64x128xf32, #tpu.memory_space<hbm>>
      tpu.enqueue_dma source(%dma_start3A_1313 : memref<64x128xf32, #tpu.memory_space<hbm>>) target(%dma_start3A_1311 : memref<64x128xf32, #tpu.memory_space<vmem>>) target_semaphore(%arg20 : memref<!tpu.dma_semaphore, #tpu.memory_space<semaphore_mem>>)
      %dma_wait3A_1314 = arith.constant 1 : i32
      %dma_wait3A_1315 = arith.constant 0 : i32
      %dma_wait3A_1316 = arith.constant 0 : i32
      %dma_wait3A_1317 = tpu.memref_slice %arg12[%dma_wait3A_1314, %dma_wait3A_1315, %dma_wait3A_1316] : memref<2x64x128xf32, #tpu.memory_space<vmem>> -> memref<1x64x128xf32, #tpu.memory_space<vmem>>
      %dma_wait3A_1318 = tpu.memref_squeeze %dma_wait3A_1317 : memref<1x64x128xf32, #tpu.memory_space<vmem>> -> memref<64x128xf32, #tpu.memory_space<vmem>>
      %dma_wait3A_1319 = arith.constant 0 : i32
      %dma_wait3A_1320 = tpu.memref_slice %arg4[%dma_wait3A_1319, %mul3A_1049] : memref<64x1000000xf32, #tpu.memory_space<hbm>> -> memref<64x128xf32, #tpu.memory_space<hbm>>
      %dma_wait3A_1321 = arith.constant 0 : i32
      %dma_wait3A_1322 = arith.constant 0 : i32
      %dma_wait3A_1323 = tpu.memref_slice %arg12[%dma_wait3A_1314, %dma_wait3A_1321, %dma_wait3A_1322] : memref<2x64x128xf32, #tpu.memory_space<vmem>> -> memref<1x64x128xf32, #tpu.memory_space<vmem>>
      %dma_wait3A_1324 = tpu.memref_squeeze %dma_wait3A_1323 : memref<1x64x128xf32, #tpu.memory_space<vmem>> -> memref<64x128xf32, #tpu.memory_space<vmem>>
      %dma_wait3A_1325 = arith.constant 0 : i32
      %dma_wait3A_1326 = tpu.memref_slice %arg4[%dma_wait3A_1325, %mul3A_1049] : memref<64x1000000xf32, #tpu.memory_space<hbm>> -> memref<64x128xf32, #tpu.memory_space<hbm>>
      tpu.wait_dma2 semaphore(%arg20 : memref<!tpu.dma_semaphore, #tpu.memory_space<semaphore_mem>>) src(%dma_wait3A_1326 : memref<64x128xf32, #tpu.memory_space<hbm>>) dst(%dma_wait3A_1324 : memref<64x128xf32, #tpu.memory_space<vmem>>)
      %dma_wait3A_1327 = arith.constant 1 : i32
      %dma_wait3A_1328 = arith.constant 0 : i32
      %dma_wait3A_1329 = arith.constant 0 : i32
      %dma_wait3A_1330 = tpu.memref_slice %arg13[%dma_wait3A_1327, %dma_wait3A_1328, %dma_wait3A_1329] : memref<2x64x128xf32, #tpu.memory_space<vmem>> -> memref<1x64x128xf32, #tpu.memory_space<vmem>>
      %dma_wait3A_1331 = tpu.memref_squeeze %dma_wait3A_1330 : memref<1x64x128xf32, #tpu.memory_space<vmem>> -> memref<64x128xf32, #tpu.memory_space<vmem>>
      %dma_wait3A_1332 = arith.constant 0 : i32
      %dma_wait3A_1333 = tpu.memref_slice %arg5[%dma_wait3A_1332, %mul3A_1090] : memref<64x1000000xf32, #tpu.memory_space<hbm>> -> memref<64x128xf32, #tpu.memory_space<hbm>>
      %dma_wait3A_1334 = arith.constant 0 : i32
      %dma_wait3A_1335 = arith.constant 0 : i32
      %dma_wait3A_1336 = tpu.memref_slice %arg13[%dma_wait3A_1327, %dma_wait3A_1334, %dma_wait3A_1335] : memref<2x64x128xf32, #tpu.memory_space<vmem>> -> memref<1x64x128xf32, #tpu.memory_space<vmem>>
      %dma_wait3A_1337 = tpu.memref_squeeze %dma_wait3A_1336 : memref<1x64x128xf32, #tpu.memory_space<vmem>> -> memref<64x128xf32, #tpu.memory_space<vmem>>
      %dma_wait3A_1338 = arith.constant 0 : i32
      %dma_wait3A_1339 = tpu.memref_slice %arg5[%dma_wait3A_1338, %mul3A_1090] : memref<64x1000000xf32, #tpu.memory_space<hbm>> -> memref<64x128xf32, #tpu.memory_space<hbm>>
      tpu.wait_dma2 semaphore(%arg20 : memref<!tpu.dma_semaphore, #tpu.memory_space<semaphore_mem>>) src(%dma_wait3A_1339 : memref<64x128xf32, #tpu.memory_space<hbm>>) dst(%dma_wait3A_1337 : memref<64x128xf32, #tpu.memory_space<vmem>>)
      %slice3A_1340 = vector.extract_strided_slice %get3A_108 {offsets = [5], sizes = [1], strides = [1]} : vector<16xi32> to vector<1xi32>
      %squeeze3A_1341 = vector.extract %slice3A_1340[0] : i32 from vector<1xi32>
      %jit3A_1342 = arith.constant 128 : i32
      %eq3A_1343 = arith.constant 0 : i32
      %eq3A_1344 = arith.cmpi eq, %jit3A_1342, %eq3A_1343 : i32
      %jit3A_1345 = arith.constant 1 : i32
      %select_n3A_1346 = arith.select %eq3A_1344, %jit3A_1345, %jit3A_1342 : i32
      %rem3A_1347 = arith.remsi %squeeze3A_1341, %select_n3A_1346 : i32
      %ne3A_1348 = arith.constant 0 : i32
      %ne3A_1349 = arith.cmpi ne, %rem3A_1347, %ne3A_1348 : i32
      %lt3A_1350 = arith.constant 0 : i32
      %lt3A_1351 = arith.cmpi slt, %rem3A_1347, %lt3A_1350 : i32
      %lt3A_1352 = arith.constant 0 : i32
      %lt3A_1353 = arith.cmpi slt, %select_n3A_1346, %lt3A_1352 : i32
      %ne3A_1354 = arith.xori %lt3A_1351, %lt3A_1353 : i1
      %and3A_1355 = arith.andi %ne3A_1354, %ne3A_1349 : i1
      %add3A_1356 = arith.addi %rem3A_1347, %select_n3A_1346 : i32
      %select_n3A_1357 = arith.select %and3A_1355, %add3A_1356, %rem3A_1347 : i32
      %add3A_1358 = vector.broadcast %select_n3A_1357 : i32 to vector<16xi32>
      %add3A_1359 = arith.addi %broadcast_in_dim3A_98, %add3A_1358 : vector<16xi32>
      %add3A_1360 = arith.constant 1 : i32
      %add3A_1361 = vector.broadcast %add3A_1360 : i32 to vector<16xi32>
      %add3A_1362 = arith.addi %broadcast_in_dim3A_98, %add3A_1361 : vector<16xi32>
      %add3A_1363 = arith.constant 0 : i32
      %add3A_1364 = vector.broadcast %add3A_1363 : i32 to vector<16xi32>
      %add3A_1365 = arith.addi %add3A_1364, %iota3A : vector<16xi32>
      %gather3A_1366 = tpu.vector_load_idx %arg12[%add3A_1362, %add3A_1365, %add3A_1359] : memref<2x64x128xf32, #tpu.memory_space<vmem>>[vector<16xi32>, vector<16xi32>, vector<16xi32>], vector<16xf32>,
      %add3A_1367 = arith.constant 5 : i32
      %add3A_1368 = vector.broadcast %add3A_1367 : i32 to vector<16xi32>
      %add3A_1369 = arith.addi %broadcast_in_dim3A_98, %add3A_1368 : vector<16xi32>
      tpu.vector_store_idx %arg14[%add3A_1369, %add3A_1365], %gather3A_1366 : memref<16x64xf32, #tpu.memory_space<vmem>>[vector<16xi32>, vector<16xi32>], vector<16xf32>,
      %add3A_1370 = arith.constant 16 : i32
      %add3A_1371 = vector.broadcast %add3A_1370 : i32 to vector<16xi32>
      %add3A_1372 = arith.addi %add3A_1371, %iota3A : vector<16xi32>
      %gather3A_1373 = tpu.vector_load_idx %arg12[%add3A_1362, %add3A_1372, %add3A_1359] : memref<2x64x128xf32, #tpu.memory_space<vmem>>[vector<16xi32>, vector<16xi32>, vector<16xi32>], vector<16xf32>,
      %add3A_1374 = arith.constant 5 : i32
      %add3A_1375 = vector.broadcast %add3A_1374 : i32 to vector<16xi32>
      %add3A_1376 = arith.addi %broadcast_in_dim3A_98, %add3A_1375 : vector<16xi32>
      tpu.vector_store_idx %arg14[%add3A_1376, %add3A_1372], %gather3A_1373 : memref<16x64xf32, #tpu.memory_space<vmem>>[vector<16xi32>, vector<16xi32>], vector<16xf32>,
      %add3A_1377 = arith.constant 32 : i32
      %add3A_1378 = vector.broadcast %add3A_1377 : i32 to vector<16xi32>
      %add3A_1379 = arith.addi %add3A_1378, %iota3A : vector<16xi32>
      %gather3A_1380 = tpu.vector_load_idx %arg12[%add3A_1362, %add3A_1379, %add3A_1359] : memref<2x64x128xf32, #tpu.memory_space<vmem>>[vector<16xi32>, vector<16xi32>, vector<16xi32>], vector<16xf32>,
      %add3A_1381 = arith.constant 5 : i32
      %add3A_1382 = vector.broadcast %add3A_1381 : i32 to vector<16xi32>
      %add3A_1383 = arith.addi %broadcast_in_dim3A_98, %add3A_1382 : vector<16xi32>
      tpu.vector_store_idx %arg14[%add3A_1383, %add3A_1379], %gather3A_1380 : memref<16x64xf32, #tpu.memory_space<vmem>>[vector<16xi32>, vector<16xi32>], vector<16xf32>,
      %add3A_1384 = arith.constant 48 : i32
      %add3A_1385 = vector.broadcast %add3A_1384 : i32 to vector<16xi32>
      %add3A_1386 = arith.addi %add3A_1385, %iota3A : vector<16xi32>
      %gather3A_1387 = tpu.vector_load_idx %arg12[%add3A_1362, %add3A_1386, %add3A_1359] : memref<2x64x128xf32, #tpu.memory_space<vmem>>[vector<16xi32>, vector<16xi32>, vector<16xi32>], vector<16xf32>,
      %add3A_1388 = arith.constant 5 : i32
      %add3A_1389 = vector.broadcast %add3A_1388 : i32 to vector<16xi32>
      %add3A_1390 = arith.addi %broadcast_in_dim3A_98, %add3A_1389 : vector<16xi32>
      tpu.vector_store_idx %arg14[%add3A_1390, %add3A_1386], %gather3A_1387 : memref<16x64xf32, #tpu.memory_space<vmem>>[vector<16xi32>, vector<16xi32>], vector<16xf32>,
      %slice3A_1391 = vector.extract_strided_slice %get3A_112 {offsets = [5], sizes = [1], strides = [1]} : vector<16xi32> to vector<1xi32>
      %squeeze3A_1392 = vector.extract %slice3A_1391[0] : i32 from vector<1xi32>
      %jit3A_1393 = arith.constant 128 : i32
      %eq3A_1394 = arith.constant 0 : i32
      %eq3A_1395 = arith.cmpi eq, %jit3A_1393, %eq3A_1394 : i32
      %jit3A_1396 = arith.constant 1 : i32
      %select_n3A_1397 = arith.select %eq3A_1395, %jit3A_1396, %jit3A_1393 : i32
      %rem3A_1398 = arith.remsi %squeeze3A_1392, %select_n3A_1397 : i32
      %ne3A_1399 = arith.constant 0 : i32
      %ne3A_1400 = arith.cmpi ne, %rem3A_1398, %ne3A_1399 : i32
      %lt3A_1401 = arith.constant 0 : i32
      %lt3A_1402 = arith.cmpi slt, %rem3A_1398, %lt3A_1401 : i32
      %lt3A_1403 = arith.constant 0 : i32
      %lt3A_1404 = arith.cmpi slt, %select_n3A_1397, %lt3A_1403 : i32
      %ne3A_1405 = arith.xori %lt3A_1402, %lt3A_1404 : i1
      %and3A_1406 = arith.andi %ne3A_1405, %ne3A_1400 : i1
      %add3A_1407 = arith.addi %rem3A_1398, %select_n3A_1397 : i32
      %select_n3A_1408 = arith.select %and3A_1406, %add3A_1407, %rem3A_1398 : i32
      %add3A_1409 = vector.broadcast %select_n3A_1408 : i32 to vector<16xi32>
      %add3A_1410 = arith.addi %broadcast_in_dim3A_98, %add3A_1409 : vector<16xi32>
      %add3A_1411 = arith.constant 1 : i32
      %add3A_1412 = vector.broadcast %add3A_1411 : i32 to vector<16xi32>
      %add3A_1413 = arith.addi %broadcast_in_dim3A_98, %add3A_1412 : vector<16xi32>
      %add3A_1414 = arith.constant 0 : i32
      %add3A_1415 = vector.broadcast %add3A_1414 : i32 to vector<16xi32>
      %add3A_1416 = arith.addi %add3A_1415, %iota3A : vector<16xi32>
      %gather3A_1417 = tpu.vector_load_idx %arg13[%add3A_1413, %add3A_1416, %add3A_1410] : memref<2x64x128xf32, #tpu.memory_space<vmem>>[vector<16xi32>, vector<16xi32>, vector<16xi32>], vector<16xf32>,
      %add3A_1418 = arith.constant 5 : i32
      %add3A_1419 = vector.broadcast %add3A_1418 : i32 to vector<16xi32>
      %add3A_1420 = arith.addi %broadcast_in_dim3A_98, %add3A_1419 : vector<16xi32>
      tpu.vector_store_idx %arg15[%add3A_1420, %add3A_1416], %gather3A_1417 : memref<16x64xf32, #tpu.memory_space<vmem>>[vector<16xi32>, vector<16xi32>], vector<16xf32>,
      %add3A_1421 = arith.constant 16 : i32
      %add3A_1422 = vector.broadcast %add3A_1421 : i32 to vector<16xi32>
      %add3A_1423 = arith.addi %add3A_1422, %iota3A : vector<16xi32>
      %gather3A_1424 = tpu.vector_load_idx %arg13[%add3A_1413, %add3A_1423, %add3A_1410] : memref<2x64x128xf32, #tpu.memory_space<vmem>>[vector<16xi32>, vector<16xi32>, vector<16xi32>], vector<16xf32>,
      %add3A_1425 = arith.constant 5 : i32
      %add3A_1426 = vector.broadcast %add3A_1425 : i32 to vector<16xi32>
      %add3A_1427 = arith.addi %broadcast_in_dim3A_98, %add3A_1426 : vector<16xi32>
      tpu.vector_store_idx %arg15[%add3A_1427, %add3A_1423], %gather3A_1424 : memref<16x64xf32, #tpu.memory_space<vmem>>[vector<16xi32>, vector<16xi32>], vector<16xf32>,
      %add3A_1428 = arith.constant 32 : i32
      %add3A_1429 = vector.broadcast %add3A_1428 : i32 to vector<16xi32>
      %add3A_1430 = arith.addi %add3A_1429, %iota3A : vector<16xi32>
      %gather3A_1431 = tpu.vector_load_idx %arg13[%add3A_1413, %add3A_1430, %add3A_1410] : memref<2x64x128xf32, #tpu.memory_space<vmem>>[vector<16xi32>, vector<16xi32>, vector<16xi32>], vector<16xf32>,
      %add3A_1432 = arith.constant 5 : i32
      %add3A_1433 = vector.broadcast %add3A_1432 : i32 to vector<16xi32>
      %add3A_1434 = arith.addi %broadcast_in_dim3A_98, %add3A_1433 : vector<16xi32>
      tpu.vector_store_idx %arg15[%add3A_1434, %add3A_1430], %gather3A_1431 : memref<16x64xf32, #tpu.memory_space<vmem>>[vector<16xi32>, vector<16xi32>], vector<16xf32>,
      %add3A_1435 = arith.constant 48 : i32
      %add3A_1436 = vector.broadcast %add3A_1435 : i32 to vector<16xi32>
      %add3A_1437 = arith.addi %add3A_1436, %iota3A : vector<16xi32>
      %gather3A_1438 = tpu.vector_load_idx %arg13[%add3A_1413, %add3A_1437, %add3A_1410] : memref<2x64x128xf32, #tpu.memory_space<vmem>>[vector<16xi32>, vector<16xi32>, vector<16xi32>], vector<16xf32>,
      %add3A_1439 = arith.constant 5 : i32
      %add3A_1440 = vector.broadcast %add3A_1439 : i32 to vector<16xi32>
      %add3A_1441 = arith.addi %broadcast_in_dim3A_98, %add3A_1440 : vector<16xi32>
      tpu.vector_store_idx %arg15[%add3A_1441, %add3A_1437], %gather3A_1438 : memref<16x64xf32, #tpu.memory_space<vmem>>[vector<16xi32>, vector<16xi32>], vector<16xf32>,
      %slice3A_1442 = vector.extract_strided_slice %get3A_108 {offsets = [7], sizes = [1], strides = [1]} : vector<16xi32> to vector<1xi32>
      %squeeze3A_1443 = vector.extract %slice3A_1442[0] : i32 from vector<1xi32>
      %jit3A_1444 = arith.constant 128 : i32
      %div3A_1445 = arith.divsi %squeeze3A_1443, %jit3A_1444 : i32
      %sign3A_1446 = arith.constant 0 : i32
      %sign3A_1447 = arith.cmpi sgt, %squeeze3A_1443, %sign3A_1446 : i32
      %sign3A_1448 = arith.extui %sign3A_1447 : i1 to i32
      %sign3A_1449 = arith.constant 0 : i32
      %sign3A_1450 = arith.cmpi slt, %squeeze3A_1443, %sign3A_1449 : i32
      %sign3A_1451 = arith.extui %sign3A_1450 : i1 to i32
      %sign3A_1452 = arith.subi %sign3A_1448, %sign3A_1451 : i32
      %sign3A_1453 = arith.constant 0 : i32
      %sign3A_1454 = arith.cmpi sgt, %jit3A_1444, %sign3A_1453 : i32
      %sign3A_1455 = arith.extui %sign3A_1454 : i1 to i32
      %sign3A_1456 = arith.constant 0 : i32
      %sign3A_1457 = arith.cmpi slt, %jit3A_1444, %sign3A_1456 : i32
      %sign3A_1458 = arith.extui %sign3A_1457 : i1 to i32
      %sign3A_1459 = arith.subi %sign3A_1455, %sign3A_1458 : i32
      %ne3A_1460 = arith.cmpi ne, %sign3A_1452, %sign3A_1459 : i32
      %rem3A_1461 = arith.remsi %squeeze3A_1443, %jit3A_1444 : i32
      %ne3A_1462 = arith.constant 0 : i32
      %ne3A_1463 = arith.cmpi ne, %rem3A_1461, %ne3A_1462 : i32
      %and3A_1464 = arith.andi %ne3A_1460, %ne3A_1463 : i1
      %sub3A_1465 = arith.constant 1 : i32
      %sub3A_1466 = arith.subi %div3A_1445, %sub3A_1465 : i32
      %select_n3A_1467 = arith.select %and3A_1464, %sub3A_1466, %div3A_1445 : i32
      %mul3A_1468 = arith.constant 128 : i32
      %mul3A_1469 = arith.muli %select_n3A_1467, %mul3A_1468 : i32
      %dma_start3A_1470 = arith.constant 1 : i32
      %dma_start3A_1471 = arith.constant 0 : i32
      %dma_start3A_1472 = arith.constant 0 : i32
      %dma_start3A_1473 = tpu.memref_slice %arg12[%dma_start3A_1470, %dma_start3A_1471, %dma_start3A_1472] : memref<2x64x128xf32, #tpu.memory_space<vmem>> -> memref<1x64x128xf32, #tpu.memory_space<vmem>>
      %dma_start3A_1474 = tpu.memref_squeeze %dma_start3A_1473 : memref<1x64x128xf32, #tpu.memory_space<vmem>> -> memref<64x128xf32, #tpu.memory_space<vmem>>
      %dma_start3A_1475 = arith.constant 0 : i32
      %dma_start3A_1476 = tpu.memref_slice %arg4[%dma_start3A_1475, %mul3A_1469] : memref<64x1000000xf32, #tpu.memory_space<hbm>> -> memref<64x128xf32, #tpu.memory_space<hbm>>
      %dma_start3A_1477 = arith.constant 0 : i32
      %dma_start3A_1478 = arith.constant 0 : i32
      %dma_start3A_1479 = tpu.memref_slice %arg12[%dma_start3A_1470, %dma_start3A_1477, %dma_start3A_1478] : memref<2x64x128xf32, #tpu.memory_space<vmem>> -> memref<1x64x128xf32, #tpu.memory_space<vmem>>
      %dma_start3A_1480 = tpu.memref_squeeze %dma_start3A_1479 : memref<1x64x128xf32, #tpu.memory_space<vmem>> -> memref<64x128xf32, #tpu.memory_space<vmem>>
      %dma_start3A_1481 = arith.constant 0 : i32
      %dma_start3A_1482 = tpu.memref_slice %arg4[%dma_start3A_1481, %mul3A_1469] : memref<64x1000000xf32, #tpu.memory_space<hbm>> -> memref<64x128xf32, #tpu.memory_space<hbm>>
      tpu.enqueue_dma source(%dma_start3A_1482 : memref<64x128xf32, #tpu.memory_space<hbm>>) target(%dma_start3A_1480 : memref<64x128xf32, #tpu.memory_space<vmem>>) target_semaphore(%arg20 : memref<!tpu.dma_semaphore, #tpu.memory_space<semaphore_mem>>)
      %slice3A_1483 = vector.extract_strided_slice %get3A_112 {offsets = [7], sizes = [1], strides = [1]} : vector<16xi32> to vector<1xi32>
      %squeeze3A_1484 = vector.extract %slice3A_1483[0] : i32 from vector<1xi32>
      %jit3A_1485 = arith.constant 128 : i32
      %div3A_1486 = arith.divsi %squeeze3A_1484, %jit3A_1485 : i32
      %sign3A_1487 = arith.constant 0 : i32
      %sign3A_1488 = arith.cmpi sgt, %squeeze3A_1484, %sign3A_1487 : i32
      %sign3A_1489 = arith.extui %sign3A_1488 : i1 to i32
      %sign3A_1490 = arith.constant 0 : i32
      %sign3A_1491 = arith.cmpi slt, %squeeze3A_1484, %sign3A_1490 : i32
      %sign3A_1492 = arith.extui %sign3A_1491 : i1 to i32
      %sign3A_1493 = arith.subi %sign3A_1489, %sign3A_1492 : i32
      %sign3A_1494 = arith.constant 0 : i32
      %sign3A_1495 = arith.cmpi sgt, %jit3A_1485, %sign3A_1494 : i32
      %sign3A_1496 = arith.extui %sign3A_1495 : i1 to i32
      %sign3A_1497 = arith.constant 0 : i32
      %sign3A_1498 = arith.cmpi slt, %jit3A_1485, %sign3A_1497 : i32
      %sign3A_1499 = arith.extui %sign3A_1498 : i1 to i32
      %sign3A_1500 = arith.subi %sign3A_1496, %sign3A_1499 : i32
      %ne3A_1501 = arith.cmpi ne, %sign3A_1493, %sign3A_1500 : i32
      %rem3A_1502 = arith.remsi %squeeze3A_1484, %jit3A_1485 : i32
      %ne3A_1503 = arith.constant 0 : i32
      %ne3A_1504 = arith.cmpi ne, %rem3A_1502, %ne3A_1503 : i32
      %and3A_1505 = arith.andi %ne3A_1501, %ne3A_1504 : i1
      %sub3A_1506 = arith.constant 1 : i32
      %sub3A_1507 = arith.subi %div3A_1486, %sub3A_1506 : i32
      %select_n3A_1508 = arith.select %and3A_1505, %sub3A_1507, %div3A_1486 : i32
      %mul3A_1509 = arith.constant 128 : i32
      %mul3A_1510 = arith.muli %select_n3A_1508, %mul3A_1509 : i32
      %dma_start3A_1511 = arith.constant 1 : i32
      %dma_start3A_1512 = arith.constant 0 : i32
      %dma_start3A_1513 = arith.constant 0 : i32
      %dma_start3A_1514 = tpu.memref_slice %arg13[%dma_start3A_1511, %dma_start3A_1512, %dma_start3A_1513] : memref<2x64x128xf32, #tpu.memory_space<vmem>> -> memref<1x64x128xf32, #tpu.memory_space<vmem>>
      %dma_start3A_1515 = tpu.memref_squeeze %dma_start3A_1514 : memref<1x64x128xf32, #tpu.memory_space<vmem>> -> memref<64x128xf32, #tpu.memory_space<vmem>>
      %dma_start3A_1516 = arith.constant 0 : i32
      %dma_start3A_1517 = tpu.memref_slice %arg5[%dma_start3A_1516, %mul3A_1510] : memref<64x1000000xf32, #tpu.memory_space<hbm>> -> memref<64x128xf32, #tpu.memory_space<hbm>>
      %dma_start3A_1518 = arith.constant 0 : i32
      %dma_start3A_1519 = arith.constant 0 : i32
      %dma_start3A_1520 = tpu.memref_slice %arg13[%dma_start3A_1511, %dma_start3A_1518, %dma_start3A_1519] : memref<2x64x128xf32, #tpu.memory_space<vmem>> -> memref<1x64x128xf32, #tpu.memory_space<vmem>>
      %dma_start3A_1521 = tpu.memref_squeeze %dma_start3A_1520 : memref<1x64x128xf32, #tpu.memory_space<vmem>> -> memref<64x128xf32, #tpu.memory_space<vmem>>
      %dma_start3A_1522 = arith.constant 0 : i32
      %dma_start3A_1523 = tpu.memref_slice %arg5[%dma_start3A_1522, %mul3A_1510] : memref<64x1000000xf32, #tpu.memory_space<hbm>> -> memref<64x128xf32, #tpu.memory_space<hbm>>
      tpu.enqueue_dma source(%dma_start3A_1523 : memref<64x128xf32, #tpu.memory_space<hbm>>) target(%dma_start3A_1521 : memref<64x128xf32, #tpu.memory_space<vmem>>) target_semaphore(%arg20 : memref<!tpu.dma_semaphore, #tpu.memory_space<semaphore_mem>>)
      %dma_wait3A_1524 = arith.constant 0 : i32
      %dma_wait3A_1525 = arith.constant 0 : i32
      %dma_wait3A_1526 = arith.constant 0 : i32
      %dma_wait3A_1527 = tpu.memref_slice %arg12[%dma_wait3A_1524, %dma_wait3A_1525, %dma_wait3A_1526] : memref<2x64x128xf32, #tpu.memory_space<vmem>> -> memref<1x64x128xf32, #tpu.memory_space<vmem>>
      %dma_wait3A_1528 = tpu.memref_squeeze %dma_wait3A_1527 : memref<1x64x128xf32, #tpu.memory_space<vmem>> -> memref<64x128xf32, #tpu.memory_space<vmem>>
      %dma_wait3A_1529 = arith.constant 0 : i32
      %dma_wait3A_1530 = tpu.memref_slice %arg4[%dma_wait3A_1529, %mul3A_1259] : memref<64x1000000xf32, #tpu.memory_space<hbm>> -> memref<64x128xf32, #tpu.memory_space<hbm>>
      %dma_wait3A_1531 = arith.constant 0 : i32
      %dma_wait3A_1532 = arith.constant 0 : i32
      %dma_wait3A_1533 = tpu.memref_slice %arg12[%dma_wait3A_1524, %dma_wait3A_1531, %dma_wait3A_1532] : memref<2x64x128xf32, #tpu.memory_space<vmem>> -> memref<1x64x128xf32, #tpu.memory_space<vmem>>
      %dma_wait3A_1534 = tpu.memref_squeeze %dma_wait3A_1533 : memref<1x64x128xf32, #tpu.memory_space<vmem>> -> memref<64x128xf32, #tpu.memory_space<vmem>>
      %dma_wait3A_1535 = arith.constant 0 : i32
      %dma_wait3A_1536 = tpu.memref_slice %arg4[%dma_wait3A_1535, %mul3A_1259] : memref<64x1000000xf32, #tpu.memory_space<hbm>> -> memref<64x128xf32, #tpu.memory_space<hbm>>
      tpu.wait_dma2 semaphore(%arg20 : memref<!tpu.dma_semaphore, #tpu.memory_space<semaphore_mem>>) src(%dma_wait3A_1536 : memref<64x128xf32, #tpu.memory_space<hbm>>) dst(%dma_wait3A_1534 : memref<64x128xf32, #tpu.memory_space<vmem>>)
      %dma_wait3A_1537 = arith.constant 0 : i32
      %dma_wait3A_1538 = arith.constant 0 : i32
      %dma_wait3A_1539 = arith.constant 0 : i32
      %dma_wait3A_1540 = tpu.memref_slice %arg13[%dma_wait3A_1537, %dma_wait3A_1538, %dma_wait3A_1539] : memref<2x64x128xf32, #tpu.memory_space<vmem>> -> memref<1x64x128xf32, #tpu.memory_space<vmem>>
      %dma_wait3A_1541 = tpu.memref_squeeze %dma_wait3A_1540 : memref<1x64x128xf32, #tpu.memory_space<vmem>> -> memref<64x128xf32, #tpu.memory_space<vmem>>
      %dma_wait3A_1542 = arith.constant 0 : i32
      %dma_wait3A_1543 = tpu.memref_slice %arg5[%dma_wait3A_1542, %mul3A_1300] : memref<64x1000000xf32, #tpu.memory_space<hbm>> -> memref<64x128xf32, #tpu.memory_space<hbm>>
      %dma_wait3A_1544 = arith.constant 0 : i32
      %dma_wait3A_1545 = arith.constant 0 : i32
      %dma_wait3A_1546 = tpu.memref_slice %arg13[%dma_wait3A_1537, %dma_wait3A_1544, %dma_wait3A_1545] : memref<2x64x128xf32, #tpu.memory_space<vmem>> -> memref<1x64x128xf32, #tpu.memory_space<vmem>>
      %dma_wait3A_1547 = tpu.memref_squeeze %dma_wait3A_1546 : memref<1x64x128xf32, #tpu.memory_space<vmem>> -> memref<64x128xf32, #tpu.memory_space<vmem>>
      %dma_wait3A_1548 = arith.constant 0 : i32
      %dma_wait3A_1549 = tpu.memref_slice %arg5[%dma_wait3A_1548, %mul3A_1300] : memref<64x1000000xf32, #tpu.memory_space<hbm>> -> memref<64x128xf32, #tpu.memory_space<hbm>>
      tpu.wait_dma2 semaphore(%arg20 : memref<!tpu.dma_semaphore, #tpu.memory_space<semaphore_mem>>) src(%dma_wait3A_1549 : memref<64x128xf32, #tpu.memory_space<hbm>>) dst(%dma_wait3A_1547 : memref<64x128xf32, #tpu.memory_space<vmem>>)
      %slice3A_1550 = vector.extract_strided_slice %get3A_108 {offsets = [6], sizes = [1], strides = [1]} : vector<16xi32> to vector<1xi32>
      %squeeze3A_1551 = vector.extract %slice3A_1550[0] : i32 from vector<1xi32>
      %jit3A_1552 = arith.constant 128 : i32
      %eq3A_1553 = arith.constant 0 : i32
      %eq3A_1554 = arith.cmpi eq, %jit3A_1552, %eq3A_1553 : i32
      %jit3A_1555 = arith.constant 1 : i32
      %select_n3A_1556 = arith.select %eq3A_1554, %jit3A_1555, %jit3A_1552 : i32
      %rem3A_1557 = arith.remsi %squeeze3A_1551, %select_n3A_1556 : i32
      %ne3A_1558 = arith.constant 0 : i32
      %ne3A_1559 = arith.cmpi ne, %rem3A_1557, %ne3A_1558 : i32
      %lt3A_1560 = arith.constant 0 : i32
      %lt3A_1561 = arith.cmpi slt, %rem3A_1557, %lt3A_1560 : i32
      %lt3A_1562 = arith.constant 0 : i32
      %lt3A_1563 = arith.cmpi slt, %select_n3A_1556, %lt3A_1562 : i32
      %ne3A_1564 = arith.xori %lt3A_1561, %lt3A_1563 : i1
      %and3A_1565 = arith.andi %ne3A_1564, %ne3A_1559 : i1
      %add3A_1566 = arith.addi %rem3A_1557, %select_n3A_1556 : i32
      %select_n3A_1567 = arith.select %and3A_1565, %add3A_1566, %rem3A_1557 : i32
      %add3A_1568 = vector.broadcast %select_n3A_1567 : i32 to vector<16xi32>
      %add3A_1569 = arith.addi %broadcast_in_dim3A_98, %add3A_1568 : vector<16xi32>
      %add3A_1570 = arith.constant 0 : i32
      %add3A_1571 = vector.broadcast %add3A_1570 : i32 to vector<16xi32>
      %add3A_1572 = arith.addi %broadcast_in_dim3A_98, %add3A_1571 : vector<16xi32>
      %add3A_1573 = arith.constant 0 : i32
      %add3A_1574 = vector.broadcast %add3A_1573 : i32 to vector<16xi32>
      %add3A_1575 = arith.addi %add3A_1574, %iota3A : vector<16xi32>
      %gather3A_1576 = tpu.vector_load_idx %arg12[%add3A_1572, %add3A_1575, %add3A_1569] : memref<2x64x128xf32, #tpu.memory_space<vmem>>[vector<16xi32>, vector<16xi32>, vector<16xi32>], vector<16xf32>,
      %add3A_1577 = arith.constant 6 : i32
      %add3A_1578 = vector.broadcast %add3A_1577 : i32 to vector<16xi32>
      %add3A_1579 = arith.addi %broadcast_in_dim3A_98, %add3A_1578 : vector<16xi32>
      tpu.vector_store_idx %arg14[%add3A_1579, %add3A_1575], %gather3A_1576 : memref<16x64xf32, #tpu.memory_space<vmem>>[vector<16xi32>, vector<16xi32>], vector<16xf32>,
      %add3A_1580 = arith.constant 16 : i32
      %add3A_1581 = vector.broadcast %add3A_1580 : i32 to vector<16xi32>
      %add3A_1582 = arith.addi %add3A_1581, %iota3A : vector<16xi32>
      %gather3A_1583 = tpu.vector_load_idx %arg12[%add3A_1572, %add3A_1582, %add3A_1569] : memref<2x64x128xf32, #tpu.memory_space<vmem>>[vector<16xi32>, vector<16xi32>, vector<16xi32>], vector<16xf32>,
      %add3A_1584 = arith.constant 6 : i32
      %add3A_1585 = vector.broadcast %add3A_1584 : i32 to vector<16xi32>
      %add3A_1586 = arith.addi %broadcast_in_dim3A_98, %add3A_1585 : vector<16xi32>
      tpu.vector_store_idx %arg14[%add3A_1586, %add3A_1582], %gather3A_1583 : memref<16x64xf32, #tpu.memory_space<vmem>>[vector<16xi32>, vector<16xi32>], vector<16xf32>,
      %add3A_1587 = arith.constant 32 : i32
      %add3A_1588 = vector.broadcast %add3A_1587 : i32 to vector<16xi32>
      %add3A_1589 = arith.addi %add3A_1588, %iota3A : vector<16xi32>
      %gather3A_1590 = tpu.vector_load_idx %arg12[%add3A_1572, %add3A_1589, %add3A_1569] : memref<2x64x128xf32, #tpu.memory_space<vmem>>[vector<16xi32>, vector<16xi32>, vector<16xi32>], vector<16xf32>,
      %add3A_1591 = arith.constant 6 : i32
      %add3A_1592 = vector.broadcast %add3A_1591 : i32 to vector<16xi32>
      %add3A_1593 = arith.addi %broadcast_in_dim3A_98, %add3A_1592 : vector<16xi32>
      tpu.vector_store_idx %arg14[%add3A_1593, %add3A_1589], %gather3A_1590 : memref<16x64xf32, #tpu.memory_space<vmem>>[vector<16xi32>, vector<16xi32>], vector<16xf32>,
      %add3A_1594 = arith.constant 48 : i32
      %add3A_1595 = vector.broadcast %add3A_1594 : i32 to vector<16xi32>
      %add3A_1596 = arith.addi %add3A_1595, %iota3A : vector<16xi32>
      %gather3A_1597 = tpu.vector_load_idx %arg12[%add3A_1572, %add3A_1596, %add3A_1569] : memref<2x64x128xf32, #tpu.memory_space<vmem>>[vector<16xi32>, vector<16xi32>, vector<16xi32>], vector<16xf32>,
      %add3A_1598 = arith.constant 6 : i32
      %add3A_1599 = vector.broadcast %add3A_1598 : i32 to vector<16xi32>
      %add3A_1600 = arith.addi %broadcast_in_dim3A_98, %add3A_1599 : vector<16xi32>
      tpu.vector_store_idx %arg14[%add3A_1600, %add3A_1596], %gather3A_1597 : memref<16x64xf32, #tpu.memory_space<vmem>>[vector<16xi32>, vector<16xi32>], vector<16xf32>,
      %slice3A_1601 = vector.extract_strided_slice %get3A_112 {offsets = [6], sizes = [1], strides = [1]} : vector<16xi32> to vector<1xi32>
      %squeeze3A_1602 = vector.extract %slice3A_1601[0] : i32 from vector<1xi32>
      %jit3A_1603 = arith.constant 128 : i32
      %eq3A_1604 = arith.constant 0 : i32
      %eq3A_1605 = arith.cmpi eq, %jit3A_1603, %eq3A_1604 : i32
      %jit3A_1606 = arith.constant 1 : i32
      %select_n3A_1607 = arith.select %eq3A_1605, %jit3A_1606, %jit3A_1603 : i32
      %rem3A_1608 = arith.remsi %squeeze3A_1602, %select_n3A_1607 : i32
      %ne3A_1609 = arith.constant 0 : i32
      %ne3A_1610 = arith.cmpi ne, %rem3A_1608, %ne3A_1609 : i32
      %lt3A_1611 = arith.constant 0 : i32
      %lt3A_1612 = arith.cmpi slt, %rem3A_1608, %lt3A_1611 : i32
      %lt3A_1613 = arith.constant 0 : i32
      %lt3A_1614 = arith.cmpi slt, %select_n3A_1607, %lt3A_1613 : i32
      %ne3A_1615 = arith.xori %lt3A_1612, %lt3A_1614 : i1
      %and3A_1616 = arith.andi %ne3A_1615, %ne3A_1610 : i1
      %add3A_1617 = arith.addi %rem3A_1608, %select_n3A_1607 : i32
      %select_n3A_1618 = arith.select %and3A_1616, %add3A_1617, %rem3A_1608 : i32
      %add3A_1619 = vector.broadcast %select_n3A_1618 : i32 to vector<16xi32>
      %add3A_1620 = arith.addi %broadcast_in_dim3A_98, %add3A_1619 : vector<16xi32>
      %add3A_1621 = arith.constant 0 : i32
      %add3A_1622 = vector.broadcast %add3A_1621 : i32 to vector<16xi32>
      %add3A_1623 = arith.addi %broadcast_in_dim3A_98, %add3A_1622 : vector<16xi32>
      %add3A_1624 = arith.constant 0 : i32
      %add3A_1625 = vector.broadcast %add3A_1624 : i32 to vector<16xi32>
      %add3A_1626 = arith.addi %add3A_1625, %iota3A : vector<16xi32>
      %gather3A_1627 = tpu.vector_load_idx %arg13[%add3A_1623, %add3A_1626, %add3A_1620] : memref<2x64x128xf32, #tpu.memory_space<vmem>>[vector<16xi32>, vector<16xi32>, vector<16xi32>], vector<16xf32>,
      %add3A_1628 = arith.constant 6 : i32
      %add3A_1629 = vector.broadcast %add3A_1628 : i32 to vector<16xi32>
      %add3A_1630 = arith.addi %broadcast_in_dim3A_98, %add3A_1629 : vector<16xi32>
      tpu.vector_store_idx %arg15[%add3A_1630, %add3A_1626], %gather3A_1627 : memref<16x64xf32, #tpu.memory_space<vmem>>[vector<16xi32>, vector<16xi32>], vector<16xf32>,
      %add3A_1631 = arith.constant 16 : i32
      %add3A_1632 = vector.broadcast %add3A_1631 : i32 to vector<16xi32>
      %add3A_1633 = arith.addi %add3A_1632, %iota3A : vector<16xi32>
      %gather3A_1634 = tpu.vector_load_idx %arg13[%add3A_1623, %add3A_1633, %add3A_1620] : memref<2x64x128xf32, #tpu.memory_space<vmem>>[vector<16xi32>, vector<16xi32>, vector<16xi32>], vector<16xf32>,
      %add3A_1635 = arith.constant 6 : i32
      %add3A_1636 = vector.broadcast %add3A_1635 : i32 to vector<16xi32>
      %add3A_1637 = arith.addi %broadcast_in_dim3A_98, %add3A_1636 : vector<16xi32>
      tpu.vector_store_idx %arg15[%add3A_1637, %add3A_1633], %gather3A_1634 : memref<16x64xf32, #tpu.memory_space<vmem>>[vector<16xi32>, vector<16xi32>], vector<16xf32>,
      %add3A_1638 = arith.constant 32 : i32
      %add3A_1639 = vector.broadcast %add3A_1638 : i32 to vector<16xi32>
      %add3A_1640 = arith.addi %add3A_1639, %iota3A : vector<16xi32>
      %gather3A_1641 = tpu.vector_load_idx %arg13[%add3A_1623, %add3A_1640, %add3A_1620] : memref<2x64x128xf32, #tpu.memory_space<vmem>>[vector<16xi32>, vector<16xi32>, vector<16xi32>], vector<16xf32>,
      %add3A_1642 = arith.constant 6 : i32
      %add3A_1643 = vector.broadcast %add3A_1642 : i32 to vector<16xi32>
      %add3A_1644 = arith.addi %broadcast_in_dim3A_98, %add3A_1643 : vector<16xi32>
      tpu.vector_store_idx %arg15[%add3A_1644, %add3A_1640], %gather3A_1641 : memref<16x64xf32, #tpu.memory_space<vmem>>[vector<16xi32>, vector<16xi32>], vector<16xf32>,
      %add3A_1645 = arith.constant 48 : i32
      %add3A_1646 = vector.broadcast %add3A_1645 : i32 to vector<16xi32>
      %add3A_1647 = arith.addi %add3A_1646, %iota3A : vector<16xi32>
      %gather3A_1648 = tpu.vector_load_idx %arg13[%add3A_1623, %add3A_1647, %add3A_1620] : memref<2x64x128xf32, #tpu.memory_space<vmem>>[vector<16xi32>, vector<16xi32>, vector<16xi32>], vector<16xf32>,
      %add3A_1649 = arith.constant 6 : i32
      %add3A_1650 = vector.broadcast %add3A_1649 : i32 to vector<16xi32>
      %add3A_1651 = arith.addi %broadcast_in_dim3A_98, %add3A_1650 : vector<16xi32>
      tpu.vector_store_idx %arg15[%add3A_1651, %add3A_1647], %gather3A_1648 : memref<16x64xf32, #tpu.memory_space<vmem>>[vector<16xi32>, vector<16xi32>], vector<16xf32>,
      %slice3A_1652 = vector.extract_strided_slice %get3A_108 {offsets = [8], sizes = [1], strides = [1]} : vector<16xi32> to vector<1xi32>
      %squeeze3A_1653 = vector.extract %slice3A_1652[0] : i32 from vector<1xi32>
      %jit3A_1654 = arith.constant 128 : i32
      %div3A_1655 = arith.divsi %squeeze3A_1653, %jit3A_1654 : i32
      %sign3A_1656 = arith.constant 0 : i32
      %sign3A_1657 = arith.cmpi sgt, %squeeze3A_1653, %sign3A_1656 : i32
      %sign3A_1658 = arith.extui %sign3A_1657 : i1 to i32
      %sign3A_1659 = arith.constant 0 : i32
      %sign3A_1660 = arith.cmpi slt, %squeeze3A_1653, %sign3A_1659 : i32
      %sign3A_1661 = arith.extui %sign3A_1660 : i1 to i32
      %sign3A_1662 = arith.subi %sign3A_1658, %sign3A_1661 : i32
      %sign3A_1663 = arith.constant 0 : i32
      %sign3A_1664 = arith.cmpi sgt, %jit3A_1654, %sign3A_1663 : i32
      %sign3A_1665 = arith.extui %sign3A_1664 : i1 to i32
      %sign3A_1666 = arith.constant 0 : i32
      %sign3A_1667 = arith.cmpi slt, %jit3A_1654, %sign3A_1666 : i32
      %sign3A_1668 = arith.extui %sign3A_1667 : i1 to i32
      %sign3A_1669 = arith.subi %sign3A_1665, %sign3A_1668 : i32
      %ne3A_1670 = arith.cmpi ne, %sign3A_1662, %sign3A_1669 : i32
      %rem3A_1671 = arith.remsi %squeeze3A_1653, %jit3A_1654 : i32
      %ne3A_1672 = arith.constant 0 : i32
      %ne3A_1673 = arith.cmpi ne, %rem3A_1671, %ne3A_1672 : i32
      %and3A_1674 = arith.andi %ne3A_1670, %ne3A_1673 : i1
      %sub3A_1675 = arith.constant 1 : i32
      %sub3A_1676 = arith.subi %div3A_1655, %sub3A_1675 : i32
      %select_n3A_1677 = arith.select %and3A_1674, %sub3A_1676, %div3A_1655 : i32
      %mul3A_1678 = arith.constant 128 : i32
      %mul3A_1679 = arith.muli %select_n3A_1677, %mul3A_1678 : i32
      %dma_start3A_1680 = arith.constant 0 : i32
      %dma_start3A_1681 = arith.constant 0 : i32
      %dma_start3A_1682 = arith.constant 0 : i32
      %dma_start3A_1683 = tpu.memref_slice %arg12[%dma_start3A_1680, %dma_start3A_1681, %dma_start3A_1682] : memref<2x64x128xf32, #tpu.memory_space<vmem>> -> memref<1x64x128xf32, #tpu.memory_space<vmem>>
      %dma_start3A_1684 = tpu.memref_squeeze %dma_start3A_1683 : memref<1x64x128xf32, #tpu.memory_space<vmem>> -> memref<64x128xf32, #tpu.memory_space<vmem>>
      %dma_start3A_1685 = arith.constant 0 : i32
      %dma_start3A_1686 = tpu.memref_slice %arg4[%dma_start3A_1685, %mul3A_1679] : memref<64x1000000xf32, #tpu.memory_space<hbm>> -> memref<64x128xf32, #tpu.memory_space<hbm>>
      %dma_start3A_1687 = arith.constant 0 : i32
      %dma_start3A_1688 = arith.constant 0 : i32
      %dma_start3A_1689 = tpu.memref_slice %arg12[%dma_start3A_1680, %dma_start3A_1687, %dma_start3A_1688] : memref<2x64x128xf32, #tpu.memory_space<vmem>> -> memref<1x64x128xf32, #tpu.memory_space<vmem>>
      %dma_start3A_1690 = tpu.memref_squeeze %dma_start3A_1689 : memref<1x64x128xf32, #tpu.memory_space<vmem>> -> memref<64x128xf32, #tpu.memory_space<vmem>>
      %dma_start3A_1691 = arith.constant 0 : i32
      %dma_start3A_1692 = tpu.memref_slice %arg4[%dma_start3A_1691, %mul3A_1679] : memref<64x1000000xf32, #tpu.memory_space<hbm>> -> memref<64x128xf32, #tpu.memory_space<hbm>>
      tpu.enqueue_dma source(%dma_start3A_1692 : memref<64x128xf32, #tpu.memory_space<hbm>>) target(%dma_start3A_1690 : memref<64x128xf32, #tpu.memory_space<vmem>>) target_semaphore(%arg20 : memref<!tpu.dma_semaphore, #tpu.memory_space<semaphore_mem>>)
      %slice3A_1693 = vector.extract_strided_slice %get3A_112 {offsets = [8], sizes = [1], strides = [1]} : vector<16xi32> to vector<1xi32>
      %squeeze3A_1694 = vector.extract %slice3A_1693[0] : i32 from vector<1xi32>
      %jit3A_1695 = arith.constant 128 : i32
      %div3A_1696 = arith.divsi %squeeze3A_1694, %jit3A_1695 : i32
      %sign3A_1697 = arith.constant 0 : i32
      %sign3A_1698 = arith.cmpi sgt, %squeeze3A_1694, %sign3A_1697 : i32
      %sign3A_1699 = arith.extui %sign3A_1698 : i1 to i32
      %sign3A_1700 = arith.constant 0 : i32
      %sign3A_1701 = arith.cmpi slt, %squeeze3A_1694, %sign3A_1700 : i32
      %sign3A_1702 = arith.extui %sign3A_1701 : i1 to i32
      %sign3A_1703 = arith.subi %sign3A_1699, %sign3A_1702 : i32
      %sign3A_1704 = arith.constant 0 : i32
      %sign3A_1705 = arith.cmpi sgt, %jit3A_1695, %sign3A_1704 : i32
      %sign3A_1706 = arith.extui %sign3A_1705 : i1 to i32
      %sign3A_1707 = arith.constant 0 : i32
      %sign3A_1708 = arith.cmpi slt, %jit3A_1695, %sign3A_1707 : i32
      %sign3A_1709 = arith.extui %sign3A_1708 : i1 to i32
      %sign3A_1710 = arith.subi %sign3A_1706, %sign3A_1709 : i32
      %ne3A_1711 = arith.cmpi ne, %sign3A_1703, %sign3A_1710 : i32
      %rem3A_1712 = arith.remsi %squeeze3A_1694, %jit3A_1695 : i32
      %ne3A_1713 = arith.constant 0 : i32
      %ne3A_1714 = arith.cmpi ne, %rem3A_1712, %ne3A_1713 : i32
      %and3A_1715 = arith.andi %ne3A_1711, %ne3A_1714 : i1
      %sub3A_1716 = arith.constant 1 : i32
      %sub3A_1717 = arith.subi %div3A_1696, %sub3A_1716 : i32
      %select_n3A_1718 = arith.select %and3A_1715, %sub3A_1717, %div3A_1696 : i32
      %mul3A_1719 = arith.constant 128 : i32
      %mul3A_1720 = arith.muli %select_n3A_1718, %mul3A_1719 : i32
      %dma_start3A_1721 = arith.constant 0 : i32
      %dma_start3A_1722 = arith.constant 0 : i32
      %dma_start3A_1723 = arith.constant 0 : i32
      %dma_start3A_1724 = tpu.memref_slice %arg13[%dma_start3A_1721, %dma_start3A_1722, %dma_start3A_1723] : memref<2x64x128xf32, #tpu.memory_space<vmem>> -> memref<1x64x128xf32, #tpu.memory_space<vmem>>
      %dma_start3A_1725 = tpu.memref_squeeze %dma_start3A_1724 : memref<1x64x128xf32, #tpu.memory_space<vmem>> -> memref<64x128xf32, #tpu.memory_space<vmem>>
      %dma_start3A_1726 = arith.constant 0 : i32
      %dma_start3A_1727 = tpu.memref_slice %arg5[%dma_start3A_1726, %mul3A_1720] : memref<64x1000000xf32, #tpu.memory_space<hbm>> -> memref<64x128xf32, #tpu.memory_space<hbm>>
      %dma_start3A_1728 = arith.constant 0 : i32
      %dma_start3A_1729 = arith.constant 0 : i32
      %dma_start3A_1730 = tpu.memref_slice %arg13[%dma_start3A_1721, %dma_start3A_1728, %dma_start3A_1729] : memref<2x64x128xf32, #tpu.memory_space<vmem>> -> memref<1x64x128xf32, #tpu.memory_space<vmem>>
      %dma_start3A_1731 = tpu.memref_squeeze %dma_start3A_1730 : memref<1x64x128xf32, #tpu.memory_space<vmem>> -> memref<64x128xf32, #tpu.memory_space<vmem>>
      %dma_start3A_1732 = arith.constant 0 : i32
      %dma_start3A_1733 = tpu.memref_slice %arg5[%dma_start3A_1732, %mul3A_1720] : memref<64x1000000xf32, #tpu.memory_space<hbm>> -> memref<64x128xf32, #tpu.memory_space<hbm>>
      tpu.enqueue_dma source(%dma_start3A_1733 : memref<64x128xf32, #tpu.memory_space<hbm>>) target(%dma_start3A_1731 : memref<64x128xf32, #tpu.memory_space<vmem>>) target_semaphore(%arg20 : memref<!tpu.dma_semaphore, #tpu.memory_space<semaphore_mem>>)
      %dma_wait3A_1734 = arith.constant 1 : i32
      %dma_wait3A_1735 = arith.constant 0 : i32
      %dma_wait3A_1736 = arith.constant 0 : i32
      %dma_wait3A_1737 = tpu.memref_slice %arg12[%dma_wait3A_1734, %dma_wait3A_1735, %dma_wait3A_1736] : memref<2x64x128xf32, #tpu.memory_space<vmem>> -> memref<1x64x128xf32, #tpu.memory_space<vmem>>
      %dma_wait3A_1738 = tpu.memref_squeeze %dma_wait3A_1737 : memref<1x64x128xf32, #tpu.memory_space<vmem>> -> memref<64x128xf32, #tpu.memory_space<vmem>>
      %dma_wait3A_1739 = arith.constant 0 : i32
      %dma_wait3A_1740 = tpu.memref_slice %arg4[%dma_wait3A_1739, %mul3A_1469] : memref<64x1000000xf32, #tpu.memory_space<hbm>> -> memref<64x128xf32, #tpu.memory_space<hbm>>
      %dma_wait3A_1741 = arith.constant 0 : i32
      %dma_wait3A_1742 = arith.constant 0 : i32
      %dma_wait3A_1743 = tpu.memref_slice %arg12[%dma_wait3A_1734, %dma_wait3A_1741, %dma_wait3A_1742] : memref<2x64x128xf32, #tpu.memory_space<vmem>> -> memref<1x64x128xf32, #tpu.memory_space<vmem>>
      %dma_wait3A_1744 = tpu.memref_squeeze %dma_wait3A_1743 : memref<1x64x128xf32, #tpu.memory_space<vmem>> -> memref<64x128xf32, #tpu.memory_space<vmem>>
      %dma_wait3A_1745 = arith.constant 0 : i32
      %dma_wait3A_1746 = tpu.memref_slice %arg4[%dma_wait3A_1745, %mul3A_1469] : memref<64x1000000xf32, #tpu.memory_space<hbm>> -> memref<64x128xf32, #tpu.memory_space<hbm>>
      tpu.wait_dma2 semaphore(%arg20 : memref<!tpu.dma_semaphore, #tpu.memory_space<semaphore_mem>>) src(%dma_wait3A_1746 : memref<64x128xf32, #tpu.memory_space<hbm>>) dst(%dma_wait3A_1744 : memref<64x128xf32, #tpu.memory_space<vmem>>)
      %dma_wait3A_1747 = arith.constant 1 : i32
      %dma_wait3A_1748 = arith.constant 0 : i32
      %dma_wait3A_1749 = arith.constant 0 : i32
      %dma_wait3A_1750 = tpu.memref_slice %arg13[%dma_wait3A_1747, %dma_wait3A_1748, %dma_wait3A_1749] : memref<2x64x128xf32, #tpu.memory_space<vmem>> -> memref<1x64x128xf32, #tpu.memory_space<vmem>>
      %dma_wait3A_1751 = tpu.memref_squeeze %dma_wait3A_1750 : memref<1x64x128xf32, #tpu.memory_space<vmem>> -> memref<64x128xf32, #tpu.memory_space<vmem>>
      %dma_wait3A_1752 = arith.constant 0 : i32
      %dma_wait3A_1753 = tpu.memref_slice %arg5[%dma_wait3A_1752, %mul3A_1510] : memref<64x1000000xf32, #tpu.memory_space<hbm>> -> memref<64x128xf32, #tpu.memory_space<hbm>>
      %dma_wait3A_1754 = arith.constant 0 : i32
      %dma_wait3A_1755 = arith.constant 0 : i32
      %dma_wait3A_1756 = tpu.memref_slice %arg13[%dma_wait3A_1747, %dma_wait3A_1754, %dma_wait3A_1755] : memref<2x64x128xf32, #tpu.memory_space<vmem>> -> memref<1x64x128xf32, #tpu.memory_space<vmem>>
      %dma_wait3A_1757 = tpu.memref_squeeze %dma_wait3A_1756 : memref<1x64x128xf32, #tpu.memory_space<vmem>> -> memref<64x128xf32, #tpu.memory_space<vmem>>
      %dma_wait3A_1758 = arith.constant 0 : i32
      %dma_wait3A_1759 = tpu.memref_slice %arg5[%dma_wait3A_1758, %mul3A_1510] : memref<64x1000000xf32, #tpu.memory_space<hbm>> -> memref<64x128xf32, #tpu.memory_space<hbm>>
      tpu.wait_dma2 semaphore(%arg20 : memref<!tpu.dma_semaphore, #tpu.memory_space<semaphore_mem>>) src(%dma_wait3A_1759 : memref<64x128xf32, #tpu.memory_space<hbm>>) dst(%dma_wait3A_1757 : memref<64x128xf32, #tpu.memory_space<vmem>>)
      %slice3A_1760 = vector.extract_strided_slice %get3A_108 {offsets = [7], sizes = [1], strides = [1]} : vector<16xi32> to vector<1xi32>
      %squeeze3A_1761 = vector.extract %slice3A_1760[0] : i32 from vector<1xi32>
      %jit3A_1762 = arith.constant 128 : i32
      %eq3A_1763 = arith.constant 0 : i32
      %eq3A_1764 = arith.cmpi eq, %jit3A_1762, %eq3A_1763 : i32
      %jit3A_1765 = arith.constant 1 : i32
      %select_n3A_1766 = arith.select %eq3A_1764, %jit3A_1765, %jit3A_1762 : i32
      %rem3A_1767 = arith.remsi %squeeze3A_1761, %select_n3A_1766 : i32
      %ne3A_1768 = arith.constant 0 : i32
      %ne3A_1769 = arith.cmpi ne, %rem3A_1767, %ne3A_1768 : i32
      %lt3A_1770 = arith.constant 0 : i32
      %lt3A_1771 = arith.cmpi slt, %rem3A_1767, %lt3A_1770 : i32
      %lt3A_1772 = arith.constant 0 : i32
      %lt3A_1773 = arith.cmpi slt, %select_n3A_1766, %lt3A_1772 : i32
      %ne3A_1774 = arith.xori %lt3A_1771, %lt3A_1773 : i1
      %and3A_1775 = arith.andi %ne3A_1774, %ne3A_1769 : i1
      %add3A_1776 = arith.addi %rem3A_1767, %select_n3A_1766 : i32
      %select_n3A_1777 = arith.select %and3A_1775, %add3A_1776, %rem3A_1767 : i32
      %add3A_1778 = vector.broadcast %select_n3A_1777 : i32 to vector<16xi32>
      %add3A_1779 = arith.addi %broadcast_in_dim3A_98, %add3A_1778 : vector<16xi32>
      %add3A_1780 = arith.constant 1 : i32
      %add3A_1781 = vector.broadcast %add3A_1780 : i32 to vector<16xi32>
      %add3A_1782 = arith.addi %broadcast_in_dim3A_98, %add3A_1781 : vector<16xi32>
      %add3A_1783 = arith.constant 0 : i32
      %add3A_1784 = vector.broadcast %add3A_1783 : i32 to vector<16xi32>
      %add3A_1785 = arith.addi %add3A_1784, %iota3A : vector<16xi32>
      %gather3A_1786 = tpu.vector_load_idx %arg12[%add3A_1782, %add3A_1785, %add3A_1779] : memref<2x64x128xf32, #tpu.memory_space<vmem>>[vector<16xi32>, vector<16xi32>, vector<16xi32>], vector<16xf32>,
      %add3A_1787 = arith.constant 7 : i32
      %add3A_1788 = vector.broadcast %add3A_1787 : i32 to vector<16xi32>
      %add3A_1789 = arith.addi %broadcast_in_dim3A_98, %add3A_1788 : vector<16xi32>
      tpu.vector_store_idx %arg14[%add3A_1789, %add3A_1785], %gather3A_1786 : memref<16x64xf32, #tpu.memory_space<vmem>>[vector<16xi32>, vector<16xi32>], vector<16xf32>,
      %add3A_1790 = arith.constant 16 : i32
      %add3A_1791 = vector.broadcast %add3A_1790 : i32 to vector<16xi32>
      %add3A_1792 = arith.addi %add3A_1791, %iota3A : vector<16xi32>
      %gather3A_1793 = tpu.vector_load_idx %arg12[%add3A_1782, %add3A_1792, %add3A_1779] : memref<2x64x128xf32, #tpu.memory_space<vmem>>[vector<16xi32>, vector<16xi32>, vector<16xi32>], vector<16xf32>,
      %add3A_1794 = arith.constant 7 : i32
      %add3A_1795 = vector.broadcast %add3A_1794 : i32 to vector<16xi32>
      %add3A_1796 = arith.addi %broadcast_in_dim3A_98, %add3A_1795 : vector<16xi32>
      tpu.vector_store_idx %arg14[%add3A_1796, %add3A_1792], %gather3A_1793 : memref<16x64xf32, #tpu.memory_space<vmem>>[vector<16xi32>, vector<16xi32>], vector<16xf32>,
      %add3A_1797 = arith.constant 32 : i32
      %add3A_1798 = vector.broadcast %add3A_1797 : i32 to vector<16xi32>
      %add3A_1799 = arith.addi %add3A_1798, %iota3A : vector<16xi32>
      %gather3A_1800 = tpu.vector_load_idx %arg12[%add3A_1782, %add3A_1799, %add3A_1779] : memref<2x64x128xf32, #tpu.memory_space<vmem>>[vector<16xi32>, vector<16xi32>, vector<16xi32>], vector<16xf32>,
      %add3A_1801 = arith.constant 7 : i32
      %add3A_1802 = vector.broadcast %add3A_1801 : i32 to vector<16xi32>
      %add3A_1803 = arith.addi %broadcast_in_dim3A_98, %add3A_1802 : vector<16xi32>
      tpu.vector_store_idx %arg14[%add3A_1803, %add3A_1799], %gather3A_1800 : memref<16x64xf32, #tpu.memory_space<vmem>>[vector<16xi32>, vector<16xi32>], vector<16xf32>,
      %add3A_1804 = arith.constant 48 : i32
      %add3A_1805 = vector.broadcast %add3A_1804 : i32 to vector<16xi32>
      %add3A_1806 = arith.addi %add3A_1805, %iota3A : vector<16xi32>
      %gather3A_1807 = tpu.vector_load_idx %arg12[%add3A_1782, %add3A_1806, %add3A_1779] : memref<2x64x128xf32, #tpu.memory_space<vmem>>[vector<16xi32>, vector<16xi32>, vector<16xi32>], vector<16xf32>,
      %add3A_1808 = arith.constant 7 : i32
      %add3A_1809 = vector.broadcast %add3A_1808 : i32 to vector<16xi32>
      %add3A_1810 = arith.addi %broadcast_in_dim3A_98, %add3A_1809 : vector<16xi32>
      tpu.vector_store_idx %arg14[%add3A_1810, %add3A_1806], %gather3A_1807 : memref<16x64xf32, #tpu.memory_space<vmem>>[vector<16xi32>, vector<16xi32>], vector<16xf32>,
      %slice3A_1811 = vector.extract_strided_slice %get3A_112 {offsets = [7], sizes = [1], strides = [1]} : vector<16xi32> to vector<1xi32>
      %squeeze3A_1812 = vector.extract %slice3A_1811[0] : i32 from vector<1xi32>
      %jit3A_1813 = arith.constant 128 : i32
      %eq3A_1814 = arith.constant 0 : i32
      %eq3A_1815 = arith.cmpi eq, %jit3A_1813, %eq3A_1814 : i32
      %jit3A_1816 = arith.constant 1 : i32
      %select_n3A_1817 = arith.select %eq3A_1815, %jit3A_1816, %jit3A_1813 : i32
      %rem3A_1818 = arith.remsi %squeeze3A_1812, %select_n3A_1817 : i32
      %ne3A_1819 = arith.constant 0 : i32
      %ne3A_1820 = arith.cmpi ne, %rem3A_1818, %ne3A_1819 : i32
      %lt3A_1821 = arith.constant 0 : i32
      %lt3A_1822 = arith.cmpi slt, %rem3A_1818, %lt3A_1821 : i32
      %lt3A_1823 = arith.constant 0 : i32
      %lt3A_1824 = arith.cmpi slt, %select_n3A_1817, %lt3A_1823 : i32
      %ne3A_1825 = arith.xori %lt3A_1822, %lt3A_1824 : i1
      %and3A_1826 = arith.andi %ne3A_1825, %ne3A_1820 : i1
      %add3A_1827 = arith.addi %rem3A_1818, %select_n3A_1817 : i32
      %select_n3A_1828 = arith.select %and3A_1826, %add3A_1827, %rem3A_1818 : i32
      %add3A_1829 = vector.broadcast %select_n3A_1828 : i32 to vector<16xi32>
      %add3A_1830 = arith.addi %broadcast_in_dim3A_98, %add3A_1829 : vector<16xi32>
      %add3A_1831 = arith.constant 1 : i32
      %add3A_1832 = vector.broadcast %add3A_1831 : i32 to vector<16xi32>
      %add3A_1833 = arith.addi %broadcast_in_dim3A_98, %add3A_1832 : vector<16xi32>
      %add3A_1834 = arith.constant 0 : i32
      %add3A_1835 = vector.broadcast %add3A_1834 : i32 to vector<16xi32>
      %add3A_1836 = arith.addi %add3A_1835, %iota3A : vector<16xi32>
      %gather3A_1837 = tpu.vector_load_idx %arg13[%add3A_1833, %add3A_1836, %add3A_1830] : memref<2x64x128xf32, #tpu.memory_space<vmem>>[vector<16xi32>, vector<16xi32>, vector<16xi32>], vector<16xf32>,
      %add3A_1838 = arith.constant 7 : i32
      %add3A_1839 = vector.broadcast %add3A_1838 : i32 to vector<16xi32>
      %add3A_1840 = arith.addi %broadcast_in_dim3A_98, %add3A_1839 : vector<16xi32>
      tpu.vector_store_idx %arg15[%add3A_1840, %add3A_1836], %gather3A_1837 : memref<16x64xf32, #tpu.memory_space<vmem>>[vector<16xi32>, vector<16xi32>], vector<16xf32>,
      %add3A_1841 = arith.constant 16 : i32
      %add3A_1842 = vector.broadcast %add3A_1841 : i32 to vector<16xi32>
      %add3A_1843 = arith.addi %add3A_1842, %iota3A : vector<16xi32>
      %gather3A_1844 = tpu.vector_load_idx %arg13[%add3A_1833, %add3A_1843, %add3A_1830] : memref<2x64x128xf32, #tpu.memory_space<vmem>>[vector<16xi32>, vector<16xi32>, vector<16xi32>], vector<16xf32>,
      %add3A_1845 = arith.constant 7 : i32
      %add3A_1846 = vector.broadcast %add3A_1845 : i32 to vector<16xi32>
      %add3A_1847 = arith.addi %broadcast_in_dim3A_98, %add3A_1846 : vector<16xi32>
      tpu.vector_store_idx %arg15[%add3A_1847, %add3A_1843], %gather3A_1844 : memref<16x64xf32, #tpu.memory_space<vmem>>[vector<16xi32>, vector<16xi32>], vector<16xf32>,
      %add3A_1848 = arith.constant 32 : i32
      %add3A_1849 = vector.broadcast %add3A_1848 : i32 to vector<16xi32>
      %add3A_1850 = arith.addi %add3A_1849, %iota3A : vector<16xi32>
      %gather3A_1851 = tpu.vector_load_idx %arg13[%add3A_1833, %add3A_1850, %add3A_1830] : memref<2x64x128xf32, #tpu.memory_space<vmem>>[vector<16xi32>, vector<16xi32>, vector<16xi32>], vector<16xf32>,
      %add3A_1852 = arith.constant 7 : i32
      %add3A_1853 = vector.broadcast %add3A_1852 : i32 to vector<16xi32>
      %add3A_1854 = arith.addi %broadcast_in_dim3A_98, %add3A_1853 : vector<16xi32>
      tpu.vector_store_idx %arg15[%add3A_1854, %add3A_1850], %gather3A_1851 : memref<16x64xf32, #tpu.memory_space<vmem>>[vector<16xi32>, vector<16xi32>], vector<16xf32>,
      %add3A_1855 = arith.constant 48 : i32
      %add3A_1856 = vector.broadcast %add3A_1855 : i32 to vector<16xi32>
      %add3A_1857 = arith.addi %add3A_1856, %iota3A : vector<16xi32>
      %gather3A_1858 = tpu.vector_load_idx %arg13[%add3A_1833, %add3A_1857, %add3A_1830] : memref<2x64x128xf32, #tpu.memory_space<vmem>>[vector<16xi32>, vector<16xi32>, vector<16xi32>], vector<16xf32>,
      %add3A_1859 = arith.constant 7 : i32
      %add3A_1860 = vector.broadcast %add3A_1859 : i32 to vector<16xi32>
      %add3A_1861 = arith.addi %broadcast_in_dim3A_98, %add3A_1860 : vector<16xi32>
      tpu.vector_store_idx %arg15[%add3A_1861, %add3A_1857], %gather3A_1858 : memref<16x64xf32, #tpu.memory_space<vmem>>[vector<16xi32>, vector<16xi32>], vector<16xf32>,
      %slice3A_1862 = vector.extract_strided_slice %get3A_108 {offsets = [9], sizes = [1], strides = [1]} : vector<16xi32> to vector<1xi32>
      %squeeze3A_1863 = vector.extract %slice3A_1862[0] : i32 from vector<1xi32>
      %jit3A_1864 = arith.constant 128 : i32
      %div3A_1865 = arith.divsi %squeeze3A_1863, %jit3A_1864 : i32
      %sign3A_1866 = arith.constant 0 : i32
      %sign3A_1867 = arith.cmpi sgt, %squeeze3A_1863, %sign3A_1866 : i32
      %sign3A_1868 = arith.extui %sign3A_1867 : i1 to i32
      %sign3A_1869 = arith.constant 0 : i32
      %sign3A_1870 = arith.cmpi slt, %squeeze3A_1863, %sign3A_1869 : i32
      %sign3A_1871 = arith.extui %sign3A_1870 : i1 to i32
      %sign3A_1872 = arith.subi %sign3A_1868, %sign3A_1871 : i32
      %sign3A_1873 = arith.constant 0 : i32
      %sign3A_1874 = arith.cmpi sgt, %jit3A_1864, %sign3A_1873 : i32
      %sign3A_1875 = arith.extui %sign3A_1874 : i1 to i32
      %sign3A_1876 = arith.constant 0 : i32
      %sign3A_1877 = arith.cmpi slt, %jit3A_1864, %sign3A_1876 : i32
      %sign3A_1878 = arith.extui %sign3A_1877 : i1 to i32
      %sign3A_1879 = arith.subi %sign3A_1875, %sign3A_1878 : i32
      %ne3A_1880 = arith.cmpi ne, %sign3A_1872, %sign3A_1879 : i32
      %rem3A_1881 = arith.remsi %squeeze3A_1863, %jit3A_1864 : i32
      %ne3A_1882 = arith.constant 0 : i32
      %ne3A_1883 = arith.cmpi ne, %rem3A_1881, %ne3A_1882 : i32
      %and3A_1884 = arith.andi %ne3A_1880, %ne3A_1883 : i1
      %sub3A_1885 = arith.constant 1 : i32
      %sub3A_1886 = arith.subi %div3A_1865, %sub3A_1885 : i32
      %select_n3A_1887 = arith.select %and3A_1884, %sub3A_1886, %div3A_1865 : i32
      %mul3A_1888 = arith.constant 128 : i32
      %mul3A_1889 = arith.muli %select_n3A_1887, %mul3A_1888 : i32
      %dma_start3A_1890 = arith.constant 1 : i32
      %dma_start3A_1891 = arith.constant 0 : i32
      %dma_start3A_1892 = arith.constant 0 : i32
      %dma_start3A_1893 = tpu.memref_slice %arg12[%dma_start3A_1890, %dma_start3A_1891, %dma_start3A_1892] : memref<2x64x128xf32, #tpu.memory_space<vmem>> -> memref<1x64x128xf32, #tpu.memory_space<vmem>>
      %dma_start3A_1894 = tpu.memref_squeeze %dma_start3A_1893 : memref<1x64x128xf32, #tpu.memory_space<vmem>> -> memref<64x128xf32, #tpu.memory_space<vmem>>
      %dma_start3A_1895 = arith.constant 0 : i32
      %dma_start3A_1896 = tpu.memref_slice %arg4[%dma_start3A_1895, %mul3A_1889] : memref<64x1000000xf32, #tpu.memory_space<hbm>> -> memref<64x128xf32, #tpu.memory_space<hbm>>
      %dma_start3A_1897 = arith.constant 0 : i32
      %dma_start3A_1898 = arith.constant 0 : i32
      %dma_start3A_1899 = tpu.memref_slice %arg12[%dma_start3A_1890, %dma_start3A_1897, %dma_start3A_1898] : memref<2x64x128xf32, #tpu.memory_space<vmem>> -> memref<1x64x128xf32, #tpu.memory_space<vmem>>
      %dma_start3A_1900 = tpu.memref_squeeze %dma_start3A_1899 : memref<1x64x128xf32, #tpu.memory_space<vmem>> -> memref<64x128xf32, #tpu.memory_space<vmem>>
      %dma_start3A_1901 = arith.constant 0 : i32
      %dma_start3A_1902 = tpu.memref_slice %arg4[%dma_start3A_1901, %mul3A_1889] : memref<64x1000000xf32, #tpu.memory_space<hbm>> -> memref<64x128xf32, #tpu.memory_space<hbm>>
      tpu.enqueue_dma source(%dma_start3A_1902 : memref<64x128xf32, #tpu.memory_space<hbm>>) target(%dma_start3A_1900 : memref<64x128xf32, #tpu.memory_space<vmem>>) target_semaphore(%arg20 : memref<!tpu.dma_semaphore, #tpu.memory_space<semaphore_mem>>)
      %slice3A_1903 = vector.extract_strided_slice %get3A_112 {offsets = [9], sizes = [1], strides = [1]} : vector<16xi32> to vector<1xi32>
      %squeeze3A_1904 = vector.extract %slice3A_1903[0] : i32 from vector<1xi32>
      %jit3A_1905 = arith.constant 128 : i32
      %div3A_1906 = arith.divsi %squeeze3A_1904, %jit3A_1905 : i32
      %sign3A_1907 = arith.constant 0 : i32
      %sign3A_1908 = arith.cmpi sgt, %squeeze3A_1904, %sign3A_1907 : i32
      %sign3A_1909 = arith.extui %sign3A_1908 : i1 to i32
      %sign3A_1910 = arith.constant 0 : i32
      %sign3A_1911 = arith.cmpi slt, %squeeze3A_1904, %sign3A_1910 : i32
      %sign3A_1912 = arith.extui %sign3A_1911 : i1 to i32
      %sign3A_1913 = arith.subi %sign3A_1909, %sign3A_1912 : i32
      %sign3A_1914 = arith.constant 0 : i32
      %sign3A_1915 = arith.cmpi sgt, %jit3A_1905, %sign3A_1914 : i32
      %sign3A_1916 = arith.extui %sign3A_1915 : i1 to i32
      %sign3A_1917 = arith.constant 0 : i32
      %sign3A_1918 = arith.cmpi slt, %jit3A_1905, %sign3A_1917 : i32
      %sign3A_1919 = arith.extui %sign3A_1918 : i1 to i32
      %sign3A_1920 = arith.subi %sign3A_1916, %sign3A_1919 : i32
      %ne3A_1921 = arith.cmpi ne, %sign3A_1913, %sign3A_1920 : i32
      %rem3A_1922 = arith.remsi %squeeze3A_1904, %jit3A_1905 : i32
      %ne3A_1923 = arith.constant 0 : i32
      %ne3A_1924 = arith.cmpi ne, %rem3A_1922, %ne3A_1923 : i32
      %and3A_1925 = arith.andi %ne3A_1921, %ne3A_1924 : i1
      %sub3A_1926 = arith.constant 1 : i32
      %sub3A_1927 = arith.subi %div3A_1906, %sub3A_1926 : i32
      %select_n3A_1928 = arith.select %and3A_1925, %sub3A_1927, %div3A_1906 : i32
      %mul3A_1929 = arith.constant 128 : i32
      %mul3A_1930 = arith.muli %select_n3A_1928, %mul3A_1929 : i32
      %dma_start3A_1931 = arith.constant 1 : i32
      %dma_start3A_1932 = arith.constant 0 : i32
      %dma_start3A_1933 = arith.constant 0 : i32
      %dma_start3A_1934 = tpu.memref_slice %arg13[%dma_start3A_1931, %dma_start3A_1932, %dma_start3A_1933] : memref<2x64x128xf32, #tpu.memory_space<vmem>> -> memref<1x64x128xf32, #tpu.memory_space<vmem>>
      %dma_start3A_1935 = tpu.memref_squeeze %dma_start3A_1934 : memref<1x64x128xf32, #tpu.memory_space<vmem>> -> memref<64x128xf32, #tpu.memory_space<vmem>>
      %dma_start3A_1936 = arith.constant 0 : i32
      %dma_start3A_1937 = tpu.memref_slice %arg5[%dma_start3A_1936, %mul3A_1930] : memref<64x1000000xf32, #tpu.memory_space<hbm>> -> memref<64x128xf32, #tpu.memory_space<hbm>>
      %dma_start3A_1938 = arith.constant 0 : i32
      %dma_start3A_1939 = arith.constant 0 : i32
      %dma_start3A_1940 = tpu.memref_slice %arg13[%dma_start3A_1931, %dma_start3A_1938, %dma_start3A_1939] : memref<2x64x128xf32, #tpu.memory_space<vmem>> -> memref<1x64x128xf32, #tpu.memory_space<vmem>>
      %dma_start3A_1941 = tpu.memref_squeeze %dma_start3A_1940 : memref<1x64x128xf32, #tpu.memory_space<vmem>> -> memref<64x128xf32, #tpu.memory_space<vmem>>
      %dma_start3A_1942 = arith.constant 0 : i32
      %dma_start3A_1943 = tpu.memref_slice %arg5[%dma_start3A_1942, %mul3A_1930] : memref<64x1000000xf32, #tpu.memory_space<hbm>> -> memref<64x128xf32, #tpu.memory_space<hbm>>
      tpu.enqueue_dma source(%dma_start3A_1943 : memref<64x128xf32, #tpu.memory_space<hbm>>) target(%dma_start3A_1941 : memref<64x128xf32, #tpu.memory_space<vmem>>) target_semaphore(%arg20 : memref<!tpu.dma_semaphore, #tpu.memory_space<semaphore_mem>>)
      %dma_wait3A_1944 = arith.constant 0 : i32
      %dma_wait3A_1945 = arith.constant 0 : i32
      %dma_wait3A_1946 = arith.constant 0 : i32
      %dma_wait3A_1947 = tpu.memref_slice %arg12[%dma_wait3A_1944, %dma_wait3A_1945, %dma_wait3A_1946] : memref<2x64x128xf32, #tpu.memory_space<vmem>> -> memref<1x64x128xf32, #tpu.memory_space<vmem>>
      %dma_wait3A_1948 = tpu.memref_squeeze %dma_wait3A_1947 : memref<1x64x128xf32, #tpu.memory_space<vmem>> -> memref<64x128xf32, #tpu.memory_space<vmem>>
      %dma_wait3A_1949 = arith.constant 0 : i32
      %dma_wait3A_1950 = tpu.memref_slice %arg4[%dma_wait3A_1949, %mul3A_1679] : memref<64x1000000xf32, #tpu.memory_space<hbm>> -> memref<64x128xf32, #tpu.memory_space<hbm>>
      %dma_wait3A_1951 = arith.constant 0 : i32
      %dma_wait3A_1952 = arith.constant 0 : i32
      %dma_wait3A_1953 = tpu.memref_slice %arg12[%dma_wait3A_1944, %dma_wait3A_1951, %dma_wait3A_1952] : memref<2x64x128xf32, #tpu.memory_space<vmem>> -> memref<1x64x128xf32, #tpu.memory_space<vmem>>
      %dma_wait3A_1954 = tpu.memref_squeeze %dma_wait3A_1953 : memref<1x64x128xf32, #tpu.memory_space<vmem>> -> memref<64x128xf32, #tpu.memory_space<vmem>>
      %dma_wait3A_1955 = arith.constant 0 : i32
      %dma_wait3A_1956 = tpu.memref_slice %arg4[%dma_wait3A_1955, %mul3A_1679] : memref<64x1000000xf32, #tpu.memory_space<hbm>> -> memref<64x128xf32, #tpu.memory_space<hbm>>
      tpu.wait_dma2 semaphore(%arg20 : memref<!tpu.dma_semaphore, #tpu.memory_space<semaphore_mem>>) src(%dma_wait3A_1956 : memref<64x128xf32, #tpu.memory_space<hbm>>) dst(%dma_wait3A_1954 : memref<64x128xf32, #tpu.memory_space<vmem>>)
      %dma_wait3A_1957 = arith.constant 0 : i32
      %dma_wait3A_1958 = arith.constant 0 : i32
      %dma_wait3A_1959 = arith.constant 0 : i32
      %dma_wait3A_1960 = tpu.memref_slice %arg13[%dma_wait3A_1957, %dma_wait3A_1958, %dma_wait3A_1959] : memref<2x64x128xf32, #tpu.memory_space<vmem>> -> memref<1x64x128xf32, #tpu.memory_space<vmem>>
      %dma_wait3A_1961 = tpu.memref_squeeze %dma_wait3A_1960 : memref<1x64x128xf32, #tpu.memory_space<vmem>> -> memref<64x128xf32, #tpu.memory_space<vmem>>
      %dma_wait3A_1962 = arith.constant 0 : i32
      %dma_wait3A_1963 = tpu.memref_slice %arg5[%dma_wait3A_1962, %mul3A_1720] : memref<64x1000000xf32, #tpu.memory_space<hbm>> -> memref<64x128xf32, #tpu.memory_space<hbm>>
      %dma_wait3A_1964 = arith.constant 0 : i32
      %dma_wait3A_1965 = arith.constant 0 : i32
      %dma_wait3A_1966 = tpu.memref_slice %arg13[%dma_wait3A_1957, %dma_wait3A_1964, %dma_wait3A_1965] : memref<2x64x128xf32, #tpu.memory_space<vmem>> -> memref<1x64x128xf32, #tpu.memory_space<vmem>>
      %dma_wait3A_1967 = tpu.memref_squeeze %dma_wait3A_1966 : memref<1x64x128xf32, #tpu.memory_space<vmem>> -> memref<64x128xf32, #tpu.memory_space<vmem>>
      %dma_wait3A_1968 = arith.constant 0 : i32
      %dma_wait3A_1969 = tpu.memref_slice %arg5[%dma_wait3A_1968, %mul3A_1720] : memref<64x1000000xf32, #tpu.memory_space<hbm>> -> memref<64x128xf32, #tpu.memory_space<hbm>>
      tpu.wait_dma2 semaphore(%arg20 : memref<!tpu.dma_semaphore, #tpu.memory_space<semaphore_mem>>) src(%dma_wait3A_1969 : memref<64x128xf32, #tpu.memory_space<hbm>>) dst(%dma_wait3A_1967 : memref<64x128xf32, #tpu.memory_space<vmem>>)
      %slice3A_1970 = vector.extract_strided_slice %get3A_108 {offsets = [8], sizes = [1], strides = [1]} : vector<16xi32> to vector<1xi32>
      %squeeze3A_1971 = vector.extract %slice3A_1970[0] : i32 from vector<1xi32>
      %jit3A_1972 = arith.constant 128 : i32
      %eq3A_1973 = arith.constant 0 : i32
      %eq3A_1974 = arith.cmpi eq, %jit3A_1972, %eq3A_1973 : i32
      %jit3A_1975 = arith.constant 1 : i32
      %select_n3A_1976 = arith.select %eq3A_1974, %jit3A_1975, %jit3A_1972 : i32
      %rem3A_1977 = arith.remsi %squeeze3A_1971, %select_n3A_1976 : i32
      %ne3A_1978 = arith.constant 0 : i32
      %ne3A_1979 = arith.cmpi ne, %rem3A_1977, %ne3A_1978 : i32
      %lt3A_1980 = arith.constant 0 : i32
      %lt3A_1981 = arith.cmpi slt, %rem3A_1977, %lt3A_1980 : i32
      %lt3A_1982 = arith.constant 0 : i32
      %lt3A_1983 = arith.cmpi slt, %select_n3A_1976, %lt3A_1982 : i32
      %ne3A_1984 = arith.xori %lt3A_1981, %lt3A_1983 : i1
      %and3A_1985 = arith.andi %ne3A_1984, %ne3A_1979 : i1
      %add3A_1986 = arith.addi %rem3A_1977, %select_n3A_1976 : i32
      %select_n3A_1987 = arith.select %and3A_1985, %add3A_1986, %rem3A_1977 : i32
      %add3A_1988 = vector.broadcast %select_n3A_1987 : i32 to vector<16xi32>
      %add3A_1989 = arith.addi %broadcast_in_dim3A_98, %add3A_1988 : vector<16xi32>
      %add3A_1990 = arith.constant 0 : i32
      %add3A_1991 = vector.broadcast %add3A_1990 : i32 to vector<16xi32>
      %add3A_1992 = arith.addi %broadcast_in_dim3A_98, %add3A_1991 : vector<16xi32>
      %add3A_1993 = arith.constant 0 : i32
      %add3A_1994 = vector.broadcast %add3A_1993 : i32 to vector<16xi32>
      %add3A_1995 = arith.addi %add3A_1994, %iota3A : vector<16xi32>
      %gather3A_1996 = tpu.vector_load_idx %arg12[%add3A_1992, %add3A_1995, %add3A_1989] : memref<2x64x128xf32, #tpu.memory_space<vmem>>[vector<16xi32>, vector<16xi32>, vector<16xi32>], vector<16xf32>,
      %add3A_1997 = arith.constant 8 : i32
      %add3A_1998 = vector.broadcast %add3A_1997 : i32 to vector<16xi32>
      %add3A_1999 = arith.addi %broadcast_in_dim3A_98, %add3A_1998 : vector<16xi32>
      tpu.vector_store_idx %arg14[%add3A_1999, %add3A_1995], %gather3A_1996 : memref<16x64xf32, #tpu.memory_space<vmem>>[vector<16xi32>, vector<16xi32>], vector<16xf32>,
      %add3A_2000 = arith.constant 16 : i32
      %add3A_2001 = vector.broadcast %add3A_2000 : i32 to vector<16xi32>
      %add3A_2002 = arith.addi %add3A_2001, %iota3A : vector<16xi32>
      %gather3A_2003 = tpu.vector_load_idx %arg12[%add3A_1992, %add3A_2002, %add3A_1989] : memref<2x64x128xf32, #tpu.memory_space<vmem>>[vector<16xi32>, vector<16xi32>, vector<16xi32>], vector<16xf32>,
      %add3A_2004 = arith.constant 8 : i32
      %add3A_2005 = vector.broadcast %add3A_2004 : i32 to vector<16xi32>
      %add3A_2006 = arith.addi %broadcast_in_dim3A_98, %add3A_2005 : vector<16xi32>
      tpu.vector_store_idx %arg14[%add3A_2006, %add3A_2002], %gather3A_2003 : memref<16x64xf32, #tpu.memory_space<vmem>>[vector<16xi32>, vector<16xi32>], vector<16xf32>,
      %add3A_2007 = arith.constant 32 : i32
      %add3A_2008 = vector.broadcast %add3A_2007 : i32 to vector<16xi32>
      %add3A_2009 = arith.addi %add3A_2008, %iota3A : vector<16xi32>
      %gather3A_2010 = tpu.vector_load_idx %arg12[%add3A_1992, %add3A_2009, %add3A_1989] : memref<2x64x128xf32, #tpu.memory_space<vmem>>[vector<16xi32>, vector<16xi32>, vector<16xi32>], vector<16xf32>,
      %add3A_2011 = arith.constant 8 : i32
      %add3A_2012 = vector.broadcast %add3A_2011 : i32 to vector<16xi32>
      %add3A_2013 = arith.addi %broadcast_in_dim3A_98, %add3A_2012 : vector<16xi32>
      tpu.vector_store_idx %arg14[%add3A_2013, %add3A_2009], %gather3A_2010 : memref<16x64xf32, #tpu.memory_space<vmem>>[vector<16xi32>, vector<16xi32>], vector<16xf32>,
      %add3A_2014 = arith.constant 48 : i32
      %add3A_2015 = vector.broadcast %add3A_2014 : i32 to vector<16xi32>
      %add3A_2016 = arith.addi %add3A_2015, %iota3A : vector<16xi32>
      %gather3A_2017 = tpu.vector_load_idx %arg12[%add3A_1992, %add3A_2016, %add3A_1989] : memref<2x64x128xf32, #tpu.memory_space<vmem>>[vector<16xi32>, vector<16xi32>, vector<16xi32>], vector<16xf32>,
      %add3A_2018 = arith.constant 8 : i32
      %add3A_2019 = vector.broadcast %add3A_2018 : i32 to vector<16xi32>
      %add3A_2020 = arith.addi %broadcast_in_dim3A_98, %add3A_2019 : vector<16xi32>
      tpu.vector_store_idx %arg14[%add3A_2020, %add3A_2016], %gather3A_2017 : memref<16x64xf32, #tpu.memory_space<vmem>>[vector<16xi32>, vector<16xi32>], vector<16xf32>,
      %slice3A_2021 = vector.extract_strided_slice %get3A_112 {offsets = [8], sizes = [1], strides = [1]} : vector<16xi32> to vector<1xi32>
      %squeeze3A_2022 = vector.extract %slice3A_2021[0] : i32 from vector<1xi32>
      %jit3A_2023 = arith.constant 128 : i32
      %eq3A_2024 = arith.constant 0 : i32
      %eq3A_2025 = arith.cmpi eq, %jit3A_2023, %eq3A_2024 : i32
      %jit3A_2026 = arith.constant 1 : i32
      %select_n3A_2027 = arith.select %eq3A_2025, %jit3A_2026, %jit3A_2023 : i32
      %rem3A_2028 = arith.remsi %squeeze3A_2022, %select_n3A_2027 : i32
      %ne3A_2029 = arith.constant 0 : i32
      %ne3A_2030 = arith.cmpi ne, %rem3A_2028, %ne3A_2029 : i32
      %lt3A_2031 = arith.constant 0 : i32
      %lt3A_2032 = arith.cmpi slt, %rem3A_2028, %lt3A_2031 : i32
      %lt3A_2033 = arith.constant 0 : i32
      %lt3A_2034 = arith.cmpi slt, %select_n3A_2027, %lt3A_2033 : i32
      %ne3A_2035 = arith.xori %lt3A_2032, %lt3A_2034 : i1
      %and3A_2036 = arith.andi %ne3A_2035, %ne3A_2030 : i1
      %add3A_2037 = arith.addi %rem3A_2028, %select_n3A_2027 : i32
      %select_n3A_2038 = arith.select %and3A_2036, %add3A_2037, %rem3A_2028 : i32
      %add3A_2039 = vector.broadcast %select_n3A_2038 : i32 to vector<16xi32>
      %add3A_2040 = arith.addi %broadcast_in_dim3A_98, %add3A_2039 : vector<16xi32>
      %add3A_2041 = arith.constant 0 : i32
      %add3A_2042 = vector.broadcast %add3A_2041 : i32 to vector<16xi32>
      %add3A_2043 = arith.addi %broadcast_in_dim3A_98, %add3A_2042 : vector<16xi32>
      %add3A_2044 = arith.constant 0 : i32
      %add3A_2045 = vector.broadcast %add3A_2044 : i32 to vector<16xi32>
      %add3A_2046 = arith.addi %add3A_2045, %iota3A : vector<16xi32>
      %gather3A_2047 = tpu.vector_load_idx %arg13[%add3A_2043, %add3A_2046, %add3A_2040] : memref<2x64x128xf32, #tpu.memory_space<vmem>>[vector<16xi32>, vector<16xi32>, vector<16xi32>], vector<16xf32>,
      %add3A_2048 = arith.constant 8 : i32
      %add3A_2049 = vector.broadcast %add3A_2048 : i32 to vector<16xi32>
      %add3A_2050 = arith.addi %broadcast_in_dim3A_98, %add3A_2049 : vector<16xi32>
      tpu.vector_store_idx %arg15[%add3A_2050, %add3A_2046], %gather3A_2047 : memref<16x64xf32, #tpu.memory_space<vmem>>[vector<16xi32>, vector<16xi32>], vector<16xf32>,
      %add3A_2051 = arith.constant 16 : i32
      %add3A_2052 = vector.broadcast %add3A_2051 : i32 to vector<16xi32>
      %add3A_2053 = arith.addi %add3A_2052, %iota3A : vector<16xi32>
      %gather3A_2054 = tpu.vector_load_idx %arg13[%add3A_2043, %add3A_2053, %add3A_2040] : memref<2x64x128xf32, #tpu.memory_space<vmem>>[vector<16xi32>, vector<16xi32>, vector<16xi32>], vector<16xf32>,
      %add3A_2055 = arith.constant 8 : i32
      %add3A_2056 = vector.broadcast %add3A_2055 : i32 to vector<16xi32>
      %add3A_2057 = arith.addi %broadcast_in_dim3A_98, %add3A_2056 : vector<16xi32>
      tpu.vector_store_idx %arg15[%add3A_2057, %add3A_2053], %gather3A_2054 : memref<16x64xf32, #tpu.memory_space<vmem>>[vector<16xi32>, vector<16xi32>], vector<16xf32>,
      %add3A_2058 = arith.constant 32 : i32
      %add3A_2059 = vector.broadcast %add3A_2058 : i32 to vector<16xi32>
      %add3A_2060 = arith.addi %add3A_2059, %iota3A : vector<16xi32>
      %gather3A_2061 = tpu.vector_load_idx %arg13[%add3A_2043, %add3A_2060, %add3A_2040] : memref<2x64x128xf32, #tpu.memory_space<vmem>>[vector<16xi32>, vector<16xi32>, vector<16xi32>], vector<16xf32>,
      %add3A_2062 = arith.constant 8 : i32
      %add3A_2063 = vector.broadcast %add3A_2062 : i32 to vector<16xi32>
      %add3A_2064 = arith.addi %broadcast_in_dim3A_98, %add3A_2063 : vector<16xi32>
      tpu.vector_store_idx %arg15[%add3A_2064, %add3A_2060], %gather3A_2061 : memref<16x64xf32, #tpu.memory_space<vmem>>[vector<16xi32>, vector<16xi32>], vector<16xf32>,
      %add3A_2065 = arith.constant 48 : i32
      %add3A_2066 = vector.broadcast %add3A_2065 : i32 to vector<16xi32>
      %add3A_2067 = arith.addi %add3A_2066, %iota3A : vector<16xi32>
      %gather3A_2068 = tpu.vector_load_idx %arg13[%add3A_2043, %add3A_2067, %add3A_2040] : memref<2x64x128xf32, #tpu.memory_space<vmem>>[vector<16xi32>, vector<16xi32>, vector<16xi32>], vector<16xf32>,
      %add3A_2069 = arith.constant 8 : i32
      %add3A_2070 = vector.broadcast %add3A_2069 : i32 to vector<16xi32>
      %add3A_2071 = arith.addi %broadcast_in_dim3A_98, %add3A_2070 : vector<16xi32>
      tpu.vector_store_idx %arg15[%add3A_2071, %add3A_2067], %gather3A_2068 : memref<16x64xf32, #tpu.memory_space<vmem>>[vector<16xi32>, vector<16xi32>], vector<16xf32>,
      %slice3A_2072 = vector.extract_strided_slice %get3A_108 {offsets = [10], sizes = [1], strides = [1]} : vector<16xi32> to vector<1xi32>
      %squeeze3A_2073 = vector.extract %slice3A_2072[0] : i32 from vector<1xi32>
      %jit3A_2074 = arith.constant 128 : i32
      %div3A_2075 = arith.divsi %squeeze3A_2073, %jit3A_2074 : i32
      %sign3A_2076 = arith.constant 0 : i32
      %sign3A_2077 = arith.cmpi sgt, %squeeze3A_2073, %sign3A_2076 : i32
      %sign3A_2078 = arith.extui %sign3A_2077 : i1 to i32
      %sign3A_2079 = arith.constant 0 : i32
      %sign3A_2080 = arith.cmpi slt, %squeeze3A_2073, %sign3A_2079 : i32
      %sign3A_2081 = arith.extui %sign3A_2080 : i1 to i32
      %sign3A_2082 = arith.subi %sign3A_2078, %sign3A_2081 : i32
      %sign3A_2083 = arith.constant 0 : i32
      %sign3A_2084 = arith.cmpi sgt, %jit3A_2074, %sign3A_2083 : i32
      %sign3A_2085 = arith.extui %sign3A_2084 : i1 to i32
      %sign3A_2086 = arith.constant 0 : i32
      %sign3A_2087 = arith.cmpi slt, %jit3A_2074, %sign3A_2086 : i32
      %sign3A_2088 = arith.extui %sign3A_2087 : i1 to i32
      %sign3A_2089 = arith.subi %sign3A_2085, %sign3A_2088 : i32
      %ne3A_2090 = arith.cmpi ne, %sign3A_2082, %sign3A_2089 : i32
      %rem3A_2091 = arith.remsi %squeeze3A_2073, %jit3A_2074 : i32
      %ne3A_2092 = arith.constant 0 : i32
      %ne3A_2093 = arith.cmpi ne, %rem3A_2091, %ne3A_2092 : i32
      %and3A_2094 = arith.andi %ne3A_2090, %ne3A_2093 : i1
      %sub3A_2095 = arith.constant 1 : i32
      %sub3A_2096 = arith.subi %div3A_2075, %sub3A_2095 : i32
      %select_n3A_2097 = arith.select %and3A_2094, %sub3A_2096, %div3A_2075 : i32
      %mul3A_2098 = arith.constant 128 : i32
      %mul3A_2099 = arith.muli %select_n3A_2097, %mul3A_2098 : i32
      %dma_start3A_2100 = arith.constant 0 : i32
      %dma_start3A_2101 = arith.constant 0 : i32
      %dma_start3A_2102 = arith.constant 0 : i32
      %dma_start3A_2103 = tpu.memref_slice %arg12[%dma_start3A_2100, %dma_start3A_2101, %dma_start3A_2102] : memref<2x64x128xf32, #tpu.memory_space<vmem>> -> memref<1x64x128xf32, #tpu.memory_space<vmem>>
      %dma_start3A_2104 = tpu.memref_squeeze %dma_start3A_2103 : memref<1x64x128xf32, #tpu.memory_space<vmem>> -> memref<64x128xf32, #tpu.memory_space<vmem>>
      %dma_start3A_2105 = arith.constant 0 : i32
      %dma_start3A_2106 = tpu.memref_slice %arg4[%dma_start3A_2105, %mul3A_2099] : memref<64x1000000xf32, #tpu.memory_space<hbm>> -> memref<64x128xf32, #tpu.memory_space<hbm>>
      %dma_start3A_2107 = arith.constant 0 : i32
      %dma_start3A_2108 = arith.constant 0 : i32
      %dma_start3A_2109 = tpu.memref_slice %arg12[%dma_start3A_2100, %dma_start3A_2107, %dma_start3A_2108] : memref<2x64x128xf32, #tpu.memory_space<vmem>> -> memref<1x64x128xf32, #tpu.memory_space<vmem>>
      %dma_start3A_2110 = tpu.memref_squeeze %dma_start3A_2109 : memref<1x64x128xf32, #tpu.memory_space<vmem>> -> memref<64x128xf32, #tpu.memory_space<vmem>>
      %dma_start3A_2111 = arith.constant 0 : i32
      %dma_start3A_2112 = tpu.memref_slice %arg4[%dma_start3A_2111, %mul3A_2099] : memref<64x1000000xf32, #tpu.memory_space<hbm>> -> memref<64x128xf32, #tpu.memory_space<hbm>>
      tpu.enqueue_dma source(%dma_start3A_2112 : memref<64x128xf32, #tpu.memory_space<hbm>>) target(%dma_start3A_2110 : memref<64x128xf32, #tpu.memory_space<vmem>>) target_semaphore(%arg20 : memref<!tpu.dma_semaphore, #tpu.memory_space<semaphore_mem>>)
      %slice3A_2113 = vector.extract_strided_slice %get3A_112 {offsets = [10], sizes = [1], strides = [1]} : vector<16xi32> to vector<1xi32>
      %squeeze3A_2114 = vector.extract %slice3A_2113[0] : i32 from vector<1xi32>
      %jit3A_2115 = arith.constant 128 : i32
      %div3A_2116 = arith.divsi %squeeze3A_2114, %jit3A_2115 : i32
      %sign3A_2117 = arith.constant 0 : i32
      %sign3A_2118 = arith.cmpi sgt, %squeeze3A_2114, %sign3A_2117 : i32
      %sign3A_2119 = arith.extui %sign3A_2118 : i1 to i32
      %sign3A_2120 = arith.constant 0 : i32
      %sign3A_2121 = arith.cmpi slt, %squeeze3A_2114, %sign3A_2120 : i32
      %sign3A_2122 = arith.extui %sign3A_2121 : i1 to i32
      %sign3A_2123 = arith.subi %sign3A_2119, %sign3A_2122 : i32
      %sign3A_2124 = arith.constant 0 : i32
      %sign3A_2125 = arith.cmpi sgt, %jit3A_2115, %sign3A_2124 : i32
      %sign3A_2126 = arith.extui %sign3A_2125 : i1 to i32
      %sign3A_2127 = arith.constant 0 : i32
      %sign3A_2128 = arith.cmpi slt, %jit3A_2115, %sign3A_2127 : i32
      %sign3A_2129 = arith.extui %sign3A_2128 : i1 to i32
      %sign3A_2130 = arith.subi %sign3A_2126, %sign3A_2129 : i32
      %ne3A_2131 = arith.cmpi ne, %sign3A_2123, %sign3A_2130 : i32
      %rem3A_2132 = arith.remsi %squeeze3A_2114, %jit3A_2115 : i32
      %ne3A_2133 = arith.constant 0 : i32
      %ne3A_2134 = arith.cmpi ne, %rem3A_2132, %ne3A_2133 : i32
      %and3A_2135 = arith.andi %ne3A_2131, %ne3A_2134 : i1
      %sub3A_2136 = arith.constant 1 : i32
      %sub3A_2137 = arith.subi %div3A_2116, %sub3A_2136 : i32
      %select_n3A_2138 = arith.select %and3A_2135, %sub3A_2137, %div3A_2116 : i32
      %mul3A_2139 = arith.constant 128 : i32
      %mul3A_2140 = arith.muli %select_n3A_2138, %mul3A_2139 : i32
      %dma_start3A_2141 = arith.constant 0 : i32
      %dma_start3A_2142 = arith.constant 0 : i32
      %dma_start3A_2143 = arith.constant 0 : i32
      %dma_start3A_2144 = tpu.memref_slice %arg13[%dma_start3A_2141, %dma_start3A_2142, %dma_start3A_2143] : memref<2x64x128xf32, #tpu.memory_space<vmem>> -> memref<1x64x128xf32, #tpu.memory_space<vmem>>
      %dma_start3A_2145 = tpu.memref_squeeze %dma_start3A_2144 : memref<1x64x128xf32, #tpu.memory_space<vmem>> -> memref<64x128xf32, #tpu.memory_space<vmem>>
      %dma_start3A_2146 = arith.constant 0 : i32
      %dma_start3A_2147 = tpu.memref_slice %arg5[%dma_start3A_2146, %mul3A_2140] : memref<64x1000000xf32, #tpu.memory_space<hbm>> -> memref<64x128xf32, #tpu.memory_space<hbm>>
      %dma_start3A_2148 = arith.constant 0 : i32
      %dma_start3A_2149 = arith.constant 0 : i32
      %dma_start3A_2150 = tpu.memref_slice %arg13[%dma_start3A_2141, %dma_start3A_2148, %dma_start3A_2149] : memref<2x64x128xf32, #tpu.memory_space<vmem>> -> memref<1x64x128xf32, #tpu.memory_space<vmem>>
      %dma_start3A_2151 = tpu.memref_squeeze %dma_start3A_2150 : memref<1x64x128xf32, #tpu.memory_space<vmem>> -> memref<64x128xf32, #tpu.memory_space<vmem>>
      %dma_start3A_2152 = arith.constant 0 : i32
      %dma_start3A_2153 = tpu.memref_slice %arg5[%dma_start3A_2152, %mul3A_2140] : memref<64x1000000xf32, #tpu.memory_space<hbm>> -> memref<64x128xf32, #tpu.memory_space<hbm>>
      tpu.enqueue_dma source(%dma_start3A_2153 : memref<64x128xf32, #tpu.memory_space<hbm>>) target(%dma_start3A_2151 : memref<64x128xf32, #tpu.memory_space<vmem>>) target_semaphore(%arg20 : memref<!tpu.dma_semaphore, #tpu.memory_space<semaphore_mem>>)
      %dma_wait3A_2154 = arith.constant 1 : i32
      %dma_wait3A_2155 = arith.constant 0 : i32
      %dma_wait3A_2156 = arith.constant 0 : i32
      %dma_wait3A_2157 = tpu.memref_slice %arg12[%dma_wait3A_2154, %dma_wait3A_2155, %dma_wait3A_2156] : memref<2x64x128xf32, #tpu.memory_space<vmem>> -> memref<1x64x128xf32, #tpu.memory_space<vmem>>
      %dma_wait3A_2158 = tpu.memref_squeeze %dma_wait3A_2157 : memref<1x64x128xf32, #tpu.memory_space<vmem>> -> memref<64x128xf32, #tpu.memory_space<vmem>>
      %dma_wait3A_2159 = arith.constant 0 : i32
      %dma_wait3A_2160 = tpu.memref_slice %arg4[%dma_wait3A_2159, %mul3A_1889] : memref<64x1000000xf32, #tpu.memory_space<hbm>> -> memref<64x128xf32, #tpu.memory_space<hbm>>
      %dma_wait3A_2161 = arith.constant 0 : i32
      %dma_wait3A_2162 = arith.constant 0 : i32
      %dma_wait3A_2163 = tpu.memref_slice %arg12[%dma_wait3A_2154, %dma_wait3A_2161, %dma_wait3A_2162] : memref<2x64x128xf32, #tpu.memory_space<vmem>> -> memref<1x64x128xf32, #tpu.memory_space<vmem>>
      %dma_wait3A_2164 = tpu.memref_squeeze %dma_wait3A_2163 : memref<1x64x128xf32, #tpu.memory_space<vmem>> -> memref<64x128xf32, #tpu.memory_space<vmem>>
      %dma_wait3A_2165 = arith.constant 0 : i32
      %dma_wait3A_2166 = tpu.memref_slice %arg4[%dma_wait3A_2165, %mul3A_1889] : memref<64x1000000xf32, #tpu.memory_space<hbm>> -> memref<64x128xf32, #tpu.memory_space<hbm>>
      tpu.wait_dma2 semaphore(%arg20 : memref<!tpu.dma_semaphore, #tpu.memory_space<semaphore_mem>>) src(%dma_wait3A_2166 : memref<64x128xf32, #tpu.memory_space<hbm>>) dst(%dma_wait3A_2164 : memref<64x128xf32, #tpu.memory_space<vmem>>)
      %dma_wait3A_2167 = arith.constant 1 : i32
      %dma_wait3A_2168 = arith.constant 0 : i32
      %dma_wait3A_2169 = arith.constant 0 : i32
      %dma_wait3A_2170 = tpu.memref_slice %arg13[%dma_wait3A_2167, %dma_wait3A_2168, %dma_wait3A_2169] : memref<2x64x128xf32, #tpu.memory_space<vmem>> -> memref<1x64x128xf32, #tpu.memory_space<vmem>>
      %dma_wait3A_2171 = tpu.memref_squeeze %dma_wait3A_2170 : memref<1x64x128xf32, #tpu.memory_space<vmem>> -> memref<64x128xf32, #tpu.memory_space<vmem>>
      %dma_wait3A_2172 = arith.constant 0 : i32
      %dma_wait3A_2173 = tpu.memref_slice %arg5[%dma_wait3A_2172, %mul3A_1930] : memref<64x1000000xf32, #tpu.memory_space<hbm>> -> memref<64x128xf32, #tpu.memory_space<hbm>>
      %dma_wait3A_2174 = arith.constant 0 : i32
      %dma_wait3A_2175 = arith.constant 0 : i32
      %dma_wait3A_2176 = tpu.memref_slice %arg13[%dma_wait3A_2167, %dma_wait3A_2174, %dma_wait3A_2175] : memref<2x64x128xf32, #tpu.memory_space<vmem>> -> memref<1x64x128xf32, #tpu.memory_space<vmem>>
      %dma_wait3A_2177 = tpu.memref_squeeze %dma_wait3A_2176 : memref<1x64x128xf32, #tpu.memory_space<vmem>> -> memref<64x128xf32, #tpu.memory_space<vmem>>
      %dma_wait3A_2178 = arith.constant 0 : i32
      %dma_wait3A_2179 = tpu.memref_slice %arg5[%dma_wait3A_2178, %mul3A_1930] : memref<64x1000000xf32, #tpu.memory_space<hbm>> -> memref<64x128xf32, #tpu.memory_space<hbm>>
      tpu.wait_dma2 semaphore(%arg20 : memref<!tpu.dma_semaphore, #tpu.memory_space<semaphore_mem>>) src(%dma_wait3A_2179 : memref<64x128xf32, #tpu.memory_space<hbm>>) dst(%dma_wait3A_2177 : memref<64x128xf32, #tpu.memory_space<vmem>>)
      %slice3A_2180 = vector.extract_strided_slice %get3A_108 {offsets = [9], sizes = [1], strides = [1]} : vector<16xi32> to vector<1xi32>
      %squeeze3A_2181 = vector.extract %slice3A_2180[0] : i32 from vector<1xi32>
      %jit3A_2182 = arith.constant 128 : i32
      %eq3A_2183 = arith.constant 0 : i32
      %eq3A_2184 = arith.cmpi eq, %jit3A_2182, %eq3A_2183 : i32
      %jit3A_2185 = arith.constant 1 : i32
      %select_n3A_2186 = arith.select %eq3A_2184, %jit3A_2185, %jit3A_2182 : i32
      %rem3A_2187 = arith.remsi %squeeze3A_2181, %select_n3A_2186 : i32
      %ne3A_2188 = arith.constant 0 : i32
      %ne3A_2189 = arith.cmpi ne, %rem3A_2187, %ne3A_2188 : i32
      %lt3A_2190 = arith.constant 0 : i32
      %lt3A_2191 = arith.cmpi slt, %rem3A_2187, %lt3A_2190 : i32
      %lt3A_2192 = arith.constant 0 : i32
      %lt3A_2193 = arith.cmpi slt, %select_n3A_2186, %lt3A_2192 : i32
      %ne3A_2194 = arith.xori %lt3A_2191, %lt3A_2193 : i1
      %and3A_2195 = arith.andi %ne3A_2194, %ne3A_2189 : i1
      %add3A_2196 = arith.addi %rem3A_2187, %select_n3A_2186 : i32
      %select_n3A_2197 = arith.select %and3A_2195, %add3A_2196, %rem3A_2187 : i32
      %add3A_2198 = vector.broadcast %select_n3A_2197 : i32 to vector<16xi32>
      %add3A_2199 = arith.addi %broadcast_in_dim3A_98, %add3A_2198 : vector<16xi32>
      %add3A_2200 = arith.constant 1 : i32
      %add3A_2201 = vector.broadcast %add3A_2200 : i32 to vector<16xi32>
      %add3A_2202 = arith.addi %broadcast_in_dim3A_98, %add3A_2201 : vector<16xi32>
      %add3A_2203 = arith.constant 0 : i32
      %add3A_2204 = vector.broadcast %add3A_2203 : i32 to vector<16xi32>
      %add3A_2205 = arith.addi %add3A_2204, %iota3A : vector<16xi32>
      %gather3A_2206 = tpu.vector_load_idx %arg12[%add3A_2202, %add3A_2205, %add3A_2199] : memref<2x64x128xf32, #tpu.memory_space<vmem>>[vector<16xi32>, vector<16xi32>, vector<16xi32>], vector<16xf32>,
      %add3A_2207 = arith.constant 9 : i32
      %add3A_2208 = vector.broadcast %add3A_2207 : i32 to vector<16xi32>
      %add3A_2209 = arith.addi %broadcast_in_dim3A_98, %add3A_2208 : vector<16xi32>
      tpu.vector_store_idx %arg14[%add3A_2209, %add3A_2205], %gather3A_2206 : memref<16x64xf32, #tpu.memory_space<vmem>>[vector<16xi32>, vector<16xi32>], vector<16xf32>,
      %add3A_2210 = arith.constant 16 : i32
      %add3A_2211 = vector.broadcast %add3A_2210 : i32 to vector<16xi32>
      %add3A_2212 = arith.addi %add3A_2211, %iota3A : vector<16xi32>
      %gather3A_2213 = tpu.vector_load_idx %arg12[%add3A_2202, %add3A_2212, %add3A_2199] : memref<2x64x128xf32, #tpu.memory_space<vmem>>[vector<16xi32>, vector<16xi32>, vector<16xi32>], vector<16xf32>,
      %add3A_2214 = arith.constant 9 : i32
      %add3A_2215 = vector.broadcast %add3A_2214 : i32 to vector<16xi32>
      %add3A_2216 = arith.addi %broadcast_in_dim3A_98, %add3A_2215 : vector<16xi32>
      tpu.vector_store_idx %arg14[%add3A_2216, %add3A_2212], %gather3A_2213 : memref<16x64xf32, #tpu.memory_space<vmem>>[vector<16xi32>, vector<16xi32>], vector<16xf32>,
      %add3A_2217 = arith.constant 32 : i32
      %add3A_2218 = vector.broadcast %add3A_2217 : i32 to vector<16xi32>
      %add3A_2219 = arith.addi %add3A_2218, %iota3A : vector<16xi32>
      %gather3A_2220 = tpu.vector_load_idx %arg12[%add3A_2202, %add3A_2219, %add3A_2199] : memref<2x64x128xf32, #tpu.memory_space<vmem>>[vector<16xi32>, vector<16xi32>, vector<16xi32>], vector<16xf32>,
      %add3A_2221 = arith.constant 9 : i32
      %add3A_2222 = vector.broadcast %add3A_2221 : i32 to vector<16xi32>
      %add3A_2223 = arith.addi %broadcast_in_dim3A_98, %add3A_2222 : vector<16xi32>
      tpu.vector_store_idx %arg14[%add3A_2223, %add3A_2219], %gather3A_2220 : memref<16x64xf32, #tpu.memory_space<vmem>>[vector<16xi32>, vector<16xi32>], vector<16xf32>,
      %add3A_2224 = arith.constant 48 : i32
      %add3A_2225 = vector.broadcast %add3A_2224 : i32 to vector<16xi32>
      %add3A_2226 = arith.addi %add3A_2225, %iota3A : vector<16xi32>
      %gather3A_2227 = tpu.vector_load_idx %arg12[%add3A_2202, %add3A_2226, %add3A_2199] : memref<2x64x128xf32, #tpu.memory_space<vmem>>[vector<16xi32>, vector<16xi32>, vector<16xi32>], vector<16xf32>,
      %add3A_2228 = arith.constant 9 : i32
      %add3A_2229 = vector.broadcast %add3A_2228 : i32 to vector<16xi32>
      %add3A_2230 = arith.addi %broadcast_in_dim3A_98, %add3A_2229 : vector<16xi32>
      tpu.vector_store_idx %arg14[%add3A_2230, %add3A_2226], %gather3A_2227 : memref<16x64xf32, #tpu.memory_space<vmem>>[vector<16xi32>, vector<16xi32>], vector<16xf32>,
      %slice3A_2231 = vector.extract_strided_slice %get3A_112 {offsets = [9], sizes = [1], strides = [1]} : vector<16xi32> to vector<1xi32>
      %squeeze3A_2232 = vector.extract %slice3A_2231[0] : i32 from vector<1xi32>
      %jit3A_2233 = arith.constant 128 : i32
      %eq3A_2234 = arith.constant 0 : i32
      %eq3A_2235 = arith.cmpi eq, %jit3A_2233, %eq3A_2234 : i32
      %jit3A_2236 = arith.constant 1 : i32
      %select_n3A_2237 = arith.select %eq3A_2235, %jit3A_2236, %jit3A_2233 : i32
      %rem3A_2238 = arith.remsi %squeeze3A_2232, %select_n3A_2237 : i32
      %ne3A_2239 = arith.constant 0 : i32
      %ne3A_2240 = arith.cmpi ne, %rem3A_2238, %ne3A_2239 : i32
      %lt3A_2241 = arith.constant 0 : i32
      %lt3A_2242 = arith.cmpi slt, %rem3A_2238, %lt3A_2241 : i32
      %lt3A_2243 = arith.constant 0 : i32
      %lt3A_2244 = arith.cmpi slt, %select_n3A_2237, %lt3A_2243 : i32
      %ne3A_2245 = arith.xori %lt3A_2242, %lt3A_2244 : i1
      %and3A_2246 = arith.andi %ne3A_2245, %ne3A_2240 : i1
      %add3A_2247 = arith.addi %rem3A_2238, %select_n3A_2237 : i32
      %select_n3A_2248 = arith.select %and3A_2246, %add3A_2247, %rem3A_2238 : i32
      %add3A_2249 = vector.broadcast %select_n3A_2248 : i32 to vector<16xi32>
      %add3A_2250 = arith.addi %broadcast_in_dim3A_98, %add3A_2249 : vector<16xi32>
      %add3A_2251 = arith.constant 1 : i32
      %add3A_2252 = vector.broadcast %add3A_2251 : i32 to vector<16xi32>
      %add3A_2253 = arith.addi %broadcast_in_dim3A_98, %add3A_2252 : vector<16xi32>
      %add3A_2254 = arith.constant 0 : i32
      %add3A_2255 = vector.broadcast %add3A_2254 : i32 to vector<16xi32>
      %add3A_2256 = arith.addi %add3A_2255, %iota3A : vector<16xi32>
      %gather3A_2257 = tpu.vector_load_idx %arg13[%add3A_2253, %add3A_2256, %add3A_2250] : memref<2x64x128xf32, #tpu.memory_space<vmem>>[vector<16xi32>, vector<16xi32>, vector<16xi32>], vector<16xf32>,
      %add3A_2258 = arith.constant 9 : i32
      %add3A_2259 = vector.broadcast %add3A_2258 : i32 to vector<16xi32>
      %add3A_2260 = arith.addi %broadcast_in_dim3A_98, %add3A_2259 : vector<16xi32>
      tpu.vector_store_idx %arg15[%add3A_2260, %add3A_2256], %gather3A_2257 : memref<16x64xf32, #tpu.memory_space<vmem>>[vector<16xi32>, vector<16xi32>], vector<16xf32>,
      %add3A_2261 = arith.constant 16 : i32
      %add3A_2262 = vector.broadcast %add3A_2261 : i32 to vector<16xi32>
      %add3A_2263 = arith.addi %add3A_2262, %iota3A : vector<16xi32>
      %gather3A_2264 = tpu.vector_load_idx %arg13[%add3A_2253, %add3A_2263, %add3A_2250] : memref<2x64x128xf32, #tpu.memory_space<vmem>>[vector<16xi32>, vector<16xi32>, vector<16xi32>], vector<16xf32>,
      %add3A_2265 = arith.constant 9 : i32
      %add3A_2266 = vector.broadcast %add3A_2265 : i32 to vector<16xi32>
      %add3A_2267 = arith.addi %broadcast_in_dim3A_98, %add3A_2266 : vector<16xi32>
      tpu.vector_store_idx %arg15[%add3A_2267, %add3A_2263], %gather3A_2264 : memref<16x64xf32, #tpu.memory_space<vmem>>[vector<16xi32>, vector<16xi32>], vector<16xf32>,
      %add3A_2268 = arith.constant 32 : i32
      %add3A_2269 = vector.broadcast %add3A_2268 : i32 to vector<16xi32>
      %add3A_2270 = arith.addi %add3A_2269, %iota3A : vector<16xi32>
      %gather3A_2271 = tpu.vector_load_idx %arg13[%add3A_2253, %add3A_2270, %add3A_2250] : memref<2x64x128xf32, #tpu.memory_space<vmem>>[vector<16xi32>, vector<16xi32>, vector<16xi32>], vector<16xf32>,
      %add3A_2272 = arith.constant 9 : i32
      %add3A_2273 = vector.broadcast %add3A_2272 : i32 to vector<16xi32>
      %add3A_2274 = arith.addi %broadcast_in_dim3A_98, %add3A_2273 : vector<16xi32>
      tpu.vector_store_idx %arg15[%add3A_2274, %add3A_2270], %gather3A_2271 : memref<16x64xf32, #tpu.memory_space<vmem>>[vector<16xi32>, vector<16xi32>], vector<16xf32>,
      %add3A_2275 = arith.constant 48 : i32
      %add3A_2276 = vector.broadcast %add3A_2275 : i32 to vector<16xi32>
      %add3A_2277 = arith.addi %add3A_2276, %iota3A : vector<16xi32>
      %gather3A_2278 = tpu.vector_load_idx %arg13[%add3A_2253, %add3A_2277, %add3A_2250] : memref<2x64x128xf32, #tpu.memory_space<vmem>>[vector<16xi32>, vector<16xi32>, vector<16xi32>], vector<16xf32>,
      %add3A_2279 = arith.constant 9 : i32
      %add3A_2280 = vector.broadcast %add3A_2279 : i32 to vector<16xi32>
      %add3A_2281 = arith.addi %broadcast_in_dim3A_98, %add3A_2280 : vector<16xi32>
      tpu.vector_store_idx %arg15[%add3A_2281, %add3A_2277], %gather3A_2278 : memref<16x64xf32, #tpu.memory_space<vmem>>[vector<16xi32>, vector<16xi32>], vector<16xf32>,
      %slice3A_2282 = vector.extract_strided_slice %get3A_108 {offsets = [11], sizes = [1], strides = [1]} : vector<16xi32> to vector<1xi32>
      %squeeze3A_2283 = vector.extract %slice3A_2282[0] : i32 from vector<1xi32>
      %jit3A_2284 = arith.constant 128 : i32
      %div3A_2285 = arith.divsi %squeeze3A_2283, %jit3A_2284 : i32
      %sign3A_2286 = arith.constant 0 : i32
      %sign3A_2287 = arith.cmpi sgt, %squeeze3A_2283, %sign3A_2286 : i32
      %sign3A_2288 = arith.extui %sign3A_2287 : i1 to i32
      %sign3A_2289 = arith.constant 0 : i32
      %sign3A_2290 = arith.cmpi slt, %squeeze3A_2283, %sign3A_2289 : i32
      %sign3A_2291 = arith.extui %sign3A_2290 : i1 to i32
      %sign3A_2292 = arith.subi %sign3A_2288, %sign3A_2291 : i32
      %sign3A_2293 = arith.constant 0 : i32
      %sign3A_2294 = arith.cmpi sgt, %jit3A_2284, %sign3A_2293 : i32
      %sign3A_2295 = arith.extui %sign3A_2294 : i1 to i32
      %sign3A_2296 = arith.constant 0 : i32
      %sign3A_2297 = arith.cmpi slt, %jit3A_2284, %sign3A_2296 : i32
      %sign3A_2298 = arith.extui %sign3A_2297 : i1 to i32
      %sign3A_2299 = arith.subi %sign3A_2295, %sign3A_2298 : i32
      %ne3A_2300 = arith.cmpi ne, %sign3A_2292, %sign3A_2299 : i32
      %rem3A_2301 = arith.remsi %squeeze3A_2283, %jit3A_2284 : i32
      %ne3A_2302 = arith.constant 0 : i32
      %ne3A_2303 = arith.cmpi ne, %rem3A_2301, %ne3A_2302 : i32
      %and3A_2304 = arith.andi %ne3A_2300, %ne3A_2303 : i1
      %sub3A_2305 = arith.constant 1 : i32
      %sub3A_2306 = arith.subi %div3A_2285, %sub3A_2305 : i32
      %select_n3A_2307 = arith.select %and3A_2304, %sub3A_2306, %div3A_2285 : i32
      %mul3A_2308 = arith.constant 128 : i32
      %mul3A_2309 = arith.muli %select_n3A_2307, %mul3A_2308 : i32
      %dma_start3A_2310 = arith.constant 1 : i32
      %dma_start3A_2311 = arith.constant 0 : i32
      %dma_start3A_2312 = arith.constant 0 : i32
      %dma_start3A_2313 = tpu.memref_slice %arg12[%dma_start3A_2310, %dma_start3A_2311, %dma_start3A_2312] : memref<2x64x128xf32, #tpu.memory_space<vmem>> -> memref<1x64x128xf32, #tpu.memory_space<vmem>>
      %dma_start3A_2314 = tpu.memref_squeeze %dma_start3A_2313 : memref<1x64x128xf32, #tpu.memory_space<vmem>> -> memref<64x128xf32, #tpu.memory_space<vmem>>
      %dma_start3A_2315 = arith.constant 0 : i32
      %dma_start3A_2316 = tpu.memref_slice %arg4[%dma_start3A_2315, %mul3A_2309] : memref<64x1000000xf32, #tpu.memory_space<hbm>> -> memref<64x128xf32, #tpu.memory_space<hbm>>
      %dma_start3A_2317 = arith.constant 0 : i32
      %dma_start3A_2318 = arith.constant 0 : i32
      %dma_start3A_2319 = tpu.memref_slice %arg12[%dma_start3A_2310, %dma_start3A_2317, %dma_start3A_2318] : memref<2x64x128xf32, #tpu.memory_space<vmem>> -> memref<1x64x128xf32, #tpu.memory_space<vmem>>
      %dma_start3A_2320 = tpu.memref_squeeze %dma_start3A_2319 : memref<1x64x128xf32, #tpu.memory_space<vmem>> -> memref<64x128xf32, #tpu.memory_space<vmem>>
      %dma_start3A_2321 = arith.constant 0 : i32
      %dma_start3A_2322 = tpu.memref_slice %arg4[%dma_start3A_2321, %mul3A_2309] : memref<64x1000000xf32, #tpu.memory_space<hbm>> -> memref<64x128xf32, #tpu.memory_space<hbm>>
      tpu.enqueue_dma source(%dma_start3A_2322 : memref<64x128xf32, #tpu.memory_space<hbm>>) target(%dma_start3A_2320 : memref<64x128xf32, #tpu.memory_space<vmem>>) target_semaphore(%arg20 : memref<!tpu.dma_semaphore, #tpu.memory_space<semaphore_mem>>)
      %slice3A_2323 = vector.extract_strided_slice %get3A_112 {offsets = [11], sizes = [1], strides = [1]} : vector<16xi32> to vector<1xi32>
      %squeeze3A_2324 = vector.extract %slice3A_2323[0] : i32 from vector<1xi32>
      %jit3A_2325 = arith.constant 128 : i32
      %div3A_2326 = arith.divsi %squeeze3A_2324, %jit3A_2325 : i32
      %sign3A_2327 = arith.constant 0 : i32
      %sign3A_2328 = arith.cmpi sgt, %squeeze3A_2324, %sign3A_2327 : i32
      %sign3A_2329 = arith.extui %sign3A_2328 : i1 to i32
      %sign3A_2330 = arith.constant 0 : i32
      %sign3A_2331 = arith.cmpi slt, %squeeze3A_2324, %sign3A_2330 : i32
      %sign3A_2332 = arith.extui %sign3A_2331 : i1 to i32
      %sign3A_2333 = arith.subi %sign3A_2329, %sign3A_2332 : i32
      %sign3A_2334 = arith.constant 0 : i32
      %sign3A_2335 = arith.cmpi sgt, %jit3A_2325, %sign3A_2334 : i32
      %sign3A_2336 = arith.extui %sign3A_2335 : i1 to i32
      %sign3A_2337 = arith.constant 0 : i32
      %sign3A_2338 = arith.cmpi slt, %jit3A_2325, %sign3A_2337 : i32
      %sign3A_2339 = arith.extui %sign3A_2338 : i1 to i32
      %sign3A_2340 = arith.subi %sign3A_2336, %sign3A_2339 : i32
      %ne3A_2341 = arith.cmpi ne, %sign3A_2333, %sign3A_2340 : i32
      %rem3A_2342 = arith.remsi %squeeze3A_2324, %jit3A_2325 : i32
      %ne3A_2343 = arith.constant 0 : i32
      %ne3A_2344 = arith.cmpi ne, %rem3A_2342, %ne3A_2343 : i32
      %and3A_2345 = arith.andi %ne3A_2341, %ne3A_2344 : i1
      %sub3A_2346 = arith.constant 1 : i32
      %sub3A_2347 = arith.subi %div3A_2326, %sub3A_2346 : i32
      %select_n3A_2348 = arith.select %and3A_2345, %sub3A_2347, %div3A_2326 : i32
      %mul3A_2349 = arith.constant 128 : i32
      %mul3A_2350 = arith.muli %select_n3A_2348, %mul3A_2349 : i32
      %dma_start3A_2351 = arith.constant 1 : i32
      %dma_start3A_2352 = arith.constant 0 : i32
      %dma_start3A_2353 = arith.constant 0 : i32
      %dma_start3A_2354 = tpu.memref_slice %arg13[%dma_start3A_2351, %dma_start3A_2352, %dma_start3A_2353] : memref<2x64x128xf32, #tpu.memory_space<vmem>> -> memref<1x64x128xf32, #tpu.memory_space<vmem>>
      %dma_start3A_2355 = tpu.memref_squeeze %dma_start3A_2354 : memref<1x64x128xf32, #tpu.memory_space<vmem>> -> memref<64x128xf32, #tpu.memory_space<vmem>>
      %dma_start3A_2356 = arith.constant 0 : i32
      %dma_start3A_2357 = tpu.memref_slice %arg5[%dma_start3A_2356, %mul3A_2350] : memref<64x1000000xf32, #tpu.memory_space<hbm>> -> memref<64x128xf32, #tpu.memory_space<hbm>>
      %dma_start3A_2358 = arith.constant 0 : i32
      %dma_start3A_2359 = arith.constant 0 : i32
      %dma_start3A_2360 = tpu.memref_slice %arg13[%dma_start3A_2351, %dma_start3A_2358, %dma_start3A_2359] : memref<2x64x128xf32, #tpu.memory_space<vmem>> -> memref<1x64x128xf32, #tpu.memory_space<vmem>>
      %dma_start3A_2361 = tpu.memref_squeeze %dma_start3A_2360 : memref<1x64x128xf32, #tpu.memory_space<vmem>> -> memref<64x128xf32, #tpu.memory_space<vmem>>
      %dma_start3A_2362 = arith.constant 0 : i32
      %dma_start3A_2363 = tpu.memref_slice %arg5[%dma_start3A_2362, %mul3A_2350] : memref<64x1000000xf32, #tpu.memory_space<hbm>> -> memref<64x128xf32, #tpu.memory_space<hbm>>
      tpu.enqueue_dma source(%dma_start3A_2363 : memref<64x128xf32, #tpu.memory_space<hbm>>) target(%dma_start3A_2361 : memref<64x128xf32, #tpu.memory_space<vmem>>) target_semaphore(%arg20 : memref<!tpu.dma_semaphore, #tpu.memory_space<semaphore_mem>>)
      %dma_wait3A_2364 = arith.constant 0 : i32
      %dma_wait3A_2365 = arith.constant 0 : i32
      %dma_wait3A_2366 = arith.constant 0 : i32
      %dma_wait3A_2367 = tpu.memref_slice %arg12[%dma_wait3A_2364, %dma_wait3A_2365, %dma_wait3A_2366] : memref<2x64x128xf32, #tpu.memory_space<vmem>> -> memref<1x64x128xf32, #tpu.memory_space<vmem>>
      %dma_wait3A_2368 = tpu.memref_squeeze %dma_wait3A_2367 : memref<1x64x128xf32, #tpu.memory_space<vmem>> -> memref<64x128xf32, #tpu.memory_space<vmem>>
      %dma_wait3A_2369 = arith.constant 0 : i32
      %dma_wait3A_2370 = tpu.memref_slice %arg4[%dma_wait3A_2369, %mul3A_2099] : memref<64x1000000xf32, #tpu.memory_space<hbm>> -> memref<64x128xf32, #tpu.memory_space<hbm>>
      %dma_wait3A_2371 = arith.constant 0 : i32
      %dma_wait3A_2372 = arith.constant 0 : i32
      %dma_wait3A_2373 = tpu.memref_slice %arg12[%dma_wait3A_2364, %dma_wait3A_2371, %dma_wait3A_2372] : memref<2x64x128xf32, #tpu.memory_space<vmem>> -> memref<1x64x128xf32, #tpu.memory_space<vmem>>
      %dma_wait3A_2374 = tpu.memref_squeeze %dma_wait3A_2373 : memref<1x64x128xf32, #tpu.memory_space<vmem>> -> memref<64x128xf32, #tpu.memory_space<vmem>>
      %dma_wait3A_2375 = arith.constant 0 : i32
      %dma_wait3A_2376 = tpu.memref_slice %arg4[%dma_wait3A_2375, %mul3A_2099] : memref<64x1000000xf32, #tpu.memory_space<hbm>> -> memref<64x128xf32, #tpu.memory_space<hbm>>
      tpu.wait_dma2 semaphore(%arg20 : memref<!tpu.dma_semaphore, #tpu.memory_space<semaphore_mem>>) src(%dma_wait3A_2376 : memref<64x128xf32, #tpu.memory_space<hbm>>) dst(%dma_wait3A_2374 : memref<64x128xf32, #tpu.memory_space<vmem>>)
      %dma_wait3A_2377 = arith.constant 0 : i32
      %dma_wait3A_2378 = arith.constant 0 : i32
      %dma_wait3A_2379 = arith.constant 0 : i32
      %dma_wait3A_2380 = tpu.memref_slice %arg13[%dma_wait3A_2377, %dma_wait3A_2378, %dma_wait3A_2379] : memref<2x64x128xf32, #tpu.memory_space<vmem>> -> memref<1x64x128xf32, #tpu.memory_space<vmem>>
      %dma_wait3A_2381 = tpu.memref_squeeze %dma_wait3A_2380 : memref<1x64x128xf32, #tpu.memory_space<vmem>> -> memref<64x128xf32, #tpu.memory_space<vmem>>
      %dma_wait3A_2382 = arith.constant 0 : i32
      %dma_wait3A_2383 = tpu.memref_slice %arg5[%dma_wait3A_2382, %mul3A_2140] : memref<64x1000000xf32, #tpu.memory_space<hbm>> -> memref<64x128xf32, #tpu.memory_space<hbm>>
      %dma_wait3A_2384 = arith.constant 0 : i32
      %dma_wait3A_2385 = arith.constant 0 : i32
      %dma_wait3A_2386 = tpu.memref_slice %arg13[%dma_wait3A_2377, %dma_wait3A_2384, %dma_wait3A_2385] : memref<2x64x128xf32, #tpu.memory_space<vmem>> -> memref<1x64x128xf32, #tpu.memory_space<vmem>>
      %dma_wait3A_2387 = tpu.memref_squeeze %dma_wait3A_2386 : memref<1x64x128xf32, #tpu.memory_space<vmem>> -> memref<64x128xf32, #tpu.memory_space<vmem>>
      %dma_wait3A_2388 = arith.constant 0 : i32
      %dma_wait3A_2389 = tpu.memref_slice %arg5[%dma_wait3A_2388, %mul3A_2140] : memref<64x1000000xf32, #tpu.memory_space<hbm>> -> memref<64x128xf32, #tpu.memory_space<hbm>>
      tpu.wait_dma2 semaphore(%arg20 : memref<!tpu.dma_semaphore, #tpu.memory_space<semaphore_mem>>) src(%dma_wait3A_2389 : memref<64x128xf32, #tpu.memory_space<hbm>>) dst(%dma_wait3A_2387 : memref<64x128xf32, #tpu.memory_space<vmem>>)
      %slice3A_2390 = vector.extract_strided_slice %get3A_108 {offsets = [10], sizes = [1], strides = [1]} : vector<16xi32> to vector<1xi32>
      %squeeze3A_2391 = vector.extract %slice3A_2390[0] : i32 from vector<1xi32>
      %jit3A_2392 = arith.constant 128 : i32
      %eq3A_2393 = arith.constant 0 : i32
      %eq3A_2394 = arith.cmpi eq, %jit3A_2392, %eq3A_2393 : i32
      %jit3A_2395 = arith.constant 1 : i32
      %select_n3A_2396 = arith.select %eq3A_2394, %jit3A_2395, %jit3A_2392 : i32
      %rem3A_2397 = arith.remsi %squeeze3A_2391, %select_n3A_2396 : i32
      %ne3A_2398 = arith.constant 0 : i32
      %ne3A_2399 = arith.cmpi ne, %rem3A_2397, %ne3A_2398 : i32
      %lt3A_2400 = arith.constant 0 : i32
      %lt3A_2401 = arith.cmpi slt, %rem3A_2397, %lt3A_2400 : i32
      %lt3A_2402 = arith.constant 0 : i32
      %lt3A_2403 = arith.cmpi slt, %select_n3A_2396, %lt3A_2402 : i32
      %ne3A_2404 = arith.xori %lt3A_2401, %lt3A_2403 : i1
      %and3A_2405 = arith.andi %ne3A_2404, %ne3A_2399 : i1
      %add3A_2406 = arith.addi %rem3A_2397, %select_n3A_2396 : i32
      %select_n3A_2407 = arith.select %and3A_2405, %add3A_2406, %rem3A_2397 : i32
      %add3A_2408 = vector.broadcast %select_n3A_2407 : i32 to vector<16xi32>
      %add3A_2409 = arith.addi %broadcast_in_dim3A_98, %add3A_2408 : vector<16xi32>
      %add3A_2410 = arith.constant 0 : i32
      %add3A_2411 = vector.broadcast %add3A_2410 : i32 to vector<16xi32>
      %add3A_2412 = arith.addi %broadcast_in_dim3A_98, %add3A_2411 : vector<16xi32>
      %add3A_2413 = arith.constant 0 : i32
      %add3A_2414 = vector.broadcast %add3A_2413 : i32 to vector<16xi32>
      %add3A_2415 = arith.addi %add3A_2414, %iota3A : vector<16xi32>
      %gather3A_2416 = tpu.vector_load_idx %arg12[%add3A_2412, %add3A_2415, %add3A_2409] : memref<2x64x128xf32, #tpu.memory_space<vmem>>[vector<16xi32>, vector<16xi32>, vector<16xi32>], vector<16xf32>,
      %add3A_2417 = arith.constant 10 : i32
      %add3A_2418 = vector.broadcast %add3A_2417 : i32 to vector<16xi32>
      %add3A_2419 = arith.addi %broadcast_in_dim3A_98, %add3A_2418 : vector<16xi32>
      tpu.vector_store_idx %arg14[%add3A_2419, %add3A_2415], %gather3A_2416 : memref<16x64xf32, #tpu.memory_space<vmem>>[vector<16xi32>, vector<16xi32>], vector<16xf32>,
      %add3A_2420 = arith.constant 16 : i32
      %add3A_2421 = vector.broadcast %add3A_2420 : i32 to vector<16xi32>
      %add3A_2422 = arith.addi %add3A_2421, %iota3A : vector<16xi32>
      %gather3A_2423 = tpu.vector_load_idx %arg12[%add3A_2412, %add3A_2422, %add3A_2409] : memref<2x64x128xf32, #tpu.memory_space<vmem>>[vector<16xi32>, vector<16xi32>, vector<16xi32>], vector<16xf32>,
      %add3A_2424 = arith.constant 10 : i32
      %add3A_2425 = vector.broadcast %add3A_2424 : i32 to vector<16xi32>
      %add3A_2426 = arith.addi %broadcast_in_dim3A_98, %add3A_2425 : vector<16xi32>
      tpu.vector_store_idx %arg14[%add3A_2426, %add3A_2422], %gather3A_2423 : memref<16x64xf32, #tpu.memory_space<vmem>>[vector<16xi32>, vector<16xi32>], vector<16xf32>,
      %add3A_2427 = arith.constant 32 : i32
      %add3A_2428 = vector.broadcast %add3A_2427 : i32 to vector<16xi32>
      %add3A_2429 = arith.addi %add3A_2428, %iota3A : vector<16xi32>
      %gather3A_2430 = tpu.vector_load_idx %arg12[%add3A_2412, %add3A_2429, %add3A_2409] : memref<2x64x128xf32, #tpu.memory_space<vmem>>[vector<16xi32>, vector<16xi32>, vector<16xi32>], vector<16xf32>,
      %add3A_2431 = arith.constant 10 : i32
      %add3A_2432 = vector.broadcast %add3A_2431 : i32 to vector<16xi32>
      %add3A_2433 = arith.addi %broadcast_in_dim3A_98, %add3A_2432 : vector<16xi32>
      tpu.vector_store_idx %arg14[%add3A_2433, %add3A_2429], %gather3A_2430 : memref<16x64xf32, #tpu.memory_space<vmem>>[vector<16xi32>, vector<16xi32>], vector<16xf32>,
      %add3A_2434 = arith.constant 48 : i32
      %add3A_2435 = vector.broadcast %add3A_2434 : i32 to vector<16xi32>
      %add3A_2436 = arith.addi %add3A_2435, %iota3A : vector<16xi32>
      %gather3A_2437 = tpu.vector_load_idx %arg12[%add3A_2412, %add3A_2436, %add3A_2409] : memref<2x64x128xf32, #tpu.memory_space<vmem>>[vector<16xi32>, vector<16xi32>, vector<16xi32>], vector<16xf32>,
      %add3A_2438 = arith.constant 10 : i32
      %add3A_2439 = vector.broadcast %add3A_2438 : i32 to vector<16xi32>
      %add3A_2440 = arith.addi %broadcast_in_dim3A_98, %add3A_2439 : vector<16xi32>
      tpu.vector_store_idx %arg14[%add3A_2440, %add3A_2436], %gather3A_2437 : memref<16x64xf32, #tpu.memory_space<vmem>>[vector<16xi32>, vector<16xi32>], vector<16xf32>,
      %slice3A_2441 = vector.extract_strided_slice %get3A_112 {offsets = [10], sizes = [1], strides = [1]} : vector<16xi32> to vector<1xi32>
      %squeeze3A_2442 = vector.extract %slice3A_2441[0] : i32 from vector<1xi32>
      %jit3A_2443 = arith.constant 128 : i32
      %eq3A_2444 = arith.constant 0 : i32
      %eq3A_2445 = arith.cmpi eq, %jit3A_2443, %eq3A_2444 : i32
      %jit3A_2446 = arith.constant 1 : i32
      %select_n3A_2447 = arith.select %eq3A_2445, %jit3A_2446, %jit3A_2443 : i32
      %rem3A_2448 = arith.remsi %squeeze3A_2442, %select_n3A_2447 : i32
      %ne3A_2449 = arith.constant 0 : i32
      %ne3A_2450 = arith.cmpi ne, %rem3A_2448, %ne3A_2449 : i32
      %lt3A_2451 = arith.constant 0 : i32
      %lt3A_2452 = arith.cmpi slt, %rem3A_2448, %lt3A_2451 : i32
      %lt3A_2453 = arith.constant 0 : i32
      %lt3A_2454 = arith.cmpi slt, %select_n3A_2447, %lt3A_2453 : i32
      %ne3A_2455 = arith.xori %lt3A_2452, %lt3A_2454 : i1
      %and3A_2456 = arith.andi %ne3A_2455, %ne3A_2450 : i1
      %add3A_2457 = arith.addi %rem3A_2448, %select_n3A_2447 : i32
      %select_n3A_2458 = arith.select %and3A_2456, %add3A_2457, %rem3A_2448 : i32
      %add3A_2459 = vector.broadcast %select_n3A_2458 : i32 to vector<16xi32>
      %add3A_2460 = arith.addi %broadcast_in_dim3A_98, %add3A_2459 : vector<16xi32>
      %add3A_2461 = arith.constant 0 : i32
      %add3A_2462 = vector.broadcast %add3A_2461 : i32 to vector<16xi32>
      %add3A_2463 = arith.addi %broadcast_in_dim3A_98, %add3A_2462 : vector<16xi32>
      %add3A_2464 = arith.constant 0 : i32
      %add3A_2465 = vector.broadcast %add3A_2464 : i32 to vector<16xi32>
      %add3A_2466 = arith.addi %add3A_2465, %iota3A : vector<16xi32>
      %gather3A_2467 = tpu.vector_load_idx %arg13[%add3A_2463, %add3A_2466, %add3A_2460] : memref<2x64x128xf32, #tpu.memory_space<vmem>>[vector<16xi32>, vector<16xi32>, vector<16xi32>], vector<16xf32>,
      %add3A_2468 = arith.constant 10 : i32
      %add3A_2469 = vector.broadcast %add3A_2468 : i32 to vector<16xi32>
      %add3A_2470 = arith.addi %broadcast_in_dim3A_98, %add3A_2469 : vector<16xi32>
      tpu.vector_store_idx %arg15[%add3A_2470, %add3A_2466], %gather3A_2467 : memref<16x64xf32, #tpu.memory_space<vmem>>[vector<16xi32>, vector<16xi32>], vector<16xf32>,
      %add3A_2471 = arith.constant 16 : i32
      %add3A_2472 = vector.broadcast %add3A_2471 : i32 to vector<16xi32>
      %add3A_2473 = arith.addi %add3A_2472, %iota3A : vector<16xi32>
      %gather3A_2474 = tpu.vector_load_idx %arg13[%add3A_2463, %add3A_2473, %add3A_2460] : memref<2x64x128xf32, #tpu.memory_space<vmem>>[vector<16xi32>, vector<16xi32>, vector<16xi32>], vector<16xf32>,
      %add3A_2475 = arith.constant 10 : i32
      %add3A_2476 = vector.broadcast %add3A_2475 : i32 to vector<16xi32>
      %add3A_2477 = arith.addi %broadcast_in_dim3A_98, %add3A_2476 : vector<16xi32>
      tpu.vector_store_idx %arg15[%add3A_2477, %add3A_2473], %gather3A_2474 : memref<16x64xf32, #tpu.memory_space<vmem>>[vector<16xi32>, vector<16xi32>], vector<16xf32>,
      %add3A_2478 = arith.constant 32 : i32
      %add3A_2479 = vector.broadcast %add3A_2478 : i32 to vector<16xi32>
      %add3A_2480 = arith.addi %add3A_2479, %iota3A : vector<16xi32>
      %gather3A_2481 = tpu.vector_load_idx %arg13[%add3A_2463, %add3A_2480, %add3A_2460] : memref<2x64x128xf32, #tpu.memory_space<vmem>>[vector<16xi32>, vector<16xi32>, vector<16xi32>], vector<16xf32>,
      %add3A_2482 = arith.constant 10 : i32
      %add3A_2483 = vector.broadcast %add3A_2482 : i32 to vector<16xi32>
      %add3A_2484 = arith.addi %broadcast_in_dim3A_98, %add3A_2483 : vector<16xi32>
      tpu.vector_store_idx %arg15[%add3A_2484, %add3A_2480], %gather3A_2481 : memref<16x64xf32, #tpu.memory_space<vmem>>[vector<16xi32>, vector<16xi32>], vector<16xf32>,
      %add3A_2485 = arith.constant 48 : i32
      %add3A_2486 = vector.broadcast %add3A_2485 : i32 to vector<16xi32>
      %add3A_2487 = arith.addi %add3A_2486, %iota3A : vector<16xi32>
      %gather3A_2488 = tpu.vector_load_idx %arg13[%add3A_2463, %add3A_2487, %add3A_2460] : memref<2x64x128xf32, #tpu.memory_space<vmem>>[vector<16xi32>, vector<16xi32>, vector<16xi32>], vector<16xf32>,
      %add3A_2489 = arith.constant 10 : i32
      %add3A_2490 = vector.broadcast %add3A_2489 : i32 to vector<16xi32>
      %add3A_2491 = arith.addi %broadcast_in_dim3A_98, %add3A_2490 : vector<16xi32>
      tpu.vector_store_idx %arg15[%add3A_2491, %add3A_2487], %gather3A_2488 : memref<16x64xf32, #tpu.memory_space<vmem>>[vector<16xi32>, vector<16xi32>], vector<16xf32>,
      %slice3A_2492 = vector.extract_strided_slice %get3A_108 {offsets = [12], sizes = [1], strides = [1]} : vector<16xi32> to vector<1xi32>
      %squeeze3A_2493 = vector.extract %slice3A_2492[0] : i32 from vector<1xi32>
      %jit3A_2494 = arith.constant 128 : i32
      %div3A_2495 = arith.divsi %squeeze3A_2493, %jit3A_2494 : i32
      %sign3A_2496 = arith.constant 0 : i32
      %sign3A_2497 = arith.cmpi sgt, %squeeze3A_2493, %sign3A_2496 : i32
      %sign3A_2498 = arith.extui %sign3A_2497 : i1 to i32
      %sign3A_2499 = arith.constant 0 : i32
      %sign3A_2500 = arith.cmpi slt, %squeeze3A_2493, %sign3A_2499 : i32
      %sign3A_2501 = arith.extui %sign3A_2500 : i1 to i32
      %sign3A_2502 = arith.subi %sign3A_2498, %sign3A_2501 : i32
      %sign3A_2503 = arith.constant 0 : i32
      %sign3A_2504 = arith.cmpi sgt, %jit3A_2494, %sign3A_2503 : i32
      %sign3A_2505 = arith.extui %sign3A_2504 : i1 to i32
      %sign3A_2506 = arith.constant 0 : i32
      %sign3A_2507 = arith.cmpi slt, %jit3A_2494, %sign3A_2506 : i32
      %sign3A_2508 = arith.extui %sign3A_2507 : i1 to i32
      %sign3A_2509 = arith.subi %sign3A_2505, %sign3A_2508 : i32
      %ne3A_2510 = arith.cmpi ne, %sign3A_2502, %sign3A_2509 : i32
      %rem3A_2511 = arith.remsi %squeeze3A_2493, %jit3A_2494 : i32
      %ne3A_2512 = arith.constant 0 : i32
      %ne3A_2513 = arith.cmpi ne, %rem3A_2511, %ne3A_2512 : i32
      %and3A_2514 = arith.andi %ne3A_2510, %ne3A_2513 : i1
      %sub3A_2515 = arith.constant 1 : i32
      %sub3A_2516 = arith.subi %div3A_2495, %sub3A_2515 : i32
      %select_n3A_2517 = arith.select %and3A_2514, %sub3A_2516, %div3A_2495 : i32
      %mul3A_2518 = arith.constant 128 : i32
      %mul3A_2519 = arith.muli %select_n3A_2517, %mul3A_2518 : i32
      %dma_start3A_2520 = arith.constant 0 : i32
      %dma_start3A_2521 = arith.constant 0 : i32
      %dma_start3A_2522 = arith.constant 0 : i32
      %dma_start3A_2523 = tpu.memref_slice %arg12[%dma_start3A_2520, %dma_start3A_2521, %dma_start3A_2522] : memref<2x64x128xf32, #tpu.memory_space<vmem>> -> memref<1x64x128xf32, #tpu.memory_space<vmem>>
      %dma_start3A_2524 = tpu.memref_squeeze %dma_start3A_2523 : memref<1x64x128xf32, #tpu.memory_space<vmem>> -> memref<64x128xf32, #tpu.memory_space<vmem>>
      %dma_start3A_2525 = arith.constant 0 : i32
      %dma_start3A_2526 = tpu.memref_slice %arg4[%dma_start3A_2525, %mul3A_2519] : memref<64x1000000xf32, #tpu.memory_space<hbm>> -> memref<64x128xf32, #tpu.memory_space<hbm>>
      %dma_start3A_2527 = arith.constant 0 : i32
      %dma_start3A_2528 = arith.constant 0 : i32
      %dma_start3A_2529 = tpu.memref_slice %arg12[%dma_start3A_2520, %dma_start3A_2527, %dma_start3A_2528] : memref<2x64x128xf32, #tpu.memory_space<vmem>> -> memref<1x64x128xf32, #tpu.memory_space<vmem>>
      %dma_start3A_2530 = tpu.memref_squeeze %dma_start3A_2529 : memref<1x64x128xf32, #tpu.memory_space<vmem>> -> memref<64x128xf32, #tpu.memory_space<vmem>>
      %dma_start3A_2531 = arith.constant 0 : i32
      %dma_start3A_2532 = tpu.memref_slice %arg4[%dma_start3A_2531, %mul3A_2519] : memref<64x1000000xf32, #tpu.memory_space<hbm>> -> memref<64x128xf32, #tpu.memory_space<hbm>>
      tpu.enqueue_dma source(%dma_start3A_2532 : memref<64x128xf32, #tpu.memory_space<hbm>>) target(%dma_start3A_2530 : memref<64x128xf32, #tpu.memory_space<vmem>>) target_semaphore(%arg20 : memref<!tpu.dma_semaphore, #tpu.memory_space<semaphore_mem>>)
      %slice3A_2533 = vector.extract_strided_slice %get3A_112 {offsets = [12], sizes = [1], strides = [1]} : vector<16xi32> to vector<1xi32>
      %squeeze3A_2534 = vector.extract %slice3A_2533[0] : i32 from vector<1xi32>
      %jit3A_2535 = arith.constant 128 : i32
      %div3A_2536 = arith.divsi %squeeze3A_2534, %jit3A_2535 : i32
      %sign3A_2537 = arith.constant 0 : i32
      %sign3A_2538 = arith.cmpi sgt, %squeeze3A_2534, %sign3A_2537 : i32
      %sign3A_2539 = arith.extui %sign3A_2538 : i1 to i32
      %sign3A_2540 = arith.constant 0 : i32
      %sign3A_2541 = arith.cmpi slt, %squeeze3A_2534, %sign3A_2540 : i32
      %sign3A_2542 = arith.extui %sign3A_2541 : i1 to i32
      %sign3A_2543 = arith.subi %sign3A_2539, %sign3A_2542 : i32
      %sign3A_2544 = arith.constant 0 : i32
      %sign3A_2545 = arith.cmpi sgt, %jit3A_2535, %sign3A_2544 : i32
      %sign3A_2546 = arith.extui %sign3A_2545 : i1 to i32
      %sign3A_2547 = arith.constant 0 : i32
      %sign3A_2548 = arith.cmpi slt, %jit3A_2535, %sign3A_2547 : i32
      %sign3A_2549 = arith.extui %sign3A_2548 : i1 to i32
      %sign3A_2550 = arith.subi %sign3A_2546, %sign3A_2549 : i32
      %ne3A_2551 = arith.cmpi ne, %sign3A_2543, %sign3A_2550 : i32
      %rem3A_2552 = arith.remsi %squeeze3A_2534, %jit3A_2535 : i32
      %ne3A_2553 = arith.constant 0 : i32
      %ne3A_2554 = arith.cmpi ne, %rem3A_2552, %ne3A_2553 : i32
      %and3A_2555 = arith.andi %ne3A_2551, %ne3A_2554 : i1
      %sub3A_2556 = arith.constant 1 : i32
      %sub3A_2557 = arith.subi %div3A_2536, %sub3A_2556 : i32
      %select_n3A_2558 = arith.select %and3A_2555, %sub3A_2557, %div3A_2536 : i32
      %mul3A_2559 = arith.constant 128 : i32
      %mul3A_2560 = arith.muli %select_n3A_2558, %mul3A_2559 : i32
      %dma_start3A_2561 = arith.constant 0 : i32
      %dma_start3A_2562 = arith.constant 0 : i32
      %dma_start3A_2563 = arith.constant 0 : i32
      %dma_start3A_2564 = tpu.memref_slice %arg13[%dma_start3A_2561, %dma_start3A_2562, %dma_start3A_2563] : memref<2x64x128xf32, #tpu.memory_space<vmem>> -> memref<1x64x128xf32, #tpu.memory_space<vmem>>
      %dma_start3A_2565 = tpu.memref_squeeze %dma_start3A_2564 : memref<1x64x128xf32, #tpu.memory_space<vmem>> -> memref<64x128xf32, #tpu.memory_space<vmem>>
      %dma_start3A_2566 = arith.constant 0 : i32
      %dma_start3A_2567 = tpu.memref_slice %arg5[%dma_start3A_2566, %mul3A_2560] : memref<64x1000000xf32, #tpu.memory_space<hbm>> -> memref<64x128xf32, #tpu.memory_space<hbm>>
      %dma_start3A_2568 = arith.constant 0 : i32
      %dma_start3A_2569 = arith.constant 0 : i32
      %dma_start3A_2570 = tpu.memref_slice %arg13[%dma_start3A_2561, %dma_start3A_2568, %dma_start3A_2569] : memref<2x64x128xf32, #tpu.memory_space<vmem>> -> memref<1x64x128xf32, #tpu.memory_space<vmem>>
      %dma_start3A_2571 = tpu.memref_squeeze %dma_start3A_2570 : memref<1x64x128xf32, #tpu.memory_space<vmem>> -> memref<64x128xf32, #tpu.memory_space<vmem>>
      %dma_start3A_2572 = arith.constant 0 : i32
      %dma_start3A_2573 = tpu.memref_slice %arg5[%dma_start3A_2572, %mul3A_2560] : memref<64x1000000xf32, #tpu.memory_space<hbm>> -> memref<64x128xf32, #tpu.memory_space<hbm>>
      tpu.enqueue_dma source(%dma_start3A_2573 : memref<64x128xf32, #tpu.memory_space<hbm>>) target(%dma_start3A_2571 : memref<64x128xf32, #tpu.memory_space<vmem>>) target_semaphore(%arg20 : memref<!tpu.dma_semaphore, #tpu.memory_space<semaphore_mem>>)
      %dma_wait3A_2574 = arith.constant 1 : i32
      %dma_wait3A_2575 = arith.constant 0 : i32
      %dma_wait3A_2576 = arith.constant 0 : i32
      %dma_wait3A_2577 = tpu.memref_slice %arg12[%dma_wait3A_2574, %dma_wait3A_2575, %dma_wait3A_2576] : memref<2x64x128xf32, #tpu.memory_space<vmem>> -> memref<1x64x128xf32, #tpu.memory_space<vmem>>
      %dma_wait3A_2578 = tpu.memref_squeeze %dma_wait3A_2577 : memref<1x64x128xf32, #tpu.memory_space<vmem>> -> memref<64x128xf32, #tpu.memory_space<vmem>>
      %dma_wait3A_2579 = arith.constant 0 : i32
      %dma_wait3A_2580 = tpu.memref_slice %arg4[%dma_wait3A_2579, %mul3A_2309] : memref<64x1000000xf32, #tpu.memory_space<hbm>> -> memref<64x128xf32, #tpu.memory_space<hbm>>
      %dma_wait3A_2581 = arith.constant 0 : i32
      %dma_wait3A_2582 = arith.constant 0 : i32
      %dma_wait3A_2583 = tpu.memref_slice %arg12[%dma_wait3A_2574, %dma_wait3A_2581, %dma_wait3A_2582] : memref<2x64x128xf32, #tpu.memory_space<vmem>> -> memref<1x64x128xf32, #tpu.memory_space<vmem>>
      %dma_wait3A_2584 = tpu.memref_squeeze %dma_wait3A_2583 : memref<1x64x128xf32, #tpu.memory_space<vmem>> -> memref<64x128xf32, #tpu.memory_space<vmem>>
      %dma_wait3A_2585 = arith.constant 0 : i32
      %dma_wait3A_2586 = tpu.memref_slice %arg4[%dma_wait3A_2585, %mul3A_2309] : memref<64x1000000xf32, #tpu.memory_space<hbm>> -> memref<64x128xf32, #tpu.memory_space<hbm>>
      tpu.wait_dma2 semaphore(%arg20 : memref<!tpu.dma_semaphore, #tpu.memory_space<semaphore_mem>>) src(%dma_wait3A_2586 : memref<64x128xf32, #tpu.memory_space<hbm>>) dst(%dma_wait3A_2584 : memref<64x128xf32, #tpu.memory_space<vmem>>)
      %dma_wait3A_2587 = arith.constant 1 : i32
      %dma_wait3A_2588 = arith.constant 0 : i32
      %dma_wait3A_2589 = arith.constant 0 : i32
      %dma_wait3A_2590 = tpu.memref_slice %arg13[%dma_wait3A_2587, %dma_wait3A_2588, %dma_wait3A_2589] : memref<2x64x128xf32, #tpu.memory_space<vmem>> -> memref<1x64x128xf32, #tpu.memory_space<vmem>>
      %dma_wait3A_2591 = tpu.memref_squeeze %dma_wait3A_2590 : memref<1x64x128xf32, #tpu.memory_space<vmem>> -> memref<64x128xf32, #tpu.memory_space<vmem>>
      %dma_wait3A_2592 = arith.constant 0 : i32
      %dma_wait3A_2593 = tpu.memref_slice %arg5[%dma_wait3A_2592, %mul3A_2350] : memref<64x1000000xf32, #tpu.memory_space<hbm>> -> memref<64x128xf32, #tpu.memory_space<hbm>>
      %dma_wait3A_2594 = arith.constant 0 : i32
      %dma_wait3A_2595 = arith.constant 0 : i32
      %dma_wait3A_2596 = tpu.memref_slice %arg13[%dma_wait3A_2587, %dma_wait3A_2594, %dma_wait3A_2595] : memref<2x64x128xf32, #tpu.memory_space<vmem>> -> memref<1x64x128xf32, #tpu.memory_space<vmem>>
      %dma_wait3A_2597 = tpu.memref_squeeze %dma_wait3A_2596 : memref<1x64x128xf32, #tpu.memory_space<vmem>> -> memref<64x128xf32, #tpu.memory_space<vmem>>
      %dma_wait3A_2598 = arith.constant 0 : i32
      %dma_wait3A_2599 = tpu.memref_slice %arg5[%dma_wait3A_2598, %mul3A_2350] : memref<64x1000000xf32, #tpu.memory_space<hbm>> -> memref<64x128xf32, #tpu.memory_space<hbm>>
      tpu.wait_dma2 semaphore(%arg20 : memref<!tpu.dma_semaphore, #tpu.memory_space<semaphore_mem>>) src(%dma_wait3A_2599 : memref<64x128xf32, #tpu.memory_space<hbm>>) dst(%dma_wait3A_2597 : memref<64x128xf32, #tpu.memory_space<vmem>>)
      %slice3A_2600 = vector.extract_strided_slice %get3A_108 {offsets = [11], sizes = [1], strides = [1]} : vector<16xi32> to vector<1xi32>
      %squeeze3A_2601 = vector.extract %slice3A_2600[0] : i32 from vector<1xi32>
      %jit3A_2602 = arith.constant 128 : i32
      %eq3A_2603 = arith.constant 0 : i32
      %eq3A_2604 = arith.cmpi eq, %jit3A_2602, %eq3A_2603 : i32
      %jit3A_2605 = arith.constant 1 : i32
      %select_n3A_2606 = arith.select %eq3A_2604, %jit3A_2605, %jit3A_2602 : i32
      %rem3A_2607 = arith.remsi %squeeze3A_2601, %select_n3A_2606 : i32
      %ne3A_2608 = arith.constant 0 : i32
      %ne3A_2609 = arith.cmpi ne, %rem3A_2607, %ne3A_2608 : i32
      %lt3A_2610 = arith.constant 0 : i32
      %lt3A_2611 = arith.cmpi slt, %rem3A_2607, %lt3A_2610 : i32
      %lt3A_2612 = arith.constant 0 : i32
      %lt3A_2613 = arith.cmpi slt, %select_n3A_2606, %lt3A_2612 : i32
      %ne3A_2614 = arith.xori %lt3A_2611, %lt3A_2613 : i1
      %and3A_2615 = arith.andi %ne3A_2614, %ne3A_2609 : i1
      %add3A_2616 = arith.addi %rem3A_2607, %select_n3A_2606 : i32
      %select_n3A_2617 = arith.select %and3A_2615, %add3A_2616, %rem3A_2607 : i32
      %add3A_2618 = vector.broadcast %select_n3A_2617 : i32 to vector<16xi32>
      %add3A_2619 = arith.addi %broadcast_in_dim3A_98, %add3A_2618 : vector<16xi32>
      %add3A_2620 = arith.constant 1 : i32
      %add3A_2621 = vector.broadcast %add3A_2620 : i32 to vector<16xi32>
      %add3A_2622 = arith.addi %broadcast_in_dim3A_98, %add3A_2621 : vector<16xi32>
      %add3A_2623 = arith.constant 0 : i32
      %add3A_2624 = vector.broadcast %add3A_2623 : i32 to vector<16xi32>
      %add3A_2625 = arith.addi %add3A_2624, %iota3A : vector<16xi32>
      %gather3A_2626 = tpu.vector_load_idx %arg12[%add3A_2622, %add3A_2625, %add3A_2619] : memref<2x64x128xf32, #tpu.memory_space<vmem>>[vector<16xi32>, vector<16xi32>, vector<16xi32>], vector<16xf32>,
      %add3A_2627 = arith.constant 11 : i32
      %add3A_2628 = vector.broadcast %add3A_2627 : i32 to vector<16xi32>
      %add3A_2629 = arith.addi %broadcast_in_dim3A_98, %add3A_2628 : vector<16xi32>
      tpu.vector_store_idx %arg14[%add3A_2629, %add3A_2625], %gather3A_2626 : memref<16x64xf32, #tpu.memory_space<vmem>>[vector<16xi32>, vector<16xi32>], vector<16xf32>,
      %add3A_2630 = arith.constant 16 : i32
      %add3A_2631 = vector.broadcast %add3A_2630 : i32 to vector<16xi32>
      %add3A_2632 = arith.addi %add3A_2631, %iota3A : vector<16xi32>
      %gather3A_2633 = tpu.vector_load_idx %arg12[%add3A_2622, %add3A_2632, %add3A_2619] : memref<2x64x128xf32, #tpu.memory_space<vmem>>[vector<16xi32>, vector<16xi32>, vector<16xi32>], vector<16xf32>,
      %add3A_2634 = arith.constant 11 : i32
      %add3A_2635 = vector.broadcast %add3A_2634 : i32 to vector<16xi32>
      %add3A_2636 = arith.addi %broadcast_in_dim3A_98, %add3A_2635 : vector<16xi32>
      tpu.vector_store_idx %arg14[%add3A_2636, %add3A_2632], %gather3A_2633 : memref<16x64xf32, #tpu.memory_space<vmem>>[vector<16xi32>, vector<16xi32>], vector<16xf32>,
      %add3A_2637 = arith.constant 32 : i32
      %add3A_2638 = vector.broadcast %add3A_2637 : i32 to vector<16xi32>
      %add3A_2639 = arith.addi %add3A_2638, %iota3A : vector<16xi32>
      %gather3A_2640 = tpu.vector_load_idx %arg12[%add3A_2622, %add3A_2639, %add3A_2619] : memref<2x64x128xf32, #tpu.memory_space<vmem>>[vector<16xi32>, vector<16xi32>, vector<16xi32>], vector<16xf32>,
      %add3A_2641 = arith.constant 11 : i32
      %add3A_2642 = vector.broadcast %add3A_2641 : i32 to vector<16xi32>
      %add3A_2643 = arith.addi %broadcast_in_dim3A_98, %add3A_2642 : vector<16xi32>
      tpu.vector_store_idx %arg14[%add3A_2643, %add3A_2639], %gather3A_2640 : memref<16x64xf32, #tpu.memory_space<vmem>>[vector<16xi32>, vector<16xi32>], vector<16xf32>,
      %add3A_2644 = arith.constant 48 : i32
      %add3A_2645 = vector.broadcast %add3A_2644 : i32 to vector<16xi32>
      %add3A_2646 = arith.addi %add3A_2645, %iota3A : vector<16xi32>
      %gather3A_2647 = tpu.vector_load_idx %arg12[%add3A_2622, %add3A_2646, %add3A_2619] : memref<2x64x128xf32, #tpu.memory_space<vmem>>[vector<16xi32>, vector<16xi32>, vector<16xi32>], vector<16xf32>,
      %add3A_2648 = arith.constant 11 : i32
      %add3A_2649 = vector.broadcast %add3A_2648 : i32 to vector<16xi32>
      %add3A_2650 = arith.addi %broadcast_in_dim3A_98, %add3A_2649 : vector<16xi32>
      tpu.vector_store_idx %arg14[%add3A_2650, %add3A_2646], %gather3A_2647 : memref<16x64xf32, #tpu.memory_space<vmem>>[vector<16xi32>, vector<16xi32>], vector<16xf32>,
      %slice3A_2651 = vector.extract_strided_slice %get3A_112 {offsets = [11], sizes = [1], strides = [1]} : vector<16xi32> to vector<1xi32>
      %squeeze3A_2652 = vector.extract %slice3A_2651[0] : i32 from vector<1xi32>
      %jit3A_2653 = arith.constant 128 : i32
      %eq3A_2654 = arith.constant 0 : i32
      %eq3A_2655 = arith.cmpi eq, %jit3A_2653, %eq3A_2654 : i32
      %jit3A_2656 = arith.constant 1 : i32
      %select_n3A_2657 = arith.select %eq3A_2655, %jit3A_2656, %jit3A_2653 : i32
      %rem3A_2658 = arith.remsi %squeeze3A_2652, %select_n3A_2657 : i32
      %ne3A_2659 = arith.constant 0 : i32
      %ne3A_2660 = arith.cmpi ne, %rem3A_2658, %ne3A_2659 : i32
      %lt3A_2661 = arith.constant 0 : i32
      %lt3A_2662 = arith.cmpi slt, %rem3A_2658, %lt3A_2661 : i32
      %lt3A_2663 = arith.constant 0 : i32
      %lt3A_2664 = arith.cmpi slt, %select_n3A_2657, %lt3A_2663 : i32
      %ne3A_2665 = arith.xori %lt3A_2662, %lt3A_2664 : i1
      %and3A_2666 = arith.andi %ne3A_2665, %ne3A_2660 : i1
      %add3A_2667 = arith.addi %rem3A_2658, %select_n3A_2657 : i32
      %select_n3A_2668 = arith.select %and3A_2666, %add3A_2667, %rem3A_2658 : i32
      %add3A_2669 = vector.broadcast %select_n3A_2668 : i32 to vector<16xi32>
      %add3A_2670 = arith.addi %broadcast_in_dim3A_98, %add3A_2669 : vector<16xi32>
      %add3A_2671 = arith.constant 1 : i32
      %add3A_2672 = vector.broadcast %add3A_2671 : i32 to vector<16xi32>
      %add3A_2673 = arith.addi %broadcast_in_dim3A_98, %add3A_2672 : vector<16xi32>
      %add3A_2674 = arith.constant 0 : i32
      %add3A_2675 = vector.broadcast %add3A_2674 : i32 to vector<16xi32>
      %add3A_2676 = arith.addi %add3A_2675, %iota3A : vector<16xi32>
      %gather3A_2677 = tpu.vector_load_idx %arg13[%add3A_2673, %add3A_2676, %add3A_2670] : memref<2x64x128xf32, #tpu.memory_space<vmem>>[vector<16xi32>, vector<16xi32>, vector<16xi32>], vector<16xf32>,
      %add3A_2678 = arith.constant 11 : i32
      %add3A_2679 = vector.broadcast %add3A_2678 : i32 to vector<16xi32>
      %add3A_2680 = arith.addi %broadcast_in_dim3A_98, %add3A_2679 : vector<16xi32>
      tpu.vector_store_idx %arg15[%add3A_2680, %add3A_2676], %gather3A_2677 : memref<16x64xf32, #tpu.memory_space<vmem>>[vector<16xi32>, vector<16xi32>], vector<16xf32>,
      %add3A_2681 = arith.constant 16 : i32
      %add3A_2682 = vector.broadcast %add3A_2681 : i32 to vector<16xi32>
      %add3A_2683 = arith.addi %add3A_2682, %iota3A : vector<16xi32>
      %gather3A_2684 = tpu.vector_load_idx %arg13[%add3A_2673, %add3A_2683, %add3A_2670] : memref<2x64x128xf32, #tpu.memory_space<vmem>>[vector<16xi32>, vector<16xi32>, vector<16xi32>], vector<16xf32>,
      %add3A_2685 = arith.constant 11 : i32
      %add3A_2686 = vector.broadcast %add3A_2685 : i32 to vector<16xi32>
      %add3A_2687 = arith.addi %broadcast_in_dim3A_98, %add3A_2686 : vector<16xi32>
      tpu.vector_store_idx %arg15[%add3A_2687, %add3A_2683], %gather3A_2684 : memref<16x64xf32, #tpu.memory_space<vmem>>[vector<16xi32>, vector<16xi32>], vector<16xf32>,
      %add3A_2688 = arith.constant 32 : i32
      %add3A_2689 = vector.broadcast %add3A_2688 : i32 to vector<16xi32>
      %add3A_2690 = arith.addi %add3A_2689, %iota3A : vector<16xi32>
      %gather3A_2691 = tpu.vector_load_idx %arg13[%add3A_2673, %add3A_2690, %add3A_2670] : memref<2x64x128xf32, #tpu.memory_space<vmem>>[vector<16xi32>, vector<16xi32>, vector<16xi32>], vector<16xf32>,
      %add3A_2692 = arith.constant 11 : i32
      %add3A_2693 = vector.broadcast %add3A_2692 : i32 to vector<16xi32>
      %add3A_2694 = arith.addi %broadcast_in_dim3A_98, %add3A_2693 : vector<16xi32>
      tpu.vector_store_idx %arg15[%add3A_2694, %add3A_2690], %gather3A_2691 : memref<16x64xf32, #tpu.memory_space<vmem>>[vector<16xi32>, vector<16xi32>], vector<16xf32>,
      %add3A_2695 = arith.constant 48 : i32
      %add3A_2696 = vector.broadcast %add3A_2695 : i32 to vector<16xi32>
      %add3A_2697 = arith.addi %add3A_2696, %iota3A : vector<16xi32>
      %gather3A_2698 = tpu.vector_load_idx %arg13[%add3A_2673, %add3A_2697, %add3A_2670] : memref<2x64x128xf32, #tpu.memory_space<vmem>>[vector<16xi32>, vector<16xi32>, vector<16xi32>], vector<16xf32>,
      %add3A_2699 = arith.constant 11 : i32
      %add3A_2700 = vector.broadcast %add3A_2699 : i32 to vector<16xi32>
      %add3A_2701 = arith.addi %broadcast_in_dim3A_98, %add3A_2700 : vector<16xi32>
      tpu.vector_store_idx %arg15[%add3A_2701, %add3A_2697], %gather3A_2698 : memref<16x64xf32, #tpu.memory_space<vmem>>[vector<16xi32>, vector<16xi32>], vector<16xf32>,
      %slice3A_2702 = vector.extract_strided_slice %get3A_108 {offsets = [13], sizes = [1], strides = [1]} : vector<16xi32> to vector<1xi32>
      %squeeze3A_2703 = vector.extract %slice3A_2702[0] : i32 from vector<1xi32>
      %jit3A_2704 = arith.constant 128 : i32
      %div3A_2705 = arith.divsi %squeeze3A_2703, %jit3A_2704 : i32
      %sign3A_2706 = arith.constant 0 : i32
      %sign3A_2707 = arith.cmpi sgt, %squeeze3A_2703, %sign3A_2706 : i32
      %sign3A_2708 = arith.extui %sign3A_2707 : i1 to i32
      %sign3A_2709 = arith.constant 0 : i32
      %sign3A_2710 = arith.cmpi slt, %squeeze3A_2703, %sign3A_2709 : i32
      %sign3A_2711 = arith.extui %sign3A_2710 : i1 to i32
      %sign3A_2712 = arith.subi %sign3A_2708, %sign3A_2711 : i32
      %sign3A_2713 = arith.constant 0 : i32
      %sign3A_2714 = arith.cmpi sgt, %jit3A_2704, %sign3A_2713 : i32
      %sign3A_2715 = arith.extui %sign3A_2714 : i1 to i32
      %sign3A_2716 = arith.constant 0 : i32
      %sign3A_2717 = arith.cmpi slt, %jit3A_2704, %sign3A_2716 : i32
      %sign3A_2718 = arith.extui %sign3A_2717 : i1 to i32
      %sign3A_2719 = arith.subi %sign3A_2715, %sign3A_2718 : i32
      %ne3A_2720 = arith.cmpi ne, %sign3A_2712, %sign3A_2719 : i32
      %rem3A_2721 = arith.remsi %squeeze3A_2703, %jit3A_2704 : i32
      %ne3A_2722 = arith.constant 0 : i32
      %ne3A_2723 = arith.cmpi ne, %rem3A_2721, %ne3A_2722 : i32
      %and3A_2724 = arith.andi %ne3A_2720, %ne3A_2723 : i1
      %sub3A_2725 = arith.constant 1 : i32
      %sub3A_2726 = arith.subi %div3A_2705, %sub3A_2725 : i32
      %select_n3A_2727 = arith.select %and3A_2724, %sub3A_2726, %div3A_2705 : i32
      %mul3A_2728 = arith.constant 128 : i32
      %mul3A_2729 = arith.muli %select_n3A_2727, %mul3A_2728 : i32
      %dma_start3A_2730 = arith.constant 1 : i32
      %dma_start3A_2731 = arith.constant 0 : i32
      %dma_start3A_2732 = arith.constant 0 : i32
      %dma_start3A_2733 = tpu.memref_slice %arg12[%dma_start3A_2730, %dma_start3A_2731, %dma_start3A_2732] : memref<2x64x128xf32, #tpu.memory_space<vmem>> -> memref<1x64x128xf32, #tpu.memory_space<vmem>>
      %dma_start3A_2734 = tpu.memref_squeeze %dma_start3A_2733 : memref<1x64x128xf32, #tpu.memory_space<vmem>> -> memref<64x128xf32, #tpu.memory_space<vmem>>
      %dma_start3A_2735 = arith.constant 0 : i32
      %dma_start3A_2736 = tpu.memref_slice %arg4[%dma_start3A_2735, %mul3A_2729] : memref<64x1000000xf32, #tpu.memory_space<hbm>> -> memref<64x128xf32, #tpu.memory_space<hbm>>
      %dma_start3A_2737 = arith.constant 0 : i32
      %dma_start3A_2738 = arith.constant 0 : i32
      %dma_start3A_2739 = tpu.memref_slice %arg12[%dma_start3A_2730, %dma_start3A_2737, %dma_start3A_2738] : memref<2x64x128xf32, #tpu.memory_space<vmem>> -> memref<1x64x128xf32, #tpu.memory_space<vmem>>
      %dma_start3A_2740 = tpu.memref_squeeze %dma_start3A_2739 : memref<1x64x128xf32, #tpu.memory_space<vmem>> -> memref<64x128xf32, #tpu.memory_space<vmem>>
      %dma_start3A_2741 = arith.constant 0 : i32
      %dma_start3A_2742 = tpu.memref_slice %arg4[%dma_start3A_2741, %mul3A_2729] : memref<64x1000000xf32, #tpu.memory_space<hbm>> -> memref<64x128xf32, #tpu.memory_space<hbm>>
      tpu.enqueue_dma source(%dma_start3A_2742 : memref<64x128xf32, #tpu.memory_space<hbm>>) target(%dma_start3A_2740 : memref<64x128xf32, #tpu.memory_space<vmem>>) target_semaphore(%arg20 : memref<!tpu.dma_semaphore, #tpu.memory_space<semaphore_mem>>)
      %slice3A_2743 = vector.extract_strided_slice %get3A_112 {offsets = [13], sizes = [1], strides = [1]} : vector<16xi32> to vector<1xi32>
      %squeeze3A_2744 = vector.extract %slice3A_2743[0] : i32 from vector<1xi32>
      %jit3A_2745 = arith.constant 128 : i32
      %div3A_2746 = arith.divsi %squeeze3A_2744, %jit3A_2745 : i32
      %sign3A_2747 = arith.constant 0 : i32
      %sign3A_2748 = arith.cmpi sgt, %squeeze3A_2744, %sign3A_2747 : i32
      %sign3A_2749 = arith.extui %sign3A_2748 : i1 to i32
      %sign3A_2750 = arith.constant 0 : i32
      %sign3A_2751 = arith.cmpi slt, %squeeze3A_2744, %sign3A_2750 : i32
      %sign3A_2752 = arith.extui %sign3A_2751 : i1 to i32
      %sign3A_2753 = arith.subi %sign3A_2749, %sign3A_2752 : i32
      %sign3A_2754 = arith.constant 0 : i32
      %sign3A_2755 = arith.cmpi sgt, %jit3A_2745, %sign3A_2754 : i32
      %sign3A_2756 = arith.extui %sign3A_2755 : i1 to i32
      %sign3A_2757 = arith.constant 0 : i32
      %sign3A_2758 = arith.cmpi slt, %jit3A_2745, %sign3A_2757 : i32
      %sign3A_2759 = arith.extui %sign3A_2758 : i1 to i32
      %sign3A_2760 = arith.subi %sign3A_2756, %sign3A_2759 : i32
      %ne3A_2761 = arith.cmpi ne, %sign3A_2753, %sign3A_2760 : i32
      %rem3A_2762 = arith.remsi %squeeze3A_2744, %jit3A_2745 : i32
      %ne3A_2763 = arith.constant 0 : i32
      %ne3A_2764 = arith.cmpi ne, %rem3A_2762, %ne3A_2763 : i32
      %and3A_2765 = arith.andi %ne3A_2761, %ne3A_2764 : i1
      %sub3A_2766 = arith.constant 1 : i32
      %sub3A_2767 = arith.subi %div3A_2746, %sub3A_2766 : i32
      %select_n3A_2768 = arith.select %and3A_2765, %sub3A_2767, %div3A_2746 : i32
      %mul3A_2769 = arith.constant 128 : i32
      %mul3A_2770 = arith.muli %select_n3A_2768, %mul3A_2769 : i32
      %dma_start3A_2771 = arith.constant 1 : i32
      %dma_start3A_2772 = arith.constant 0 : i32
      %dma_start3A_2773 = arith.constant 0 : i32
      %dma_start3A_2774 = tpu.memref_slice %arg13[%dma_start3A_2771, %dma_start3A_2772, %dma_start3A_2773] : memref<2x64x128xf32, #tpu.memory_space<vmem>> -> memref<1x64x128xf32, #tpu.memory_space<vmem>>
      %dma_start3A_2775 = tpu.memref_squeeze %dma_start3A_2774 : memref<1x64x128xf32, #tpu.memory_space<vmem>> -> memref<64x128xf32, #tpu.memory_space<vmem>>
      %dma_start3A_2776 = arith.constant 0 : i32
      %dma_start3A_2777 = tpu.memref_slice %arg5[%dma_start3A_2776, %mul3A_2770] : memref<64x1000000xf32, #tpu.memory_space<hbm>> -> memref<64x128xf32, #tpu.memory_space<hbm>>
      %dma_start3A_2778 = arith.constant 0 : i32
      %dma_start3A_2779 = arith.constant 0 : i32
      %dma_start3A_2780 = tpu.memref_slice %arg13[%dma_start3A_2771, %dma_start3A_2778, %dma_start3A_2779] : memref<2x64x128xf32, #tpu.memory_space<vmem>> -> memref<1x64x128xf32, #tpu.memory_space<vmem>>
      %dma_start3A_2781 = tpu.memref_squeeze %dma_start3A_2780 : memref<1x64x128xf32, #tpu.memory_space<vmem>> -> memref<64x128xf32, #tpu.memory_space<vmem>>
      %dma_start3A_2782 = arith.constant 0 : i32
      %dma_start3A_2783 = tpu.memref_slice %arg5[%dma_start3A_2782, %mul3A_2770] : memref<64x1000000xf32, #tpu.memory_space<hbm>> -> memref<64x128xf32, #tpu.memory_space<hbm>>
      tpu.enqueue_dma source(%dma_start3A_2783 : memref<64x128xf32, #tpu.memory_space<hbm>>) target(%dma_start3A_2781 : memref<64x128xf32, #tpu.memory_space<vmem>>) target_semaphore(%arg20 : memref<!tpu.dma_semaphore, #tpu.memory_space<semaphore_mem>>)
      %dma_wait3A_2784 = arith.constant 0 : i32
      %dma_wait3A_2785 = arith.constant 0 : i32
      %dma_wait3A_2786 = arith.constant 0 : i32
      %dma_wait3A_2787 = tpu.memref_slice %arg12[%dma_wait3A_2784, %dma_wait3A_2785, %dma_wait3A_2786] : memref<2x64x128xf32, #tpu.memory_space<vmem>> -> memref<1x64x128xf32, #tpu.memory_space<vmem>>
      %dma_wait3A_2788 = tpu.memref_squeeze %dma_wait3A_2787 : memref<1x64x128xf32, #tpu.memory_space<vmem>> -> memref<64x128xf32, #tpu.memory_space<vmem>>
      %dma_wait3A_2789 = arith.constant 0 : i32
      %dma_wait3A_2790 = tpu.memref_slice %arg4[%dma_wait3A_2789, %mul3A_2519] : memref<64x1000000xf32, #tpu.memory_space<hbm>> -> memref<64x128xf32, #tpu.memory_space<hbm>>
      %dma_wait3A_2791 = arith.constant 0 : i32
      %dma_wait3A_2792 = arith.constant 0 : i32
      %dma_wait3A_2793 = tpu.memref_slice %arg12[%dma_wait3A_2784, %dma_wait3A_2791, %dma_wait3A_2792] : memref<2x64x128xf32, #tpu.memory_space<vmem>> -> memref<1x64x128xf32, #tpu.memory_space<vmem>>
      %dma_wait3A_2794 = tpu.memref_squeeze %dma_wait3A_2793 : memref<1x64x128xf32, #tpu.memory_space<vmem>> -> memref<64x128xf32, #tpu.memory_space<vmem>>
      %dma_wait3A_2795 = arith.constant 0 : i32
      %dma_wait3A_2796 = tpu.memref_slice %arg4[%dma_wait3A_2795, %mul3A_2519] : memref<64x1000000xf32, #tpu.memory_space<hbm>> -> memref<64x128xf32, #tpu.memory_space<hbm>>
      tpu.wait_dma2 semaphore(%arg20 : memref<!tpu.dma_semaphore, #tpu.memory_space<semaphore_mem>>) src(%dma_wait3A_2796 : memref<64x128xf32, #tpu.memory_space<hbm>>) dst(%dma_wait3A_2794 : memref<64x128xf32, #tpu.memory_space<vmem>>)
      %dma_wait3A_2797 = arith.constant 0 : i32
      %dma_wait3A_2798 = arith.constant 0 : i32
      %dma_wait3A_2799 = arith.constant 0 : i32
      %dma_wait3A_2800 = tpu.memref_slice %arg13[%dma_wait3A_2797, %dma_wait3A_2798, %dma_wait3A_2799] : memref<2x64x128xf32, #tpu.memory_space<vmem>> -> memref<1x64x128xf32, #tpu.memory_space<vmem>>
      %dma_wait3A_2801 = tpu.memref_squeeze %dma_wait3A_2800 : memref<1x64x128xf32, #tpu.memory_space<vmem>> -> memref<64x128xf32, #tpu.memory_space<vmem>>
      %dma_wait3A_2802 = arith.constant 0 : i32
      %dma_wait3A_2803 = tpu.memref_slice %arg5[%dma_wait3A_2802, %mul3A_2560] : memref<64x1000000xf32, #tpu.memory_space<hbm>> -> memref<64x128xf32, #tpu.memory_space<hbm>>
      %dma_wait3A_2804 = arith.constant 0 : i32
      %dma_wait3A_2805 = arith.constant 0 : i32
      %dma_wait3A_2806 = tpu.memref_slice %arg13[%dma_wait3A_2797, %dma_wait3A_2804, %dma_wait3A_2805] : memref<2x64x128xf32, #tpu.memory_space<vmem>> -> memref<1x64x128xf32, #tpu.memory_space<vmem>>
      %dma_wait3A_2807 = tpu.memref_squeeze %dma_wait3A_2806 : memref<1x64x128xf32, #tpu.memory_space<vmem>> -> memref<64x128xf32, #tpu.memory_space<vmem>>
      %dma_wait3A_2808 = arith.constant 0 : i32
      %dma_wait3A_2809 = tpu.memref_slice %arg5[%dma_wait3A_2808, %mul3A_2560] : memref<64x1000000xf32, #tpu.memory_space<hbm>> -> memref<64x128xf32, #tpu.memory_space<hbm>>
      tpu.wait_dma2 semaphore(%arg20 : memref<!tpu.dma_semaphore, #tpu.memory_space<semaphore_mem>>) src(%dma_wait3A_2809 : memref<64x128xf32, #tpu.memory_space<hbm>>) dst(%dma_wait3A_2807 : memref<64x128xf32, #tpu.memory_space<vmem>>)
      %slice3A_2810 = vector.extract_strided_slice %get3A_108 {offsets = [12], sizes = [1], strides = [1]} : vector<16xi32> to vector<1xi32>
      %squeeze3A_2811 = vector.extract %slice3A_2810[0] : i32 from vector<1xi32>
      %jit3A_2812 = arith.constant 128 : i32
      %eq3A_2813 = arith.constant 0 : i32
      %eq3A_2814 = arith.cmpi eq, %jit3A_2812, %eq3A_2813 : i32
      %jit3A_2815 = arith.constant 1 : i32
      %select_n3A_2816 = arith.select %eq3A_2814, %jit3A_2815, %jit3A_2812 : i32
      %rem3A_2817 = arith.remsi %squeeze3A_2811, %select_n3A_2816 : i32
      %ne3A_2818 = arith.constant 0 : i32
      %ne3A_2819 = arith.cmpi ne, %rem3A_2817, %ne3A_2818 : i32
      %lt3A_2820 = arith.constant 0 : i32
      %lt3A_2821 = arith.cmpi slt, %rem3A_2817, %lt3A_2820 : i32
      %lt3A_2822 = arith.constant 0 : i32
      %lt3A_2823 = arith.cmpi slt, %select_n3A_2816, %lt3A_2822 : i32
      %ne3A_2824 = arith.xori %lt3A_2821, %lt3A_2823 : i1
      %and3A_2825 = arith.andi %ne3A_2824, %ne3A_2819 : i1
      %add3A_2826 = arith.addi %rem3A_2817, %select_n3A_2816 : i32
      %select_n3A_2827 = arith.select %and3A_2825, %add3A_2826, %rem3A_2817 : i32
      %add3A_2828 = vector.broadcast %select_n3A_2827 : i32 to vector<16xi32>
      %add3A_2829 = arith.addi %broadcast_in_dim3A_98, %add3A_2828 : vector<16xi32>
      %add3A_2830 = arith.constant 0 : i32
      %add3A_2831 = vector.broadcast %add3A_2830 : i32 to vector<16xi32>
      %add3A_2832 = arith.addi %broadcast_in_dim3A_98, %add3A_2831 : vector<16xi32>
      %add3A_2833 = arith.constant 0 : i32
      %add3A_2834 = vector.broadcast %add3A_2833 : i32 to vector<16xi32>
      %add3A_2835 = arith.addi %add3A_2834, %iota3A : vector<16xi32>
      %gather3A_2836 = tpu.vector_load_idx %arg12[%add3A_2832, %add3A_2835, %add3A_2829] : memref<2x64x128xf32, #tpu.memory_space<vmem>>[vector<16xi32>, vector<16xi32>, vector<16xi32>], vector<16xf32>,
      %add3A_2837 = arith.constant 12 : i32
      %add3A_2838 = vector.broadcast %add3A_2837 : i32 to vector<16xi32>
      %add3A_2839 = arith.addi %broadcast_in_dim3A_98, %add3A_2838 : vector<16xi32>
      tpu.vector_store_idx %arg14[%add3A_2839, %add3A_2835], %gather3A_2836 : memref<16x64xf32, #tpu.memory_space<vmem>>[vector<16xi32>, vector<16xi32>], vector<16xf32>,
      %add3A_2840 = arith.constant 16 : i32
      %add3A_2841 = vector.broadcast %add3A_2840 : i32 to vector<16xi32>
      %add3A_2842 = arith.addi %add3A_2841, %iota3A : vector<16xi32>
      %gather3A_2843 = tpu.vector_load_idx %arg12[%add3A_2832, %add3A_2842, %add3A_2829] : memref<2x64x128xf32, #tpu.memory_space<vmem>>[vector<16xi32>, vector<16xi32>, vector<16xi32>], vector<16xf32>,
      %add3A_2844 = arith.constant 12 : i32
      %add3A_2845 = vector.broadcast %add3A_2844 : i32 to vector<16xi32>
      %add3A_2846 = arith.addi %broadcast_in_dim3A_98, %add3A_2845 : vector<16xi32>
      tpu.vector_store_idx %arg14[%add3A_2846, %add3A_2842], %gather3A_2843 : memref<16x64xf32, #tpu.memory_space<vmem>>[vector<16xi32>, vector<16xi32>], vector<16xf32>,
      %add3A_2847 = arith.constant 32 : i32
      %add3A_2848 = vector.broadcast %add3A_2847 : i32 to vector<16xi32>
      %add3A_2849 = arith.addi %add3A_2848, %iota3A : vector<16xi32>
      %gather3A_2850 = tpu.vector_load_idx %arg12[%add3A_2832, %add3A_2849, %add3A_2829] : memref<2x64x128xf32, #tpu.memory_space<vmem>>[vector<16xi32>, vector<16xi32>, vector<16xi32>], vector<16xf32>,
      %add3A_2851 = arith.constant 12 : i32
      %add3A_2852 = vector.broadcast %add3A_2851 : i32 to vector<16xi32>
      %add3A_2853 = arith.addi %broadcast_in_dim3A_98, %add3A_2852 : vector<16xi32>
      tpu.vector_store_idx %arg14[%add3A_2853, %add3A_2849], %gather3A_2850 : memref<16x64xf32, #tpu.memory_space<vmem>>[vector<16xi32>, vector<16xi32>], vector<16xf32>,
      %add3A_2854 = arith.constant 48 : i32
      %add3A_2855 = vector.broadcast %add3A_2854 : i32 to vector<16xi32>
      %add3A_2856 = arith.addi %add3A_2855, %iota3A : vector<16xi32>
      %gather3A_2857 = tpu.vector_load_idx %arg12[%add3A_2832, %add3A_2856, %add3A_2829] : memref<2x64x128xf32, #tpu.memory_space<vmem>>[vector<16xi32>, vector<16xi32>, vector<16xi32>], vector<16xf32>,
      %add3A_2858 = arith.constant 12 : i32
      %add3A_2859 = vector.broadcast %add3A_2858 : i32 to vector<16xi32>
      %add3A_2860 = arith.addi %broadcast_in_dim3A_98, %add3A_2859 : vector<16xi32>
      tpu.vector_store_idx %arg14[%add3A_2860, %add3A_2856], %gather3A_2857 : memref<16x64xf32, #tpu.memory_space<vmem>>[vector<16xi32>, vector<16xi32>], vector<16xf32>,
      %slice3A_2861 = vector.extract_strided_slice %get3A_112 {offsets = [12], sizes = [1], strides = [1]} : vector<16xi32> to vector<1xi32>
      %squeeze3A_2862 = vector.extract %slice3A_2861[0] : i32 from vector<1xi32>
      %jit3A_2863 = arith.constant 128 : i32
      %eq3A_2864 = arith.constant 0 : i32
      %eq3A_2865 = arith.cmpi eq, %jit3A_2863, %eq3A_2864 : i32
      %jit3A_2866 = arith.constant 1 : i32
      %select_n3A_2867 = arith.select %eq3A_2865, %jit3A_2866, %jit3A_2863 : i32
      %rem3A_2868 = arith.remsi %squeeze3A_2862, %select_n3A_2867 : i32
      %ne3A_2869 = arith.constant 0 : i32
      %ne3A_2870 = arith.cmpi ne, %rem3A_2868, %ne3A_2869 : i32
      %lt3A_2871 = arith.constant 0 : i32
      %lt3A_2872 = arith.cmpi slt, %rem3A_2868, %lt3A_2871 : i32
      %lt3A_2873 = arith.constant 0 : i32
      %lt3A_2874 = arith.cmpi slt, %select_n3A_2867, %lt3A_2873 : i32
      %ne3A_2875 = arith.xori %lt3A_2872, %lt3A_2874 : i1
      %and3A_2876 = arith.andi %ne3A_2875, %ne3A_2870 : i1
      %add3A_2877 = arith.addi %rem3A_2868, %select_n3A_2867 : i32
      %select_n3A_2878 = arith.select %and3A_2876, %add3A_2877, %rem3A_2868 : i32
      %add3A_2879 = vector.broadcast %select_n3A_2878 : i32 to vector<16xi32>
      %add3A_2880 = arith.addi %broadcast_in_dim3A_98, %add3A_2879 : vector<16xi32>
      %add3A_2881 = arith.constant 0 : i32
      %add3A_2882 = vector.broadcast %add3A_2881 : i32 to vector<16xi32>
      %add3A_2883 = arith.addi %broadcast_in_dim3A_98, %add3A_2882 : vector<16xi32>
      %add3A_2884 = arith.constant 0 : i32
      %add3A_2885 = vector.broadcast %add3A_2884 : i32 to vector<16xi32>
      %add3A_2886 = arith.addi %add3A_2885, %iota3A : vector<16xi32>
      %gather3A_2887 = tpu.vector_load_idx %arg13[%add3A_2883, %add3A_2886, %add3A_2880] : memref<2x64x128xf32, #tpu.memory_space<vmem>>[vector<16xi32>, vector<16xi32>, vector<16xi32>], vector<16xf32>,
      %add3A_2888 = arith.constant 12 : i32
      %add3A_2889 = vector.broadcast %add3A_2888 : i32 to vector<16xi32>
      %add3A_2890 = arith.addi %broadcast_in_dim3A_98, %add3A_2889 : vector<16xi32>
      tpu.vector_store_idx %arg15[%add3A_2890, %add3A_2886], %gather3A_2887 : memref<16x64xf32, #tpu.memory_space<vmem>>[vector<16xi32>, vector<16xi32>], vector<16xf32>,
      %add3A_2891 = arith.constant 16 : i32
      %add3A_2892 = vector.broadcast %add3A_2891 : i32 to vector<16xi32>
      %add3A_2893 = arith.addi %add3A_2892, %iota3A : vector<16xi32>
      %gather3A_2894 = tpu.vector_load_idx %arg13[%add3A_2883, %add3A_2893, %add3A_2880] : memref<2x64x128xf32, #tpu.memory_space<vmem>>[vector<16xi32>, vector<16xi32>, vector<16xi32>], vector<16xf32>,
      %add3A_2895 = arith.constant 12 : i32
      %add3A_2896 = vector.broadcast %add3A_2895 : i32 to vector<16xi32>
      %add3A_2897 = arith.addi %broadcast_in_dim3A_98, %add3A_2896 : vector<16xi32>
      tpu.vector_store_idx %arg15[%add3A_2897, %add3A_2893], %gather3A_2894 : memref<16x64xf32, #tpu.memory_space<vmem>>[vector<16xi32>, vector<16xi32>], vector<16xf32>,
      %add3A_2898 = arith.constant 32 : i32
      %add3A_2899 = vector.broadcast %add3A_2898 : i32 to vector<16xi32>
      %add3A_2900 = arith.addi %add3A_2899, %iota3A : vector<16xi32>
      %gather3A_2901 = tpu.vector_load_idx %arg13[%add3A_2883, %add3A_2900, %add3A_2880] : memref<2x64x128xf32, #tpu.memory_space<vmem>>[vector<16xi32>, vector<16xi32>, vector<16xi32>], vector<16xf32>,
      %add3A_2902 = arith.constant 12 : i32
      %add3A_2903 = vector.broadcast %add3A_2902 : i32 to vector<16xi32>
      %add3A_2904 = arith.addi %broadcast_in_dim3A_98, %add3A_2903 : vector<16xi32>
      tpu.vector_store_idx %arg15[%add3A_2904, %add3A_2900], %gather3A_2901 : memref<16x64xf32, #tpu.memory_space<vmem>>[vector<16xi32>, vector<16xi32>], vector<16xf32>,
      %add3A_2905 = arith.constant 48 : i32
      %add3A_2906 = vector.broadcast %add3A_2905 : i32 to vector<16xi32>
      %add3A_2907 = arith.addi %add3A_2906, %iota3A : vector<16xi32>
      %gather3A_2908 = tpu.vector_load_idx %arg13[%add3A_2883, %add3A_2907, %add3A_2880] : memref<2x64x128xf32, #tpu.memory_space<vmem>>[vector<16xi32>, vector<16xi32>, vector<16xi32>], vector<16xf32>,
      %add3A_2909 = arith.constant 12 : i32
      %add3A_2910 = vector.broadcast %add3A_2909 : i32 to vector<16xi32>
      %add3A_2911 = arith.addi %broadcast_in_dim3A_98, %add3A_2910 : vector<16xi32>
      tpu.vector_store_idx %arg15[%add3A_2911, %add3A_2907], %gather3A_2908 : memref<16x64xf32, #tpu.memory_space<vmem>>[vector<16xi32>, vector<16xi32>], vector<16xf32>,
      %slice3A_2912 = vector.extract_strided_slice %get3A_108 {offsets = [14], sizes = [1], strides = [1]} : vector<16xi32> to vector<1xi32>
      %squeeze3A_2913 = vector.extract %slice3A_2912[0] : i32 from vector<1xi32>
      %jit3A_2914 = arith.constant 128 : i32
      %div3A_2915 = arith.divsi %squeeze3A_2913, %jit3A_2914 : i32
      %sign3A_2916 = arith.constant 0 : i32
      %sign3A_2917 = arith.cmpi sgt, %squeeze3A_2913, %sign3A_2916 : i32
      %sign3A_2918 = arith.extui %sign3A_2917 : i1 to i32
      %sign3A_2919 = arith.constant 0 : i32
      %sign3A_2920 = arith.cmpi slt, %squeeze3A_2913, %sign3A_2919 : i32
      %sign3A_2921 = arith.extui %sign3A_2920 : i1 to i32
      %sign3A_2922 = arith.subi %sign3A_2918, %sign3A_2921 : i32
      %sign3A_2923 = arith.constant 0 : i32
      %sign3A_2924 = arith.cmpi sgt, %jit3A_2914, %sign3A_2923 : i32
      %sign3A_2925 = arith.extui %sign3A_2924 : i1 to i32
      %sign3A_2926 = arith.constant 0 : i32
      %sign3A_2927 = arith.cmpi slt, %jit3A_2914, %sign3A_2926 : i32
      %sign3A_2928 = arith.extui %sign3A_2927 : i1 to i32
      %sign3A_2929 = arith.subi %sign3A_2925, %sign3A_2928 : i32
      %ne3A_2930 = arith.cmpi ne, %sign3A_2922, %sign3A_2929 : i32
      %rem3A_2931 = arith.remsi %squeeze3A_2913, %jit3A_2914 : i32
      %ne3A_2932 = arith.constant 0 : i32
      %ne3A_2933 = arith.cmpi ne, %rem3A_2931, %ne3A_2932 : i32
      %and3A_2934 = arith.andi %ne3A_2930, %ne3A_2933 : i1
      %sub3A_2935 = arith.constant 1 : i32
      %sub3A_2936 = arith.subi %div3A_2915, %sub3A_2935 : i32
      %select_n3A_2937 = arith.select %and3A_2934, %sub3A_2936, %div3A_2915 : i32
      %mul3A_2938 = arith.constant 128 : i32
      %mul3A_2939 = arith.muli %select_n3A_2937, %mul3A_2938 : i32
      %dma_start3A_2940 = arith.constant 0 : i32
      %dma_start3A_2941 = arith.constant 0 : i32
      %dma_start3A_2942 = arith.constant 0 : i32
      %dma_start3A_2943 = tpu.memref_slice %arg12[%dma_start3A_2940, %dma_start3A_2941, %dma_start3A_2942] : memref<2x64x128xf32, #tpu.memory_space<vmem>> -> memref<1x64x128xf32, #tpu.memory_space<vmem>>
      %dma_start3A_2944 = tpu.memref_squeeze %dma_start3A_2943 : memref<1x64x128xf32, #tpu.memory_space<vmem>> -> memref<64x128xf32, #tpu.memory_space<vmem>>
      %dma_start3A_2945 = arith.constant 0 : i32
      %dma_start3A_2946 = tpu.memref_slice %arg4[%dma_start3A_2945, %mul3A_2939] : memref<64x1000000xf32, #tpu.memory_space<hbm>> -> memref<64x128xf32, #tpu.memory_space<hbm>>
      %dma_start3A_2947 = arith.constant 0 : i32
      %dma_start3A_2948 = arith.constant 0 : i32
      %dma_start3A_2949 = tpu.memref_slice %arg12[%dma_start3A_2940, %dma_start3A_2947, %dma_start3A_2948] : memref<2x64x128xf32, #tpu.memory_space<vmem>> -> memref<1x64x128xf32, #tpu.memory_space<vmem>>
      %dma_start3A_2950 = tpu.memref_squeeze %dma_start3A_2949 : memref<1x64x128xf32, #tpu.memory_space<vmem>> -> memref<64x128xf32, #tpu.memory_space<vmem>>
      %dma_start3A_2951 = arith.constant 0 : i32
      %dma_start3A_2952 = tpu.memref_slice %arg4[%dma_start3A_2951, %mul3A_2939] : memref<64x1000000xf32, #tpu.memory_space<hbm>> -> memref<64x128xf32, #tpu.memory_space<hbm>>
      tpu.enqueue_dma source(%dma_start3A_2952 : memref<64x128xf32, #tpu.memory_space<hbm>>) target(%dma_start3A_2950 : memref<64x128xf32, #tpu.memory_space<vmem>>) target_semaphore(%arg20 : memref<!tpu.dma_semaphore, #tpu.memory_space<semaphore_mem>>)
      %slice3A_2953 = vector.extract_strided_slice %get3A_112 {offsets = [14], sizes = [1], strides = [1]} : vector<16xi32> to vector<1xi32>
      %squeeze3A_2954 = vector.extract %slice3A_2953[0] : i32 from vector<1xi32>
      %jit3A_2955 = arith.constant 128 : i32
      %div3A_2956 = arith.divsi %squeeze3A_2954, %jit3A_2955 : i32
      %sign3A_2957 = arith.constant 0 : i32
      %sign3A_2958 = arith.cmpi sgt, %squeeze3A_2954, %sign3A_2957 : i32
      %sign3A_2959 = arith.extui %sign3A_2958 : i1 to i32
      %sign3A_2960 = arith.constant 0 : i32
      %sign3A_2961 = arith.cmpi slt, %squeeze3A_2954, %sign3A_2960 : i32
      %sign3A_2962 = arith.extui %sign3A_2961 : i1 to i32
      %sign3A_2963 = arith.subi %sign3A_2959, %sign3A_2962 : i32
      %sign3A_2964 = arith.constant 0 : i32
      %sign3A_2965 = arith.cmpi sgt, %jit3A_2955, %sign3A_2964 : i32
      %sign3A_2966 = arith.extui %sign3A_2965 : i1 to i32
      %sign3A_2967 = arith.constant 0 : i32
      %sign3A_2968 = arith.cmpi slt, %jit3A_2955, %sign3A_2967 : i32
      %sign3A_2969 = arith.extui %sign3A_2968 : i1 to i32
      %sign3A_2970 = arith.subi %sign3A_2966, %sign3A_2969 : i32
      %ne3A_2971 = arith.cmpi ne, %sign3A_2963, %sign3A_2970 : i32
      %rem3A_2972 = arith.remsi %squeeze3A_2954, %jit3A_2955 : i32
      %ne3A_2973 = arith.constant 0 : i32
      %ne3A_2974 = arith.cmpi ne, %rem3A_2972, %ne3A_2973 : i32
      %and3A_2975 = arith.andi %ne3A_2971, %ne3A_2974 : i1
      %sub3A_2976 = arith.constant 1 : i32
      %sub3A_2977 = arith.subi %div3A_2956, %sub3A_2976 : i32
      %select_n3A_2978 = arith.select %and3A_2975, %sub3A_2977, %div3A_2956 : i32
      %mul3A_2979 = arith.constant 128 : i32
      %mul3A_2980 = arith.muli %select_n3A_2978, %mul3A_2979 : i32
      %dma_start3A_2981 = arith.constant 0 : i32
      %dma_start3A_2982 = arith.constant 0 : i32
      %dma_start3A_2983 = arith.constant 0 : i32
      %dma_start3A_2984 = tpu.memref_slice %arg13[%dma_start3A_2981, %dma_start3A_2982, %dma_start3A_2983] : memref<2x64x128xf32, #tpu.memory_space<vmem>> -> memref<1x64x128xf32, #tpu.memory_space<vmem>>
      %dma_start3A_2985 = tpu.memref_squeeze %dma_start3A_2984 : memref<1x64x128xf32, #tpu.memory_space<vmem>> -> memref<64x128xf32, #tpu.memory_space<vmem>>
      %dma_start3A_2986 = arith.constant 0 : i32
      %dma_start3A_2987 = tpu.memref_slice %arg5[%dma_start3A_2986, %mul3A_2980] : memref<64x1000000xf32, #tpu.memory_space<hbm>> -> memref<64x128xf32, #tpu.memory_space<hbm>>
      %dma_start3A_2988 = arith.constant 0 : i32
      %dma_start3A_2989 = arith.constant 0 : i32
      %dma_start3A_2990 = tpu.memref_slice %arg13[%dma_start3A_2981, %dma_start3A_2988, %dma_start3A_2989] : memref<2x64x128xf32, #tpu.memory_space<vmem>> -> memref<1x64x128xf32, #tpu.memory_space<vmem>>
      %dma_start3A_2991 = tpu.memref_squeeze %dma_start3A_2990 : memref<1x64x128xf32, #tpu.memory_space<vmem>> -> memref<64x128xf32, #tpu.memory_space<vmem>>
      %dma_start3A_2992 = arith.constant 0 : i32
      %dma_start3A_2993 = tpu.memref_slice %arg5[%dma_start3A_2992, %mul3A_2980] : memref<64x1000000xf32, #tpu.memory_space<hbm>> -> memref<64x128xf32, #tpu.memory_space<hbm>>
      tpu.enqueue_dma source(%dma_start3A_2993 : memref<64x128xf32, #tpu.memory_space<hbm>>) target(%dma_start3A_2991 : memref<64x128xf32, #tpu.memory_space<vmem>>) target_semaphore(%arg20 : memref<!tpu.dma_semaphore, #tpu.memory_space<semaphore_mem>>)
      %dma_wait3A_2994 = arith.constant 1 : i32
      %dma_wait3A_2995 = arith.constant 0 : i32
      %dma_wait3A_2996 = arith.constant 0 : i32
      %dma_wait3A_2997 = tpu.memref_slice %arg12[%dma_wait3A_2994, %dma_wait3A_2995, %dma_wait3A_2996] : memref<2x64x128xf32, #tpu.memory_space<vmem>> -> memref<1x64x128xf32, #tpu.memory_space<vmem>>
      %dma_wait3A_2998 = tpu.memref_squeeze %dma_wait3A_2997 : memref<1x64x128xf32, #tpu.memory_space<vmem>> -> memref<64x128xf32, #tpu.memory_space<vmem>>
      %dma_wait3A_2999 = arith.constant 0 : i32
      %dma_wait3A_3000 = tpu.memref_slice %arg4[%dma_wait3A_2999, %mul3A_2729] : memref<64x1000000xf32, #tpu.memory_space<hbm>> -> memref<64x128xf32, #tpu.memory_space<hbm>>
      %dma_wait3A_3001 = arith.constant 0 : i32
      %dma_wait3A_3002 = arith.constant 0 : i32
      %dma_wait3A_3003 = tpu.memref_slice %arg12[%dma_wait3A_2994, %dma_wait3A_3001, %dma_wait3A_3002] : memref<2x64x128xf32, #tpu.memory_space<vmem>> -> memref<1x64x128xf32, #tpu.memory_space<vmem>>
      %dma_wait3A_3004 = tpu.memref_squeeze %dma_wait3A_3003 : memref<1x64x128xf32, #tpu.memory_space<vmem>> -> memref<64x128xf32, #tpu.memory_space<vmem>>
      %dma_wait3A_3005 = arith.constant 0 : i32
      %dma_wait3A_3006 = tpu.memref_slice %arg4[%dma_wait3A_3005, %mul3A_2729] : memref<64x1000000xf32, #tpu.memory_space<hbm>> -> memref<64x128xf32, #tpu.memory_space<hbm>>
      tpu.wait_dma2 semaphore(%arg20 : memref<!tpu.dma_semaphore, #tpu.memory_space<semaphore_mem>>) src(%dma_wait3A_3006 : memref<64x128xf32, #tpu.memory_space<hbm>>) dst(%dma_wait3A_3004 : memref<64x128xf32, #tpu.memory_space<vmem>>)
      %dma_wait3A_3007 = arith.constant 1 : i32
      %dma_wait3A_3008 = arith.constant 0 : i32
      %dma_wait3A_3009 = arith.constant 0 : i32
      %dma_wait3A_3010 = tpu.memref_slice %arg13[%dma_wait3A_3007, %dma_wait3A_3008, %dma_wait3A_3009] : memref<2x64x128xf32, #tpu.memory_space<vmem>> -> memref<1x64x128xf32, #tpu.memory_space<vmem>>
      %dma_wait3A_3011 = tpu.memref_squeeze %dma_wait3A_3010 : memref<1x64x128xf32, #tpu.memory_space<vmem>> -> memref<64x128xf32, #tpu.memory_space<vmem>>
      %dma_wait3A_3012 = arith.constant 0 : i32
      %dma_wait3A_3013 = tpu.memref_slice %arg5[%dma_wait3A_3012, %mul3A_2770] : memref<64x1000000xf32, #tpu.memory_space<hbm>> -> memref<64x128xf32, #tpu.memory_space<hbm>>
      %dma_wait3A_3014 = arith.constant 0 : i32
      %dma_wait3A_3015 = arith.constant 0 : i32
      %dma_wait3A_3016 = tpu.memref_slice %arg13[%dma_wait3A_3007, %dma_wait3A_3014, %dma_wait3A_3015] : memref<2x64x128xf32, #tpu.memory_space<vmem>> -> memref<1x64x128xf32, #tpu.memory_space<vmem>>
      %dma_wait3A_3017 = tpu.memref_squeeze %dma_wait3A_3016 : memref<1x64x128xf32, #tpu.memory_space<vmem>> -> memref<64x128xf32, #tpu.memory_space<vmem>>
      %dma_wait3A_3018 = arith.constant 0 : i32
      %dma_wait3A_3019 = tpu.memref_slice %arg5[%dma_wait3A_3018, %mul3A_2770] : memref<64x1000000xf32, #tpu.memory_space<hbm>> -> memref<64x128xf32, #tpu.memory_space<hbm>>
      tpu.wait_dma2 semaphore(%arg20 : memref<!tpu.dma_semaphore, #tpu.memory_space<semaphore_mem>>) src(%dma_wait3A_3019 : memref<64x128xf32, #tpu.memory_space<hbm>>) dst(%dma_wait3A_3017 : memref<64x128xf32, #tpu.memory_space<vmem>>)
      %slice3A_3020 = vector.extract_strided_slice %get3A_108 {offsets = [13], sizes = [1], strides = [1]} : vector<16xi32> to vector<1xi32>
      %squeeze3A_3021 = vector.extract %slice3A_3020[0] : i32 from vector<1xi32>
      %jit3A_3022 = arith.constant 128 : i32
      %eq3A_3023 = arith.constant 0 : i32
      %eq3A_3024 = arith.cmpi eq, %jit3A_3022, %eq3A_3023 : i32
      %jit3A_3025 = arith.constant 1 : i32
      %select_n3A_3026 = arith.select %eq3A_3024, %jit3A_3025, %jit3A_3022 : i32
      %rem3A_3027 = arith.remsi %squeeze3A_3021, %select_n3A_3026 : i32
      %ne3A_3028 = arith.constant 0 : i32
      %ne3A_3029 = arith.cmpi ne, %rem3A_3027, %ne3A_3028 : i32
      %lt3A_3030 = arith.constant 0 : i32
      %lt3A_3031 = arith.cmpi slt, %rem3A_3027, %lt3A_3030 : i32
      %lt3A_3032 = arith.constant 0 : i32
      %lt3A_3033 = arith.cmpi slt, %select_n3A_3026, %lt3A_3032 : i32
      %ne3A_3034 = arith.xori %lt3A_3031, %lt3A_3033 : i1
      %and3A_3035 = arith.andi %ne3A_3034, %ne3A_3029 : i1
      %add3A_3036 = arith.addi %rem3A_3027, %select_n3A_3026 : i32
      %select_n3A_3037 = arith.select %and3A_3035, %add3A_3036, %rem3A_3027 : i32
      %add3A_3038 = vector.broadcast %select_n3A_3037 : i32 to vector<16xi32>
      %add3A_3039 = arith.addi %broadcast_in_dim3A_98, %add3A_3038 : vector<16xi32>
      %add3A_3040 = arith.constant 1 : i32
      %add3A_3041 = vector.broadcast %add3A_3040 : i32 to vector<16xi32>
      %add3A_3042 = arith.addi %broadcast_in_dim3A_98, %add3A_3041 : vector<16xi32>
      %add3A_3043 = arith.constant 0 : i32
      %add3A_3044 = vector.broadcast %add3A_3043 : i32 to vector<16xi32>
      %add3A_3045 = arith.addi %add3A_3044, %iota3A : vector<16xi32>
      %gather3A_3046 = tpu.vector_load_idx %arg12[%add3A_3042, %add3A_3045, %add3A_3039] : memref<2x64x128xf32, #tpu.memory_space<vmem>>[vector<16xi32>, vector<16xi32>, vector<16xi32>], vector<16xf32>,
      %add3A_3047 = arith.constant 13 : i32
      %add3A_3048 = vector.broadcast %add3A_3047 : i32 to vector<16xi32>
      %add3A_3049 = arith.addi %broadcast_in_dim3A_98, %add3A_3048 : vector<16xi32>
      tpu.vector_store_idx %arg14[%add3A_3049, %add3A_3045], %gather3A_3046 : memref<16x64xf32, #tpu.memory_space<vmem>>[vector<16xi32>, vector<16xi32>], vector<16xf32>,
      %add3A_3050 = arith.constant 16 : i32
      %add3A_3051 = vector.broadcast %add3A_3050 : i32 to vector<16xi32>
      %add3A_3052 = arith.addi %add3A_3051, %iota3A : vector<16xi32>
      %gather3A_3053 = tpu.vector_load_idx %arg12[%add3A_3042, %add3A_3052, %add3A_3039] : memref<2x64x128xf32, #tpu.memory_space<vmem>>[vector<16xi32>, vector<16xi32>, vector<16xi32>], vector<16xf32>,
      %add3A_3054 = arith.constant 13 : i32
      %add3A_3055 = vector.broadcast %add3A_3054 : i32 to vector<16xi32>
      %add3A_3056 = arith.addi %broadcast_in_dim3A_98, %add3A_3055 : vector<16xi32>
      tpu.vector_store_idx %arg14[%add3A_3056, %add3A_3052], %gather3A_3053 : memref<16x64xf32, #tpu.memory_space<vmem>>[vector<16xi32>, vector<16xi32>], vector<16xf32>,
      %add3A_3057 = arith.constant 32 : i32
      %add3A_3058 = vector.broadcast %add3A_3057 : i32 to vector<16xi32>
      %add3A_3059 = arith.addi %add3A_3058, %iota3A : vector<16xi32>
      %gather3A_3060 = tpu.vector_load_idx %arg12[%add3A_3042, %add3A_3059, %add3A_3039] : memref<2x64x128xf32, #tpu.memory_space<vmem>>[vector<16xi32>, vector<16xi32>, vector<16xi32>], vector<16xf32>,
      %add3A_3061 = arith.constant 13 : i32
      %add3A_3062 = vector.broadcast %add3A_3061 : i32 to vector<16xi32>
      %add3A_3063 = arith.addi %broadcast_in_dim3A_98, %add3A_3062 : vector<16xi32>
      tpu.vector_store_idx %arg14[%add3A_3063, %add3A_3059], %gather3A_3060 : memref<16x64xf32, #tpu.memory_space<vmem>>[vector<16xi32>, vector<16xi32>], vector<16xf32>,
      %add3A_3064 = arith.constant 48 : i32
      %add3A_3065 = vector.broadcast %add3A_3064 : i32 to vector<16xi32>
      %add3A_3066 = arith.addi %add3A_3065, %iota3A : vector<16xi32>
      %gather3A_3067 = tpu.vector_load_idx %arg12[%add3A_3042, %add3A_3066, %add3A_3039] : memref<2x64x128xf32, #tpu.memory_space<vmem>>[vector<16xi32>, vector<16xi32>, vector<16xi32>], vector<16xf32>,
      %add3A_3068 = arith.constant 13 : i32
      %add3A_3069 = vector.broadcast %add3A_3068 : i32 to vector<16xi32>
      %add3A_3070 = arith.addi %broadcast_in_dim3A_98, %add3A_3069 : vector<16xi32>
      tpu.vector_store_idx %arg14[%add3A_3070, %add3A_3066], %gather3A_3067 : memref<16x64xf32, #tpu.memory_space<vmem>>[vector<16xi32>, vector<16xi32>], vector<16xf32>,
      %slice3A_3071 = vector.extract_strided_slice %get3A_112 {offsets = [13], sizes = [1], strides = [1]} : vector<16xi32> to vector<1xi32>
      %squeeze3A_3072 = vector.extract %slice3A_3071[0] : i32 from vector<1xi32>
      %jit3A_3073 = arith.constant 128 : i32
      %eq3A_3074 = arith.constant 0 : i32
      %eq3A_3075 = arith.cmpi eq, %jit3A_3073, %eq3A_3074 : i32
      %jit3A_3076 = arith.constant 1 : i32
      %select_n3A_3077 = arith.select %eq3A_3075, %jit3A_3076, %jit3A_3073 : i32
      %rem3A_3078 = arith.remsi %squeeze3A_3072, %select_n3A_3077 : i32
      %ne3A_3079 = arith.constant 0 : i32
      %ne3A_3080 = arith.cmpi ne, %rem3A_3078, %ne3A_3079 : i32
      %lt3A_3081 = arith.constant 0 : i32
      %lt3A_3082 = arith.cmpi slt, %rem3A_3078, %lt3A_3081 : i32
      %lt3A_3083 = arith.constant 0 : i32
      %lt3A_3084 = arith.cmpi slt, %select_n3A_3077, %lt3A_3083 : i32
      %ne3A_3085 = arith.xori %lt3A_3082, %lt3A_3084 : i1
      %and3A_3086 = arith.andi %ne3A_3085, %ne3A_3080 : i1
      %add3A_3087 = arith.addi %rem3A_3078, %select_n3A_3077 : i32
      %select_n3A_3088 = arith.select %and3A_3086, %add3A_3087, %rem3A_3078 : i32
      %add3A_3089 = vector.broadcast %select_n3A_3088 : i32 to vector<16xi32>
      %add3A_3090 = arith.addi %broadcast_in_dim3A_98, %add3A_3089 : vector<16xi32>
      %add3A_3091 = arith.constant 1 : i32
      %add3A_3092 = vector.broadcast %add3A_3091 : i32 to vector<16xi32>
      %add3A_3093 = arith.addi %broadcast_in_dim3A_98, %add3A_3092 : vector<16xi32>
      %add3A_3094 = arith.constant 0 : i32
      %add3A_3095 = vector.broadcast %add3A_3094 : i32 to vector<16xi32>
      %add3A_3096 = arith.addi %add3A_3095, %iota3A : vector<16xi32>
      %gather3A_3097 = tpu.vector_load_idx %arg13[%add3A_3093, %add3A_3096, %add3A_3090] : memref<2x64x128xf32, #tpu.memory_space<vmem>>[vector<16xi32>, vector<16xi32>, vector<16xi32>], vector<16xf32>,
      %add3A_3098 = arith.constant 13 : i32
      %add3A_3099 = vector.broadcast %add3A_3098 : i32 to vector<16xi32>
      %add3A_3100 = arith.addi %broadcast_in_dim3A_98, %add3A_3099 : vector<16xi32>
      tpu.vector_store_idx %arg15[%add3A_3100, %add3A_3096], %gather3A_3097 : memref<16x64xf32, #tpu.memory_space<vmem>>[vector<16xi32>, vector<16xi32>], vector<16xf32>,
      %add3A_3101 = arith.constant 16 : i32
      %add3A_3102 = vector.broadcast %add3A_3101 : i32 to vector<16xi32>
      %add3A_3103 = arith.addi %add3A_3102, %iota3A : vector<16xi32>
      %gather3A_3104 = tpu.vector_load_idx %arg13[%add3A_3093, %add3A_3103, %add3A_3090] : memref<2x64x128xf32, #tpu.memory_space<vmem>>[vector<16xi32>, vector<16xi32>, vector<16xi32>], vector<16xf32>,
      %add3A_3105 = arith.constant 13 : i32
      %add3A_3106 = vector.broadcast %add3A_3105 : i32 to vector<16xi32>
      %add3A_3107 = arith.addi %broadcast_in_dim3A_98, %add3A_3106 : vector<16xi32>
      tpu.vector_store_idx %arg15[%add3A_3107, %add3A_3103], %gather3A_3104 : memref<16x64xf32, #tpu.memory_space<vmem>>[vector<16xi32>, vector<16xi32>], vector<16xf32>,
      %add3A_3108 = arith.constant 32 : i32
      %add3A_3109 = vector.broadcast %add3A_3108 : i32 to vector<16xi32>
      %add3A_3110 = arith.addi %add3A_3109, %iota3A : vector<16xi32>
      %gather3A_3111 = tpu.vector_load_idx %arg13[%add3A_3093, %add3A_3110, %add3A_3090] : memref<2x64x128xf32, #tpu.memory_space<vmem>>[vector<16xi32>, vector<16xi32>, vector<16xi32>], vector<16xf32>,
      %add3A_3112 = arith.constant 13 : i32
      %add3A_3113 = vector.broadcast %add3A_3112 : i32 to vector<16xi32>
      %add3A_3114 = arith.addi %broadcast_in_dim3A_98, %add3A_3113 : vector<16xi32>
      tpu.vector_store_idx %arg15[%add3A_3114, %add3A_3110], %gather3A_3111 : memref<16x64xf32, #tpu.memory_space<vmem>>[vector<16xi32>, vector<16xi32>], vector<16xf32>,
      %add3A_3115 = arith.constant 48 : i32
      %add3A_3116 = vector.broadcast %add3A_3115 : i32 to vector<16xi32>
      %add3A_3117 = arith.addi %add3A_3116, %iota3A : vector<16xi32>
      %gather3A_3118 = tpu.vector_load_idx %arg13[%add3A_3093, %add3A_3117, %add3A_3090] : memref<2x64x128xf32, #tpu.memory_space<vmem>>[vector<16xi32>, vector<16xi32>, vector<16xi32>], vector<16xf32>,
      %add3A_3119 = arith.constant 13 : i32
      %add3A_3120 = vector.broadcast %add3A_3119 : i32 to vector<16xi32>
      %add3A_3121 = arith.addi %broadcast_in_dim3A_98, %add3A_3120 : vector<16xi32>
      tpu.vector_store_idx %arg15[%add3A_3121, %add3A_3117], %gather3A_3118 : memref<16x64xf32, #tpu.memory_space<vmem>>[vector<16xi32>, vector<16xi32>], vector<16xf32>,
      %slice3A_3122 = vector.extract_strided_slice %get3A_108 {offsets = [15], sizes = [1], strides = [1]} : vector<16xi32> to vector<1xi32>
      %squeeze3A_3123 = vector.extract %slice3A_3122[0] : i32 from vector<1xi32>
      %jit3A_3124 = arith.constant 128 : i32
      %div3A_3125 = arith.divsi %squeeze3A_3123, %jit3A_3124 : i32
      %sign3A_3126 = arith.constant 0 : i32
      %sign3A_3127 = arith.cmpi sgt, %squeeze3A_3123, %sign3A_3126 : i32
      %sign3A_3128 = arith.extui %sign3A_3127 : i1 to i32
      %sign3A_3129 = arith.constant 0 : i32
      %sign3A_3130 = arith.cmpi slt, %squeeze3A_3123, %sign3A_3129 : i32
      %sign3A_3131 = arith.extui %sign3A_3130 : i1 to i32
      %sign3A_3132 = arith.subi %sign3A_3128, %sign3A_3131 : i32
      %sign3A_3133 = arith.constant 0 : i32
      %sign3A_3134 = arith.cmpi sgt, %jit3A_3124, %sign3A_3133 : i32
      %sign3A_3135 = arith.extui %sign3A_3134 : i1 to i32
      %sign3A_3136 = arith.constant 0 : i32
      %sign3A_3137 = arith.cmpi slt, %jit3A_3124, %sign3A_3136 : i32
      %sign3A_3138 = arith.extui %sign3A_3137 : i1 to i32
      %sign3A_3139 = arith.subi %sign3A_3135, %sign3A_3138 : i32
      %ne3A_3140 = arith.cmpi ne, %sign3A_3132, %sign3A_3139 : i32
      %rem3A_3141 = arith.remsi %squeeze3A_3123, %jit3A_3124 : i32
      %ne3A_3142 = arith.constant 0 : i32
      %ne3A_3143 = arith.cmpi ne, %rem3A_3141, %ne3A_3142 : i32
      %and3A_3144 = arith.andi %ne3A_3140, %ne3A_3143 : i1
      %sub3A_3145 = arith.constant 1 : i32
      %sub3A_3146 = arith.subi %div3A_3125, %sub3A_3145 : i32
      %select_n3A_3147 = arith.select %and3A_3144, %sub3A_3146, %div3A_3125 : i32
      %mul3A_3148 = arith.constant 128 : i32
      %mul3A_3149 = arith.muli %select_n3A_3147, %mul3A_3148 : i32
      %dma_start3A_3150 = arith.constant 1 : i32
      %dma_start3A_3151 = arith.constant 0 : i32
      %dma_start3A_3152 = arith.constant 0 : i32
      %dma_start3A_3153 = tpu.memref_slice %arg12[%dma_start3A_3150, %dma_start3A_3151, %dma_start3A_3152] : memref<2x64x128xf32, #tpu.memory_space<vmem>> -> memref<1x64x128xf32, #tpu.memory_space<vmem>>
      %dma_start3A_3154 = tpu.memref_squeeze %dma_start3A_3153 : memref<1x64x128xf32, #tpu.memory_space<vmem>> -> memref<64x128xf32, #tpu.memory_space<vmem>>
      %dma_start3A_3155 = arith.constant 0 : i32
      %dma_start3A_3156 = tpu.memref_slice %arg4[%dma_start3A_3155, %mul3A_3149] : memref<64x1000000xf32, #tpu.memory_space<hbm>> -> memref<64x128xf32, #tpu.memory_space<hbm>>
      %dma_start3A_3157 = arith.constant 0 : i32
      %dma_start3A_3158 = arith.constant 0 : i32
      %dma_start3A_3159 = tpu.memref_slice %arg12[%dma_start3A_3150, %dma_start3A_3157, %dma_start3A_3158] : memref<2x64x128xf32, #tpu.memory_space<vmem>> -> memref<1x64x128xf32, #tpu.memory_space<vmem>>
      %dma_start3A_3160 = tpu.memref_squeeze %dma_start3A_3159 : memref<1x64x128xf32, #tpu.memory_space<vmem>> -> memref<64x128xf32, #tpu.memory_space<vmem>>
      %dma_start3A_3161 = arith.constant 0 : i32
      %dma_start3A_3162 = tpu.memref_slice %arg4[%dma_start3A_3161, %mul3A_3149] : memref<64x1000000xf32, #tpu.memory_space<hbm>> -> memref<64x128xf32, #tpu.memory_space<hbm>>
      tpu.enqueue_dma source(%dma_start3A_3162 : memref<64x128xf32, #tpu.memory_space<hbm>>) target(%dma_start3A_3160 : memref<64x128xf32, #tpu.memory_space<vmem>>) target_semaphore(%arg20 : memref<!tpu.dma_semaphore, #tpu.memory_space<semaphore_mem>>)
      %slice3A_3163 = vector.extract_strided_slice %get3A_112 {offsets = [15], sizes = [1], strides = [1]} : vector<16xi32> to vector<1xi32>
      %squeeze3A_3164 = vector.extract %slice3A_3163[0] : i32 from vector<1xi32>
      %jit3A_3165 = arith.constant 128 : i32
      %div3A_3166 = arith.divsi %squeeze3A_3164, %jit3A_3165 : i32
      %sign3A_3167 = arith.constant 0 : i32
      %sign3A_3168 = arith.cmpi sgt, %squeeze3A_3164, %sign3A_3167 : i32
      %sign3A_3169 = arith.extui %sign3A_3168 : i1 to i32
      %sign3A_3170 = arith.constant 0 : i32
      %sign3A_3171 = arith.cmpi slt, %squeeze3A_3164, %sign3A_3170 : i32
      %sign3A_3172 = arith.extui %sign3A_3171 : i1 to i32
      %sign3A_3173 = arith.subi %sign3A_3169, %sign3A_3172 : i32
      %sign3A_3174 = arith.constant 0 : i32
      %sign3A_3175 = arith.cmpi sgt, %jit3A_3165, %sign3A_3174 : i32
      %sign3A_3176 = arith.extui %sign3A_3175 : i1 to i32
      %sign3A_3177 = arith.constant 0 : i32
      %sign3A_3178 = arith.cmpi slt, %jit3A_3165, %sign3A_3177 : i32
      %sign3A_3179 = arith.extui %sign3A_3178 : i1 to i32
      %sign3A_3180 = arith.subi %sign3A_3176, %sign3A_3179 : i32
      %ne3A_3181 = arith.cmpi ne, %sign3A_3173, %sign3A_3180 : i32
      %rem3A_3182 = arith.remsi %squeeze3A_3164, %jit3A_3165 : i32
      %ne3A_3183 = arith.constant 0 : i32
      %ne3A_3184 = arith.cmpi ne, %rem3A_3182, %ne3A_3183 : i32
      %and3A_3185 = arith.andi %ne3A_3181, %ne3A_3184 : i1
      %sub3A_3186 = arith.constant 1 : i32
      %sub3A_3187 = arith.subi %div3A_3166, %sub3A_3186 : i32
      %select_n3A_3188 = arith.select %and3A_3185, %sub3A_3187, %div3A_3166 : i32
      %mul3A_3189 = arith.constant 128 : i32
      %mul3A_3190 = arith.muli %select_n3A_3188, %mul3A_3189 : i32
      %dma_start3A_3191 = arith.constant 1 : i32
      %dma_start3A_3192 = arith.constant 0 : i32
      %dma_start3A_3193 = arith.constant 0 : i32
      %dma_start3A_3194 = tpu.memref_slice %arg13[%dma_start3A_3191, %dma_start3A_3192, %dma_start3A_3193] : memref<2x64x128xf32, #tpu.memory_space<vmem>> -> memref<1x64x128xf32, #tpu.memory_space<vmem>>
      %dma_start3A_3195 = tpu.memref_squeeze %dma_start3A_3194 : memref<1x64x128xf32, #tpu.memory_space<vmem>> -> memref<64x128xf32, #tpu.memory_space<vmem>>
      %dma_start3A_3196 = arith.constant 0 : i32
      %dma_start3A_3197 = tpu.memref_slice %arg5[%dma_start3A_3196, %mul3A_3190] : memref<64x1000000xf32, #tpu.memory_space<hbm>> -> memref<64x128xf32, #tpu.memory_space<hbm>>
      %dma_start3A_3198 = arith.constant 0 : i32
      %dma_start3A_3199 = arith.constant 0 : i32
      %dma_start3A_3200 = tpu.memref_slice %arg13[%dma_start3A_3191, %dma_start3A_3198, %dma_start3A_3199] : memref<2x64x128xf32, #tpu.memory_space<vmem>> -> memref<1x64x128xf32, #tpu.memory_space<vmem>>
      %dma_start3A_3201 = tpu.memref_squeeze %dma_start3A_3200 : memref<1x64x128xf32, #tpu.memory_space<vmem>> -> memref<64x128xf32, #tpu.memory_space<vmem>>
      %dma_start3A_3202 = arith.constant 0 : i32
      %dma_start3A_3203 = tpu.memref_slice %arg5[%dma_start3A_3202, %mul3A_3190] : memref<64x1000000xf32, #tpu.memory_space<hbm>> -> memref<64x128xf32, #tpu.memory_space<hbm>>
      tpu.enqueue_dma source(%dma_start3A_3203 : memref<64x128xf32, #tpu.memory_space<hbm>>) target(%dma_start3A_3201 : memref<64x128xf32, #tpu.memory_space<vmem>>) target_semaphore(%arg20 : memref<!tpu.dma_semaphore, #tpu.memory_space<semaphore_mem>>)
      %dma_wait3A_3204 = arith.constant 0 : i32
      %dma_wait3A_3205 = arith.constant 0 : i32
      %dma_wait3A_3206 = arith.constant 0 : i32
      %dma_wait3A_3207 = tpu.memref_slice %arg12[%dma_wait3A_3204, %dma_wait3A_3205, %dma_wait3A_3206] : memref<2x64x128xf32, #tpu.memory_space<vmem>> -> memref<1x64x128xf32, #tpu.memory_space<vmem>>
      %dma_wait3A_3208 = tpu.memref_squeeze %dma_wait3A_3207 : memref<1x64x128xf32, #tpu.memory_space<vmem>> -> memref<64x128xf32, #tpu.memory_space<vmem>>
      %dma_wait3A_3209 = arith.constant 0 : i32
      %dma_wait3A_3210 = tpu.memref_slice %arg4[%dma_wait3A_3209, %mul3A_2939] : memref<64x1000000xf32, #tpu.memory_space<hbm>> -> memref<64x128xf32, #tpu.memory_space<hbm>>
      %dma_wait3A_3211 = arith.constant 0 : i32
      %dma_wait3A_3212 = arith.constant 0 : i32
      %dma_wait3A_3213 = tpu.memref_slice %arg12[%dma_wait3A_3204, %dma_wait3A_3211, %dma_wait3A_3212] : memref<2x64x128xf32, #tpu.memory_space<vmem>> -> memref<1x64x128xf32, #tpu.memory_space<vmem>>
      %dma_wait3A_3214 = tpu.memref_squeeze %dma_wait3A_3213 : memref<1x64x128xf32, #tpu.memory_space<vmem>> -> memref<64x128xf32, #tpu.memory_space<vmem>>
      %dma_wait3A_3215 = arith.constant 0 : i32
      %dma_wait3A_3216 = tpu.memref_slice %arg4[%dma_wait3A_3215, %mul3A_2939] : memref<64x1000000xf32, #tpu.memory_space<hbm>> -> memref<64x128xf32, #tpu.memory_space<hbm>>
      tpu.wait_dma2 semaphore(%arg20 : memref<!tpu.dma_semaphore, #tpu.memory_space<semaphore_mem>>) src(%dma_wait3A_3216 : memref<64x128xf32, #tpu.memory_space<hbm>>) dst(%dma_wait3A_3214 : memref<64x128xf32, #tpu.memory_space<vmem>>)
      %dma_wait3A_3217 = arith.constant 0 : i32
      %dma_wait3A_3218 = arith.constant 0 : i32
      %dma_wait3A_3219 = arith.constant 0 : i32
      %dma_wait3A_3220 = tpu.memref_slice %arg13[%dma_wait3A_3217, %dma_wait3A_3218, %dma_wait3A_3219] : memref<2x64x128xf32, #tpu.memory_space<vmem>> -> memref<1x64x128xf32, #tpu.memory_space<vmem>>
      %dma_wait3A_3221 = tpu.memref_squeeze %dma_wait3A_3220 : memref<1x64x128xf32, #tpu.memory_space<vmem>> -> memref<64x128xf32, #tpu.memory_space<vmem>>
      %dma_wait3A_3222 = arith.constant 0 : i32
      %dma_wait3A_3223 = tpu.memref_slice %arg5[%dma_wait3A_3222, %mul3A_2980] : memref<64x1000000xf32, #tpu.memory_space<hbm>> -> memref<64x128xf32, #tpu.memory_space<hbm>>
      %dma_wait3A_3224 = arith.constant 0 : i32
      %dma_wait3A_3225 = arith.constant 0 : i32
      %dma_wait3A_3226 = tpu.memref_slice %arg13[%dma_wait3A_3217, %dma_wait3A_3224, %dma_wait3A_3225] : memref<2x64x128xf32, #tpu.memory_space<vmem>> -> memref<1x64x128xf32, #tpu.memory_space<vmem>>
      %dma_wait3A_3227 = tpu.memref_squeeze %dma_wait3A_3226 : memref<1x64x128xf32, #tpu.memory_space<vmem>> -> memref<64x128xf32, #tpu.memory_space<vmem>>
      %dma_wait3A_3228 = arith.constant 0 : i32
      %dma_wait3A_3229 = tpu.memref_slice %arg5[%dma_wait3A_3228, %mul3A_2980] : memref<64x1000000xf32, #tpu.memory_space<hbm>> -> memref<64x128xf32, #tpu.memory_space<hbm>>
      tpu.wait_dma2 semaphore(%arg20 : memref<!tpu.dma_semaphore, #tpu.memory_space<semaphore_mem>>) src(%dma_wait3A_3229 : memref<64x128xf32, #tpu.memory_space<hbm>>) dst(%dma_wait3A_3227 : memref<64x128xf32, #tpu.memory_space<vmem>>)
      %slice3A_3230 = vector.extract_strided_slice %get3A_108 {offsets = [14], sizes = [1], strides = [1]} : vector<16xi32> to vector<1xi32>
      %squeeze3A_3231 = vector.extract %slice3A_3230[0] : i32 from vector<1xi32>
      %jit3A_3232 = arith.constant 128 : i32
      %eq3A_3233 = arith.constant 0 : i32
      %eq3A_3234 = arith.cmpi eq, %jit3A_3232, %eq3A_3233 : i32
      %jit3A_3235 = arith.constant 1 : i32
      %select_n3A_3236 = arith.select %eq3A_3234, %jit3A_3235, %jit3A_3232 : i32
      %rem3A_3237 = arith.remsi %squeeze3A_3231, %select_n3A_3236 : i32
      %ne3A_3238 = arith.constant 0 : i32
      %ne3A_3239 = arith.cmpi ne, %rem3A_3237, %ne3A_3238 : i32
      %lt3A_3240 = arith.constant 0 : i32
      %lt3A_3241 = arith.cmpi slt, %rem3A_3237, %lt3A_3240 : i32
      %lt3A_3242 = arith.constant 0 : i32
      %lt3A_3243 = arith.cmpi slt, %select_n3A_3236, %lt3A_3242 : i32
      %ne3A_3244 = arith.xori %lt3A_3241, %lt3A_3243 : i1
      %and3A_3245 = arith.andi %ne3A_3244, %ne3A_3239 : i1
      %add3A_3246 = arith.addi %rem3A_3237, %select_n3A_3236 : i32
      %select_n3A_3247 = arith.select %and3A_3245, %add3A_3246, %rem3A_3237 : i32
      %add3A_3248 = vector.broadcast %select_n3A_3247 : i32 to vector<16xi32>
      %add3A_3249 = arith.addi %broadcast_in_dim3A_98, %add3A_3248 : vector<16xi32>
      %add3A_3250 = arith.constant 0 : i32
      %add3A_3251 = vector.broadcast %add3A_3250 : i32 to vector<16xi32>
      %add3A_3252 = arith.addi %broadcast_in_dim3A_98, %add3A_3251 : vector<16xi32>
      %add3A_3253 = arith.constant 0 : i32
      %add3A_3254 = vector.broadcast %add3A_3253 : i32 to vector<16xi32>
      %add3A_3255 = arith.addi %add3A_3254, %iota3A : vector<16xi32>
      %gather3A_3256 = tpu.vector_load_idx %arg12[%add3A_3252, %add3A_3255, %add3A_3249] : memref<2x64x128xf32, #tpu.memory_space<vmem>>[vector<16xi32>, vector<16xi32>, vector<16xi32>], vector<16xf32>,
      %add3A_3257 = arith.constant 14 : i32
      %add3A_3258 = vector.broadcast %add3A_3257 : i32 to vector<16xi32>
      %add3A_3259 = arith.addi %broadcast_in_dim3A_98, %add3A_3258 : vector<16xi32>
      tpu.vector_store_idx %arg14[%add3A_3259, %add3A_3255], %gather3A_3256 : memref<16x64xf32, #tpu.memory_space<vmem>>[vector<16xi32>, vector<16xi32>], vector<16xf32>,
      %add3A_3260 = arith.constant 16 : i32
      %add3A_3261 = vector.broadcast %add3A_3260 : i32 to vector<16xi32>
      %add3A_3262 = arith.addi %add3A_3261, %iota3A : vector<16xi32>
      %gather3A_3263 = tpu.vector_load_idx %arg12[%add3A_3252, %add3A_3262, %add3A_3249] : memref<2x64x128xf32, #tpu.memory_space<vmem>>[vector<16xi32>, vector<16xi32>, vector<16xi32>], vector<16xf32>,
      %add3A_3264 = arith.constant 14 : i32
      %add3A_3265 = vector.broadcast %add3A_3264 : i32 to vector<16xi32>
      %add3A_3266 = arith.addi %broadcast_in_dim3A_98, %add3A_3265 : vector<16xi32>
      tpu.vector_store_idx %arg14[%add3A_3266, %add3A_3262], %gather3A_3263 : memref<16x64xf32, #tpu.memory_space<vmem>>[vector<16xi32>, vector<16xi32>], vector<16xf32>,
      %add3A_3267 = arith.constant 32 : i32
      %add3A_3268 = vector.broadcast %add3A_3267 : i32 to vector<16xi32>
      %add3A_3269 = arith.addi %add3A_3268, %iota3A : vector<16xi32>
      %gather3A_3270 = tpu.vector_load_idx %arg12[%add3A_3252, %add3A_3269, %add3A_3249] : memref<2x64x128xf32, #tpu.memory_space<vmem>>[vector<16xi32>, vector<16xi32>, vector<16xi32>], vector<16xf32>,
      %add3A_3271 = arith.constant 14 : i32
      %add3A_3272 = vector.broadcast %add3A_3271 : i32 to vector<16xi32>
      %add3A_3273 = arith.addi %broadcast_in_dim3A_98, %add3A_3272 : vector<16xi32>
      tpu.vector_store_idx %arg14[%add3A_3273, %add3A_3269], %gather3A_3270 : memref<16x64xf32, #tpu.memory_space<vmem>>[vector<16xi32>, vector<16xi32>], vector<16xf32>,
      %add3A_3274 = arith.constant 48 : i32
      %add3A_3275 = vector.broadcast %add3A_3274 : i32 to vector<16xi32>
      %add3A_3276 = arith.addi %add3A_3275, %iota3A : vector<16xi32>
      %gather3A_3277 = tpu.vector_load_idx %arg12[%add3A_3252, %add3A_3276, %add3A_3249] : memref<2x64x128xf32, #tpu.memory_space<vmem>>[vector<16xi32>, vector<16xi32>, vector<16xi32>], vector<16xf32>,
      %add3A_3278 = arith.constant 14 : i32
      %add3A_3279 = vector.broadcast %add3A_3278 : i32 to vector<16xi32>
      %add3A_3280 = arith.addi %broadcast_in_dim3A_98, %add3A_3279 : vector<16xi32>
      tpu.vector_store_idx %arg14[%add3A_3280, %add3A_3276], %gather3A_3277 : memref<16x64xf32, #tpu.memory_space<vmem>>[vector<16xi32>, vector<16xi32>], vector<16xf32>,
      %slice3A_3281 = vector.extract_strided_slice %get3A_112 {offsets = [14], sizes = [1], strides = [1]} : vector<16xi32> to vector<1xi32>
      %squeeze3A_3282 = vector.extract %slice3A_3281[0] : i32 from vector<1xi32>
      %jit3A_3283 = arith.constant 128 : i32
      %eq3A_3284 = arith.constant 0 : i32
      %eq3A_3285 = arith.cmpi eq, %jit3A_3283, %eq3A_3284 : i32
      %jit3A_3286 = arith.constant 1 : i32
      %select_n3A_3287 = arith.select %eq3A_3285, %jit3A_3286, %jit3A_3283 : i32
      %rem3A_3288 = arith.remsi %squeeze3A_3282, %select_n3A_3287 : i32
      %ne3A_3289 = arith.constant 0 : i32
      %ne3A_3290 = arith.cmpi ne, %rem3A_3288, %ne3A_3289 : i32
      %lt3A_3291 = arith.constant 0 : i32
      %lt3A_3292 = arith.cmpi slt, %rem3A_3288, %lt3A_3291 : i32
      %lt3A_3293 = arith.constant 0 : i32
      %lt3A_3294 = arith.cmpi slt, %select_n3A_3287, %lt3A_3293 : i32
      %ne3A_3295 = arith.xori %lt3A_3292, %lt3A_3294 : i1
      %and3A_3296 = arith.andi %ne3A_3295, %ne3A_3290 : i1
      %add3A_3297 = arith.addi %rem3A_3288, %select_n3A_3287 : i32
      %select_n3A_3298 = arith.select %and3A_3296, %add3A_3297, %rem3A_3288 : i32
      %add3A_3299 = vector.broadcast %select_n3A_3298 : i32 to vector<16xi32>
      %add3A_3300 = arith.addi %broadcast_in_dim3A_98, %add3A_3299 : vector<16xi32>
      %add3A_3301 = arith.constant 0 : i32
      %add3A_3302 = vector.broadcast %add3A_3301 : i32 to vector<16xi32>
      %add3A_3303 = arith.addi %broadcast_in_dim3A_98, %add3A_3302 : vector<16xi32>
      %add3A_3304 = arith.constant 0 : i32
      %add3A_3305 = vector.broadcast %add3A_3304 : i32 to vector<16xi32>
      %add3A_3306 = arith.addi %add3A_3305, %iota3A : vector<16xi32>
      %gather3A_3307 = tpu.vector_load_idx %arg13[%add3A_3303, %add3A_3306, %add3A_3300] : memref<2x64x128xf32, #tpu.memory_space<vmem>>[vector<16xi32>, vector<16xi32>, vector<16xi32>], vector<16xf32>,
      %add3A_3308 = arith.constant 14 : i32
      %add3A_3309 = vector.broadcast %add3A_3308 : i32 to vector<16xi32>
      %add3A_3310 = arith.addi %broadcast_in_dim3A_98, %add3A_3309 : vector<16xi32>
      tpu.vector_store_idx %arg15[%add3A_3310, %add3A_3306], %gather3A_3307 : memref<16x64xf32, #tpu.memory_space<vmem>>[vector<16xi32>, vector<16xi32>], vector<16xf32>,
      %add3A_3311 = arith.constant 16 : i32
      %add3A_3312 = vector.broadcast %add3A_3311 : i32 to vector<16xi32>
      %add3A_3313 = arith.addi %add3A_3312, %iota3A : vector<16xi32>
      %gather3A_3314 = tpu.vector_load_idx %arg13[%add3A_3303, %add3A_3313, %add3A_3300] : memref<2x64x128xf32, #tpu.memory_space<vmem>>[vector<16xi32>, vector<16xi32>, vector<16xi32>], vector<16xf32>,
      %add3A_3315 = arith.constant 14 : i32
      %add3A_3316 = vector.broadcast %add3A_3315 : i32 to vector<16xi32>
      %add3A_3317 = arith.addi %broadcast_in_dim3A_98, %add3A_3316 : vector<16xi32>
      tpu.vector_store_idx %arg15[%add3A_3317, %add3A_3313], %gather3A_3314 : memref<16x64xf32, #tpu.memory_space<vmem>>[vector<16xi32>, vector<16xi32>], vector<16xf32>,
      %add3A_3318 = arith.constant 32 : i32
      %add3A_3319 = vector.broadcast %add3A_3318 : i32 to vector<16xi32>
      %add3A_3320 = arith.addi %add3A_3319, %iota3A : vector<16xi32>
      %gather3A_3321 = tpu.vector_load_idx %arg13[%add3A_3303, %add3A_3320, %add3A_3300] : memref<2x64x128xf32, #tpu.memory_space<vmem>>[vector<16xi32>, vector<16xi32>, vector<16xi32>], vector<16xf32>,
      %add3A_3322 = arith.constant 14 : i32
      %add3A_3323 = vector.broadcast %add3A_3322 : i32 to vector<16xi32>
      %add3A_3324 = arith.addi %broadcast_in_dim3A_98, %add3A_3323 : vector<16xi32>
      tpu.vector_store_idx %arg15[%add3A_3324, %add3A_3320], %gather3A_3321 : memref<16x64xf32, #tpu.memory_space<vmem>>[vector<16xi32>, vector<16xi32>], vector<16xf32>,
      %add3A_3325 = arith.constant 48 : i32
      %add3A_3326 = vector.broadcast %add3A_3325 : i32 to vector<16xi32>
      %add3A_3327 = arith.addi %add3A_3326, %iota3A : vector<16xi32>
      %gather3A_3328 = tpu.vector_load_idx %arg13[%add3A_3303, %add3A_3327, %add3A_3300] : memref<2x64x128xf32, #tpu.memory_space<vmem>>[vector<16xi32>, vector<16xi32>, vector<16xi32>], vector<16xf32>,
      %add3A_3329 = arith.constant 14 : i32
      %add3A_3330 = vector.broadcast %add3A_3329 : i32 to vector<16xi32>
      %add3A_3331 = arith.addi %broadcast_in_dim3A_98, %add3A_3330 : vector<16xi32>
      tpu.vector_store_idx %arg15[%add3A_3331, %add3A_3327], %gather3A_3328 : memref<16x64xf32, #tpu.memory_space<vmem>>[vector<16xi32>, vector<16xi32>], vector<16xf32>,
      %dma_wait3A_3332 = arith.constant 1 : i32
      %dma_wait3A_3333 = arith.constant 0 : i32
      %dma_wait3A_3334 = arith.constant 0 : i32
      %dma_wait3A_3335 = tpu.memref_slice %arg12[%dma_wait3A_3332, %dma_wait3A_3333, %dma_wait3A_3334] : memref<2x64x128xf32, #tpu.memory_space<vmem>> -> memref<1x64x128xf32, #tpu.memory_space<vmem>>
      %dma_wait3A_3336 = tpu.memref_squeeze %dma_wait3A_3335 : memref<1x64x128xf32, #tpu.memory_space<vmem>> -> memref<64x128xf32, #tpu.memory_space<vmem>>
      %dma_wait3A_3337 = arith.constant 0 : i32
      %dma_wait3A_3338 = tpu.memref_slice %arg4[%dma_wait3A_3337, %mul3A_3149] : memref<64x1000000xf32, #tpu.memory_space<hbm>> -> memref<64x128xf32, #tpu.memory_space<hbm>>
      %dma_wait3A_3339 = arith.constant 0 : i32
      %dma_wait3A_3340 = arith.constant 0 : i32
      %dma_wait3A_3341 = tpu.memref_slice %arg12[%dma_wait3A_3332, %dma_wait3A_3339, %dma_wait3A_3340] : memref<2x64x128xf32, #tpu.memory_space<vmem>> -> memref<1x64x128xf32, #tpu.memory_space<vmem>>
      %dma_wait3A_3342 = tpu.memref_squeeze %dma_wait3A_3341 : memref<1x64x128xf32, #tpu.memory_space<vmem>> -> memref<64x128xf32, #tpu.memory_space<vmem>>
      %dma_wait3A_3343 = arith.constant 0 : i32
      %dma_wait3A_3344 = tpu.memref_slice %arg4[%dma_wait3A_3343, %mul3A_3149] : memref<64x1000000xf32, #tpu.memory_space<hbm>> -> memref<64x128xf32, #tpu.memory_space<hbm>>
      tpu.wait_dma2 semaphore(%arg20 : memref<!tpu.dma_semaphore, #tpu.memory_space<semaphore_mem>>) src(%dma_wait3A_3344 : memref<64x128xf32, #tpu.memory_space<hbm>>) dst(%dma_wait3A_3342 : memref<64x128xf32, #tpu.memory_space<vmem>>)
      %dma_wait3A_3345 = arith.constant 1 : i32
      %dma_wait3A_3346 = arith.constant 0 : i32
      %dma_wait3A_3347 = arith.constant 0 : i32
      %dma_wait3A_3348 = tpu.memref_slice %arg13[%dma_wait3A_3345, %dma_wait3A_3346, %dma_wait3A_3347] : memref<2x64x128xf32, #tpu.memory_space<vmem>> -> memref<1x64x128xf32, #tpu.memory_space<vmem>>
      %dma_wait3A_3349 = tpu.memref_squeeze %dma_wait3A_3348 : memref<1x64x128xf32, #tpu.memory_space<vmem>> -> memref<64x128xf32, #tpu.memory_space<vmem>>
      %dma_wait3A_3350 = arith.constant 0 : i32
      %dma_wait3A_3351 = tpu.memref_slice %arg5[%dma_wait3A_3350, %mul3A_3190] : memref<64x1000000xf32, #tpu.memory_space<hbm>> -> memref<64x128xf32, #tpu.memory_space<hbm>>
      %dma_wait3A_3352 = arith.constant 0 : i32
      %dma_wait3A_3353 = arith.constant 0 : i32
      %dma_wait3A_3354 = tpu.memref_slice %arg13[%dma_wait3A_3345, %dma_wait3A_3352, %dma_wait3A_3353] : memref<2x64x128xf32, #tpu.memory_space<vmem>> -> memref<1x64x128xf32, #tpu.memory_space<vmem>>
      %dma_wait3A_3355 = tpu.memref_squeeze %dma_wait3A_3354 : memref<1x64x128xf32, #tpu.memory_space<vmem>> -> memref<64x128xf32, #tpu.memory_space<vmem>>
      %dma_wait3A_3356 = arith.constant 0 : i32
      %dma_wait3A_3357 = tpu.memref_slice %arg5[%dma_wait3A_3356, %mul3A_3190] : memref<64x1000000xf32, #tpu.memory_space<hbm>> -> memref<64x128xf32, #tpu.memory_space<hbm>>
      tpu.wait_dma2 semaphore(%arg20 : memref<!tpu.dma_semaphore, #tpu.memory_space<semaphore_mem>>) src(%dma_wait3A_3357 : memref<64x128xf32, #tpu.memory_space<hbm>>) dst(%dma_wait3A_3355 : memref<64x128xf32, #tpu.memory_space<vmem>>)
      %slice3A_3358 = vector.extract_strided_slice %get3A_108 {offsets = [15], sizes = [1], strides = [1]} : vector<16xi32> to vector<1xi32>
      %squeeze3A_3359 = vector.extract %slice3A_3358[0] : i32 from vector<1xi32>
      %jit3A_3360 = arith.constant 128 : i32
      %eq3A_3361 = arith.constant 0 : i32
      %eq3A_3362 = arith.cmpi eq, %jit3A_3360, %eq3A_3361 : i32
      %jit3A_3363 = arith.constant 1 : i32
      %select_n3A_3364 = arith.select %eq3A_3362, %jit3A_3363, %jit3A_3360 : i32
      %rem3A_3365 = arith.remsi %squeeze3A_3359, %select_n3A_3364 : i32
      %ne3A_3366 = arith.constant 0 : i32
      %ne3A_3367 = arith.cmpi ne, %rem3A_3365, %ne3A_3366 : i32
      %lt3A_3368 = arith.constant 0 : i32
      %lt3A_3369 = arith.cmpi slt, %rem3A_3365, %lt3A_3368 : i32
      %lt3A_3370 = arith.constant 0 : i32
      %lt3A_3371 = arith.cmpi slt, %select_n3A_3364, %lt3A_3370 : i32
      %ne3A_3372 = arith.xori %lt3A_3369, %lt3A_3371 : i1
      %and3A_3373 = arith.andi %ne3A_3372, %ne3A_3367 : i1
      %add3A_3374 = arith.addi %rem3A_3365, %select_n3A_3364 : i32
      %select_n3A_3375 = arith.select %and3A_3373, %add3A_3374, %rem3A_3365 : i32
      %add3A_3376 = vector.broadcast %select_n3A_3375 : i32 to vector<16xi32>
      %add3A_3377 = arith.addi %broadcast_in_dim3A_98, %add3A_3376 : vector<16xi32>
      %add3A_3378 = arith.constant 1 : i32
      %add3A_3379 = vector.broadcast %add3A_3378 : i32 to vector<16xi32>
      %add3A_3380 = arith.addi %broadcast_in_dim3A_98, %add3A_3379 : vector<16xi32>
      %add3A_3381 = arith.constant 0 : i32
      %add3A_3382 = vector.broadcast %add3A_3381 : i32 to vector<16xi32>
      %add3A_3383 = arith.addi %add3A_3382, %iota3A : vector<16xi32>
      %gather3A_3384 = tpu.vector_load_idx %arg12[%add3A_3380, %add3A_3383, %add3A_3377] : memref<2x64x128xf32, #tpu.memory_space<vmem>>[vector<16xi32>, vector<16xi32>, vector<16xi32>], vector<16xf32>,
      %add3A_3385 = arith.constant 15 : i32
      %add3A_3386 = vector.broadcast %add3A_3385 : i32 to vector<16xi32>
      %add3A_3387 = arith.addi %broadcast_in_dim3A_98, %add3A_3386 : vector<16xi32>
      tpu.vector_store_idx %arg14[%add3A_3387, %add3A_3383], %gather3A_3384 : memref<16x64xf32, #tpu.memory_space<vmem>>[vector<16xi32>, vector<16xi32>], vector<16xf32>,
      %add3A_3388 = arith.constant 16 : i32
      %add3A_3389 = vector.broadcast %add3A_3388 : i32 to vector<16xi32>
      %add3A_3390 = arith.addi %add3A_3389, %iota3A : vector<16xi32>
      %gather3A_3391 = tpu.vector_load_idx %arg12[%add3A_3380, %add3A_3390, %add3A_3377] : memref<2x64x128xf32, #tpu.memory_space<vmem>>[vector<16xi32>, vector<16xi32>, vector<16xi32>], vector<16xf32>,
      %add3A_3392 = arith.constant 15 : i32
      %add3A_3393 = vector.broadcast %add3A_3392 : i32 to vector<16xi32>
      %add3A_3394 = arith.addi %broadcast_in_dim3A_98, %add3A_3393 : vector<16xi32>
      tpu.vector_store_idx %arg14[%add3A_3394, %add3A_3390], %gather3A_3391 : memref<16x64xf32, #tpu.memory_space<vmem>>[vector<16xi32>, vector<16xi32>], vector<16xf32>,
      %add3A_3395 = arith.constant 32 : i32
      %add3A_3396 = vector.broadcast %add3A_3395 : i32 to vector<16xi32>
      %add3A_3397 = arith.addi %add3A_3396, %iota3A : vector<16xi32>
      %gather3A_3398 = tpu.vector_load_idx %arg12[%add3A_3380, %add3A_3397, %add3A_3377] : memref<2x64x128xf32, #tpu.memory_space<vmem>>[vector<16xi32>, vector<16xi32>, vector<16xi32>], vector<16xf32>,
      %add3A_3399 = arith.constant 15 : i32
      %add3A_3400 = vector.broadcast %add3A_3399 : i32 to vector<16xi32>
      %add3A_3401 = arith.addi %broadcast_in_dim3A_98, %add3A_3400 : vector<16xi32>
      tpu.vector_store_idx %arg14[%add3A_3401, %add3A_3397], %gather3A_3398 : memref<16x64xf32, #tpu.memory_space<vmem>>[vector<16xi32>, vector<16xi32>], vector<16xf32>,
      %add3A_3402 = arith.constant 48 : i32
      %add3A_3403 = vector.broadcast %add3A_3402 : i32 to vector<16xi32>
      %add3A_3404 = arith.addi %add3A_3403, %iota3A : vector<16xi32>
      %gather3A_3405 = tpu.vector_load_idx %arg12[%add3A_3380, %add3A_3404, %add3A_3377] : memref<2x64x128xf32, #tpu.memory_space<vmem>>[vector<16xi32>, vector<16xi32>, vector<16xi32>], vector<16xf32>,
      %add3A_3406 = arith.constant 15 : i32
      %add3A_3407 = vector.broadcast %add3A_3406 : i32 to vector<16xi32>
      %add3A_3408 = arith.addi %broadcast_in_dim3A_98, %add3A_3407 : vector<16xi32>
      tpu.vector_store_idx %arg14[%add3A_3408, %add3A_3404], %gather3A_3405 : memref<16x64xf32, #tpu.memory_space<vmem>>[vector<16xi32>, vector<16xi32>], vector<16xf32>,
      %slice3A_3409 = vector.extract_strided_slice %get3A_112 {offsets = [15], sizes = [1], strides = [1]} : vector<16xi32> to vector<1xi32>
      %squeeze3A_3410 = vector.extract %slice3A_3409[0] : i32 from vector<1xi32>
      %jit3A_3411 = arith.constant 128 : i32
      %eq3A_3412 = arith.constant 0 : i32
      %eq3A_3413 = arith.cmpi eq, %jit3A_3411, %eq3A_3412 : i32
      %jit3A_3414 = arith.constant 1 : i32
      %select_n3A_3415 = arith.select %eq3A_3413, %jit3A_3414, %jit3A_3411 : i32
      %rem3A_3416 = arith.remsi %squeeze3A_3410, %select_n3A_3415 : i32
      %ne3A_3417 = arith.constant 0 : i32
      %ne3A_3418 = arith.cmpi ne, %rem3A_3416, %ne3A_3417 : i32
      %lt3A_3419 = arith.constant 0 : i32
      %lt3A_3420 = arith.cmpi slt, %rem3A_3416, %lt3A_3419 : i32
      %lt3A_3421 = arith.constant 0 : i32
      %lt3A_3422 = arith.cmpi slt, %select_n3A_3415, %lt3A_3421 : i32
      %ne3A_3423 = arith.xori %lt3A_3420, %lt3A_3422 : i1
      %and3A_3424 = arith.andi %ne3A_3423, %ne3A_3418 : i1
      %add3A_3425 = arith.addi %rem3A_3416, %select_n3A_3415 : i32
      %select_n3A_3426 = arith.select %and3A_3424, %add3A_3425, %rem3A_3416 : i32
      %add3A_3427 = vector.broadcast %select_n3A_3426 : i32 to vector<16xi32>
      %add3A_3428 = arith.addi %broadcast_in_dim3A_98, %add3A_3427 : vector<16xi32>
      %add3A_3429 = arith.constant 1 : i32
      %add3A_3430 = vector.broadcast %add3A_3429 : i32 to vector<16xi32>
      %add3A_3431 = arith.addi %broadcast_in_dim3A_98, %add3A_3430 : vector<16xi32>
      %add3A_3432 = arith.constant 0 : i32
      %add3A_3433 = vector.broadcast %add3A_3432 : i32 to vector<16xi32>
      %add3A_3434 = arith.addi %add3A_3433, %iota3A : vector<16xi32>
      %gather3A_3435 = tpu.vector_load_idx %arg13[%add3A_3431, %add3A_3434, %add3A_3428] : memref<2x64x128xf32, #tpu.memory_space<vmem>>[vector<16xi32>, vector<16xi32>, vector<16xi32>], vector<16xf32>,
      %add3A_3436 = arith.constant 15 : i32
      %add3A_3437 = vector.broadcast %add3A_3436 : i32 to vector<16xi32>
      %add3A_3438 = arith.addi %broadcast_in_dim3A_98, %add3A_3437 : vector<16xi32>
      tpu.vector_store_idx %arg15[%add3A_3438, %add3A_3434], %gather3A_3435 : memref<16x64xf32, #tpu.memory_space<vmem>>[vector<16xi32>, vector<16xi32>], vector<16xf32>,
      %add3A_3439 = arith.constant 16 : i32
      %add3A_3440 = vector.broadcast %add3A_3439 : i32 to vector<16xi32>
      %add3A_3441 = arith.addi %add3A_3440, %iota3A : vector<16xi32>
      %gather3A_3442 = tpu.vector_load_idx %arg13[%add3A_3431, %add3A_3441, %add3A_3428] : memref<2x64x128xf32, #tpu.memory_space<vmem>>[vector<16xi32>, vector<16xi32>, vector<16xi32>], vector<16xf32>,
      %add3A_3443 = arith.constant 15 : i32
      %add3A_3444 = vector.broadcast %add3A_3443 : i32 to vector<16xi32>
      %add3A_3445 = arith.addi %broadcast_in_dim3A_98, %add3A_3444 : vector<16xi32>
      tpu.vector_store_idx %arg15[%add3A_3445, %add3A_3441], %gather3A_3442 : memref<16x64xf32, #tpu.memory_space<vmem>>[vector<16xi32>, vector<16xi32>], vector<16xf32>,
      %add3A_3446 = arith.constant 32 : i32
      %add3A_3447 = vector.broadcast %add3A_3446 : i32 to vector<16xi32>
      %add3A_3448 = arith.addi %add3A_3447, %iota3A : vector<16xi32>
      %gather3A_3449 = tpu.vector_load_idx %arg13[%add3A_3431, %add3A_3448, %add3A_3428] : memref<2x64x128xf32, #tpu.memory_space<vmem>>[vector<16xi32>, vector<16xi32>, vector<16xi32>], vector<16xf32>,
      %add3A_3450 = arith.constant 15 : i32
      %add3A_3451 = vector.broadcast %add3A_3450 : i32 to vector<16xi32>
      %add3A_3452 = arith.addi %broadcast_in_dim3A_98, %add3A_3451 : vector<16xi32>
      tpu.vector_store_idx %arg15[%add3A_3452, %add3A_3448], %gather3A_3449 : memref<16x64xf32, #tpu.memory_space<vmem>>[vector<16xi32>, vector<16xi32>], vector<16xf32>,
      %add3A_3453 = arith.constant 48 : i32
      %add3A_3454 = vector.broadcast %add3A_3453 : i32 to vector<16xi32>
      %add3A_3455 = arith.addi %add3A_3454, %iota3A : vector<16xi32>
      %gather3A_3456 = tpu.vector_load_idx %arg13[%add3A_3431, %add3A_3455, %add3A_3428] : memref<2x64x128xf32, #tpu.memory_space<vmem>>[vector<16xi32>, vector<16xi32>, vector<16xi32>], vector<16xf32>,
      %add3A_3457 = arith.constant 15 : i32
      %add3A_3458 = vector.broadcast %add3A_3457 : i32 to vector<16xi32>
      %add3A_3459 = arith.addi %broadcast_in_dim3A_98, %add3A_3458 : vector<16xi32>
      tpu.vector_store_idx %arg15[%add3A_3459, %add3A_3455], %gather3A_3456 : memref<16x64xf32, #tpu.memory_space<vmem>>[vector<16xi32>, vector<16xi32>], vector<16xf32>,
      %broadcast_in_dim3A_3460 = arith.constant 0.000000e+00 : f32
      %broadcast_in_dim3A_3461 = vector.broadcast %broadcast_in_dim3A_3460 : f32 to vector<16xf32>
      %broadcast_in_dim3A_3462 = arith.constant 0.000000e+00 : f32
      %broadcast_in_dim3A_3463 = vector.broadcast %broadcast_in_dim3A_3462 : f32 to vector<16xf32>
      %broadcast_in_dim3A_3464 = arith.constant 0.000000e+00 : f32
      %broadcast_in_dim3A_3465 = vector.broadcast %broadcast_in_dim3A_3464 : f32 to vector<16xf32>
      %broadcast_in_dim3A_3466 = arith.constant 0.000000e+00 : f32
      %broadcast_in_dim3A_3467 = vector.broadcast %broadcast_in_dim3A_3466 : f32 to vector<16xf32>
      %add3A_3468 = arith.constant 0 : i32
      %add3A_3469 = vector.broadcast %add3A_3468 : i32 to vector<16xi32>
      %add3A_3470 = arith.addi %broadcast_in_dim3A_98, %add3A_3469 : vector<16xi32>
      %gather3A_3471 = tpu.vector_load_idx %arg14[%iota3A, %add3A_3470] : memref<16x64xf32, #tpu.memory_space<vmem>>[vector<16xi32>, vector<16xi32>], vector<16xf32>,
      %gather3A_3472 = tpu.vector_load_idx %arg15[%iota3A, %add3A_3470] : memref<16x64xf32, #tpu.memory_space<vmem>>[vector<16xi32>, vector<16xi32>], vector<16xf32>,
      %mul3A_3473 = arith.mulf %gather3A_3471, %gather3A_3472 : vector<16xf32>
      %add3A_3474 = arith.addf %broadcast_in_dim3A_3461, %mul3A_3473 : vector<16xf32>
      %add3A_3475 = arith.constant 1 : i32
      %add3A_3476 = vector.broadcast %add3A_3475 : i32 to vector<16xi32>
      %add3A_3477 = arith.addi %broadcast_in_dim3A_98, %add3A_3476 : vector<16xi32>
      %gather3A_3478 = tpu.vector_load_idx %arg14[%iota3A, %add3A_3477] : memref<16x64xf32, #tpu.memory_space<vmem>>[vector<16xi32>, vector<16xi32>], vector<16xf32>,
      %gather3A_3479 = tpu.vector_load_idx %arg15[%iota3A, %add3A_3477] : memref<16x64xf32, #tpu.memory_space<vmem>>[vector<16xi32>, vector<16xi32>], vector<16xf32>,
      %mul3A_3480 = arith.mulf %gather3A_3478, %gather3A_3479 : vector<16xf32>
      %add3A_3481 = arith.addf %broadcast_in_dim3A_3463, %mul3A_3480 : vector<16xf32>
      %add3A_3482 = arith.constant 2 : i32
      %add3A_3483 = vector.broadcast %add3A_3482 : i32 to vector<16xi32>
      %add3A_3484 = arith.addi %broadcast_in_dim3A_98, %add3A_3483 : vector<16xi32>
      %gather3A_3485 = tpu.vector_load_idx %arg14[%iota3A, %add3A_3484] : memref<16x64xf32, #tpu.memory_space<vmem>>[vector<16xi32>, vector<16xi32>], vector<16xf32>,
      %gather3A_3486 = tpu.vector_load_idx %arg15[%iota3A, %add3A_3484] : memref<16x64xf32, #tpu.memory_space<vmem>>[vector<16xi32>, vector<16xi32>], vector<16xf32>,
      %mul3A_3487 = arith.mulf %gather3A_3485, %gather3A_3486 : vector<16xf32>
      %add3A_3488 = arith.addf %broadcast_in_dim3A_3465, %mul3A_3487 : vector<16xf32>
      %add3A_3489 = arith.constant 3 : i32
      %add3A_3490 = vector.broadcast %add3A_3489 : i32 to vector<16xi32>
      %add3A_3491 = arith.addi %broadcast_in_dim3A_98, %add3A_3490 : vector<16xi32>
      %gather3A_3492 = tpu.vector_load_idx %arg14[%iota3A, %add3A_3491] : memref<16x64xf32, #tpu.memory_space<vmem>>[vector<16xi32>, vector<16xi32>], vector<16xf32>,
      %gather3A_3493 = tpu.vector_load_idx %arg15[%iota3A, %add3A_3491] : memref<16x64xf32, #tpu.memory_space<vmem>>[vector<16xi32>, vector<16xi32>], vector<16xf32>,
      %mul3A_3494 = arith.mulf %gather3A_3492, %gather3A_3493 : vector<16xf32>
      %add3A_3495 = arith.addf %broadcast_in_dim3A_3467, %mul3A_3494 : vector<16xf32>
      %add3A_3496 = arith.constant 4 : i32
      %add3A_3497 = vector.broadcast %add3A_3496 : i32 to vector<16xi32>
      %add3A_3498 = arith.addi %broadcast_in_dim3A_98, %add3A_3497 : vector<16xi32>
      %gather3A_3499 = tpu.vector_load_idx %arg14[%iota3A, %add3A_3498] : memref<16x64xf32, #tpu.memory_space<vmem>>[vector<16xi32>, vector<16xi32>], vector<16xf32>,
      %gather3A_3500 = tpu.vector_load_idx %arg15[%iota3A, %add3A_3498] : memref<16x64xf32, #tpu.memory_space<vmem>>[vector<16xi32>, vector<16xi32>], vector<16xf32>,
      %mul3A_3501 = arith.mulf %gather3A_3499, %gather3A_3500 : vector<16xf32>
      %add3A_3502 = arith.addf %add3A_3474, %mul3A_3501 : vector<16xf32>
      %add3A_3503 = arith.constant 5 : i32
      %add3A_3504 = vector.broadcast %add3A_3503 : i32 to vector<16xi32>
      %add3A_3505 = arith.addi %broadcast_in_dim3A_98, %add3A_3504 : vector<16xi32>
      %gather3A_3506 = tpu.vector_load_idx %arg14[%iota3A, %add3A_3505] : memref<16x64xf32, #tpu.memory_space<vmem>>[vector<16xi32>, vector<16xi32>], vector<16xf32>,
      %gather3A_3507 = tpu.vector_load_idx %arg15[%iota3A, %add3A_3505] : memref<16x64xf32, #tpu.memory_space<vmem>>[vector<16xi32>, vector<16xi32>], vector<16xf32>,
      %mul3A_3508 = arith.mulf %gather3A_3506, %gather3A_3507 : vector<16xf32>
      %add3A_3509 = arith.addf %add3A_3481, %mul3A_3508 : vector<16xf32>
      %add3A_3510 = arith.constant 6 : i32
      %add3A_3511 = vector.broadcast %add3A_3510 : i32 to vector<16xi32>
      %add3A_3512 = arith.addi %broadcast_in_dim3A_98, %add3A_3511 : vector<16xi32>
      %gather3A_3513 = tpu.vector_load_idx %arg14[%iota3A, %add3A_3512] : memref<16x64xf32, #tpu.memory_space<vmem>>[vector<16xi32>, vector<16xi32>], vector<16xf32>,
      %gather3A_3514 = tpu.vector_load_idx %arg15[%iota3A, %add3A_3512] : memref<16x64xf32, #tpu.memory_space<vmem>>[vector<16xi32>, vector<16xi32>], vector<16xf32>,
      %mul3A_3515 = arith.mulf %gather3A_3513, %gather3A_3514 : vector<16xf32>
      %add3A_3516 = arith.addf %add3A_3488, %mul3A_3515 : vector<16xf32>
      %add3A_3517 = arith.constant 7 : i32
      %add3A_3518 = vector.broadcast %add3A_3517 : i32 to vector<16xi32>
      %add3A_3519 = arith.addi %broadcast_in_dim3A_98, %add3A_3518 : vector<16xi32>
      %gather3A_3520 = tpu.vector_load_idx %arg14[%iota3A, %add3A_3519] : memref<16x64xf32, #tpu.memory_space<vmem>>[vector<16xi32>, vector<16xi32>], vector<16xf32>,
      %gather3A_3521 = tpu.vector_load_idx %arg15[%iota3A, %add3A_3519] : memref<16x64xf32, #tpu.memory_space<vmem>>[vector<16xi32>, vector<16xi32>], vector<16xf32>,
      %mul3A_3522 = arith.mulf %gather3A_3520, %gather3A_3521 : vector<16xf32>
      %add3A_3523 = arith.addf %add3A_3495, %mul3A_3522 : vector<16xf32>
      %add3A_3524 = arith.constant 8 : i32
      %add3A_3525 = vector.broadcast %add3A_3524 : i32 to vector<16xi32>
      %add3A_3526 = arith.addi %broadcast_in_dim3A_98, %add3A_3525 : vector<16xi32>
      %gather3A_3527 = tpu.vector_load_idx %arg14[%iota3A, %add3A_3526] : memref<16x64xf32, #tpu.memory_space<vmem>>[vector<16xi32>, vector<16xi32>], vector<16xf32>,
      %gather3A_3528 = tpu.vector_load_idx %arg15[%iota3A, %add3A_3526] : memref<16x64xf32, #tpu.memory_space<vmem>>[vector<16xi32>, vector<16xi32>], vector<16xf32>,
      %mul3A_3529 = arith.mulf %gather3A_3527, %gather3A_3528 : vector<16xf32>
      %add3A_3530 = arith.addf %add3A_3502, %mul3A_3529 : vector<16xf32>
      %add3A_3531 = arith.constant 9 : i32
      %add3A_3532 = vector.broadcast %add3A_3531 : i32 to vector<16xi32>
      %add3A_3533 = arith.addi %broadcast_in_dim3A_98, %add3A_3532 : vector<16xi32>
      %gather3A_3534 = tpu.vector_load_idx %arg14[%iota3A, %add3A_3533] : memref<16x64xf32, #tpu.memory_space<vmem>>[vector<16xi32>, vector<16xi32>], vector<16xf32>,
      %gather3A_3535 = tpu.vector_load_idx %arg15[%iota3A, %add3A_3533] : memref<16x64xf32, #tpu.memory_space<vmem>>[vector<16xi32>, vector<16xi32>], vector<16xf32>,
      %mul3A_3536 = arith.mulf %gather3A_3534, %gather3A_3535 : vector<16xf32>
      %add3A_3537 = arith.addf %add3A_3509, %mul3A_3536 : vector<16xf32>
      %add3A_3538 = arith.constant 10 : i32
      %add3A_3539 = vector.broadcast %add3A_3538 : i32 to vector<16xi32>
      %add3A_3540 = arith.addi %broadcast_in_dim3A_98, %add3A_3539 : vector<16xi32>
      %gather3A_3541 = tpu.vector_load_idx %arg14[%iota3A, %add3A_3540] : memref<16x64xf32, #tpu.memory_space<vmem>>[vector<16xi32>, vector<16xi32>], vector<16xf32>,
      %gather3A_3542 = tpu.vector_load_idx %arg15[%iota3A, %add3A_3540] : memref<16x64xf32, #tpu.memory_space<vmem>>[vector<16xi32>, vector<16xi32>], vector<16xf32>,
      %mul3A_3543 = arith.mulf %gather3A_3541, %gather3A_3542 : vector<16xf32>
      %add3A_3544 = arith.addf %add3A_3516, %mul3A_3543 : vector<16xf32>
      %add3A_3545 = arith.constant 11 : i32
      %add3A_3546 = vector.broadcast %add3A_3545 : i32 to vector<16xi32>
      %add3A_3547 = arith.addi %broadcast_in_dim3A_98, %add3A_3546 : vector<16xi32>
      %gather3A_3548 = tpu.vector_load_idx %arg14[%iota3A, %add3A_3547] : memref<16x64xf32, #tpu.memory_space<vmem>>[vector<16xi32>, vector<16xi32>], vector<16xf32>,
      %gather3A_3549 = tpu.vector_load_idx %arg15[%iota3A, %add3A_3547] : memref<16x64xf32, #tpu.memory_space<vmem>>[vector<16xi32>, vector<16xi32>], vector<16xf32>,
      %mul3A_3550 = arith.mulf %gather3A_3548, %gather3A_3549 : vector<16xf32>
      %add3A_3551 = arith.addf %add3A_3523, %mul3A_3550 : vector<16xf32>
      %add3A_3552 = arith.constant 12 : i32
      %add3A_3553 = vector.broadcast %add3A_3552 : i32 to vector<16xi32>
      %add3A_3554 = arith.addi %broadcast_in_dim3A_98, %add3A_3553 : vector<16xi32>
      %gather3A_3555 = tpu.vector_load_idx %arg14[%iota3A, %add3A_3554] : memref<16x64xf32, #tpu.memory_space<vmem>>[vector<16xi32>, vector<16xi32>], vector<16xf32>,
      %gather3A_3556 = tpu.vector_load_idx %arg15[%iota3A, %add3A_3554] : memref<16x64xf32, #tpu.memory_space<vmem>>[vector<16xi32>, vector<16xi32>], vector<16xf32>,
      %mul3A_3557 = arith.mulf %gather3A_3555, %gather3A_3556 : vector<16xf32>
      %add3A_3558 = arith.addf %add3A_3530, %mul3A_3557 : vector<16xf32>
      %add3A_3559 = arith.constant 13 : i32
      %add3A_3560 = vector.broadcast %add3A_3559 : i32 to vector<16xi32>
      %add3A_3561 = arith.addi %broadcast_in_dim3A_98, %add3A_3560 : vector<16xi32>
      %gather3A_3562 = tpu.vector_load_idx %arg14[%iota3A, %add3A_3561] : memref<16x64xf32, #tpu.memory_space<vmem>>[vector<16xi32>, vector<16xi32>], vector<16xf32>,
      %gather3A_3563 = tpu.vector_load_idx %arg15[%iota3A, %add3A_3561] : memref<16x64xf32, #tpu.memory_space<vmem>>[vector<16xi32>, vector<16xi32>], vector<16xf32>,
      %mul3A_3564 = arith.mulf %gather3A_3562, %gather3A_3563 : vector<16xf32>
      %add3A_3565 = arith.addf %add3A_3537, %mul3A_3564 : vector<16xf32>
      %add3A_3566 = arith.constant 14 : i32
      %add3A_3567 = vector.broadcast %add3A_3566 : i32 to vector<16xi32>
      %add3A_3568 = arith.addi %broadcast_in_dim3A_98, %add3A_3567 : vector<16xi32>
      %gather3A_3569 = tpu.vector_load_idx %arg14[%iota3A, %add3A_3568] : memref<16x64xf32, #tpu.memory_space<vmem>>[vector<16xi32>, vector<16xi32>], vector<16xf32>,
      %gather3A_3570 = tpu.vector_load_idx %arg15[%iota3A, %add3A_3568] : memref<16x64xf32, #tpu.memory_space<vmem>>[vector<16xi32>, vector<16xi32>], vector<16xf32>,
      %mul3A_3571 = arith.mulf %gather3A_3569, %gather3A_3570 : vector<16xf32>
      %add3A_3572 = arith.addf %add3A_3544, %mul3A_3571 : vector<16xf32>
      %add3A_3573 = arith.constant 15 : i32
      %add3A_3574 = vector.broadcast %add3A_3573 : i32 to vector<16xi32>
      %add3A_3575 = arith.addi %broadcast_in_dim3A_98, %add3A_3574 : vector<16xi32>
      %gather3A_3576 = tpu.vector_load_idx %arg14[%iota3A, %add3A_3575] : memref<16x64xf32, #tpu.memory_space<vmem>>[vector<16xi32>, vector<16xi32>], vector<16xf32>,
      %gather3A_3577 = tpu.vector_load_idx %arg15[%iota3A, %add3A_3575] : memref<16x64xf32, #tpu.memory_space<vmem>>[vector<16xi32>, vector<16xi32>], vector<16xf32>,
      %mul3A_3578 = arith.mulf %gather3A_3576, %gather3A_3577 : vector<16xf32>
      %add3A_3579 = arith.addf %add3A_3551, %mul3A_3578 : vector<16xf32>
      %add3A_3580 = arith.constant 16 : i32
      %add3A_3581 = vector.broadcast %add3A_3580 : i32 to vector<16xi32>
      %add3A_3582 = arith.addi %broadcast_in_dim3A_98, %add3A_3581 : vector<16xi32>
      %gather3A_3583 = tpu.vector_load_idx %arg14[%iota3A, %add3A_3582] : memref<16x64xf32, #tpu.memory_space<vmem>>[vector<16xi32>, vector<16xi32>], vector<16xf32>,
      %gather3A_3584 = tpu.vector_load_idx %arg15[%iota3A, %add3A_3582] : memref<16x64xf32, #tpu.memory_space<vmem>>[vector<16xi32>, vector<16xi32>], vector<16xf32>,
      %mul3A_3585 = arith.mulf %gather3A_3583, %gather3A_3584 : vector<16xf32>
      %add3A_3586 = arith.addf %add3A_3558, %mul3A_3585 : vector<16xf32>
      %add3A_3587 = arith.constant 17 : i32
      %add3A_3588 = vector.broadcast %add3A_3587 : i32 to vector<16xi32>
      %add3A_3589 = arith.addi %broadcast_in_dim3A_98, %add3A_3588 : vector<16xi32>
      %gather3A_3590 = tpu.vector_load_idx %arg14[%iota3A, %add3A_3589] : memref<16x64xf32, #tpu.memory_space<vmem>>[vector<16xi32>, vector<16xi32>], vector<16xf32>,
      %gather3A_3591 = tpu.vector_load_idx %arg15[%iota3A, %add3A_3589] : memref<16x64xf32, #tpu.memory_space<vmem>>[vector<16xi32>, vector<16xi32>], vector<16xf32>,
      %mul3A_3592 = arith.mulf %gather3A_3590, %gather3A_3591 : vector<16xf32>
      %add3A_3593 = arith.addf %add3A_3565, %mul3A_3592 : vector<16xf32>
      %add3A_3594 = arith.constant 18 : i32
      %add3A_3595 = vector.broadcast %add3A_3594 : i32 to vector<16xi32>
      %add3A_3596 = arith.addi %broadcast_in_dim3A_98, %add3A_3595 : vector<16xi32>
      %gather3A_3597 = tpu.vector_load_idx %arg14[%iota3A, %add3A_3596] : memref<16x64xf32, #tpu.memory_space<vmem>>[vector<16xi32>, vector<16xi32>], vector<16xf32>,
      %gather3A_3598 = tpu.vector_load_idx %arg15[%iota3A, %add3A_3596] : memref<16x64xf32, #tpu.memory_space<vmem>>[vector<16xi32>, vector<16xi32>], vector<16xf32>,
      %mul3A_3599 = arith.mulf %gather3A_3597, %gather3A_3598 : vector<16xf32>
      %add3A_3600 = arith.addf %add3A_3572, %mul3A_3599 : vector<16xf32>
      %add3A_3601 = arith.constant 19 : i32
      %add3A_3602 = vector.broadcast %add3A_3601 : i32 to vector<16xi32>
      %add3A_3603 = arith.addi %broadcast_in_dim3A_98, %add3A_3602 : vector<16xi32>
      %gather3A_3604 = tpu.vector_load_idx %arg14[%iota3A, %add3A_3603] : memref<16x64xf32, #tpu.memory_space<vmem>>[vector<16xi32>, vector<16xi32>], vector<16xf32>,
      %gather3A_3605 = tpu.vector_load_idx %arg15[%iota3A, %add3A_3603] : memref<16x64xf32, #tpu.memory_space<vmem>>[vector<16xi32>, vector<16xi32>], vector<16xf32>,
      %mul3A_3606 = arith.mulf %gather3A_3604, %gather3A_3605 : vector<16xf32>
      %add3A_3607 = arith.addf %add3A_3579, %mul3A_3606 : vector<16xf32>
      %add3A_3608 = arith.constant 20 : i32
      %add3A_3609 = vector.broadcast %add3A_3608 : i32 to vector<16xi32>
      %add3A_3610 = arith.addi %broadcast_in_dim3A_98, %add3A_3609 : vector<16xi32>
      %gather3A_3611 = tpu.vector_load_idx %arg14[%iota3A, %add3A_3610] : memref<16x64xf32, #tpu.memory_space<vmem>>[vector<16xi32>, vector<16xi32>], vector<16xf32>,
      %gather3A_3612 = tpu.vector_load_idx %arg15[%iota3A, %add3A_3610] : memref<16x64xf32, #tpu.memory_space<vmem>>[vector<16xi32>, vector<16xi32>], vector<16xf32>,
      %mul3A_3613 = arith.mulf %gather3A_3611, %gather3A_3612 : vector<16xf32>
      %add3A_3614 = arith.addf %add3A_3586, %mul3A_3613 : vector<16xf32>
      %add3A_3615 = arith.constant 21 : i32
      %add3A_3616 = vector.broadcast %add3A_3615 : i32 to vector<16xi32>
      %add3A_3617 = arith.addi %broadcast_in_dim3A_98, %add3A_3616 : vector<16xi32>
      %gather3A_3618 = tpu.vector_load_idx %arg14[%iota3A, %add3A_3617] : memref<16x64xf32, #tpu.memory_space<vmem>>[vector<16xi32>, vector<16xi32>], vector<16xf32>,
      %gather3A_3619 = tpu.vector_load_idx %arg15[%iota3A, %add3A_3617] : memref<16x64xf32, #tpu.memory_space<vmem>>[vector<16xi32>, vector<16xi32>], vector<16xf32>,
      %mul3A_3620 = arith.mulf %gather3A_3618, %gather3A_3619 : vector<16xf32>
      %add3A_3621 = arith.addf %add3A_3593, %mul3A_3620 : vector<16xf32>
      %add3A_3622 = arith.constant 22 : i32
      %add3A_3623 = vector.broadcast %add3A_3622 : i32 to vector<16xi32>
      %add3A_3624 = arith.addi %broadcast_in_dim3A_98, %add3A_3623 : vector<16xi32>
      %gather3A_3625 = tpu.vector_load_idx %arg14[%iota3A, %add3A_3624] : memref<16x64xf32, #tpu.memory_space<vmem>>[vector<16xi32>, vector<16xi32>], vector<16xf32>,
      %gather3A_3626 = tpu.vector_load_idx %arg15[%iota3A, %add3A_3624] : memref<16x64xf32, #tpu.memory_space<vmem>>[vector<16xi32>, vector<16xi32>], vector<16xf32>,
      %mul3A_3627 = arith.mulf %gather3A_3625, %gather3A_3626 : vector<16xf32>
      %add3A_3628 = arith.addf %add3A_3600, %mul3A_3627 : vector<16xf32>
      %add3A_3629 = arith.constant 23 : i32
      %add3A_3630 = vector.broadcast %add3A_3629 : i32 to vector<16xi32>
      %add3A_3631 = arith.addi %broadcast_in_dim3A_98, %add3A_3630 : vector<16xi32>
      %gather3A_3632 = tpu.vector_load_idx %arg14[%iota3A, %add3A_3631] : memref<16x64xf32, #tpu.memory_space<vmem>>[vector<16xi32>, vector<16xi32>], vector<16xf32>,
      %gather3A_3633 = tpu.vector_load_idx %arg15[%iota3A, %add3A_3631] : memref<16x64xf32, #tpu.memory_space<vmem>>[vector<16xi32>, vector<16xi32>], vector<16xf32>,
      %mul3A_3634 = arith.mulf %gather3A_3632, %gather3A_3633 : vector<16xf32>
      %add3A_3635 = arith.addf %add3A_3607, %mul3A_3634 : vector<16xf32>
      %add3A_3636 = arith.constant 24 : i32
      %add3A_3637 = vector.broadcast %add3A_3636 : i32 to vector<16xi32>
      %add3A_3638 = arith.addi %broadcast_in_dim3A_98, %add3A_3637 : vector<16xi32>
      %gather3A_3639 = tpu.vector_load_idx %arg14[%iota3A, %add3A_3638] : memref<16x64xf32, #tpu.memory_space<vmem>>[vector<16xi32>, vector<16xi32>], vector<16xf32>,
      %gather3A_3640 = tpu.vector_load_idx %arg15[%iota3A, %add3A_3638] : memref<16x64xf32, #tpu.memory_space<vmem>>[vector<16xi32>, vector<16xi32>], vector<16xf32>,
      %mul3A_3641 = arith.mulf %gather3A_3639, %gather3A_3640 : vector<16xf32>
      %add3A_3642 = arith.addf %add3A_3614, %mul3A_3641 : vector<16xf32>
      %add3A_3643 = arith.constant 25 : i32
      %add3A_3644 = vector.broadcast %add3A_3643 : i32 to vector<16xi32>
      %add3A_3645 = arith.addi %broadcast_in_dim3A_98, %add3A_3644 : vector<16xi32>
      %gather3A_3646 = tpu.vector_load_idx %arg14[%iota3A, %add3A_3645] : memref<16x64xf32, #tpu.memory_space<vmem>>[vector<16xi32>, vector<16xi32>], vector<16xf32>,
      %gather3A_3647 = tpu.vector_load_idx %arg15[%iota3A, %add3A_3645] : memref<16x64xf32, #tpu.memory_space<vmem>>[vector<16xi32>, vector<16xi32>], vector<16xf32>,
      %mul3A_3648 = arith.mulf %gather3A_3646, %gather3A_3647 : vector<16xf32>
      %add3A_3649 = arith.addf %add3A_3621, %mul3A_3648 : vector<16xf32>
      %add3A_3650 = arith.constant 26 : i32
      %add3A_3651 = vector.broadcast %add3A_3650 : i32 to vector<16xi32>
      %add3A_3652 = arith.addi %broadcast_in_dim3A_98, %add3A_3651 : vector<16xi32>
      %gather3A_3653 = tpu.vector_load_idx %arg14[%iota3A, %add3A_3652] : memref<16x64xf32, #tpu.memory_space<vmem>>[vector<16xi32>, vector<16xi32>], vector<16xf32>,
      %gather3A_3654 = tpu.vector_load_idx %arg15[%iota3A, %add3A_3652] : memref<16x64xf32, #tpu.memory_space<vmem>>[vector<16xi32>, vector<16xi32>], vector<16xf32>,
      %mul3A_3655 = arith.mulf %gather3A_3653, %gather3A_3654 : vector<16xf32>
      %add3A_3656 = arith.addf %add3A_3628, %mul3A_3655 : vector<16xf32>
      %add3A_3657 = arith.constant 27 : i32
      %add3A_3658 = vector.broadcast %add3A_3657 : i32 to vector<16xi32>
      %add3A_3659 = arith.addi %broadcast_in_dim3A_98, %add3A_3658 : vector<16xi32>
      %gather3A_3660 = tpu.vector_load_idx %arg14[%iota3A, %add3A_3659] : memref<16x64xf32, #tpu.memory_space<vmem>>[vector<16xi32>, vector<16xi32>], vector<16xf32>,
      %gather3A_3661 = tpu.vector_load_idx %arg15[%iota3A, %add3A_3659] : memref<16x64xf32, #tpu.memory_space<vmem>>[vector<16xi32>, vector<16xi32>], vector<16xf32>,
      %mul3A_3662 = arith.mulf %gather3A_3660, %gather3A_3661 : vector<16xf32>
      %add3A_3663 = arith.addf %add3A_3635, %mul3A_3662 : vector<16xf32>
      %add3A_3664 = arith.constant 28 : i32
      %add3A_3665 = vector.broadcast %add3A_3664 : i32 to vector<16xi32>
      %add3A_3666 = arith.addi %broadcast_in_dim3A_98, %add3A_3665 : vector<16xi32>
      %gather3A_3667 = tpu.vector_load_idx %arg14[%iota3A, %add3A_3666] : memref<16x64xf32, #tpu.memory_space<vmem>>[vector<16xi32>, vector<16xi32>], vector<16xf32>,
      %gather3A_3668 = tpu.vector_load_idx %arg15[%iota3A, %add3A_3666] : memref<16x64xf32, #tpu.memory_space<vmem>>[vector<16xi32>, vector<16xi32>], vector<16xf32>,
      %mul3A_3669 = arith.mulf %gather3A_3667, %gather3A_3668 : vector<16xf32>
      %add3A_3670 = arith.addf %add3A_3642, %mul3A_3669 : vector<16xf32>
      %add3A_3671 = arith.constant 29 : i32
      %add3A_3672 = vector.broadcast %add3A_3671 : i32 to vector<16xi32>
      %add3A_3673 = arith.addi %broadcast_in_dim3A_98, %add3A_3672 : vector<16xi32>
      %gather3A_3674 = tpu.vector_load_idx %arg14[%iota3A, %add3A_3673] : memref<16x64xf32, #tpu.memory_space<vmem>>[vector<16xi32>, vector<16xi32>], vector<16xf32>,
      %gather3A_3675 = tpu.vector_load_idx %arg15[%iota3A, %add3A_3673] : memref<16x64xf32, #tpu.memory_space<vmem>>[vector<16xi32>, vector<16xi32>], vector<16xf32>,
      %mul3A_3676 = arith.mulf %gather3A_3674, %gather3A_3675 : vector<16xf32>
      %add3A_3677 = arith.addf %add3A_3649, %mul3A_3676 : vector<16xf32>
      %add3A_3678 = arith.constant 30 : i32
      %add3A_3679 = vector.broadcast %add3A_3678 : i32 to vector<16xi32>
      %add3A_3680 = arith.addi %broadcast_in_dim3A_98, %add3A_3679 : vector<16xi32>
      %gather3A_3681 = tpu.vector_load_idx %arg14[%iota3A, %add3A_3680] : memref<16x64xf32, #tpu.memory_space<vmem>>[vector<16xi32>, vector<16xi32>], vector<16xf32>,
      %gather3A_3682 = tpu.vector_load_idx %arg15[%iota3A, %add3A_3680] : memref<16x64xf32, #tpu.memory_space<vmem>>[vector<16xi32>, vector<16xi32>], vector<16xf32>,
      %mul3A_3683 = arith.mulf %gather3A_3681, %gather3A_3682 : vector<16xf32>
      %add3A_3684 = arith.addf %add3A_3656, %mul3A_3683 : vector<16xf32>
      %add3A_3685 = arith.constant 31 : i32
      %add3A_3686 = vector.broadcast %add3A_3685 : i32 to vector<16xi32>
      %add3A_3687 = arith.addi %broadcast_in_dim3A_98, %add3A_3686 : vector<16xi32>
      %gather3A_3688 = tpu.vector_load_idx %arg14[%iota3A, %add3A_3687] : memref<16x64xf32, #tpu.memory_space<vmem>>[vector<16xi32>, vector<16xi32>], vector<16xf32>,
      %gather3A_3689 = tpu.vector_load_idx %arg15[%iota3A, %add3A_3687] : memref<16x64xf32, #tpu.memory_space<vmem>>[vector<16xi32>, vector<16xi32>], vector<16xf32>,
      %mul3A_3690 = arith.mulf %gather3A_3688, %gather3A_3689 : vector<16xf32>
      %add3A_3691 = arith.addf %add3A_3663, %mul3A_3690 : vector<16xf32>
      %add3A_3692 = arith.constant 32 : i32
      %add3A_3693 = vector.broadcast %add3A_3692 : i32 to vector<16xi32>
      %add3A_3694 = arith.addi %broadcast_in_dim3A_98, %add3A_3693 : vector<16xi32>
      %gather3A_3695 = tpu.vector_load_idx %arg14[%iota3A, %add3A_3694] : memref<16x64xf32, #tpu.memory_space<vmem>>[vector<16xi32>, vector<16xi32>], vector<16xf32>,
      %gather3A_3696 = tpu.vector_load_idx %arg15[%iota3A, %add3A_3694] : memref<16x64xf32, #tpu.memory_space<vmem>>[vector<16xi32>, vector<16xi32>], vector<16xf32>,
      %mul3A_3697 = arith.mulf %gather3A_3695, %gather3A_3696 : vector<16xf32>
      %add3A_3698 = arith.addf %add3A_3670, %mul3A_3697 : vector<16xf32>
      %add3A_3699 = arith.constant 33 : i32
      %add3A_3700 = vector.broadcast %add3A_3699 : i32 to vector<16xi32>
      %add3A_3701 = arith.addi %broadcast_in_dim3A_98, %add3A_3700 : vector<16xi32>
      %gather3A_3702 = tpu.vector_load_idx %arg14[%iota3A, %add3A_3701] : memref<16x64xf32, #tpu.memory_space<vmem>>[vector<16xi32>, vector<16xi32>], vector<16xf32>,
      %gather3A_3703 = tpu.vector_load_idx %arg15[%iota3A, %add3A_3701] : memref<16x64xf32, #tpu.memory_space<vmem>>[vector<16xi32>, vector<16xi32>], vector<16xf32>,
      %mul3A_3704 = arith.mulf %gather3A_3702, %gather3A_3703 : vector<16xf32>
      %add3A_3705 = arith.addf %add3A_3677, %mul3A_3704 : vector<16xf32>
      %add3A_3706 = arith.constant 34 : i32
      %add3A_3707 = vector.broadcast %add3A_3706 : i32 to vector<16xi32>
      %add3A_3708 = arith.addi %broadcast_in_dim3A_98, %add3A_3707 : vector<16xi32>
      %gather3A_3709 = tpu.vector_load_idx %arg14[%iota3A, %add3A_3708] : memref<16x64xf32, #tpu.memory_space<vmem>>[vector<16xi32>, vector<16xi32>], vector<16xf32>,
      %gather3A_3710 = tpu.vector_load_idx %arg15[%iota3A, %add3A_3708] : memref<16x64xf32, #tpu.memory_space<vmem>>[vector<16xi32>, vector<16xi32>], vector<16xf32>,
      %mul3A_3711 = arith.mulf %gather3A_3709, %gather3A_3710 : vector<16xf32>
      %add3A_3712 = arith.addf %add3A_3684, %mul3A_3711 : vector<16xf32>
      %add3A_3713 = arith.constant 35 : i32
      %add3A_3714 = vector.broadcast %add3A_3713 : i32 to vector<16xi32>
      %add3A_3715 = arith.addi %broadcast_in_dim3A_98, %add3A_3714 : vector<16xi32>
      %gather3A_3716 = tpu.vector_load_idx %arg14[%iota3A, %add3A_3715] : memref<16x64xf32, #tpu.memory_space<vmem>>[vector<16xi32>, vector<16xi32>], vector<16xf32>,
      %gather3A_3717 = tpu.vector_load_idx %arg15[%iota3A, %add3A_3715] : memref<16x64xf32, #tpu.memory_space<vmem>>[vector<16xi32>, vector<16xi32>], vector<16xf32>,
      %mul3A_3718 = arith.mulf %gather3A_3716, %gather3A_3717 : vector<16xf32>
      %add3A_3719 = arith.addf %add3A_3691, %mul3A_3718 : vector<16xf32>
      %add3A_3720 = arith.constant 36 : i32
      %add3A_3721 = vector.broadcast %add3A_3720 : i32 to vector<16xi32>
      %add3A_3722 = arith.addi %broadcast_in_dim3A_98, %add3A_3721 : vector<16xi32>
      %gather3A_3723 = tpu.vector_load_idx %arg14[%iota3A, %add3A_3722] : memref<16x64xf32, #tpu.memory_space<vmem>>[vector<16xi32>, vector<16xi32>], vector<16xf32>,
      %gather3A_3724 = tpu.vector_load_idx %arg15[%iota3A, %add3A_3722] : memref<16x64xf32, #tpu.memory_space<vmem>>[vector<16xi32>, vector<16xi32>], vector<16xf32>,
      %mul3A_3725 = arith.mulf %gather3A_3723, %gather3A_3724 : vector<16xf32>
      %add3A_3726 = arith.addf %add3A_3698, %mul3A_3725 : vector<16xf32>
      %add3A_3727 = arith.constant 37 : i32
      %add3A_3728 = vector.broadcast %add3A_3727 : i32 to vector<16xi32>
      %add3A_3729 = arith.addi %broadcast_in_dim3A_98, %add3A_3728 : vector<16xi32>
      %gather3A_3730 = tpu.vector_load_idx %arg14[%iota3A, %add3A_3729] : memref<16x64xf32, #tpu.memory_space<vmem>>[vector<16xi32>, vector<16xi32>], vector<16xf32>,
      %gather3A_3731 = tpu.vector_load_idx %arg15[%iota3A, %add3A_3729] : memref<16x64xf32, #tpu.memory_space<vmem>>[vector<16xi32>, vector<16xi32>], vector<16xf32>,
      %mul3A_3732 = arith.mulf %gather3A_3730, %gather3A_3731 : vector<16xf32>
      %add3A_3733 = arith.addf %add3A_3705, %mul3A_3732 : vector<16xf32>
      %add3A_3734 = arith.constant 38 : i32
      %add3A_3735 = vector.broadcast %add3A_3734 : i32 to vector<16xi32>
      %add3A_3736 = arith.addi %broadcast_in_dim3A_98, %add3A_3735 : vector<16xi32>
      %gather3A_3737 = tpu.vector_load_idx %arg14[%iota3A, %add3A_3736] : memref<16x64xf32, #tpu.memory_space<vmem>>[vector<16xi32>, vector<16xi32>], vector<16xf32>,
      %gather3A_3738 = tpu.vector_load_idx %arg15[%iota3A, %add3A_3736] : memref<16x64xf32, #tpu.memory_space<vmem>>[vector<16xi32>, vector<16xi32>], vector<16xf32>,
      %mul3A_3739 = arith.mulf %gather3A_3737, %gather3A_3738 : vector<16xf32>
      %add3A_3740 = arith.addf %add3A_3712, %mul3A_3739 : vector<16xf32>
      %add3A_3741 = arith.constant 39 : i32
      %add3A_3742 = vector.broadcast %add3A_3741 : i32 to vector<16xi32>
      %add3A_3743 = arith.addi %broadcast_in_dim3A_98, %add3A_3742 : vector<16xi32>
      %gather3A_3744 = tpu.vector_load_idx %arg14[%iota3A, %add3A_3743] : memref<16x64xf32, #tpu.memory_space<vmem>>[vector<16xi32>, vector<16xi32>], vector<16xf32>,
      %gather3A_3745 = tpu.vector_load_idx %arg15[%iota3A, %add3A_3743] : memref<16x64xf32, #tpu.memory_space<vmem>>[vector<16xi32>, vector<16xi32>], vector<16xf32>,
      %mul3A_3746 = arith.mulf %gather3A_3744, %gather3A_3745 : vector<16xf32>
      %add3A_3747 = arith.addf %add3A_3719, %mul3A_3746 : vector<16xf32>
      %add3A_3748 = arith.constant 40 : i32
      %add3A_3749 = vector.broadcast %add3A_3748 : i32 to vector<16xi32>
      %add3A_3750 = arith.addi %broadcast_in_dim3A_98, %add3A_3749 : vector<16xi32>
      %gather3A_3751 = tpu.vector_load_idx %arg14[%iota3A, %add3A_3750] : memref<16x64xf32, #tpu.memory_space<vmem>>[vector<16xi32>, vector<16xi32>], vector<16xf32>,
      %gather3A_3752 = tpu.vector_load_idx %arg15[%iota3A, %add3A_3750] : memref<16x64xf32, #tpu.memory_space<vmem>>[vector<16xi32>, vector<16xi32>], vector<16xf32>,
      %mul3A_3753 = arith.mulf %gather3A_3751, %gather3A_3752 : vector<16xf32>
      %add3A_3754 = arith.addf %add3A_3726, %mul3A_3753 : vector<16xf32>
      %add3A_3755 = arith.constant 41 : i32
      %add3A_3756 = vector.broadcast %add3A_3755 : i32 to vector<16xi32>
      %add3A_3757 = arith.addi %broadcast_in_dim3A_98, %add3A_3756 : vector<16xi32>
      %gather3A_3758 = tpu.vector_load_idx %arg14[%iota3A, %add3A_3757] : memref<16x64xf32, #tpu.memory_space<vmem>>[vector<16xi32>, vector<16xi32>], vector<16xf32>,
      %gather3A_3759 = tpu.vector_load_idx %arg15[%iota3A, %add3A_3757] : memref<16x64xf32, #tpu.memory_space<vmem>>[vector<16xi32>, vector<16xi32>], vector<16xf32>,
      %mul3A_3760 = arith.mulf %gather3A_3758, %gather3A_3759 : vector<16xf32>
      %add3A_3761 = arith.addf %add3A_3733, %mul3A_3760 : vector<16xf32>
      %add3A_3762 = arith.constant 42 : i32
      %add3A_3763 = vector.broadcast %add3A_3762 : i32 to vector<16xi32>
      %add3A_3764 = arith.addi %broadcast_in_dim3A_98, %add3A_3763 : vector<16xi32>
      %gather3A_3765 = tpu.vector_load_idx %arg14[%iota3A, %add3A_3764] : memref<16x64xf32, #tpu.memory_space<vmem>>[vector<16xi32>, vector<16xi32>], vector<16xf32>,
      %gather3A_3766 = tpu.vector_load_idx %arg15[%iota3A, %add3A_3764] : memref<16x64xf32, #tpu.memory_space<vmem>>[vector<16xi32>, vector<16xi32>], vector<16xf32>,
      %mul3A_3767 = arith.mulf %gather3A_3765, %gather3A_3766 : vector<16xf32>
      %add3A_3768 = arith.addf %add3A_3740, %mul3A_3767 : vector<16xf32>
      %add3A_3769 = arith.constant 43 : i32
      %add3A_3770 = vector.broadcast %add3A_3769 : i32 to vector<16xi32>
      %add3A_3771 = arith.addi %broadcast_in_dim3A_98, %add3A_3770 : vector<16xi32>
      %gather3A_3772 = tpu.vector_load_idx %arg14[%iota3A, %add3A_3771] : memref<16x64xf32, #tpu.memory_space<vmem>>[vector<16xi32>, vector<16xi32>], vector<16xf32>,
      %gather3A_3773 = tpu.vector_load_idx %arg15[%iota3A, %add3A_3771] : memref<16x64xf32, #tpu.memory_space<vmem>>[vector<16xi32>, vector<16xi32>], vector<16xf32>,
      %mul3A_3774 = arith.mulf %gather3A_3772, %gather3A_3773 : vector<16xf32>
      %add3A_3775 = arith.addf %add3A_3747, %mul3A_3774 : vector<16xf32>
      %add3A_3776 = arith.constant 44 : i32
      %add3A_3777 = vector.broadcast %add3A_3776 : i32 to vector<16xi32>
      %add3A_3778 = arith.addi %broadcast_in_dim3A_98, %add3A_3777 : vector<16xi32>
      %gather3A_3779 = tpu.vector_load_idx %arg14[%iota3A, %add3A_3778] : memref<16x64xf32, #tpu.memory_space<vmem>>[vector<16xi32>, vector<16xi32>], vector<16xf32>,
      %gather3A_3780 = tpu.vector_load_idx %arg15[%iota3A, %add3A_3778] : memref<16x64xf32, #tpu.memory_space<vmem>>[vector<16xi32>, vector<16xi32>], vector<16xf32>,
      %mul3A_3781 = arith.mulf %gather3A_3779, %gather3A_3780 : vector<16xf32>
      %add3A_3782 = arith.addf %add3A_3754, %mul3A_3781 : vector<16xf32>
      %add3A_3783 = arith.constant 45 : i32
      %add3A_3784 = vector.broadcast %add3A_3783 : i32 to vector<16xi32>
      %add3A_3785 = arith.addi %broadcast_in_dim3A_98, %add3A_3784 : vector<16xi32>
      %gather3A_3786 = tpu.vector_load_idx %arg14[%iota3A, %add3A_3785] : memref<16x64xf32, #tpu.memory_space<vmem>>[vector<16xi32>, vector<16xi32>], vector<16xf32>,
      %gather3A_3787 = tpu.vector_load_idx %arg15[%iota3A, %add3A_3785] : memref<16x64xf32, #tpu.memory_space<vmem>>[vector<16xi32>, vector<16xi32>], vector<16xf32>,
      %mul3A_3788 = arith.mulf %gather3A_3786, %gather3A_3787 : vector<16xf32>
      %add3A_3789 = arith.addf %add3A_3761, %mul3A_3788 : vector<16xf32>
      %add3A_3790 = arith.constant 46 : i32
      %add3A_3791 = vector.broadcast %add3A_3790 : i32 to vector<16xi32>
      %add3A_3792 = arith.addi %broadcast_in_dim3A_98, %add3A_3791 : vector<16xi32>
      %gather3A_3793 = tpu.vector_load_idx %arg14[%iota3A, %add3A_3792] : memref<16x64xf32, #tpu.memory_space<vmem>>[vector<16xi32>, vector<16xi32>], vector<16xf32>,
      %gather3A_3794 = tpu.vector_load_idx %arg15[%iota3A, %add3A_3792] : memref<16x64xf32, #tpu.memory_space<vmem>>[vector<16xi32>, vector<16xi32>], vector<16xf32>,
      %mul3A_3795 = arith.mulf %gather3A_3793, %gather3A_3794 : vector<16xf32>
      %add3A_3796 = arith.addf %add3A_3768, %mul3A_3795 : vector<16xf32>
      %add3A_3797 = arith.constant 47 : i32
      %add3A_3798 = vector.broadcast %add3A_3797 : i32 to vector<16xi32>
      %add3A_3799 = arith.addi %broadcast_in_dim3A_98, %add3A_3798 : vector<16xi32>
      %gather3A_3800 = tpu.vector_load_idx %arg14[%iota3A, %add3A_3799] : memref<16x64xf32, #tpu.memory_space<vmem>>[vector<16xi32>, vector<16xi32>], vector<16xf32>,
      %gather3A_3801 = tpu.vector_load_idx %arg15[%iota3A, %add3A_3799] : memref<16x64xf32, #tpu.memory_space<vmem>>[vector<16xi32>, vector<16xi32>], vector<16xf32>,
      %mul3A_3802 = arith.mulf %gather3A_3800, %gather3A_3801 : vector<16xf32>
      %add3A_3803 = arith.addf %add3A_3775, %mul3A_3802 : vector<16xf32>
      %add3A_3804 = arith.constant 48 : i32
      %add3A_3805 = vector.broadcast %add3A_3804 : i32 to vector<16xi32>
      %add3A_3806 = arith.addi %broadcast_in_dim3A_98, %add3A_3805 : vector<16xi32>
      %gather3A_3807 = tpu.vector_load_idx %arg14[%iota3A, %add3A_3806] : memref<16x64xf32, #tpu.memory_space<vmem>>[vector<16xi32>, vector<16xi32>], vector<16xf32>,
      %gather3A_3808 = tpu.vector_load_idx %arg15[%iota3A, %add3A_3806] : memref<16x64xf32, #tpu.memory_space<vmem>>[vector<16xi32>, vector<16xi32>], vector<16xf32>,
      %mul3A_3809 = arith.mulf %gather3A_3807, %gather3A_3808 : vector<16xf32>
      %add3A_3810 = arith.addf %add3A_3782, %mul3A_3809 : vector<16xf32>
      %add3A_3811 = arith.constant 49 : i32
      %add3A_3812 = vector.broadcast %add3A_3811 : i32 to vector<16xi32>
      %add3A_3813 = arith.addi %broadcast_in_dim3A_98, %add3A_3812 : vector<16xi32>
      %gather3A_3814 = tpu.vector_load_idx %arg14[%iota3A, %add3A_3813] : memref<16x64xf32, #tpu.memory_space<vmem>>[vector<16xi32>, vector<16xi32>], vector<16xf32>,
      %gather3A_3815 = tpu.vector_load_idx %arg15[%iota3A, %add3A_3813] : memref<16x64xf32, #tpu.memory_space<vmem>>[vector<16xi32>, vector<16xi32>], vector<16xf32>,
      %mul3A_3816 = arith.mulf %gather3A_3814, %gather3A_3815 : vector<16xf32>
      %add3A_3817 = arith.addf %add3A_3789, %mul3A_3816 : vector<16xf32>
      %add3A_3818 = arith.constant 50 : i32
      %add3A_3819 = vector.broadcast %add3A_3818 : i32 to vector<16xi32>
      %add3A_3820 = arith.addi %broadcast_in_dim3A_98, %add3A_3819 : vector<16xi32>
      %gather3A_3821 = tpu.vector_load_idx %arg14[%iota3A, %add3A_3820] : memref<16x64xf32, #tpu.memory_space<vmem>>[vector<16xi32>, vector<16xi32>], vector<16xf32>,
      %gather3A_3822 = tpu.vector_load_idx %arg15[%iota3A, %add3A_3820] : memref<16x64xf32, #tpu.memory_space<vmem>>[vector<16xi32>, vector<16xi32>], vector<16xf32>,
      %mul3A_3823 = arith.mulf %gather3A_3821, %gather3A_3822 : vector<16xf32>
      %add3A_3824 = arith.addf %add3A_3796, %mul3A_3823 : vector<16xf32>
      %add3A_3825 = arith.constant 51 : i32
      %add3A_3826 = vector.broadcast %add3A_3825 : i32 to vector<16xi32>
      %add3A_3827 = arith.addi %broadcast_in_dim3A_98, %add3A_3826 : vector<16xi32>
      %gather3A_3828 = tpu.vector_load_idx %arg14[%iota3A, %add3A_3827] : memref<16x64xf32, #tpu.memory_space<vmem>>[vector<16xi32>, vector<16xi32>], vector<16xf32>,
      %gather3A_3829 = tpu.vector_load_idx %arg15[%iota3A, %add3A_3827] : memref<16x64xf32, #tpu.memory_space<vmem>>[vector<16xi32>, vector<16xi32>], vector<16xf32>,
      %mul3A_3830 = arith.mulf %gather3A_3828, %gather3A_3829 : vector<16xf32>
      %add3A_3831 = arith.addf %add3A_3803, %mul3A_3830 : vector<16xf32>
      %add3A_3832 = arith.constant 52 : i32
      %add3A_3833 = vector.broadcast %add3A_3832 : i32 to vector<16xi32>
      %add3A_3834 = arith.addi %broadcast_in_dim3A_98, %add3A_3833 : vector<16xi32>
      %gather3A_3835 = tpu.vector_load_idx %arg14[%iota3A, %add3A_3834] : memref<16x64xf32, #tpu.memory_space<vmem>>[vector<16xi32>, vector<16xi32>], vector<16xf32>,
      %gather3A_3836 = tpu.vector_load_idx %arg15[%iota3A, %add3A_3834] : memref<16x64xf32, #tpu.memory_space<vmem>>[vector<16xi32>, vector<16xi32>], vector<16xf32>,
      %mul3A_3837 = arith.mulf %gather3A_3835, %gather3A_3836 : vector<16xf32>
      %add3A_3838 = arith.addf %add3A_3810, %mul3A_3837 : vector<16xf32>
      %add3A_3839 = arith.constant 53 : i32
      %add3A_3840 = vector.broadcast %add3A_3839 : i32 to vector<16xi32>
      %add3A_3841 = arith.addi %broadcast_in_dim3A_98, %add3A_3840 : vector<16xi32>
      %gather3A_3842 = tpu.vector_load_idx %arg14[%iota3A, %add3A_3841] : memref<16x64xf32, #tpu.memory_space<vmem>>[vector<16xi32>, vector<16xi32>], vector<16xf32>,
      %gather3A_3843 = tpu.vector_load_idx %arg15[%iota3A, %add3A_3841] : memref<16x64xf32, #tpu.memory_space<vmem>>[vector<16xi32>, vector<16xi32>], vector<16xf32>,
      %mul3A_3844 = arith.mulf %gather3A_3842, %gather3A_3843 : vector<16xf32>
      %add3A_3845 = arith.addf %add3A_3817, %mul3A_3844 : vector<16xf32>
      %add3A_3846 = arith.constant 54 : i32
      %add3A_3847 = vector.broadcast %add3A_3846 : i32 to vector<16xi32>
      %add3A_3848 = arith.addi %broadcast_in_dim3A_98, %add3A_3847 : vector<16xi32>
      %gather3A_3849 = tpu.vector_load_idx %arg14[%iota3A, %add3A_3848] : memref<16x64xf32, #tpu.memory_space<vmem>>[vector<16xi32>, vector<16xi32>], vector<16xf32>,
      %gather3A_3850 = tpu.vector_load_idx %arg15[%iota3A, %add3A_3848] : memref<16x64xf32, #tpu.memory_space<vmem>>[vector<16xi32>, vector<16xi32>], vector<16xf32>,
      %mul3A_3851 = arith.mulf %gather3A_3849, %gather3A_3850 : vector<16xf32>
      %add3A_3852 = arith.addf %add3A_3824, %mul3A_3851 : vector<16xf32>
      %add3A_3853 = arith.constant 55 : i32
      %add3A_3854 = vector.broadcast %add3A_3853 : i32 to vector<16xi32>
      %add3A_3855 = arith.addi %broadcast_in_dim3A_98, %add3A_3854 : vector<16xi32>
      %gather3A_3856 = tpu.vector_load_idx %arg14[%iota3A, %add3A_3855] : memref<16x64xf32, #tpu.memory_space<vmem>>[vector<16xi32>, vector<16xi32>], vector<16xf32>,
      %gather3A_3857 = tpu.vector_load_idx %arg15[%iota3A, %add3A_3855] : memref<16x64xf32, #tpu.memory_space<vmem>>[vector<16xi32>, vector<16xi32>], vector<16xf32>,
      %mul3A_3858 = arith.mulf %gather3A_3856, %gather3A_3857 : vector<16xf32>
      %add3A_3859 = arith.addf %add3A_3831, %mul3A_3858 : vector<16xf32>
      %add3A_3860 = arith.constant 56 : i32
      %add3A_3861 = vector.broadcast %add3A_3860 : i32 to vector<16xi32>
      %add3A_3862 = arith.addi %broadcast_in_dim3A_98, %add3A_3861 : vector<16xi32>
      %gather3A_3863 = tpu.vector_load_idx %arg14[%iota3A, %add3A_3862] : memref<16x64xf32, #tpu.memory_space<vmem>>[vector<16xi32>, vector<16xi32>], vector<16xf32>,
      %gather3A_3864 = tpu.vector_load_idx %arg15[%iota3A, %add3A_3862] : memref<16x64xf32, #tpu.memory_space<vmem>>[vector<16xi32>, vector<16xi32>], vector<16xf32>,
      %mul3A_3865 = arith.mulf %gather3A_3863, %gather3A_3864 : vector<16xf32>
      %add3A_3866 = arith.addf %add3A_3838, %mul3A_3865 : vector<16xf32>
      %add3A_3867 = arith.constant 57 : i32
      %add3A_3868 = vector.broadcast %add3A_3867 : i32 to vector<16xi32>
      %add3A_3869 = arith.addi %broadcast_in_dim3A_98, %add3A_3868 : vector<16xi32>
      %gather3A_3870 = tpu.vector_load_idx %arg14[%iota3A, %add3A_3869] : memref<16x64xf32, #tpu.memory_space<vmem>>[vector<16xi32>, vector<16xi32>], vector<16xf32>,
      %gather3A_3871 = tpu.vector_load_idx %arg15[%iota3A, %add3A_3869] : memref<16x64xf32, #tpu.memory_space<vmem>>[vector<16xi32>, vector<16xi32>], vector<16xf32>,
      %mul3A_3872 = arith.mulf %gather3A_3870, %gather3A_3871 : vector<16xf32>
      %add3A_3873 = arith.addf %add3A_3845, %mul3A_3872 : vector<16xf32>
      %add3A_3874 = arith.constant 58 : i32
      %add3A_3875 = vector.broadcast %add3A_3874 : i32 to vector<16xi32>
      %add3A_3876 = arith.addi %broadcast_in_dim3A_98, %add3A_3875 : vector<16xi32>
      %gather3A_3877 = tpu.vector_load_idx %arg14[%iota3A, %add3A_3876] : memref<16x64xf32, #tpu.memory_space<vmem>>[vector<16xi32>, vector<16xi32>], vector<16xf32>,
      %gather3A_3878 = tpu.vector_load_idx %arg15[%iota3A, %add3A_3876] : memref<16x64xf32, #tpu.memory_space<vmem>>[vector<16xi32>, vector<16xi32>], vector<16xf32>,
      %mul3A_3879 = arith.mulf %gather3A_3877, %gather3A_3878 : vector<16xf32>
      %add3A_3880 = arith.addf %add3A_3852, %mul3A_3879 : vector<16xf32>
      %add3A_3881 = arith.constant 59 : i32
      %add3A_3882 = vector.broadcast %add3A_3881 : i32 to vector<16xi32>
      %add3A_3883 = arith.addi %broadcast_in_dim3A_98, %add3A_3882 : vector<16xi32>
      %gather3A_3884 = tpu.vector_load_idx %arg14[%iota3A, %add3A_3883] : memref<16x64xf32, #tpu.memory_space<vmem>>[vector<16xi32>, vector<16xi32>], vector<16xf32>,
      %gather3A_3885 = tpu.vector_load_idx %arg15[%iota3A, %add3A_3883] : memref<16x64xf32, #tpu.memory_space<vmem>>[vector<16xi32>, vector<16xi32>], vector<16xf32>,
      %mul3A_3886 = arith.mulf %gather3A_3884, %gather3A_3885 : vector<16xf32>
      %add3A_3887 = arith.addf %add3A_3859, %mul3A_3886 : vector<16xf32>
      %add3A_3888 = arith.constant 60 : i32
      %add3A_3889 = vector.broadcast %add3A_3888 : i32 to vector<16xi32>
      %add3A_3890 = arith.addi %broadcast_in_dim3A_98, %add3A_3889 : vector<16xi32>
      %gather3A_3891 = tpu.vector_load_idx %arg14[%iota3A, %add3A_3890] : memref<16x64xf32, #tpu.memory_space<vmem>>[vector<16xi32>, vector<16xi32>], vector<16xf32>,
      %gather3A_3892 = tpu.vector_load_idx %arg15[%iota3A, %add3A_3890] : memref<16x64xf32, #tpu.memory_space<vmem>>[vector<16xi32>, vector<16xi32>], vector<16xf32>,
      %mul3A_3893 = arith.mulf %gather3A_3891, %gather3A_3892 : vector<16xf32>
      %add3A_3894 = arith.addf %add3A_3866, %mul3A_3893 : vector<16xf32>
      %add3A_3895 = arith.constant 61 : i32
      %add3A_3896 = vector.broadcast %add3A_3895 : i32 to vector<16xi32>
      %add3A_3897 = arith.addi %broadcast_in_dim3A_98, %add3A_3896 : vector<16xi32>
      %gather3A_3898 = tpu.vector_load_idx %arg14[%iota3A, %add3A_3897] : memref<16x64xf32, #tpu.memory_space<vmem>>[vector<16xi32>, vector<16xi32>], vector<16xf32>,
      %gather3A_3899 = tpu.vector_load_idx %arg15[%iota3A, %add3A_3897] : memref<16x64xf32, #tpu.memory_space<vmem>>[vector<16xi32>, vector<16xi32>], vector<16xf32>,
      %mul3A_3900 = arith.mulf %gather3A_3898, %gather3A_3899 : vector<16xf32>
      %add3A_3901 = arith.addf %add3A_3873, %mul3A_3900 : vector<16xf32>
      %add3A_3902 = arith.constant 62 : i32
      %add3A_3903 = vector.broadcast %add3A_3902 : i32 to vector<16xi32>
      %add3A_3904 = arith.addi %broadcast_in_dim3A_98, %add3A_3903 : vector<16xi32>
      %gather3A_3905 = tpu.vector_load_idx %arg14[%iota3A, %add3A_3904] : memref<16x64xf32, #tpu.memory_space<vmem>>[vector<16xi32>, vector<16xi32>], vector<16xf32>,
      %gather3A_3906 = tpu.vector_load_idx %arg15[%iota3A, %add3A_3904] : memref<16x64xf32, #tpu.memory_space<vmem>>[vector<16xi32>, vector<16xi32>], vector<16xf32>,
      %mul3A_3907 = arith.mulf %gather3A_3905, %gather3A_3906 : vector<16xf32>
      %add3A_3908 = arith.addf %add3A_3880, %mul3A_3907 : vector<16xf32>
      %add3A_3909 = arith.constant 63 : i32
      %add3A_3910 = vector.broadcast %add3A_3909 : i32 to vector<16xi32>
      %add3A_3911 = arith.addi %broadcast_in_dim3A_98, %add3A_3910 : vector<16xi32>
      %gather3A_3912 = tpu.vector_load_idx %arg14[%iota3A, %add3A_3911] : memref<16x64xf32, #tpu.memory_space<vmem>>[vector<16xi32>, vector<16xi32>], vector<16xf32>,
      %gather3A_3913 = tpu.vector_load_idx %arg15[%iota3A, %add3A_3911] : memref<16x64xf32, #tpu.memory_space<vmem>>[vector<16xi32>, vector<16xi32>], vector<16xf32>,
      %mul3A_3914 = arith.mulf %gather3A_3912, %gather3A_3913 : vector<16xf32>
      %add3A_3915 = arith.addf %add3A_3887, %mul3A_3914 : vector<16xf32>
      %add3A_3916 = arith.addf %add3A_3894, %add3A_3901 : vector<16xf32>
      %add3A_3917 = arith.addf %add3A_3908, %add3A_3915 : vector<16xf32>
      %add3A_3918 = arith.addf %add3A_3916, %add3A_3917 : vector<16xf32>
      %mul3A_3919 = arith.constant 16 : i32
      %mul3A_3920 = arith.muli %scan3A_104, %mul3A_3919 : i32
      %get3A_3921 = arith.index_cast %mul3A_3920 : i32 to index
      %get3A_3922 = tpu.vector_load %arg16[%get3A_3921] {strides = array<i32>} : memref<512xf32, #tpu.memory_space<vmem>>, vector<16xf32>,
      %add3A_3923 = arith.addf %add3A_3918, %get3A_3922 : vector<16xf32>
      %mul3A_3924 = arith.constant 16 : i32
      %mul3A_3925 = arith.muli %scan3A_104, %mul3A_3924 : i32
      %get3A_3926 = arith.index_cast %mul3A_3925 : i32 to index
      %get3A_3927 = tpu.vector_load %arg17[%get3A_3926] {strides = array<i32>} : memref<512xf32, #tpu.memory_space<vmem>>, vector<16xf32>,
      %add3A_3928 = arith.addf %add3A_3923, %get3A_3927 : vector<16xf32>
      %add3A_3929 = arith.addf %add3A_3928, %get3A_97 : vector<16xf32>
      %mul3A_3930 = arith.constant 16 : i32
      %mul3A_3931 = arith.muli %scan3A_104, %mul3A_3930 : i32
      %swap3A = arith.index_cast %mul3A_3931 : i32 to index
      %swap3A_3932 = tpu.vector_load %arg19[%swap3A] {strides = array<i32>} : memref<512xf32, #tpu.memory_space<vmem>>, vector<16xf32>,
      tpu.vector_store %arg19[%swap3A], %add3A_3929 {strides = array<i32>} : memref<512xf32, #tpu.memory_space<vmem>>, vector<16xf32>,
    }
    %scan3A_103 = arith.constant 32 : i32
    "tpu.region"() ({
      %run_scoped3A = tpu.sem_alloc : memref<!tpu.dma_semaphore, #tpu.memory_space<semaphore_mem>>
      %dma_start3A_104 = tpu.memref_slice %arg9[%mul3A_2] : memref<16384xf32, #tpu.memory_space<hbm>> -> memref<512xf32, #tpu.memory_space<hbm>>
      %dma_start3A_105 = tpu.memref_slice %arg9[%mul3A_2] : memref<16384xf32, #tpu.memory_space<hbm>> -> memref<512xf32, #tpu.memory_space<hbm>>
      tpu.enqueue_dma source(%arg19 : memref<512xf32, #tpu.memory_space<vmem>>) target(%dma_start3A_105 : memref<512xf32, #tpu.memory_space<hbm>>) target_semaphore(%run_scoped3A : memref<!tpu.dma_semaphore, #tpu.memory_space<semaphore_mem>>)
      %dma_wait3A_106 = tpu.memref_slice %arg9[%mul3A_2] : memref<16384xf32, #tpu.memory_space<hbm>> -> memref<512xf32, #tpu.memory_space<hbm>>
      %dma_wait3A_107 = tpu.memref_slice %arg9[%mul3A_2] : memref<16384xf32, #tpu.memory_space<hbm>> -> memref<512xf32, #tpu.memory_space<hbm>>
      tpu.wait_dma2 semaphore(%run_scoped3A : memref<!tpu.dma_semaphore, #tpu.memory_space<semaphore_mem>>) src(%arg19 : memref<512xf32, #tpu.memory_space<vmem>>) dst(%dma_wait3A_107 : memref<512xf32, #tpu.memory_space<hbm>>)
      tpu.yield
    }) : () -> ()
    return
  }
}

</mosaic_0001>

<sc_bundles>
// kernel: kernel.3.cloned.1.call-start
scs
__scs_entry_jumppad:
0x0: {  	(pc) =	sbr.rel $0x88, $3  }
0x1: {  	(tag) =	ssettag $0x0;
	lr =	simm.s32 $0x1  }
0x2: {  	[smem:$0x3F9A] =	sst lr;
	_ =	strace $0xD0000000  }
0x3: {  	_ = 	snop  }
0x4: {  	_ = 	snop  }
0x5: {  	_ = 	snop  }
0x6: {  	_ = 	snop  }
0x7: {  	_ = 	snop  }
__scs_overlays_trampoline_lowered:
0x8: {  	[smem:$0x3FA9] =	sst s0  }
0x9: {  	[smem:$0x3FAA] =	sst s1  }
0xa: {  	[smem:$0x3FAB] =	sst s2  }
0xb: {  	[smem:$0x3FAC] =	sst s3  }
0xc: {  	[smem:$0x3FAD] =	sst s4  }
0xd: {  	[smem:$0x3FAE] =	sst s5  }
0xe: {  	[smem:$0x3FAF] =	sst s6  }
0xf: {  	[smem:$0x3FB0] =	sst s7  }
0x10: {  	[smem:$0x3FB1] =	sst s8  }
0x11: {  	[smem:$0x3FB2] =	sst s9;
	s0 =	simm.s32 @!p0 $0x0  }
0x12: {  	s1 =	sld [smem:$0x3F98];
	s0 =	simm.s32 @p0 $0x1  }
0x13: {  	[smem:$0x3FB3] =	sst s0;
	s0 =	simm.s32 @!p1 $0x0  }
0x14: {  	s2 =	sld [smem:$0x3F97];
	s0 =	simm.s32 @p1 $0x1  }
0x15: {  	[smem:$0x3FB4] =	sst s0;
	s0 =	simm.s32 @!p2 $0x0  }
0x16: {  	s3 =	sld [smem:$0x3FDB];
	s0 =	simm.s32 @p2 $0x1  }
0x17: {  	s4 =	simm.s32 $0x1BF5;
	[smem:$0x3FB6] =	sst s0  }
0x18: {  	s0 =	sld [smem:$0x3F99];
	_ =	swait.ge [sflag:s4], $0x0  }
0x19: {  	s7 =	sld [smem:$0x3F9A]  }
0x1a: {  	s8 =	sadd.s32 $0xFFFFE003, lr  }
0x1b: {  	s9 =	sadd.s32 $0xFFFFFEF7, lr;
	s5 =	simm.s32 $0xFFFFFFFF;
	p2 =	slt.u32 s8, $0xFFFFF086  }
0x1c: {  	p1 =	slt.u32 s9, $0xF7A;
	s5 =	simm.s32 @!p2 $0x0  }
0x1d: {  	s5 =	simm.s32 @p1 $0x1;
	p0 =	seq.s32 s7, s2  }
0x1e: {  	s7 =	smul.u32 @!p0 $0xF7A, s2;
	p2 =	seq.s32 @!p0 s5, $0x0  }
0x1f: {  	s9 =	smul.u32 $0xF7A, s1;
	s8 =	simm.s32 @!p0 $0x1BF5;
	p2 =	por !p2, p0  }
0x20: {  	[sflag:s8] =	ssyncset.s32 @!p0 $0xFFFFF086;
	s6 =	sadd.s32 @!p0 s3, s7;
	s7 =	simm.s32 @!p0 $0x108  }
0x21: {  	s3 =	sadd.s32 s3, s9;
	s6 =	sadd.s32 @!p0 $0x88, s6;
	s7 =	simm.s32 @p2 $0x1082  }
0x22: {  	[simem:s7], [sflag:s8] =	dma.local @!p0 [hbm:s6], $0xF7A  }
0x23: {  	s9 =	sor.u32 $0xD0000000, s2;
	s6 =	simm.s32 $0x108;
	_ =	swait.ge @!p0 [sflag:s8], $0x0  }
0x24: {  	s3 =	sadd.s32 $0x88, s3;
	s6 =	simm.s32 @!p1 $0x1082;
	[sflag:s4] =	ssyncset.s32 $0xFFFFF086  }
0x25: {  	[simem:s6], [sflag:s4] =	dma.local [hbm:s3], $0xF7A  }
0x26: {  	[smem:$0x3F9A] =	sst s1;
	(tag) =	ssettag s2;
	_ =	strace s9  }
0x27: {  	s1 =	sld [smem:$0x3FAA]  }
0x28: {  	s2 =	sld [smem:$0x3FAB]  }
0x29: {  	s4 =	sld [smem:$0x3FAD]  }
0x2a: {  	p0 =	seq.s32 s5, $0x0;
	s5 =	sld [smem:$0x3FAE]  }
0x2b: {  	s6 =	sld [smem:$0x3FAF]  }
0x2c: {  	s7 =	sld [smem:$0x3FB0]  }
0x2d: {  	s3 =	simm.s32 $0x108;
	s8 =	sld [smem:$0x3FB1]  }
0x2e: {  	s3 =	simm.s32 @!p0 $0x1082;
	s9 =	sld [smem:$0x3FB2]  }
0x2f: {  	lr =	sadd.s32 s0, s3;
	s0 =	sld [smem:$0x3FA9]  }
0x30: {  	s3 =	sld [smem:$0x3FAC]  }
0x31: {  	[smem:$0x3FB5] =	sst s10  }
0x32: {  	s10 =	sld [smem:$0x3FB3];
	_ =	sdelay $0x3  }
0x33: {  	p0 =	seq.s32 s10, $0x1;
	s10 =	sld [smem:$0x3FB5];
	_ =	sdelay $0x3  }
0x34: {  	[smem:$0x3FB5] =	sst s10  }
0x35: {  	s10 =	sld [smem:$0x3FB4];
	_ =	sdelay $0x3  }
0x36: {  	p1 =	seq.s32 s10, $0x1;
	s10 =	sld [smem:$0x3FB5];
	_ =	sdelay $0x3  }
0x37: {  	[smem:$0x3FB5] =	sst s10  }
0x38: {  	s10 =	sld [smem:$0x3FB6]  }
0x39: {  	_ = 	snop;
	(pc) =	sbr.ind lr, $3  }
0x3a: {  	_ = 	snop  }
0x3b: {  	_ = 	snop  }
0x3c: {  	p2 =	seq.s32 s10, $0x1;
	s10 =	sld [smem:$0x3FB5]  }
0x3d: {  	_ =	shalt  }
0x3e: {  	_ =	shalt  }
0x3f: {  	_ =	shalt  }
0x40: {  	_ =	shalt  }
0x41: {  	_ =	shalt  }
0x42: {  	_ =	shalt  }
0x43: {  	_ =	shalt  }
0x44: {  	_ =	shalt  }
0x45: {  	_ =	shalt  }
0x46: {  	_ =	shalt  }
0x47: {  	_ =	shalt  }
0x48: {  	_ =	shalt  }
0x49: {  	_ =	shalt  }
0x4a: {  	_ =	shalt  }
0x4b: {  	_ =	shalt  }
0x4c: {  	_ =	shalt  }
0x4d: {  	_ =	shalt  }
0x4e: {  	_ =	shalt  }
0x4f: {  	_ =	shalt  }
0x50: {  	_ =	shalt  }
0x51: {  	_ =	shalt  }
0x52: {  	_ =	shalt  }
0x53: {  	_ =	shalt  }
0x54: {  	_ =	shalt  }
0x55: {  	_ =	shalt  }
0x56: {  	_ =	shalt  }
0x57: {  	_ =	shalt  }
0x58: {  	_ =	shalt  }
0x59: {  	_ =	shalt  }
0x5a: {  	_ =	shalt  }
0x5b: {  	_ =	shalt  }
0x5c: {  	_ =	shalt  }
0x5d: {  	_ =	shalt  }
0x5e: {  	_ =	shalt  }
0x5f: {  	_ =	shalt  }
0x60: {  	_ =	shalt  }
0x61: {  	_ =	shalt  }
0x62: {  	_ =	shalt  }
0x63: {  	_ =	shalt  }
0x64: {  	_ =	shalt  }
0x65: {  	_ =	shalt  }
0x66: {  	_ =	shalt  }
0x67: {  	_ =	shalt  }
0x68: {  	_ =	shalt  }
0x69: {  	_ =	shalt  }
0x6a: {  	_ =	shalt  }
0x6b: {  	_ =	shalt  }
0x6c: {  	_ =	shalt  }
0x6d: {  	_ =	shalt  }
0x6e: {  	_ =	shalt  }
0x6f: {  	_ =	shalt  }
0x70: {  	_ =	shalt  }
0x71: {  	_ =	shalt  }
0x72: {  	_ =	shalt  }
0x73: {  	_ =	shalt  }
0x74: {  	_ =	shalt  }
0x75: {  	_ =	shalt  }
0x76: {  	_ =	shalt  }
0x77: {  	_ =	shalt  }
0x78: {  	_ =	shalt  }
0x79: {  	_ =	shalt  }
0x7a: {  	_ =	shalt  }
0x7b: {  	_ =	shalt  }
0x7c: {  	_ =	shalt  }
0x7d: {  	_ =	shalt  }
0x7e: {  	_ =	shalt  }
0x7f: {  	_ =	shalt  }
0x80: {  	_ =	shalt  }
0x81: {  	_ =	shalt  }
0x82: {  	_ =	shalt  }
0x83: {  	_ =	shalt  }
0x84: {  	_ =	shalt  }
0x85: {  	_ =	shalt  }
0x86: {  	_ =	shalt  }
0x87: {  	_ =	shalt  }
.Lfunc_end0:
.L_simem_size_0:
called_computation_lowered:
.L_overlay_start_0:
0x88: {  	s2 =	sld [smem:$0x3FD9]  }
0x89: {  	s3 =	sld [smem:$0x3FFE];
	_ =	sdelay $0x1  }
0x8a: {  	s1 =	srdreg.scid  }
0x8b: {  	s0 =	sand.u32 $0x1, s1  }
0x8c: {  	s17 =	sshll.u32 s0, $0xA;
	s2 =	sadd.s32 s3, s2  }
0x8d: {  	s2 =	sadd.s32 s2, s17  }
0x8e: {  	[smem:$0x3FC1] =	sst s2  }
0x8f: {  	_ = 	snop  }
0x90: {  	s2 =	sld [smem:$0x3FC9]  }
0x91: {  	s18 =	sld [smem:$0x3FC8]  }
0x92: {  	s4 =	sld [smem:$0x3FC7]  }
0x93: {  	s5 =	sld [smem:$0x3FC6]  }
0x94: {  	s6 =	sld [smem:$0x3FD0];
	(tm) =	ssettm $0x1  }
0x95: {  	s7 =	sld [smem:$0x3FFB];
	_ =	sdelay $0x3  }
0x96: {  	_ =	strace s7  }
0x97: {  	s7 =	sld [smem:$0x3FFC];
	_ =	sdelay $0x3  }
0x98: {  	_ =	strace s7  }
0x99: {  	s7 =	sld [smem:$0x3FFD];
	_ =	sdelay $0x3  }
0x9a: {  	_ =	strace s7  }
0x9b: {  	_ =	strace $0x8FFFFFFF  }
0x9c: {  	s19 =	sld [smem:$0x3FDB];
	_ =	sdelay $0x1  }
0x9d: {  	s8 =	simm.s32 $_scs_section_size  }
0x9e: {  	s9 =	simm.s32 $_size__tile_overlayer_lowered;
	s10 =	simm.s32 $_tile_overlayer_lowered  }
0x9f: {  	s22 =	simm.s32 $0x1BFF;
	s21 =	sshll.u32 s10, $0x1;
	s7 =	sadd.s32 s8, s19  }
0xa0: {  	s11 =	simm.s32 $0x0;
	s20 =	sshll.u32 s9, $0x1;
	s9 =	sadd.s32 s21, s7  }
0xa1: {  	[timem:s11], [sflag:s22] =	dma.local [hbm:s9], s20  }
0xa2: {  	_ =	swait.ge [sflag:s22], s20  }
0xa3: {  	s8 =	ssub.s32 $0x0, s20;
	[sflag:s22] =	ssyncset.done $0x0  }
0xa4: {  	[sflag:s22] =	ssyncadd.s32 s8;
	_ =	sdelay $0x1  }
0xa5: {  	s23 =	simm.s32 $0x1B8B  }
0xa6: {  	_ =	swait.ge [sflag:s23], $0x1  }
0xa7: {  	[sflag:s23] =	ssyncset.done $0x0  }
0xa8: {  	s25 =	simm.s32 $0x1B8E;
	s24 =	sld [smem:$0x3FFE];
	[sflag:s23] =	ssyncadd.s32 $0xFFFFFFFF  }
0xa9: {  	s26 =	simm.s32 $execute0_lowered;
	[smem:$0x3FD2] =	sst s25  }
0xaa: {  	s9 =	sshll.u32 s26, $0x1;
	_ =	strace $0x80000046;
	[dreg:$0x1] =	wrdreg $0xFFFFFFFF  }
0xab: {  	s28 =	simm.s32 $_size_execute0_lowered;
	s7 =	sadd.s32 s7, s9;
	[dreg:$0x0] =	wrdreg $0x0  }
0xac: {  	s9 =	sshll.u32 s28, $0x1;
	[dreg:$0x2] =	wrdreg s7  }
0xad: {  	[dreg:$0x3] =	wrdreg s9  }
0xae: {  	[dreg:$0x4] =	wrdreg $0xC0  }
0xaf: {  	_ =	task [dreg:s11], $0x5FFFF  }
0xb0: {  	[dreg:$0x1] =	wrdreg $0xFFFFFFFF  }
0xb1: {  	[dreg:$0x0] =	wrdreg $0x60  }
0xb2: {  	[dreg:$0x2] =	wrdreg s2  }
0xb3: {  	[dreg:$0x3] =	wrdreg s18  }
0xb4: {  	[dreg:$0x4] =	wrdreg s4  }
0xb5: {  	[dreg:$0x5] =	wrdreg s5  }
0xb6: {  	[dreg:$0x6] =	wrdreg s24  }
0xb7: {  	[dreg:$0x7] =	wrdreg s6  }
0xb8: {  	[dreg:$0x8] =	wrdreg $0x9  }
0xb9: {  	_ =	task.clear_ibuf [dreg:s11], $0x9FFFF;
	_ =	strace $0x90000046  }
0xba: {  	s29 =	simm.s32 $0x9;
	_ =	strace $0x80000048  }
0xbb: {  	_ =	swait.ge [sflag:s29], $0x1  }
0xbc: {  	[sflag:s29] =	ssyncadd.s32 $0xFFFFFFFF  }
0xbd: {  	_ =	strace $0x90000048  }
0xbe: {  	_ =	sfence  }
0xbf: {  	s30 =	sld [smem:$0x0];
	_ =	sdelay $0x2  }
0xc0: {  	s31 =	sshll.u32 s1, $0xD;
	s1 =	sshrl.u32 s1, $0x2  }
0xc1: {  	s3 =	sand.u32 $0x4000, s31;
	s1 =	sadd.s32 s1, s30  }
0xc2: {  	s0 =	sor.u32 s3, s0;
	s1 =	sshll.u32 s1, $0x11  }
0xc3: {  	s0 =	sor.u32 s1, s0  }
0xc4: {  	s0 =	sadd.s32 $0x8F2B, s0  }
0xc5: {  	[sflag:s0] =	ssyncadd.remote.s32 $0x1  }
0xc6: {  	_ =	sfence.sel $0xFFFF  }
0xc7: {  	[dreg:$0x0] =	wrdreg $0xFFFFFFFF;
	(pc) =	sbr.abs _section_cstart, $3  }
0xc8: {  	[dreg:$0x1] =	wrdreg $0xFFFFFFFF  }
0xc9: {  	_ =	task.clear_ibuf [dreg:s11], $0x2FFFF;
	_ =	strace $0x9FFFFFFF  }
0xca: {  	(tm) =	ssettm $0x7FFFFFFF  }
0xcb: {  	_ =	shalt  }
tec
execute0_lowered:
.L_overlay_start_1:
0x0: {  	(tag) =	ssettag $0x1  }
0x1: {  	s3 =	rddreg [dreg:$0x0]  }
0x2: {  	s5 =	rddreg [dreg:$0x1]  }
0x3: {  	s0 =	rddreg [dreg:$0x2]  }
0x4: {  	s1 =	rddreg [dreg:$0x3]  }
0x5: {  	v1 =	vlaneseq.u32;
	s2 =	rddreg [dreg:$0x4];
	s4 =	simm.s32 $0x0  }
0x6: {  	[smem:$0x7FF] =	sst s4;
	v0 =	vor.u32 $0x680, v1  }
0x7: {  	s10 =	rddreg [dreg:$0x5];
	v4 =	vor.u32 $0x10, v1;
	_ =	strace $0x80000047;
	[tilespmem:$0x1FD10] =	vst v0  }
0x8: {  	v5 =	vor.u32 $0x20, v1;
	[tilespmem:$0x1FD50] =	vst v4  }
0x9: {  	v6 =	vor.u32 $0x30, v1;
	[tilespmem:$0x1FD70] =	vst v5  }
0xa: {  	v11 =	vor.u32 $0x80, v1;
	[tilespmem:$0x1FD90] =	vst v6  }
0xb: {  	v13 =	vor.u32 $0x90, v1;
	[tilespmem:$0x1FDB0] =	vst v11  }
0xc: {  	v15 =	vor.u32 $0xA0, v1;
	[tilespmem:$0x1FDD0] =	vst v13  }
0xd: {  	v17 =	vor.u32 $0xB0, v1;
	[tilespmem:$0x1FDF0] =	vst v15  }
0xe: {  	v18 =	vor.u32 $0x100, v1;
	[tilespmem:$0x1FE10] =	vst v17  }
0xf: {  	v19 =	vor.u32 $0x110, v1;
	[tilespmem:$0x1FE20] =	vst v18  }
0x10: {  	v20 =	vor.u32 $0x120, v1;
	[tilespmem:$0x1FE30] =	vst v19  }
0x11: {  	v21 =	vor.u32 $0x130, v1;
	[tilespmem:$0x1FE40] =	vst v20  }
0x12: {  	v22 =	vor.u32 $0x180, v1;
	[tilespmem:$0x1FE50] =	vst v21  }
0x13: {  	v23 =	vor.u32 $0x190, v1;
	[tilespmem:$0x1FE60] =	vst v22  }
0x14: {  	v24 =	vor.u32 $0x1A0, v1;
	[tilespmem:$0x1FE70] =	vst v23  }
0x15: {  	v25 =	vor.u32 $0x1B0, v1;
	[tilespmem:$0x1FE80] =	vst v24  }
0x16: {  	v26 =	vor.u32 $0x200, v1;
	[tilespmem:$0x1FE90] =	vst v25  }
0x17: {  	v27 =	vor.u32 $0x210, v1;
	[tilespmem:$0x1FEA0] =	vst v26  }
0x18: {  	v28 =	vor.u32 $0x220, v1;
	[tilespmem:$0x1FEB0] =	vst v27  }
0x19: {  	v29 =	vor.u32 $0x230, v1;
	[tilespmem:$0x1FEC0] =	vst v28  }
0x1a: {  	v30 =	vor.u32 $0x280, v1;
	[tilespmem:$0x1FED0] =	vst v29  }
0x1b: {  	v31 =	vor.u32 $0x290, v1;
	[tilespmem:$0x1FEE0] =	vst v30  }
0x1c: {  	v32 =	vor.u32 $0x2A0, v1;
	[tilespmem:$0x1FEF0] =	vst v31  }
0x1d: {  	v33 =	vor.u32 $0x2B0, v1;
	[tilespmem:$0x1FF00] =	vst v32  }
0x1e: {  	v34 =	vor.u32 $0x300, v1;
	[tilespmem:$0x1FF10] =	vst v33  }
0x1f: {  	v35 =	vor.u32 $0x310, v1;
	[tilespmem:$0x1FF20] =	vst v34  }
0x20: {  	v36 =	vor.u32 $0x320, v1;
	[tilespmem:$0x1FF30] =	vst v35  }
0x21: {  	v37 =	vor.u32 $0x330, v1;
	[tilespmem:$0x1FF40] =	vst v36  }
0x22: {  	v38 =	vor.u32 $0x380, v1;
	[tilespmem:$0x1FF50] =	vst v37  }
0x23: {  	v39 =	vor.u32 $0x390, v1;
	[tilespmem:$0x1FF60] =	vst v38  }
0x24: {  	v40 =	vor.u32 $0x3A0, v1;
	[tilespmem:$0x1FF70] =	vst v39  }
0x25: {  	v41 =	vor.u32 $0x3B0, v1;
	[tilespmem:$0x1FF80] =	vst v40  }
0x26: {  	v42 =	vor.u32 $0x410, v1;
	[tilespmem:$0x1FF90] =	vst v41  }
0x27: {  	v52 =	vor.u32 $0x520, v1;
	[tilespmem:$0x1FFA0] =	vst v42  }
0x28: {  	v45 =	vor.u32 $0x430, v1;
	[tilespmem:$0x1FFB0] =	vst v52  }
0x29: {  	v46 =	vor.u32 $0x480, v1;
	[tilespmem:$0x1FFC0] =	vst v45  }
0x2a: {  	v48 =	vor.u32 $0x4A0, v1;
	[tilespmem:$0x1FFD0] =	vst v46  }
0x2b: {  	v44 =	vor.u32 $0x420, v1;
	[tilespmem:$0x1FFE0] =	vst v48  }
0x2c: {  	s6 =	srdreg.scid;
	v43 =	vmul.u32 $0x80, v1;
	v0 =	vor.u32 $0x690, v1;
	[tilespmem:$0x1FFF0] =	vst v44  }
0x2d: {  	s7 =	stileid.u32;
	s13 =	simm.s32 $0x200;
	s15 =	simm.s32 $0x80;
	[tilespmem:$0x1FD20] =	vst v0;
	v0 =	vor.u32 $0x6A0, v1  }
0x2e: {  	s30 =	simm.s32 $0x1;
	s31 =	simm.s32 $0x7A1400;
	s14 =	simm.s32 $0x2400;
	v7 =	vor.u32 $0x800, v43;
	[tilespmem:$0x1FD30] =	vst v0  }
0x2f: {  	s16 =	simm.s32 $0x6400;
	s17 =	simm.s32 $0x8400;
	s18 =	simm.s32 $0x8C00;
	v62 =	vor.u32 $0x490, v1;
	v8 =	vor.u32 $0x1000, v43;
	[tilespmem:$0x1FD40] =	vst v7  }
0x30: {  	s19 =	simm.s32 $0x9880;
	s20 =	simm.s32 $0x0;
	s6 =	sand.u32 $0x1, s6;
	v49 =	vor.u32 $0x4B0, v1;
	v50 =	vor.u32 $0x500, v1;
	v9 =	vor.u32 $0x1800, v43;
	[tilespmem:$0x1FD60] =	vst v8  }
0x31: {  	s7 =	sshll.u32 s7, $0x7;
	v51 =	vor.u32 $0x510, v1;
	v53 =	vor.u32 $0x530, v1;
	s8 =	ssub.s32 $0x2, s6;
	s9 =	sshll.u32 s6, $0x6;
	v10 =	vor.u32 $0x2000, v43;
	[tilespmem:$0x1FD80] =	vst v9  }
0x32: {  	v54 =	vor.u32 $0x580, v1;
	v55 =	vor.u32 $0x590, v1;
	s6 =	sadd.s32 $0x1EA00, s2;
	v12 =	vor.u32 $0x2800, v43;
	s11 =	sshrl.u32 s8, $0x1;
	s12 =	sor.u32 s9, s7;
	[tilespmem:$0x1FDA0] =	vst v10  }
0x33: {  	v56 =	vor.u32 $0x5A0, v1;
	v47 =	vor.u32 $0x400, v1;
	v14 =	vor.u32 $0x3000, v43;
	s7 =	sadd.s32 $0x3D400, s2;
	s11 =	ssub.s32 s8, s11;
	s8 =	sadd.s32 s3, s12;
	[tilespmem:$0x1FDC0] =	vst v12  }
0x34: {  	v57 =	vor.u32 $0x5B0, v1;
	v58 =	vor.u32 $0x600, v1;
	v16 =	vor.u32 $0x3800, v43;
	s9 =	sadd.s32 s5, s12;
	s10 =	sadd.s32 s10, s12;
	s12 =	simm.s32 $0x2;
	[tilespmem:$0x1FDE0] =	vst v14  }
0x35: {  	v59 =	vor.u32 $0x610, v1;
	v60 =	vor.u32 $0x620, v1;
	v61 =	vor.u32 $0x630, v1;
	s3 =	simm.s32 $0x400;
	s5 =	simm.s32 $0x4400;
	[tilespmem:$0x1FE00] =	vst v16;
	s11 =	smax.u32 s11, $0x1  }
.LBB2_1:
0x36: {  	[tilespmem:s4], [sflag:$0x2] =	stream.linear.gather [hbm4b:s8+s4], $0x200, $0x38;
	[tilespmem:$0x9A80] =	vst v63  }
0x37: {  	_ =	swait.ge [sflag:s12], $0x200  }
0x38: {  	[sflag:s12] =	ssyncset.done $0x0  }
0x39: {  	[sflag:s12] =	ssyncadd.s32 $0xFFFFFE00  }
0x3a: {  	[tilespmem:s13], [sflag:$0x2] =	stream.linear.gather [hbm4b:s9+s4], $0x200, $0x38;
	[tilespmem:$0x9A80] =	vst v63  }
0x3b: {  	_ =	swait.ge [sflag:s12], $0x200  }
0x3c: {  	[sflag:s12] =	ssyncset.done $0x0  }
0x3d: {  	s21 =	simm.s32 $0x9800;
	[sflag:s12] =	ssyncadd.s32 $0xFFFFFE00  }
0x3e: {  	[tilespmem:s21], [sflag:$0x2] =	stream.linear.gather [hbm4b:s7+s4], $0x80, $0x38;
	[tilespmem:$0x9A80] =	vst v63  }
0x3f: {  	_ =	swait.ge [sflag:s12], $0x80  }
0x40: {  	[sflag:s12] =	ssyncset.done $0x0  }
0x41: {  	s23 =	simm.s32 $0x9400;
	[sflag:s12] =	ssyncadd.s32 $0xFFFFFF80  }
0x42: {  	[tilespmem:s23], [sflag:$0x1] =	stream.indirect.gather [hbm4b:s2+s15], $0x1, s4, s15, $0xb8;
	[tilespmem:$0x9A80] =	vst v63  }
0x43: {  	s24 =	simm.s32 $0x9600  }
0x44: {  	[tilespmem:s24], [sflag:$0x1] =	stream.indirect.gather [hbm4b:s6+s15], $0x1, s13, s15, $0xb8;
	[tilespmem:$0x9A80] =	vst v63  }
0x45: {  	s25 =	simm.s32 $0x9480  }
0x46: {  	[tilespmem:s25], [sflag:$0x1] =	stream.indirect.gather [hbm4b:s2+s15], $0x1, s15, s15, $0xb8;
	[tilespmem:$0x9A80] =	vst v63  }
0x47: {  	s26 =	simm.s32 $0x280;
	s22 =	simm.s32 $0x9680  }
0x48: {  	[tilespmem:s22], [sflag:$0x1] =	stream.indirect.gather [hbm4b:s6+s15], $0x1, s26, s15, $0xb8;
	[tilespmem:$0x9A80] =	vst v63  }
0x49: {  	s28 =	simm.s32 $0x100;
	s29 =	simm.s32 $0x9500  }
0x4a: {  	[tilespmem:s29], [sflag:$0x1] =	stream.indirect.gather [hbm4b:s2+s15], $0x1, s28, s15, $0xb8;
	[tilespmem:$0x9A80] =	vst v63  }
0x4b: {  	s23 =	simm.s32 $0x300;
	s24 =	simm.s32 $0x9700  }
0x4c: {  	[tilespmem:s24], [sflag:$0x1] =	stream.indirect.gather [hbm4b:s6+s15], $0x1, s23, s15, $0xb8;
	[tilespmem:$0x9A80] =	vst v63  }
0x4d: {  	s25 =	simm.s32 $0x180;
	s26 =	simm.s32 $0x9580  }
0x4e: {  	[tilespmem:s26], [sflag:$0x1] =	stream.indirect.gather [hbm4b:s2+s15], $0x1, s25, s15, $0xb8;
	[tilespmem:$0x9A80] =	vst v63  }
0x4f: {  	s28 =	simm.s32 $0x380;
	s29 =	simm.s32 $0x9780  }
0x50: {  	[tilespmem:s29], [sflag:$0x1] =	stream.indirect.gather [hbm4b:s6+s15], $0x1, s28, s15, $0xb8;
	[tilespmem:$0x9A80] =	vst v63  }
0x51: {  	_ =	swait.ge [sflag:s30], $0x80  }
0x52: {  	[sflag:s30] =	ssyncset.done $0x0  }
0x53: {  	[sflag:s30] =	ssyncadd.s32 $0xFFFFFF80  }
0x54: {  	_ =	swait.ge [sflag:s30], $0x80  }
0x55: {  	[sflag:s30] =	ssyncset.done $0x0  }
0x56: {  	[sflag:s30] =	ssyncadd.s32 $0xFFFFFF80  }
0x57: {  	_ =	swait.ge [sflag:s30], $0x80  }
0x58: {  	[sflag:s30] =	ssyncset.done $0x0  }
0x59: {  	[sflag:s30] =	ssyncadd.s32 $0xFFFFFF80  }
0x5a: {  	_ =	swait.ge [sflag:s30], $0x80  }
0x5b: {  	[sflag:s30] =	ssyncset.done $0x0  }
0x5c: {  	[sflag:s30] =	ssyncadd.s32 $0xFFFFFF80  }
0x5d: {  	_ =	swait.ge [sflag:s30], $0x80  }
0x5e: {  	[sflag:s30] =	ssyncset.done $0x0  }
0x5f: {  	[sflag:s30] =	ssyncadd.s32 $0xFFFFFF80  }
0x60: {  	_ =	swait.ge [sflag:s30], $0x80  }
0x61: {  	[sflag:s30] =	ssyncset.done $0x0  }
0x62: {  	[sflag:s30] =	ssyncadd.s32 $0xFFFFFF80  }
0x63: {  	_ =	swait.ge [sflag:s30], $0x80  }
0x64: {  	[sflag:s30] =	ssyncset.done $0x0  }
0x65: {  	[sflag:s30] =	ssyncadd.s32 $0xFFFFFF80  }
0x66: {  	_ =	swait.ge [sflag:s30], $0x80  }
0x67: {  	[sflag:s30] =	ssyncset.done $0x0  }
0x68: {  	[sflag:s30] =	ssyncadd.s32 $0xFFFFFF80  }
0x69: {  	v0 =	vld [tilespmem:$0x9800];
	_ =	sdelay $0x4  }
0x6a: {  	s21 =	simm.s32 $0x0;
	[tilespmem:$0x1FD00] =	vst v0  }
.LBB2_2:
0x6b: {  	s22 =	sshra.s32 s21, $0x2  }
0x6c: {  	v3 =	vld [tilespmem:s22+$0x0];
	_ =	sdelay $0x4  }
0x6d: {  	(v2sf) =	vpush v3, $0x0;
	_ =	sdelay $0x5  }
0x6e: {  	v63 =	vld [tilespmem:s22+$0x200];
	_ =	sdelay $0x4  }
0x6f: {  	(v2sf) =	vpush v63, $0x0;
	_ =	sdelay $0x3  }
0x70: {  	s23 =	spop (v2sf)  }
0x71: {  	s24 =	sshra.s32 s23, $0x1F  }
0x72: {  	s24 =	sshrl.u32 s24, $0x19  }
0x73: {  	s24 =	sadd.s32 s24, s23  }
0x74: {  	s25 =	sand.u32 $0xFFFFFF80, s24  }
0x75: {  	p0 =	slt.s32 s23, $0x1;
	p1 =	sne.s32 s23, s25  }
0x76: {  	p0 =	por !p0, !p1  }
0x77: {  	s25 =	simm.s32 $0x1;
	p0 =	por !p0, !p0  }
0x78: {  	s24 =	sshrl.u32 s24, $0x7;
	s25 =	simm.s32 @!p0 $0x0  }
0x79: {  	s24 =	ssub.s32 s24, s25  }
0x7a: {  	s24 =	sshll.u32 s24, $0x7  }
0x7b: {  	(v2sf) =	vpush v3, $0x1;
	s26 =	spop (v2sf);
	s24 =	sand.u32 $0x1FFFFF80, s24  }
0x7c: {  	s28 =	sshra.s32 s26, $0x1F;
	s24 =	sadd.s32 s0, s24  }
0x7d: {  	[tilespmem:s3], [sflag:$0x1] =	stream.strided.gather [hbm4b:s24+s3], $0x2000, s31, s3, $0x38;
	[tilespmem:$0x9A80] =	vst v63  }
0x7e: {  	s24 =	sshrl.u32 s28, $0x19  }
0x7f: {  	s24 =	sadd.s32 s24, s26  }
0x80: {  	s29 =	sand.u32 $0xFFFFFF80, s24  }
0x81: {  	p5 =	slt.s32 s26, $0x1;
	p6 =	sne.s32 s26, s29  }
0x82: {  	p0 =	por !p5, !p6  }
0x83: {  	s25 =	simm.s32 $0x1;
	p0 =	por !p0, !p0  }
0x84: {  	s24 =	sshrl.u32 s24, $0x7;
	s25 =	simm.s32 @!p0 $0x0  }
0x85: {  	s24 =	ssub.s32 s24, s25  }
0x86: {  	s24 =	sshll.u32 s24, $0x7  }
0x87: {  	s24 =	sand.u32 $0x1FFFFF80, s24  }
0x88: {  	s24 =	sadd.s32 s1, s24  }
0x89: {  	(v2sf) =	vpush v63, $0x1;
	[tilespmem:s5], [sflag:$0x1] =	stream.strided.gather [hbm4b:s24+s3], $0x2000, s31, s3, $0x38;
	[tilespmem:$0x9A80] =	vst v63  }
0x8a: {  	s24 =	spop (v2sf)  }
0x8b: {  	s28 =	sshra.s32 s24, $0x1F  }
0x8c: {  	s25 =	sshrl.u32 s28, $0x19  }
0x8d: {  	s25 =	sadd.s32 s25, s24  }
0x8e: {  	s28 =	sand.u32 $0xFFFFFF80, s25  }
0x8f: {  	p1 =	slt.s32 s24, $0x1;
	p2 =	sne.s32 s24, s28  }
0x90: {  	p0 =	por !p1, !p2  }
0x91: {  	s28 =	simm.s32 $0x1;
	p0 =	por !p0, !p0  }
0x92: {  	s25 =	sshrl.u32 s25, $0x7;
	s28 =	simm.s32 @!p0 $0x0  }
0x93: {  	s25 =	ssub.s32 s25, s28  }
0x94: {  	s25 =	sshll.u32 s25, $0x7  }
0x95: {  	s25 =	sand.u32 $0x1FFFFF80, s25  }
0x96: {  	s25 =	sadd.s32 s0, s25  }
0x97: {  	[tilespmem:s14], [sflag:$0x1] =	stream.strided.gather [hbm4b:s25+s3], $0x2000, s31, s3, $0x38;
	[tilespmem:$0x9A80] =	vst v63  }
0x98: {  	s25 =	spop (v2sf)  }
0x99: {  	s29 =	sshra.s32 s25, $0x1F  }
0x9a: {  	s28 =	sshrl.u32 s29, $0x19  }
0x9b: {  	s28 =	sadd.s32 s28, s25  }
0x9c: {  	s29 =	sand.u32 $0xFFFFFF80, s28  }
0x9d: {  	p3 =	slt.s32 s25, $0x1;
	p4 =	sne.s32 s25, s29  }
0x9e: {  	p0 =	por !p3, !p4  }
0x9f: {  	s29 =	simm.s32 $0x1;
	p0 =	por !p0, !p0  }
0xa0: {  	s28 =	sshrl.u32 s28, $0x7;
	s29 =	simm.s32 @!p0 $0x0  }
0xa1: {  	s28 =	ssub.s32 s28, s29  }
0xa2: {  	s28 =	sshll.u32 s28, $0x7  }
0xa3: {  	s28 =	sand.u32 $0x1FFFFF80, s28  }
0xa4: {  	s28 =	sadd.s32 s1, s28  }
0xa5: {  	[tilespmem:s16], [sflag:$0x1] =	stream.strided.gather [hbm4b:s28+s3], $0x2000, s31, s3, $0x38;
	[tilespmem:$0x9A80] =	vst v63  }
0xa6: {  	s23 =	sand.u32 $0x7F, s23;
	_ =	swait.ge [sflag:s30], $0x2000  }
0xa7: {  	v0 =	vor.u32 s23, v43;
	[sflag:s30] =	ssyncset.done $0x0  }
0xa8: {  	[sflag:s30] =	ssyncadd.s32 $0xFFFFE000  }
0xa9: {  	_ =	swait.ge [sflag:s30], $0x2000  }
0xaa: {  	[sflag:s30] =	ssyncset.done $0x0  }
0xab: {  	[sflag:s30] =	ssyncadd.s32 $0xFFFFE000  }
0xac: {  	v0 =	vld.idx.msk [tilespmem:v0+s3+$0x0], $0xffff  }
0xad: {  	v2 =	vor.u32 s23, v7;
	_ =	sdelay $0x3  }
0xae: {  	[tilespmem:v1+s17+$0x0] =	vst.idx.msk $0xffff, v0  }
0xaf: {  	v0 =	vld.idx.msk [tilespmem:v2+s3+$0x0], $0xffff  }
0xb0: {  	v2 =	vor.u32 s23, v8;
	_ =	sdelay $0x3  }
0xb1: {  	[tilespmem:v4+s17+$0x0] =	vst.idx.msk $0xffff, v0  }
0xb2: {  	v0 =	vld.idx.msk [tilespmem:v2+s3+$0x0], $0xffff  }
0xb3: {  	v2 =	vor.u32 s23, v9;
	_ =	sdelay $0x3  }
0xb4: {  	[tilespmem:v5+s17+$0x0] =	vst.idx.msk $0xffff, v0  }
0xb5: {  	s26 =	sand.u32 $0x7F, s26;
	v0 =	vld.idx.msk [tilespmem:v2+s3+$0x0], $0xffff  }
0xb6: {  	v2 =	vor.u32 s26, v43  }
0xb7: {  	(v2sf) =	vpush v3, $0x2;
	_ =	sdelay $0x2  }
0xb8: {  	[tilespmem:v6+s17+$0x0] =	vst.idx.msk $0xffff, v0  }
0xb9: {  	v0 =	vld.idx.msk [tilespmem:v2+s5+$0x0], $0xffff  }
0xba: {  	v2 =	vor.u32 s26, v7;
	_ =	sdelay $0x3  }
0xbb: {  	[tilespmem:v1+s18+$0x0] =	vst.idx.msk $0xffff, v0  }
0xbc: {  	v0 =	vld.idx.msk [tilespmem:v2+s5+$0x0], $0xffff  }
0xbd: {  	v2 =	vor.u32 s26, v8;
	_ =	sdelay $0x2  }
0xbe: {  	(v2sf) =	vpush v63, $0x2  }
0xbf: {  	s23 =	spop (v2sf);
	[tilespmem:v4+s18+$0x0] =	vst.idx.msk $0xffff, v0  }
0xc0: {  	s29 =	sshra.s32 s23, $0x1F;
	v0 =	vld.idx.msk [tilespmem:v2+s5+$0x0], $0xffff  }
0xc1: {  	s28 =	sshrl.u32 s29, $0x19;
	v2 =	vor.u32 s26, v9  }
0xc2: {  	s26 =	sadd.s32 s28, s23  }
0xc3: {  	s29 =	sand.u32 $0xFFFFFF80, s26  }
0xc4: {  	p5 =	slt.s32 s23, $0x1;
	p6 =	sne.s32 s23, s29  }
0xc5: {  	p0 =	por !p5, !p6;
	[tilespmem:v5+s18+$0x0] =	vst.idx.msk $0xffff, v0  }
0xc6: {  	s28 =	simm.s32 $0x1;
	p0 =	por !p0, !p0;
	v0 =	vld.idx.msk [tilespmem:v2+s5+$0x0], $0xffff  }
0xc7: {  	s26 =	sshrl.u32 s26, $0x7;
	s28 =	simm.s32 @!p0 $0x0  }
0xc8: {  	s26 =	ssub.s32 s26, s28  }
0xc9: {  	s26 =	sshll.u32 s26, $0x7  }
0xca: {  	s26 =	sand.u32 $0x1FFFFF80, s26  }
0xcb: {  	s26 =	sadd.s32 s0, s26;
	[tilespmem:v6+s18+$0x0] =	vst.idx.msk $0xffff, v0  }
0xcc: {  	[tilespmem:s3], [sflag:$0x1] =	stream.strided.gather [hbm4b:s26+s3], $0x2000, s31, s3, $0x38;
	[tilespmem:$0x9A80] =	vst v63  }
0xcd: {  	s26 =	spop (v2sf)  }
0xce: {  	s29 =	sshra.s32 s26, $0x1F  }
0xcf: {  	s28 =	sshrl.u32 s29, $0x19  }
0xd0: {  	s28 =	sadd.s32 s28, s26  }
0xd1: {  	s29 =	sand.u32 $0xFFFFFF80, s28  }
0xd2: {  	p1 =	slt.s32 s26, $0x1;
	p2 =	sne.s32 s26, s29  }
0xd3: {  	p0 =	por !p1, !p2  }
0xd4: {  	s29 =	simm.s32 $0x1;
	p0 =	por !p0, !p0  }
0xd5: {  	s28 =	sshrl.u32 s28, $0x7;
	s29 =	simm.s32 @!p0 $0x0  }
0xd6: {  	s28 =	ssub.s32 s28, s29  }
0xd7: {  	s28 =	sshll.u32 s28, $0x7  }
0xd8: {  	s28 =	sand.u32 $0x1FFFFF80, s28  }
0xd9: {  	s28 =	sadd.s32 s1, s28  }
0xda: {  	[tilespmem:s5], [sflag:$0x1] =	stream.strided.gather [hbm4b:s28+s3], $0x2000, s31, s3, $0x38;
	[tilespmem:$0x9A80] =	vst v63  }
0xdb: {  	s24 =	sand.u32 $0x7F, s24;
	_ =	swait.ge [sflag:s30], $0x2000  }
0xdc: {  	v0 =	vor.u32 s24, v10;
	[sflag:s30] =	ssyncset.done $0x0  }
0xdd: {  	[sflag:s30] =	ssyncadd.s32 $0xFFFFE000  }
0xde: {  	_ =	swait.ge [sflag:s30], $0x2000  }
0xdf: {  	[sflag:s30] =	ssyncset.done $0x0  }
0xe0: {  	[sflag:s30] =	ssyncadd.s32 $0xFFFFE000  }
0xe1: {  	v0 =	vld.idx.msk [tilespmem:v0+s3+$0x0], $0xffff  }
0xe2: {  	v2 =	vor.u32 s24, v12;
	_ =	sdelay $0x3  }
0xe3: {  	[tilespmem:v11+s17+$0x0] =	vst.idx.msk $0xffff, v0  }
0xe4: {  	v0 =	vld.idx.msk [tilespmem:v2+s3+$0x0], $0xffff  }
0xe5: {  	v2 =	vor.u32 s24, v14;
	_ =	sdelay $0x3  }
0xe6: {  	[tilespmem:v13+s17+$0x0] =	vst.idx.msk $0xffff, v0  }
0xe7: {  	v0 =	vld.idx.msk [tilespmem:v2+s3+$0x0], $0xffff  }
0xe8: {  	v2 =	vor.u32 s24, v16;
	_ =	sdelay $0x3  }
0xe9: {  	[tilespmem:v15+s17+$0x0] =	vst.idx.msk $0xffff, v0  }
0xea: {  	s25 =	sand.u32 $0x7F, s25;
	v0 =	vld.idx.msk [tilespmem:v2+s3+$0x0], $0xffff  }
0xeb: {  	v2 =	vor.u32 s25, v10  }
0xec: {  	(v2sf) =	vpush v3, $0x3;
	_ =	sdelay $0x2  }
0xed: {  	[tilespmem:v17+s17+$0x0] =	vst.idx.msk $0xffff, v0  }
0xee: {  	v0 =	vld.idx.msk [tilespmem:v2+s5+$0x0], $0xffff  }
0xef: {  	v2 =	vor.u32 s25, v12;
	_ =	sdelay $0x3  }
0xf0: {  	[tilespmem:v11+s18+$0x0] =	vst.idx.msk $0xffff, v0  }
0xf1: {  	v0 =	vld.idx.msk [tilespmem:v2+s5+$0x0], $0xffff  }
0xf2: {  	v2 =	vor.u32 s25, v14;
	_ =	sdelay $0x2  }
0xf3: {  	(v2sf) =	vpush v63, $0x3  }
0xf4: {  	s24 =	spop (v2sf);
	[tilespmem:v13+s18+$0x0] =	vst.idx.msk $0xffff, v0  }
0xf5: {  	s29 =	sshra.s32 s24, $0x1F;
	v0 =	vld.idx.msk [tilespmem:v2+s5+$0x0], $0xffff  }
0xf6: {  	s28 =	sshrl.u32 s29, $0x19;
	v2 =	vor.u32 s25, v16  }
0xf7: {  	s25 =	sadd.s32 s28, s24  }
0xf8: {  	s29 =	sand.u32 $0xFFFFFF80, s25  }
0xf9: {  	p3 =	slt.s32 s24, $0x1;
	p4 =	sne.s32 s24, s29  }
0xfa: {  	p0 =	por !p3, !p4;
	[tilespmem:v15+s18+$0x0] =	vst.idx.msk $0xffff, v0  }
0xfb: {  	s28 =	simm.s32 $0x1;
	p0 =	por !p0, !p0;
	v0 =	vld.idx.msk [tilespmem:v2+s5+$0x0], $0xffff  }
0xfc: {  	s25 =	sshrl.u32 s25, $0x7;
	s28 =	simm.s32 @!p0 $0x0  }
0xfd: {  	s25 =	ssub.s32 s25, s28  }
0xfe: {  	s25 =	sshll.u32 s25, $0x7  }
0xff: {  	s25 =	sand.u32 $0x1FFFFF80, s25  }
0x100: {  	s25 =	sadd.s32 s0, s25;
	[tilespmem:v17+s18+$0x0] =	vst.idx.msk $0xffff, v0  }
0x101: {  	[tilespmem:s14], [sflag:$0x1] =	stream.strided.gather [hbm4b:s25+s3], $0x2000, s31, s3, $0x38;
	[tilespmem:$0x9A80] =	vst v63  }
0x102: {  	s25 =	spop (v2sf)  }
0x103: {  	s29 =	sshra.s32 s25, $0x1F  }
0x104: {  	s28 =	sshrl.u32 s29, $0x19  }
0x105: {  	s28 =	sadd.s32 s28, s25  }
0x106: {  	s29 =	sand.u32 $0xFFFFFF80, s28  }
0x107: {  	p5 =	slt.s32 s25, $0x1;
	p6 =	sne.s32 s25, s29  }
0x108: {  	p0 =	por !p5, !p6  }
0x109: {  	s29 =	simm.s32 $0x1;
	p0 =	por !p0, !p0  }
0x10a: {  	s28 =	sshrl.u32 s28, $0x7;
	s29 =	simm.s32 @!p0 $0x0  }
0x10b: {  	s28 =	ssub.s32 s28, s29  }
0x10c: {  	s28 =	sshll.u32 s28, $0x7  }
0x10d: {  	s28 =	sand.u32 $0x1FFFFF80, s28  }
0x10e: {  	s28 =	sadd.s32 s1, s28  }
0x10f: {  	[tilespmem:s16], [sflag:$0x1] =	stream.strided.gather [hbm4b:s28+s3], $0x2000, s31, s3, $0x38;
	[tilespmem:$0x9A80] =	vst v63  }
0x110: {  	s23 =	sand.u32 $0x7F, s23;
	_ =	swait.ge [sflag:s30], $0x2000  }
0x111: {  	v0 =	vor.u32 s23, v43;
	[sflag:s30] =	ssyncset.done $0x0  }
0x112: {  	[sflag:s30] =	ssyncadd.s32 $0xFFFFE000  }
0x113: {  	_ =	swait.ge [sflag:s30], $0x2000  }
0x114: {  	[sflag:s30] =	ssyncset.done $0x0  }
0x115: {  	[sflag:s30] =	ssyncadd.s32 $0xFFFFE000  }
0x116: {  	v0 =	vld.idx.msk [tilespmem:v0+s3+$0x0], $0xffff  }
0x117: {  	v2 =	vor.u32 s23, v7;
	_ =	sdelay $0x3  }
0x118: {  	[tilespmem:v18+s17+$0x0] =	vst.idx.msk $0xffff, v0  }
0x119: {  	v0 =	vld.idx.msk [tilespmem:v2+s3+$0x0], $0xffff  }
0x11a: {  	v2 =	vor.u32 s23, v8;
	_ =	sdelay $0x3  }
0x11b: {  	[tilespmem:v19+s17+$0x0] =	vst.idx.msk $0xffff, v0  }
0x11c: {  	v0 =	vld.idx.msk [tilespmem:v2+s3+$0x0], $0xffff  }
0x11d: {  	v2 =	vor.u32 s23, v9;
	_ =	sdelay $0x3  }
0x11e: {  	[tilespmem:v20+s17+$0x0] =	vst.idx.msk $0xffff, v0  }
0x11f: {  	s26 =	sand.u32 $0x7F, s26;
	v0 =	vld.idx.msk [tilespmem:v2+s3+$0x0], $0xffff  }
0x120: {  	v2 =	vor.u32 s26, v43  }
0x121: {  	(v2sf) =	vpush v3, $0x4;
	_ =	sdelay $0x2  }
0x122: {  	[tilespmem:v21+s17+$0x0] =	vst.idx.msk $0xffff, v0  }
0x123: {  	v0 =	vld.idx.msk [tilespmem:v2+s5+$0x0], $0xffff  }
0x124: {  	v2 =	vor.u32 s26, v7;
	_ =	sdelay $0x3  }
0x125: {  	[tilespmem:v18+s18+$0x0] =	vst.idx.msk $0xffff, v0  }
0x126: {  	v0 =	vld.idx.msk [tilespmem:v2+s5+$0x0], $0xffff  }
0x127: {  	v2 =	vor.u32 s26, v8;
	_ =	sdelay $0x2  }
0x128: {  	(v2sf) =	vpush v63, $0x4  }
0x129: {  	s23 =	spop (v2sf);
	[tilespmem:v19+s18+$0x0] =	vst.idx.msk $0xffff, v0  }
0x12a: {  	s29 =	sshra.s32 s23, $0x1F;
	v0 =	vld.idx.msk [tilespmem:v2+s5+$0x0], $0xffff  }
0x12b: {  	s28 =	sshrl.u32 s29, $0x19;
	v2 =	vor.u32 s26, v9  }
0x12c: {  	s26 =	sadd.s32 s28, s23  }
0x12d: {  	s29 =	sand.u32 $0xFFFFFF80, s26  }
0x12e: {  	p1 =	slt.s32 s23, $0x1;
	p2 =	sne.s32 s23, s29  }
0x12f: {  	p0 =	por !p1, !p2;
	[tilespmem:v20+s18+$0x0] =	vst.idx.msk $0xffff, v0  }
0x130: {  	s28 =	simm.s32 $0x1;
	p0 =	por !p0, !p0;
	v0 =	vld.idx.msk [tilespmem:v2+s5+$0x0], $0xffff  }
0x131: {  	s26 =	sshrl.u32 s26, $0x7;
	s28 =	simm.s32 @!p0 $0x0  }
0x132: {  	s26 =	ssub.s32 s26, s28  }
0x133: {  	s26 =	sshll.u32 s26, $0x7  }
0x134: {  	s26 =	sand.u32 $0x1FFFFF80, s26  }
0x135: {  	s26 =	sadd.s32 s0, s26;
	[tilespmem:v21+s18+$0x0] =	vst.idx.msk $0xffff, v0  }
0x136: {  	[tilespmem:s3], [sflag:$0x1] =	stream.strided.gather [hbm4b:s26+s3], $0x2000, s31, s3, $0x38;
	[tilespmem:$0x9A80] =	vst v63  }
0x137: {  	s26 =	spop (v2sf)  }
0x138: {  	s29 =	sshra.s32 s26, $0x1F  }
0x139: {  	s28 =	sshrl.u32 s29, $0x19  }
0x13a: {  	s28 =	sadd.s32 s28, s26  }
0x13b: {  	s29 =	sand.u32 $0xFFFFFF80, s28  }
0x13c: {  	p3 =	slt.s32 s26, $0x1;
	p4 =	sne.s32 s26, s29  }
0x13d: {  	p0 =	por !p3, !p4  }
0x13e: {  	s29 =	simm.s32 $0x1;
	p0 =	por !p0, !p0  }
0x13f: {  	s28 =	sshrl.u32 s28, $0x7;
	s29 =	simm.s32 @!p0 $0x0  }
0x140: {  	s28 =	ssub.s32 s28, s29  }
0x141: {  	s28 =	sshll.u32 s28, $0x7  }
0x142: {  	s28 =	sand.u32 $0x1FFFFF80, s28  }
0x143: {  	s28 =	sadd.s32 s1, s28  }
0x144: {  	[tilespmem:s5], [sflag:$0x1] =	stream.strided.gather [hbm4b:s28+s3], $0x2000, s31, s3, $0x38;
	[tilespmem:$0x9A80] =	vst v63  }
0x145: {  	s24 =	sand.u32 $0x7F, s24;
	_ =	swait.ge [sflag:s30], $0x2000  }
0x146: {  	v0 =	vor.u32 s24, v10;
	[sflag:s30] =	ssyncset.done $0x0  }
0x147: {  	[sflag:s30] =	ssyncadd.s32 $0xFFFFE000  }
0x148: {  	_ =	swait.ge [sflag:s30], $0x2000  }
0x149: {  	[sflag:s30] =	ssyncset.done $0x0  }
0x14a: {  	[sflag:s30] =	ssyncadd.s32 $0xFFFFE000  }
0x14b: {  	v0 =	vld.idx.msk [tilespmem:v0+s3+$0x0], $0xffff  }
0x14c: {  	v2 =	vor.u32 s24, v12;
	_ =	sdelay $0x3  }
0x14d: {  	[tilespmem:v22+s17+$0x0] =	vst.idx.msk $0xffff, v0  }
0x14e: {  	v0 =	vld.idx.msk [tilespmem:v2+s3+$0x0], $0xffff  }
0x14f: {  	v2 =	vor.u32 s24, v14;
	_ =	sdelay $0x3  }
0x150: {  	[tilespmem:v23+s17+$0x0] =	vst.idx.msk $0xffff, v0  }
0x151: {  	v0 =	vld.idx.msk [tilespmem:v2+s3+$0x0], $0xffff  }
0x152: {  	v2 =	vor.u32 s24, v16;
	_ =	sdelay $0x3  }
0x153: {  	[tilespmem:v24+s17+$0x0] =	vst.idx.msk $0xffff, v0  }
0x154: {  	s25 =	sand.u32 $0x7F, s25;
	v0 =	vld.idx.msk [tilespmem:v2+s3+$0x0], $0xffff  }
0x155: {  	v2 =	vor.u32 s25, v10  }
0x156: {  	(v2sf) =	vpush v3, $0x5;
	_ =	sdelay $0x2  }
0x157: {  	[tilespmem:v25+s17+$0x0] =	vst.idx.msk $0xffff, v0  }
0x158: {  	v0 =	vld.idx.msk [tilespmem:v2+s5+$0x0], $0xffff  }
0x159: {  	v2 =	vor.u32 s25, v12;
	_ =	sdelay $0x3  }
0x15a: {  	[tilespmem:v22+s18+$0x0] =	vst.idx.msk $0xffff, v0  }
0x15b: {  	v0 =	vld.idx.msk [tilespmem:v2+s5+$0x0], $0xffff  }
0x15c: {  	v2 =	vor.u32 s25, v14;
	_ =	sdelay $0x2  }
0x15d: {  	(v2sf) =	vpush v63, $0x5  }
0x15e: {  	s24 =	spop (v2sf);
	[tilespmem:v23+s18+$0x0] =	vst.idx.msk $0xffff, v0  }
0x15f: {  	s29 =	sshra.s32 s24, $0x1F;
	v0 =	vld.idx.msk [tilespmem:v2+s5+$0x0], $0xffff  }
0x160: {  	s28 =	sshrl.u32 s29, $0x19;
	v2 =	vor.u32 s25, v16  }
0x161: {  	s25 =	sadd.s32 s28, s24  }
0x162: {  	s29 =	sand.u32 $0xFFFFFF80, s25  }
0x163: {  	p5 =	slt.s32 s24, $0x1;
	p6 =	sne.s32 s24, s29  }
0x164: {  	p0 =	por !p5, !p6;
	[tilespmem:v24+s18+$0x0] =	vst.idx.msk $0xffff, v0  }
0x165: {  	s28 =	simm.s32 $0x1;
	p0 =	por !p0, !p0;
	v0 =	vld.idx.msk [tilespmem:v2+s5+$0x0], $0xffff  }
0x166: {  	s25 =	sshrl.u32 s25, $0x7;
	s28 =	simm.s32 @!p0 $0x0  }
0x167: {  	s25 =	ssub.s32 s25, s28  }
0x168: {  	s25 =	sshll.u32 s25, $0x7  }
0x169: {  	s25 =	sand.u32 $0x1FFFFF80, s25  }
0x16a: {  	s25 =	sadd.s32 s0, s25;
	[tilespmem:v25+s18+$0x0] =	vst.idx.msk $0xffff, v0  }
0x16b: {  	[tilespmem:s14], [sflag:$0x1] =	stream.strided.gather [hbm4b:s25+s3], $0x2000, s31, s3, $0x38;
	[tilespmem:$0x9A80] =	vst v63  }
0x16c: {  	s25 =	spop (v2sf)  }
0x16d: {  	s29 =	sshra.s32 s25, $0x1F  }
0x16e: {  	s28 =	sshrl.u32 s29, $0x19  }
0x16f: {  	s28 =	sadd.s32 s28, s25  }
0x170: {  	s29 =	sand.u32 $0xFFFFFF80, s28  }
0x171: {  	p1 =	slt.s32 s25, $0x1;
	p2 =	sne.s32 s25, s29  }
0x172: {  	p0 =	por !p1, !p2  }
0x173: {  	s29 =	simm.s32 $0x1;
	p0 =	por !p0, !p0  }
0x174: {  	s28 =	sshrl.u32 s28, $0x7;
	s29 =	simm.s32 @!p0 $0x0  }
0x175: {  	s28 =	ssub.s32 s28, s29  }
0x176: {  	s28 =	sshll.u32 s28, $0x7  }
0x177: {  	s28 =	sand.u32 $0x1FFFFF80, s28  }
0x178: {  	s28 =	sadd.s32 s1, s28  }
0x179: {  	[tilespmem:s16], [sflag:$0x1] =	stream.strided.gather [hbm4b:s28+s3], $0x2000, s31, s3, $0x38;
	[tilespmem:$0x9A80] =	vst v63  }
0x17a: {  	s23 =	sand.u32 $0x7F, s23;
	_ =	swait.ge [sflag:s30], $0x2000  }
0x17b: {  	v0 =	vor.u32 s23, v43;
	[sflag:s30] =	ssyncset.done $0x0  }
0x17c: {  	[sflag:s30] =	ssyncadd.s32 $0xFFFFE000  }
0x17d: {  	_ =	swait.ge [sflag:s30], $0x2000  }
0x17e: {  	[sflag:s30] =	ssyncset.done $0x0  }
0x17f: {  	[sflag:s30] =	ssyncadd.s32 $0xFFFFE000  }
0x180: {  	v0 =	vld.idx.msk [tilespmem:v0+s3+$0x0], $0xffff  }
0x181: {  	v2 =	vor.u32 s23, v7;
	_ =	sdelay $0x3  }
0x182: {  	[tilespmem:v26+s17+$0x0] =	vst.idx.msk $0xffff, v0  }
0x183: {  	v0 =	vld.idx.msk [tilespmem:v2+s3+$0x0], $0xffff  }
0x184: {  	v2 =	vor.u32 s23, v8;
	_ =	sdelay $0x3  }
0x185: {  	[tilespmem:v27+s17+$0x0] =	vst.idx.msk $0xffff, v0  }
0x186: {  	v0 =	vld.idx.msk [tilespmem:v2+s3+$0x0], $0xffff  }
0x187: {  	v2 =	vor.u32 s23, v9;
	_ =	sdelay $0x3  }
0x188: {  	[tilespmem:v28+s17+$0x0] =	vst.idx.msk $0xffff, v0  }
0x189: {  	s26 =	sand.u32 $0x7F, s26;
	v0 =	vld.idx.msk [tilespmem:v2+s3+$0x0], $0xffff  }
0x18a: {  	v2 =	vor.u32 s26, v43  }
0x18b: {  	(v2sf) =	vpush v3, $0x6;
	_ =	sdelay $0x2  }
0x18c: {  	[tilespmem:v29+s17+$0x0] =	vst.idx.msk $0xffff, v0  }
0x18d: {  	v0 =	vld.idx.msk [tilespmem:v2+s5+$0x0], $0xffff  }
0x18e: {  	v2 =	vor.u32 s26, v7;
	_ =	sdelay $0x3  }
0x18f: {  	[tilespmem:v26+s18+$0x0] =	vst.idx.msk $0xffff, v0  }
0x190: {  	v0 =	vld.idx.msk [tilespmem:v2+s5+$0x0], $0xffff  }
0x191: {  	v2 =	vor.u32 s26, v8;
	_ =	sdelay $0x2  }
0x192: {  	(v2sf) =	vpush v63, $0x6  }
0x193: {  	s23 =	spop (v2sf);
	[tilespmem:v27+s18+$0x0] =	vst.idx.msk $0xffff, v0  }
0x194: {  	s29 =	sshra.s32 s23, $0x1F;
	v0 =	vld.idx.msk [tilespmem:v2+s5+$0x0], $0xffff  }
0x195: {  	s28 =	sshrl.u32 s29, $0x19;
	v2 =	vor.u32 s26, v9  }
0x196: {  	s26 =	sadd.s32 s28, s23  }
0x197: {  	s29 =	sand.u32 $0xFFFFFF80, s26  }
0x198: {  	p3 =	slt.s32 s23, $0x1;
	p4 =	sne.s32 s23, s29  }
0x199: {  	p0 =	por !p3, !p4;
	[tilespmem:v28+s18+$0x0] =	vst.idx.msk $0xffff, v0  }
0x19a: {  	s28 =	simm.s32 $0x1;
	p0 =	por !p0, !p0;
	v0 =	vld.idx.msk [tilespmem:v2+s5+$0x0], $0xffff  }
0x19b: {  	s26 =	sshrl.u32 s26, $0x7;
	s28 =	simm.s32 @!p0 $0x0  }
0x19c: {  	s26 =	ssub.s32 s26, s28  }
0x19d: {  	s26 =	sshll.u32 s26, $0x7  }
0x19e: {  	s26 =	sand.u32 $0x1FFFFF80, s26  }
0x19f: {  	s26 =	sadd.s32 s0, s26;
	[tilespmem:v29+s18+$0x0] =	vst.idx.msk $0xffff, v0  }
0x1a0: {  	[tilespmem:s3], [sflag:$0x1] =	stream.strided.gather [hbm4b:s26+s3], $0x2000, s31, s3, $0x38;
	[tilespmem:$0x9A80] =	vst v63  }
0x1a1: {  	s26 =	spop (v2sf)  }
0x1a2: {  	s29 =	sshra.s32 s26, $0x1F  }
0x1a3: {  	s28 =	sshrl.u32 s29, $0x19  }
0x1a4: {  	s28 =	sadd.s32 s28, s26  }
0x1a5: {  	s29 =	sand.u32 $0xFFFFFF80, s28  }
0x1a6: {  	p5 =	slt.s32 s26, $0x1;
	p6 =	sne.s32 s26, s29  }
0x1a7: {  	p0 =	por !p5, !p6  }
0x1a8: {  	s29 =	simm.s32 $0x1;
	p0 =	por !p0, !p0  }
0x1a9: {  	s28 =	sshrl.u32 s28, $0x7;
	s29 =	simm.s32 @!p0 $0x0  }
0x1aa: {  	s28 =	ssub.s32 s28, s29  }
0x1ab: {  	s28 =	sshll.u32 s28, $0x7  }
0x1ac: {  	s28 =	sand.u32 $0x1FFFFF80, s28  }
0x1ad: {  	s28 =	sadd.s32 s1, s28  }
0x1ae: {  	[tilespmem:s5], [sflag:$0x1] =	stream.strided.gather [hbm4b:s28+s3], $0x2000, s31, s3, $0x38;
	[tilespmem:$0x9A80] =	vst v63  }
0x1af: {  	s24 =	sand.u32 $0x7F, s24;
	_ =	swait.ge [sflag:s30], $0x2000  }
0x1b0: {  	v0 =	vor.u32 s24, v10;
	[sflag:s30] =	ssyncset.done $0x0  }
0x1b1: {  	[sflag:s30] =	ssyncadd.s32 $0xFFFFE000  }
0x1b2: {  	_ =	swait.ge [sflag:s30], $0x2000  }
0x1b3: {  	[sflag:s30] =	ssyncset.done $0x0  }
0x1b4: {  	[sflag:s30] =	ssyncadd.s32 $0xFFFFE000  }
0x1b5: {  	v0 =	vld.idx.msk [tilespmem:v0+s3+$0x0], $0xffff  }
0x1b6: {  	v2 =	vor.u32 s24, v12;
	_ =	sdelay $0x3  }
0x1b7: {  	[tilespmem:v30+s17+$0x0] =	vst.idx.msk $0xffff, v0  }
0x1b8: {  	v0 =	vld.idx.msk [tilespmem:v2+s3+$0x0], $0xffff  }
0x1b9: {  	v2 =	vor.u32 s24, v14;
	_ =	sdelay $0x3  }
0x1ba: {  	[tilespmem:v31+s17+$0x0] =	vst.idx.msk $0xffff, v0  }
0x1bb: {  	v0 =	vld.idx.msk [tilespmem:v2+s3+$0x0], $0xffff  }
0x1bc: {  	v2 =	vor.u32 s24, v16;
	_ =	sdelay $0x3  }
0x1bd: {  	[tilespmem:v32+s17+$0x0] =	vst.idx.msk $0xffff, v0  }
0x1be: {  	s25 =	sand.u32 $0x7F, s25;
	v0 =	vld.idx.msk [tilespmem:v2+s3+$0x0], $0xffff  }
0x1bf: {  	v2 =	vor.u32 s25, v10  }
0x1c0: {  	(v2sf) =	vpush v3, $0x7;
	_ =	sdelay $0x2  }
0x1c1: {  	[tilespmem:v33+s17+$0x0] =	vst.idx.msk $0xffff, v0  }
0x1c2: {  	v0 =	vld.idx.msk [tilespmem:v2+s5+$0x0], $0xffff  }
0x1c3: {  	v2 =	vor.u32 s25, v12;
	_ =	sdelay $0x3  }
0x1c4: {  	[tilespmem:v30+s18+$0x0] =	vst.idx.msk $0xffff, v0  }
0x1c5: {  	v0 =	vld.idx.msk [tilespmem:v2+s5+$0x0], $0xffff  }
0x1c6: {  	v2 =	vor.u32 s25, v14;
	_ =	sdelay $0x2  }
0x1c7: {  	(v2sf) =	vpush v63, $0x7  }
0x1c8: {  	s24 =	spop (v2sf);
	[tilespmem:v31+s18+$0x0] =	vst.idx.msk $0xffff, v0  }
0x1c9: {  	s29 =	sshra.s32 s24, $0x1F;
	v0 =	vld.idx.msk [tilespmem:v2+s5+$0x0], $0xffff  }
0x1ca: {  	s28 =	sshrl.u32 s29, $0x19;
	v2 =	vor.u32 s25, v16  }
0x1cb: {  	s25 =	sadd.s32 s28, s24  }
0x1cc: {  	s29 =	sand.u32 $0xFFFFFF80, s25  }
0x1cd: {  	p1 =	slt.s32 s24, $0x1;
	p2 =	sne.s32 s24, s29  }
0x1ce: {  	p0 =	por !p1, !p2;
	[tilespmem:v32+s18+$0x0] =	vst.idx.msk $0xffff, v0  }
0x1cf: {  	s28 =	simm.s32 $0x1;
	p0 =	por !p0, !p0;
	v0 =	vld.idx.msk [tilespmem:v2+s5+$0x0], $0xffff  }
0x1d0: {  	s25 =	sshrl.u32 s25, $0x7;
	s28 =	simm.s32 @!p0 $0x0  }
0x1d1: {  	s25 =	ssub.s32 s25, s28  }
0x1d2: {  	s25 =	sshll.u32 s25, $0x7  }
0x1d3: {  	s25 =	sand.u32 $0x1FFFFF80, s25  }
0x1d4: {  	s25 =	sadd.s32 s0, s25;
	[tilespmem:v33+s18+$0x0] =	vst.idx.msk $0xffff, v0  }
0x1d5: {  	[tilespmem:s14], [sflag:$0x1] =	stream.strided.gather [hbm4b:s25+s3], $0x2000, s31, s3, $0x38;
	[tilespmem:$0x9A80] =	vst v63  }
0x1d6: {  	s25 =	spop (v2sf)  }
0x1d7: {  	s29 =	sshra.s32 s25, $0x1F  }
0x1d8: {  	s28 =	sshrl.u32 s29, $0x19  }
0x1d9: {  	s28 =	sadd.s32 s28, s25  }
0x1da: {  	s29 =	sand.u32 $0xFFFFFF80, s28  }
0x1db: {  	p3 =	slt.s32 s25, $0x1;
	p4 =	sne.s32 s25, s29  }
0x1dc: {  	p0 =	por !p3, !p4  }
0x1dd: {  	s29 =	simm.s32 $0x1;
	p0 =	por !p0, !p0  }
0x1de: {  	s28 =	sshrl.u32 s28, $0x7;
	s29 =	simm.s32 @!p0 $0x0  }
0x1df: {  	s28 =	ssub.s32 s28, s29  }
0x1e0: {  	s28 =	sshll.u32 s28, $0x7  }
0x1e1: {  	s28 =	sand.u32 $0x1FFFFF80, s28  }
0x1e2: {  	s28 =	sadd.s32 s1, s28  }
0x1e3: {  	[tilespmem:s16], [sflag:$0x1] =	stream.strided.gather [hbm4b:s28+s3], $0x2000, s31, s3, $0x38;
	[tilespmem:$0x9A80] =	vst v63  }
0x1e4: {  	s23 =	sand.u32 $0x7F, s23;
	_ =	swait.ge [sflag:s30], $0x2000  }
0x1e5: {  	v0 =	vor.u32 s23, v43;
	[sflag:s30] =	ssyncset.done $0x0  }
0x1e6: {  	[sflag:s30] =	ssyncadd.s32 $0xFFFFE000  }
0x1e7: {  	_ =	swait.ge [sflag:s30], $0x2000  }
0x1e8: {  	[sflag:s30] =	ssyncset.done $0x0  }
0x1e9: {  	[sflag:s30] =	ssyncadd.s32 $0xFFFFE000  }
0x1ea: {  	v0 =	vld.idx.msk [tilespmem:v0+s3+$0x0], $0xffff  }
0x1eb: {  	v2 =	vor.u32 s23, v7;
	_ =	sdelay $0x3  }
0x1ec: {  	[tilespmem:v34+s17+$0x0] =	vst.idx.msk $0xffff, v0  }
0x1ed: {  	v0 =	vld.idx.msk [tilespmem:v2+s3+$0x0], $0xffff  }
0x1ee: {  	v2 =	vor.u32 s23, v8;
	_ =	sdelay $0x3  }
0x1ef: {  	[tilespmem:v35+s17+$0x0] =	vst.idx.msk $0xffff, v0  }
0x1f0: {  	v0 =	vld.idx.msk [tilespmem:v2+s3+$0x0], $0xffff  }
0x1f1: {  	v2 =	vor.u32 s23, v9;
	_ =	sdelay $0x3  }
0x1f2: {  	[tilespmem:v36+s17+$0x0] =	vst.idx.msk $0xffff, v0  }
0x1f3: {  	s26 =	sand.u32 $0x7F, s26;
	v0 =	vld.idx.msk [tilespmem:v2+s3+$0x0], $0xffff  }
0x1f4: {  	v2 =	vor.u32 s26, v43  }
0x1f5: {  	(v2sf) =	vpush v3, $0x8;
	_ =	sdelay $0x2  }
0x1f6: {  	[tilespmem:v37+s17+$0x0] =	vst.idx.msk $0xffff, v0  }
0x1f7: {  	v0 =	vld.idx.msk [tilespmem:v2+s5+$0x0], $0xffff  }
0x1f8: {  	v2 =	vor.u32 s26, v7;
	_ =	sdelay $0x3  }
0x1f9: {  	[tilespmem:v34+s18+$0x0] =	vst.idx.msk $0xffff, v0  }
0x1fa: {  	v0 =	vld.idx.msk [tilespmem:v2+s5+$0x0], $0xffff  }
0x1fb: {  	v2 =	vor.u32 s26, v8;
	_ =	sdelay $0x2  }
0x1fc: {  	(v2sf) =	vpush v63, $0x8  }
0x1fd: {  	s23 =	spop (v2sf);
	[tilespmem:v35+s18+$0x0] =	vst.idx.msk $0xffff, v0  }
0x1fe: {  	s29 =	sshra.s32 s23, $0x1F;
	v0 =	vld.idx.msk [tilespmem:v2+s5+$0x0], $0xffff  }
0x1ff: {  	s28 =	sshrl.u32 s29, $0x19;
	v2 =	vor.u32 s26, v9  }
0x200: {  	s26 =	sadd.s32 s28, s23  }
0x201: {  	s29 =	sand.u32 $0xFFFFFF80, s26  }
0x202: {  	p5 =	slt.s32 s23, $0x1;
	p6 =	sne.s32 s23, s29  }
0x203: {  	p0 =	por !p5, !p6;
	[tilespmem:v36+s18+$0x0] =	vst.idx.msk $0xffff, v0  }
0x204: {  	s28 =	simm.s32 $0x1;
	p0 =	por !p0, !p0;
	v0 =	vld.idx.msk [tilespmem:v2+s5+$0x0], $0xffff  }
0x205: {  	s26 =	sshrl.u32 s26, $0x7;
	s28 =	simm.s32 @!p0 $0x0  }
0x206: {  	s26 =	ssub.s32 s26, s28  }
0x207: {  	s26 =	sshll.u32 s26, $0x7  }
0x208: {  	s26 =	sand.u32 $0x1FFFFF80, s26  }
0x209: {  	s26 =	sadd.s32 s0, s26;
	[tilespmem:v37+s18+$0x0] =	vst.idx.msk $0xffff, v0  }
0x20a: {  	[tilespmem:s3], [sflag:$0x1] =	stream.strided.gather [hbm4b:s26+s3], $0x2000, s31, s3, $0x38;
	[tilespmem:$0x9A80] =	vst v63  }
0x20b: {  	s26 =	spop (v2sf)  }
0x20c: {  	s29 =	sshra.s32 s26, $0x1F  }
0x20d: {  	s28 =	sshrl.u32 s29, $0x19  }
0x20e: {  	s28 =	sadd.s32 s28, s26  }
0x20f: {  	s29 =	sand.u32 $0xFFFFFF80, s28  }
0x210: {  	p1 =	slt.s32 s26, $0x1;
	p2 =	sne.s32 s26, s29  }
0x211: {  	p0 =	por !p1, !p2  }
0x212: {  	s29 =	simm.s32 $0x1;
	p0 =	por !p0, !p0  }
0x213: {  	s28 =	sshrl.u32 s28, $0x7;
	s29 =	simm.s32 @!p0 $0x0  }
0x214: {  	s28 =	ssub.s32 s28, s29  }
0x215: {  	s28 =	sshll.u32 s28, $0x7  }
0x216: {  	s28 =	sand.u32 $0x1FFFFF80, s28  }
0x217: {  	s28 =	sadd.s32 s1, s28  }
0x218: {  	[tilespmem:s5], [sflag:$0x1] =	stream.strided.gather [hbm4b:s28+s3], $0x2000, s31, s3, $0x38;
	[tilespmem:$0x9A80] =	vst v63  }
0x219: {  	s24 =	sand.u32 $0x7F, s24;
	_ =	swait.ge [sflag:s30], $0x2000  }
0x21a: {  	v0 =	vor.u32 s24, v10;
	[sflag:s30] =	ssyncset.done $0x0  }
0x21b: {  	[sflag:s30] =	ssyncadd.s32 $0xFFFFE000  }
0x21c: {  	_ =	swait.ge [sflag:s30], $0x2000  }
0x21d: {  	[sflag:s30] =	ssyncset.done $0x0  }
0x21e: {  	[sflag:s30] =	ssyncadd.s32 $0xFFFFE000  }
0x21f: {  	v0 =	vld.idx.msk [tilespmem:v0+s3+$0x0], $0xffff  }
0x220: {  	v2 =	vor.u32 s24, v12;
	_ =	sdelay $0x3  }
0x221: {  	[tilespmem:v38+s17+$0x0] =	vst.idx.msk $0xffff, v0  }
0x222: {  	v0 =	vld.idx.msk [tilespmem:v2+s3+$0x0], $0xffff  }
0x223: {  	v2 =	vor.u32 s24, v14;
	_ =	sdelay $0x3  }
0x224: {  	[tilespmem:v39+s17+$0x0] =	vst.idx.msk $0xffff, v0  }
0x225: {  	v0 =	vld.idx.msk [tilespmem:v2+s3+$0x0], $0xffff  }
0x226: {  	v2 =	vor.u32 s24, v16;
	_ =	sdelay $0x3  }
0x227: {  	[tilespmem:v40+s17+$0x0] =	vst.idx.msk $0xffff, v0  }
0x228: {  	s25 =	sand.u32 $0x7F, s25;
	v0 =	vld.idx.msk [tilespmem:v2+s3+$0x0], $0xffff  }
0x229: {  	v2 =	vor.u32 s25, v10  }
0x22a: {  	(v2sf) =	vpush v3, $0x9;
	_ =	sdelay $0x2  }
0x22b: {  	[tilespmem:v41+s17+$0x0] =	vst.idx.msk $0xffff, v0  }
0x22c: {  	v0 =	vld.idx.msk [tilespmem:v2+s5+$0x0], $0xffff  }
0x22d: {  	v2 =	vor.u32 s25, v12;
	_ =	sdelay $0x3  }
0x22e: {  	[tilespmem:v38+s18+$0x0] =	vst.idx.msk $0xffff, v0  }
0x22f: {  	v0 =	vld.idx.msk [tilespmem:v2+s5+$0x0], $0xffff  }
0x230: {  	v2 =	vor.u32 s25, v14;
	_ =	sdelay $0x2  }
0x231: {  	(v2sf) =	vpush v63, $0x9  }
0x232: {  	s24 =	spop (v2sf);
	[tilespmem:v39+s18+$0x0] =	vst.idx.msk $0xffff, v0  }
0x233: {  	s29 =	sshra.s32 s24, $0x1F;
	v0 =	vld.idx.msk [tilespmem:v2+s5+$0x0], $0xffff  }
0x234: {  	s28 =	sshrl.u32 s29, $0x19;
	v2 =	vor.u32 s25, v16  }
0x235: {  	s25 =	sadd.s32 s28, s24  }
0x236: {  	s29 =	sand.u32 $0xFFFFFF80, s25  }
0x237: {  	p3 =	slt.s32 s24, $0x1;
	p4 =	sne.s32 s24, s29  }
0x238: {  	p0 =	por !p3, !p4;
	[tilespmem:v40+s18+$0x0] =	vst.idx.msk $0xffff, v0  }
0x239: {  	s28 =	simm.s32 $0x1;
	p0 =	por !p0, !p0;
	v0 =	vld.idx.msk [tilespmem:v2+s5+$0x0], $0xffff  }
0x23a: {  	s25 =	sshrl.u32 s25, $0x7;
	s28 =	simm.s32 @!p0 $0x0  }
0x23b: {  	s25 =	ssub.s32 s25, s28  }
0x23c: {  	s25 =	sshll.u32 s25, $0x7  }
0x23d: {  	s25 =	sand.u32 $0x1FFFFF80, s25  }
0x23e: {  	s25 =	sadd.s32 s0, s25;
	[tilespmem:v41+s18+$0x0] =	vst.idx.msk $0xffff, v0  }
0x23f: {  	[tilespmem:s14], [sflag:$0x1] =	stream.strided.gather [hbm4b:s25+s3], $0x2000, s31, s3, $0x38;
	[tilespmem:$0x9A80] =	vst v63  }
0x240: {  	s25 =	spop (v2sf)  }
0x241: {  	s29 =	sshra.s32 s25, $0x1F  }
0x242: {  	s28 =	sshrl.u32 s29, $0x19  }
0x243: {  	s28 =	sadd.s32 s28, s25  }
0x244: {  	s29 =	sand.u32 $0xFFFFFF80, s28  }
0x245: {  	p5 =	slt.s32 s25, $0x1;
	p6 =	sne.s32 s25, s29  }
0x246: {  	p0 =	por !p5, !p6  }
0x247: {  	s29 =	simm.s32 $0x1;
	p0 =	por !p0, !p0  }
0x248: {  	s28 =	sshrl.u32 s28, $0x7;
	s29 =	simm.s32 @!p0 $0x0  }
0x249: {  	s28 =	ssub.s32 s28, s29  }
0x24a: {  	s28 =	sshll.u32 s28, $0x7  }
0x24b: {  	s28 =	sand.u32 $0x1FFFFF80, s28  }
0x24c: {  	s28 =	sadd.s32 s1, s28  }
0x24d: {  	[tilespmem:s16], [sflag:$0x1] =	stream.strided.gather [hbm4b:s28+s3], $0x2000, s31, s3, $0x38;
	[tilespmem:$0x9A80] =	vst v63  }
0x24e: {  	s23 =	sand.u32 $0x7F, s23;
	_ =	swait.ge [sflag:s30], $0x2000  }
0x24f: {  	v0 =	vor.u32 s23, v43;
	[sflag:s30] =	ssyncset.done $0x0  }
0x250: {  	[sflag:s30] =	ssyncadd.s32 $0xFFFFE000  }
0x251: {  	_ =	swait.ge [sflag:s30], $0x2000  }
0x252: {  	[sflag:s30] =	ssyncset.done $0x0  }
0x253: {  	[sflag:s30] =	ssyncadd.s32 $0xFFFFE000  }
0x254: {  	v0 =	vld.idx.msk [tilespmem:v0+s3+$0x0], $0xffff  }
0x255: {  	v2 =	vor.u32 s23, v7;
	_ =	sdelay $0x3  }
0x256: {  	[tilespmem:v47+s17+$0x0] =	vst.idx.msk $0xffff, v0  }
0x257: {  	v0 =	vld.idx.msk [tilespmem:v2+s3+$0x0], $0xffff  }
0x258: {  	v2 =	vor.u32 s23, v8;
	_ =	sdelay $0x3  }
0x259: {  	[tilespmem:v42+s17+$0x0] =	vst.idx.msk $0xffff, v0  }
0x25a: {  	v0 =	vld.idx.msk [tilespmem:v2+s3+$0x0], $0xffff  }
0x25b: {  	v2 =	vor.u32 s23, v9;
	_ =	sdelay $0x3  }
0x25c: {  	[tilespmem:v44+s17+$0x0] =	vst.idx.msk $0xffff, v0  }
0x25d: {  	s26 =	sand.u32 $0x7F, s26;
	v0 =	vld.idx.msk [tilespmem:v2+s3+$0x0], $0xffff  }
0x25e: {  	v2 =	vor.u32 s26, v43  }
0x25f: {  	(v2sf) =	vpush v3, $0xA;
	_ =	sdelay $0x2  }
0x260: {  	[tilespmem:v45+s17+$0x0] =	vst.idx.msk $0xffff, v0  }
0x261: {  	v0 =	vld.idx.msk [tilespmem:v2+s5+$0x0], $0xffff  }
0x262: {  	v2 =	vor.u32 s26, v7;
	_ =	sdelay $0x3  }
0x263: {  	[tilespmem:v47+s18+$0x0] =	vst.idx.msk $0xffff, v0  }
0x264: {  	v0 =	vld.idx.msk [tilespmem:v2+s5+$0x0], $0xffff  }
0x265: {  	v2 =	vor.u32 s26, v8;
	_ =	sdelay $0x2  }
0x266: {  	(v2sf) =	vpush v63, $0xA  }
0x267: {  	s23 =	spop (v2sf);
	[tilespmem:v42+s18+$0x0] =	vst.idx.msk $0xffff, v0  }
0x268: {  	s29 =	sshra.s32 s23, $0x1F;
	v0 =	vld.idx.msk [tilespmem:v2+s5+$0x0], $0xffff  }
0x269: {  	s28 =	sshrl.u32 s29, $0x19;
	v2 =	vor.u32 s26, v9  }
0x26a: {  	s26 =	sadd.s32 s28, s23  }
0x26b: {  	s29 =	sand.u32 $0xFFFFFF80, s26  }
0x26c: {  	p1 =	slt.s32 s23, $0x1;
	p2 =	sne.s32 s23, s29  }
0x26d: {  	p0 =	por !p1, !p2;
	[tilespmem:v44+s18+$0x0] =	vst.idx.msk $0xffff, v0  }
0x26e: {  	s28 =	simm.s32 $0x1;
	p0 =	por !p0, !p0;
	v0 =	vld.idx.msk [tilespmem:v2+s5+$0x0], $0xffff  }
0x26f: {  	s26 =	sshrl.u32 s26, $0x7;
	s28 =	simm.s32 @!p0 $0x0  }
0x270: {  	s26 =	ssub.s32 s26, s28  }
0x271: {  	s26 =	sshll.u32 s26, $0x7  }
0x272: {  	s26 =	sand.u32 $0x1FFFFF80, s26  }
0x273: {  	s26 =	sadd.s32 s0, s26;
	[tilespmem:v45+s18+$0x0] =	vst.idx.msk $0xffff, v0  }
0x274: {  	[tilespmem:s3], [sflag:$0x1] =	stream.strided.gather [hbm4b:s26+s3], $0x2000, s31, s3, $0x38;
	[tilespmem:$0x9A80] =	vst v63  }
0x275: {  	s26 =	spop (v2sf)  }
0x276: {  	s29 =	sshra.s32 s26, $0x1F  }
0x277: {  	s28 =	sshrl.u32 s29, $0x19  }
0x278: {  	s28 =	sadd.s32 s28, s26  }
0x279: {  	s29 =	sand.u32 $0xFFFFFF80, s28  }
0x27a: {  	p3 =	slt.s32 s26, $0x1;
	p4 =	sne.s32 s26, s29  }
0x27b: {  	p0 =	por !p3, !p4  }
0x27c: {  	s29 =	simm.s32 $0x1;
	p0 =	por !p0, !p0  }
0x27d: {  	s28 =	sshrl.u32 s28, $0x7;
	s29 =	simm.s32 @!p0 $0x0  }
0x27e: {  	s28 =	ssub.s32 s28, s29  }
0x27f: {  	s28 =	sshll.u32 s28, $0x7  }
0x280: {  	s28 =	sand.u32 $0x1FFFFF80, s28  }
0x281: {  	s28 =	sadd.s32 s1, s28  }
0x282: {  	[tilespmem:s5], [sflag:$0x1] =	stream.strided.gather [hbm4b:s28+s3], $0x2000, s31, s3, $0x38;
	[tilespmem:$0x9A80] =	vst v63  }
0x283: {  	s24 =	sand.u32 $0x7F, s24;
	_ =	swait.ge [sflag:s30], $0x2000  }
0x284: {  	v0 =	vor.u32 s24, v10;
	[sflag:s30] =	ssyncset.done $0x0  }
0x285: {  	[sflag:s30] =	ssyncadd.s32 $0xFFFFE000  }
0x286: {  	_ =	swait.ge [sflag:s30], $0x2000  }
0x287: {  	[sflag:s30] =	ssyncset.done $0x0  }
0x288: {  	[sflag:s30] =	ssyncadd.s32 $0xFFFFE000  }
0x289: {  	v0 =	vld.idx.msk [tilespmem:v0+s3+$0x0], $0xffff  }
0x28a: {  	v2 =	vor.u32 s24, v12;
	_ =	sdelay $0x3  }
0x28b: {  	[tilespmem:v46+s17+$0x0] =	vst.idx.msk $0xffff, v0  }
0x28c: {  	v0 =	vld.idx.msk [tilespmem:v2+s3+$0x0], $0xffff  }
0x28d: {  	v2 =	vor.u32 s24, v14;
	_ =	sdelay $0x3  }
0x28e: {  	[tilespmem:v62+s17+$0x0] =	vst.idx.msk $0xffff, v0  }
0x28f: {  	v0 =	vld.idx.msk [tilespmem:v2+s3+$0x0], $0xffff  }
0x290: {  	v2 =	vor.u32 s24, v16;
	_ =	sdelay $0x3  }
0x291: {  	[tilespmem:v48+s17+$0x0] =	vst.idx.msk $0xffff, v0  }
0x292: {  	s25 =	sand.u32 $0x7F, s25;
	v0 =	vld.idx.msk [tilespmem:v2+s3+$0x0], $0xffff  }
0x293: {  	v2 =	vor.u32 s25, v10  }
0x294: {  	(v2sf) =	vpush v3, $0xB;
	_ =	sdelay $0x2  }
0x295: {  	[tilespmem:v49+s17+$0x0] =	vst.idx.msk $0xffff, v0  }
0x296: {  	v0 =	vld.idx.msk [tilespmem:v2+s5+$0x0], $0xffff  }
0x297: {  	v2 =	vor.u32 s25, v12;
	_ =	sdelay $0x3  }
0x298: {  	[tilespmem:v46+s18+$0x0] =	vst.idx.msk $0xffff, v0  }
0x299: {  	v0 =	vld.idx.msk [tilespmem:v2+s5+$0x0], $0xffff  }
0x29a: {  	v2 =	vor.u32 s25, v14;
	_ =	sdelay $0x2  }
0x29b: {  	(v2sf) =	vpush v63, $0xB  }
0x29c: {  	s24 =	spop (v2sf);
	[tilespmem:v62+s18+$0x0] =	vst.idx.msk $0xffff, v0  }
0x29d: {  	s29 =	sshra.s32 s24, $0x1F;
	v0 =	vld.idx.msk [tilespmem:v2+s5+$0x0], $0xffff  }
0x29e: {  	s28 =	sshrl.u32 s29, $0x19;
	v2 =	vor.u32 s25, v16  }
0x29f: {  	s25 =	sadd.s32 s28, s24  }
0x2a0: {  	s29 =	sand.u32 $0xFFFFFF80, s25  }
0x2a1: {  	p5 =	slt.s32 s24, $0x1;
	p6 =	sne.s32 s24, s29  }
0x2a2: {  	p0 =	por !p5, !p6;
	[tilespmem:v48+s18+$0x0] =	vst.idx.msk $0xffff, v0  }
0x2a3: {  	s28 =	simm.s32 $0x1;
	p0 =	por !p0, !p0;
	v0 =	vld.idx.msk [tilespmem:v2+s5+$0x0], $0xffff  }
0x2a4: {  	s25 =	sshrl.u32 s25, $0x7;
	s28 =	simm.s32 @!p0 $0x0  }
0x2a5: {  	s25 =	ssub.s32 s25, s28  }
0x2a6: {  	s25 =	sshll.u32 s25, $0x7  }
0x2a7: {  	s25 =	sand.u32 $0x1FFFFF80, s25  }
0x2a8: {  	s25 =	sadd.s32 s0, s25;
	[tilespmem:v49+s18+$0x0] =	vst.idx.msk $0xffff, v0  }
0x2a9: {  	[tilespmem:s14], [sflag:$0x1] =	stream.strided.gather [hbm4b:s25+s3], $0x2000, s31, s3, $0x38;
	[tilespmem:$0x9A80] =	vst v63  }
0x2aa: {  	s25 =	spop (v2sf)  }
0x2ab: {  	s29 =	sshra.s32 s25, $0x1F  }
0x2ac: {  	s28 =	sshrl.u32 s29, $0x19  }
0x2ad: {  	s28 =	sadd.s32 s28, s25  }
0x2ae: {  	s29 =	sand.u32 $0xFFFFFF80, s28  }
0x2af: {  	p1 =	slt.s32 s25, $0x1;
	p2 =	sne.s32 s25, s29  }
0x2b0: {  	p0 =	por !p1, !p2  }
0x2b1: {  	s29 =	simm.s32 $0x1;
	p0 =	por !p0, !p0  }
0x2b2: {  	s28 =	sshrl.u32 s28, $0x7;
	s29 =	simm.s32 @!p0 $0x0  }
0x2b3: {  	s28 =	ssub.s32 s28, s29  }
0x2b4: {  	s28 =	sshll.u32 s28, $0x7  }
0x2b5: {  	s28 =	sand.u32 $0x1FFFFF80, s28  }
0x2b6: {  	s28 =	sadd.s32 s1, s28  }
0x2b7: {  	[tilespmem:s16], [sflag:$0x1] =	stream.strided.gather [hbm4b:s28+s3], $0x2000, s31, s3, $0x38;
	[tilespmem:$0x9A80] =	vst v63  }
0x2b8: {  	s23 =	sand.u32 $0x7F, s23;
	_ =	swait.ge [sflag:s30], $0x2000  }
0x2b9: {  	v0 =	vor.u32 s23, v43;
	[sflag:s30] =	ssyncset.done $0x0  }
0x2ba: {  	[sflag:s30] =	ssyncadd.s32 $0xFFFFE000  }
0x2bb: {  	_ =	swait.ge [sflag:s30], $0x2000  }
0x2bc: {  	[sflag:s30] =	ssyncset.done $0x0  }
0x2bd: {  	[sflag:s30] =	ssyncadd.s32 $0xFFFFE000  }
0x2be: {  	v0 =	vld.idx.msk [tilespmem:v0+s3+$0x0], $0xffff  }
0x2bf: {  	v2 =	vor.u32 s23, v7;
	_ =	sdelay $0x3  }
0x2c0: {  	[tilespmem:v50+s17+$0x0] =	vst.idx.msk $0xffff, v0  }
0x2c1: {  	v0 =	vld.idx.msk [tilespmem:v2+s3+$0x0], $0xffff  }
0x2c2: {  	v2 =	vor.u32 s23, v8;
	_ =	sdelay $0x3  }
0x2c3: {  	[tilespmem:v51+s17+$0x0] =	vst.idx.msk $0xffff, v0  }
0x2c4: {  	v0 =	vld.idx.msk [tilespmem:v2+s3+$0x0], $0xffff  }
0x2c5: {  	v2 =	vor.u32 s23, v9;
	_ =	sdelay $0x3  }
0x2c6: {  	[tilespmem:v52+s17+$0x0] =	vst.idx.msk $0xffff, v0  }
0x2c7: {  	s26 =	sand.u32 $0x7F, s26;
	v0 =	vld.idx.msk [tilespmem:v2+s3+$0x0], $0xffff  }
0x2c8: {  	v2 =	vor.u32 s26, v43  }
0x2c9: {  	(v2sf) =	vpush v3, $0xC;
	_ =	sdelay $0x2  }
0x2ca: {  	[tilespmem:v53+s17+$0x0] =	vst.idx.msk $0xffff, v0  }
0x2cb: {  	v0 =	vld.idx.msk [tilespmem:v2+s5+$0x0], $0xffff  }
0x2cc: {  	v2 =	vor.u32 s26, v7;
	_ =	sdelay $0x3  }
0x2cd: {  	[tilespmem:v50+s18+$0x0] =	vst.idx.msk $0xffff, v0  }
0x2ce: {  	v0 =	vld.idx.msk [tilespmem:v2+s5+$0x0], $0xffff  }
0x2cf: {  	(v2sf) =	vpush v63, $0xC;
	v2 =	vor.u32 s26, v8;
	_ =	sdelay $0x3  }
0x2d0: {  	s23 =	spop (v2sf);
	[tilespmem:v51+s18+$0x0] =	vst.idx.msk $0xffff, v0  }
0x2d1: {  	s29 =	sshra.s32 s23, $0x1F;
	v0 =	vld.idx.msk [tilespmem:v2+s5+$0x0], $0xffff  }
0x2d2: {  	s28 =	sshrl.u32 s29, $0x19;
	v2 =	vor.u32 s26, v9  }
0x2d3: {  	s26 =	sadd.s32 s28, s23  }
0x2d4: {  	s29 =	sand.u32 $0xFFFFFF80, s26  }
0x2d5: {  	p3 =	slt.s32 s23, $0x1;
	p4 =	sne.s32 s23, s29  }
0x2d6: {  	p0 =	por !p3, !p4;
	[tilespmem:v52+s18+$0x0] =	vst.idx.msk $0xffff, v0  }
0x2d7: {  	s28 =	simm.s32 $0x1;
	p0 =	por !p0, !p0;
	v0 =	vld.idx.msk [tilespmem:v2+s5+$0x0], $0xffff  }
0x2d8: {  	s26 =	sshrl.u32 s26, $0x7;
	s28 =	simm.s32 @!p0 $0x0  }
0x2d9: {  	s26 =	ssub.s32 s26, s28  }
0x2da: {  	s26 =	sshll.u32 s26, $0x7  }
0x2db: {  	s28 =	spop (v2sf);
	s26 =	sand.u32 $0x1FFFFF80, s26  }
0x2dc: {  	s29 =	sshra.s32 s28, $0x1F;
	s26 =	sadd.s32 s0, s26;
	[tilespmem:v53+s18+$0x0] =	vst.idx.msk $0xffff, v0  }
0x2dd: {  	[tilespmem:s3], [sflag:$0x1] =	stream.strided.gather [hbm4b:s26+s3], $0x2000, s31, s3, $0x38;
	[tilespmem:$0x9A80] =	vst v63  }
0x2de: {  	s26 =	sshrl.u32 s29, $0x19  }
0x2df: {  	s26 =	sadd.s32 s26, s28  }
0x2e0: {  	s29 =	sand.u32 $0xFFFFFF80, s26  }
0x2e1: {  	p5 =	slt.s32 s28, $0x1;
	p6 =	sne.s32 s28, s29  }
0x2e2: {  	p0 =	por !p5, !p6  }
0x2e3: {  	s29 =	simm.s32 $0x1;
	p0 =	por !p0, !p0  }
0x2e4: {  	s26 =	sshrl.u32 s26, $0x7;
	s29 =	simm.s32 @!p0 $0x0  }
0x2e5: {  	s26 =	ssub.s32 s26, s29  }
0x2e6: {  	s26 =	sshll.u32 s26, $0x7  }
0x2e7: {  	s26 =	sand.u32 $0x1FFFFF80, s26  }
0x2e8: {  	s26 =	sadd.s32 s1, s26  }
0x2e9: {  	[tilespmem:s5], [sflag:$0x1] =	stream.strided.gather [hbm4b:s26+s3], $0x2000, s31, s3, $0x38;
	[tilespmem:$0x9A80] =	vst v63  }
0x2ea: {  	s24 =	sand.u32 $0x7F, s24;
	_ =	swait.ge [sflag:s30], $0x2000  }
0x2eb: {  	v0 =	vor.u32 s24, v10;
	[sflag:s30] =	ssyncset.done $0x0  }
0x2ec: {  	[sflag:s30] =	ssyncadd.s32 $0xFFFFE000  }
0x2ed: {  	_ =	swait.ge [sflag:s30], $0x2000  }
0x2ee: {  	[sflag:s30] =	ssyncset.done $0x0  }
0x2ef: {  	[sflag:s30] =	ssyncadd.s32 $0xFFFFE000  }
0x2f0: {  	v0 =	vld.idx.msk [tilespmem:v0+s3+$0x0], $0xffff  }
0x2f1: {  	v2 =	vor.u32 s24, v12;
	_ =	sdelay $0x3  }
0x2f2: {  	[tilespmem:v54+s17+$0x0] =	vst.idx.msk $0xffff, v0  }
0x2f3: {  	v0 =	vld.idx.msk [tilespmem:v2+s3+$0x0], $0xffff  }
0x2f4: {  	v2 =	vor.u32 s24, v14;
	_ =	sdelay $0x3  }
0x2f5: {  	[tilespmem:v55+s17+$0x0] =	vst.idx.msk $0xffff, v0  }
0x2f6: {  	v0 =	vld.idx.msk [tilespmem:v2+s3+$0x0], $0xffff  }
0x2f7: {  	v2 =	vor.u32 s24, v16;
	_ =	sdelay $0x3  }
0x2f8: {  	[tilespmem:v56+s17+$0x0] =	vst.idx.msk $0xffff, v0  }
0x2f9: {  	s25 =	sand.u32 $0x7F, s25;
	v0 =	vld.idx.msk [tilespmem:v2+s3+$0x0], $0xffff  }
0x2fa: {  	v2 =	vor.u32 s25, v10  }
0x2fb: {  	(v2sf) =	vpush v3, $0xD;
	_ =	sdelay $0x2  }
0x2fc: {  	[tilespmem:v57+s17+$0x0] =	vst.idx.msk $0xffff, v0  }
0x2fd: {  	v0 =	vld.idx.msk [tilespmem:v2+s5+$0x0], $0xffff  }
0x2fe: {  	v2 =	vor.u32 s25, v12;
	_ =	sdelay $0x3  }
0x2ff: {  	[tilespmem:v54+s18+$0x0] =	vst.idx.msk $0xffff, v0  }
0x300: {  	v0 =	vld.idx.msk [tilespmem:v2+s5+$0x0], $0xffff  }
0x301: {  	(v2sf) =	vpush v63, $0xD;
	v2 =	vor.u32 s25, v14;
	_ =	sdelay $0x3  }
0x302: {  	s24 =	spop (v2sf);
	[tilespmem:v55+s18+$0x0] =	vst.idx.msk $0xffff, v0  }
0x303: {  	s29 =	sshra.s32 s24, $0x1F;
	v0 =	vld.idx.msk [tilespmem:v2+s5+$0x0], $0xffff  }
0x304: {  	s26 =	sshrl.u32 s29, $0x19;
	v2 =	vor.u32 s25, v16  }
0x305: {  	s25 =	sadd.s32 s26, s24  }
0x306: {  	s29 =	sand.u32 $0xFFFFFF80, s25  }
0x307: {  	p1 =	slt.s32 s24, $0x1;
	p2 =	sne.s32 s24, s29  }
0x308: {  	p0 =	por !p1, !p2;
	[tilespmem:v56+s18+$0x0] =	vst.idx.msk $0xffff, v0  }
0x309: {  	s26 =	simm.s32 $0x1;
	p0 =	por !p0, !p0;
	v0 =	vld.idx.msk [tilespmem:v2+s5+$0x0], $0xffff  }
0x30a: {  	s25 =	sshrl.u32 s25, $0x7;
	s26 =	simm.s32 @!p0 $0x0  }
0x30b: {  	s25 =	ssub.s32 s25, s26  }
0x30c: {  	s25 =	sshll.u32 s25, $0x7  }
0x30d: {  	s26 =	spop (v2sf);
	s25 =	sand.u32 $0x1FFFFF80, s25  }
0x30e: {  	s29 =	sshra.s32 s26, $0x1F;
	s25 =	sadd.s32 s0, s25;
	[tilespmem:v57+s18+$0x0] =	vst.idx.msk $0xffff, v0  }
0x30f: {  	[tilespmem:s14], [sflag:$0x1] =	stream.strided.gather [hbm4b:s25+s3], $0x2000, s31, s3, $0x38;
	[tilespmem:$0x9A80] =	vst v63  }
0x310: {  	s25 =	sshrl.u32 s29, $0x19  }
0x311: {  	s25 =	sadd.s32 s25, s26  }
0x312: {  	s29 =	sand.u32 $0xFFFFFF80, s25  }
0x313: {  	p3 =	slt.s32 s26, $0x1;
	p4 =	sne.s32 s26, s29  }
0x314: {  	p0 =	por !p3, !p4  }
0x315: {  	s29 =	simm.s32 $0x1;
	p0 =	por !p0, !p0  }
0x316: {  	s25 =	sshrl.u32 s25, $0x7;
	s29 =	simm.s32 @!p0 $0x0  }
0x317: {  	s25 =	ssub.s32 s25, s29  }
0x318: {  	s25 =	sshll.u32 s25, $0x7  }
0x319: {  	s25 =	sand.u32 $0x1FFFFF80, s25  }
0x31a: {  	s25 =	sadd.s32 s1, s25  }
0x31b: {  	[tilespmem:s16], [sflag:$0x1] =	stream.strided.gather [hbm4b:s25+s3], $0x2000, s31, s3, $0x38;
	[tilespmem:$0x9A80] =	vst v63  }
0x31c: {  	s23 =	sand.u32 $0x7F, s23;
	_ =	swait.ge [sflag:s30], $0x2000  }
0x31d: {  	v0 =	vor.u32 s23, v43;
	[sflag:s30] =	ssyncset.done $0x0  }
0x31e: {  	[sflag:s30] =	ssyncadd.s32 $0xFFFFE000  }
0x31f: {  	_ =	swait.ge [sflag:s30], $0x2000  }
0x320: {  	[sflag:s30] =	ssyncset.done $0x0  }
0x321: {  	[sflag:s30] =	ssyncadd.s32 $0xFFFFE000  }
0x322: {  	v0 =	vld.idx.msk [tilespmem:v0+s3+$0x0], $0xffff  }
0x323: {  	v2 =	vor.u32 s23, v7;
	_ =	sdelay $0x3  }
0x324: {  	[tilespmem:v58+s17+$0x0] =	vst.idx.msk $0xffff, v0  }
0x325: {  	v0 =	vld.idx.msk [tilespmem:v2+s3+$0x0], $0xffff  }
0x326: {  	v2 =	vor.u32 s23, v8;
	_ =	sdelay $0x3  }
0x327: {  	[tilespmem:v59+s17+$0x0] =	vst.idx.msk $0xffff, v0  }
0x328: {  	v0 =	vld.idx.msk [tilespmem:v2+s3+$0x0], $0xffff  }
0x329: {  	v2 =	vor.u32 s23, v9;
	_ =	sdelay $0x3  }
0x32a: {  	[tilespmem:v60+s17+$0x0] =	vst.idx.msk $0xffff, v0  }
0x32b: {  	s25 =	sand.u32 $0x7F, s28;
	v0 =	vld.idx.msk [tilespmem:v2+s3+$0x0], $0xffff  }
0x32c: {  	v2 =	vor.u32 s25, v43  }
0x32d: {  	(v2sf) =	vpush v3, $0xE;
	_ =	sdelay $0x2  }
0x32e: {  	[tilespmem:v61+s17+$0x0] =	vst.idx.msk $0xffff, v0  }
0x32f: {  	v0 =	vld.idx.msk [tilespmem:v2+s5+$0x0], $0xffff  }
0x330: {  	v2 =	vor.u32 s25, v7;
	_ =	sdelay $0x3  }
0x331: {  	[tilespmem:v58+s18+$0x0] =	vst.idx.msk $0xffff, v0  }
0x332: {  	v0 =	vld.idx.msk [tilespmem:v2+s5+$0x0], $0xffff  }
0x333: {  	v2 =	vor.u32 s25, v8;
	_ =	sdelay $0x2  }
0x334: {  	(v2sf) =	vpush v63, $0xE  }
0x335: {  	s23 =	spop (v2sf);
	[tilespmem:v59+s18+$0x0] =	vst.idx.msk $0xffff, v0  }
0x336: {  	s29 =	sshra.s32 s23, $0x1F;
	v0 =	vld.idx.msk [tilespmem:v2+s5+$0x0], $0xffff  }
0x337: {  	s28 =	sshrl.u32 s29, $0x19;
	v2 =	vor.u32 s25, v9  }
0x338: {  	s25 =	sadd.s32 s28, s23  }
0x339: {  	s29 =	sand.u32 $0xFFFFFF80, s25  }
0x33a: {  	p5 =	slt.s32 s23, $0x1;
	p6 =	sne.s32 s23, s29  }
0x33b: {  	p0 =	por !p5, !p6;
	[tilespmem:v60+s18+$0x0] =	vst.idx.msk $0xffff, v0  }
0x33c: {  	s28 =	simm.s32 $0x1;
	p0 =	por !p0, !p0;
	v0 =	vld.idx.msk [tilespmem:v2+s5+$0x0], $0xffff  }
0x33d: {  	s25 =	sshrl.u32 s25, $0x7;
	s28 =	simm.s32 @!p0 $0x0  }
0x33e: {  	s25 =	ssub.s32 s25, s28  }
0x33f: {  	s25 =	sshll.u32 s25, $0x7  }
0x340: {  	s25 =	sand.u32 $0x1FFFFF80, s25  }
0x341: {  	s25 =	sadd.s32 s0, s25;
	[tilespmem:v61+s18+$0x0] =	vst.idx.msk $0xffff, v0  }
0x342: {  	[tilespmem:s3], [sflag:$0x1] =	stream.strided.gather [hbm4b:s25+s3], $0x2000, s31, s3, $0x38;
	[tilespmem:$0x9A80] =	vst v63  }
0x343: {  	s25 =	spop (v2sf)  }
0x344: {  	s29 =	sshra.s32 s25, $0x1F  }
0x345: {  	s28 =	sshrl.u32 s29, $0x19  }
0x346: {  	s28 =	sadd.s32 s28, s25  }
0x347: {  	s29 =	sand.u32 $0xFFFFFF80, s28  }
0x348: {  	p1 =	slt.s32 s25, $0x1;
	p2 =	sne.s32 s25, s29  }
0x349: {  	p0 =	por !p1, !p2  }
0x34a: {  	s29 =	simm.s32 $0x1;
	p0 =	por !p0, !p0  }
0x34b: {  	s28 =	sshrl.u32 s28, $0x7;
	s29 =	simm.s32 @!p0 $0x0  }
0x34c: {  	s28 =	ssub.s32 s28, s29  }
0x34d: {  	s28 =	sshll.u32 s28, $0x7  }
0x34e: {  	s28 =	sand.u32 $0x1FFFFF80, s28  }
0x34f: {  	s28 =	sadd.s32 s1, s28  }
0x350: {  	[tilespmem:s5], [sflag:$0x1] =	stream.strided.gather [hbm4b:s28+s3], $0x2000, s31, s3, $0x38;
	[tilespmem:$0x9A80] =	vst v63  }
0x351: {  	_ =	swait.ge [sflag:s30], $0x2000  }
0x352: {  	s24 =	sand.u32 $0x7F, s24;
	[sflag:s30] =	ssyncset.done $0x0  }
0x353: {  	v0 =	vor.u32 s24, v10;
	[sflag:s30] =	ssyncadd.s32 $0xFFFFE000  }
0x354: {  	_ =	swait.ge [sflag:s30], $0x2000  }
0x355: {  	v5 =	vld [tilespmem:$0x1FD10]  }
0x356: {  	[sflag:s30] =	ssyncset.done $0x0  }
0x357: {  	[sflag:s30] =	ssyncadd.s32 $0xFFFFE000  }
0x358: {  	v0 =	vld.idx.msk [tilespmem:v0+s3+$0x0], $0xffff  }
0x359: {  	v2 =	vor.u32 s24, v12;
	_ =	sdelay $0x1  }
0x35a: {  	v6 =	vld [tilespmem:$0x1FD20];
	_ =	sdelay $0x1  }
0x35b: {  	[tilespmem:v5+s17+$0x0] =	vst.idx.msk $0xffff, v0  }
0x35c: {  	v0 =	vld.idx.msk [tilespmem:v2+s3+$0x0], $0xffff  }
0x35d: {  	v2 =	vor.u32 s24, v14;
	_ =	sdelay $0x1  }
0x35e: {  	v11 =	vld [tilespmem:$0x1FD30];
	_ =	sdelay $0x1  }
0x35f: {  	[tilespmem:v6+s17+$0x0] =	vst.idx.msk $0xffff, v0  }
0x360: {  	v0 =	vld.idx.msk [tilespmem:v2+s3+$0x0], $0xffff  }
0x361: {  	v2 =	vor.u32 s24, v16;
	_ =	sdelay $0x3  }
0x362: {  	[tilespmem:v11+s17+$0x0] =	vst.idx.msk $0xffff, v0  }
0x363: {  	s26 =	sand.u32 $0x7F, s26;
	v0 =	vld.idx.msk [tilespmem:v2+s3+$0x0], $0xffff;
	v2 =	vor.u32 $0x6B0, v1  }
0x364: {  	v4 =	vor.u32 s26, v10  }
0x365: {  	(v2sf) =	vpush v3, $0xF;
	_ =	sdelay $0x2  }
0x366: {  	[tilespmem:v2+s17+$0x0] =	vst.idx.msk $0xffff, v0  }
0x367: {  	v0 =	vld.idx.msk [tilespmem:v4+s5+$0x0], $0xffff  }
0x368: {  	v3 =	vor.u32 s26, v12;
	_ =	sdelay $0x3  }
0x369: {  	[tilespmem:v5+s18+$0x0] =	vst.idx.msk $0xffff, v0  }
0x36a: {  	v0 =	vld.idx.msk [tilespmem:v3+s5+$0x0], $0xffff  }
0x36b: {  	v3 =	vor.u32 s26, v14;
	_ =	sdelay $0x2  }
0x36c: {  	(v2sf) =	vpush v63, $0xF  }
0x36d: {  	s24 =	spop (v2sf);
	[tilespmem:v6+s18+$0x0] =	vst.idx.msk $0xffff, v0  }
0x36e: {  	s29 =	sshra.s32 s24, $0x1F;
	v0 =	vld.idx.msk [tilespmem:v3+s5+$0x0], $0xffff  }
0x36f: {  	s28 =	sshrl.u32 s29, $0x19;
	v3 =	vor.u32 s26, v16  }
0x370: {  	s26 =	sadd.s32 s28, s24  }
0x371: {  	s29 =	sand.u32 $0xFFFFFF80, s26  }
0x372: {  	p3 =	slt.s32 s24, $0x1;
	p4 =	sne.s32 s24, s29  }
0x373: {  	p0 =	por !p3, !p4;
	[tilespmem:v11+s18+$0x0] =	vst.idx.msk $0xffff, v0  }
0x374: {  	s28 =	simm.s32 $0x1;
	p0 =	por !p0, !p0;
	v0 =	vld.idx.msk [tilespmem:v3+s5+$0x0], $0xffff  }
0x375: {  	s26 =	sshrl.u32 s26, $0x7;
	s28 =	simm.s32 @!p0 $0x0  }
0x376: {  	s26 =	ssub.s32 s26, s28  }
0x377: {  	s26 =	sshll.u32 s26, $0x7  }
0x378: {  	s26 =	sand.u32 $0x1FFFFF80, s26  }
0x379: {  	s26 =	sadd.s32 s0, s26;
	[tilespmem:v2+s18+$0x0] =	vst.idx.msk $0xffff, v0  }
0x37a: {  	[tilespmem:s14], [sflag:$0x1] =	stream.strided.gather [hbm4b:s26+s3], $0x2000, s31, s3, $0x38;
	[tilespmem:$0x9A80] =	vst v63  }
0x37b: {  	s26 =	spop (v2sf)  }
0x37c: {  	s29 =	sshra.s32 s26, $0x1F  }
0x37d: {  	s28 =	sshrl.u32 s29, $0x19  }
0x37e: {  	s28 =	sadd.s32 s28, s26  }
0x37f: {  	s29 =	sand.u32 $0xFFFFFF80, s28  }
0x380: {  	p5 =	slt.s32 s26, $0x1;
	p6 =	sne.s32 s26, s29  }
0x381: {  	p0 =	por !p5, !p6  }
0x382: {  	s29 =	simm.s32 $0x1;
	p0 =	por !p0, !p0  }
0x383: {  	s28 =	sshrl.u32 s28, $0x7;
	s29 =	simm.s32 @!p0 $0x0  }
0x384: {  	s28 =	ssub.s32 s28, s29  }
0x385: {  	s28 =	sshll.u32 s28, $0x7  }
0x386: {  	s28 =	sand.u32 $0x1FFFFF80, s28  }
0x387: {  	s28 =	sadd.s32 s1, s28  }
0x388: {  	[tilespmem:s16], [sflag:$0x1] =	stream.strided.gather [hbm4b:s28+s3], $0x2000, s31, s3, $0x38;
	[tilespmem:$0x9A80] =	vst v63  }
0x389: {  	s23 =	sand.u32 $0x7F, s23;
	_ =	swait.ge [sflag:s30], $0x2000  }
0x38a: {  	v0 =	vor.u32 s23, v43;
	[sflag:s30] =	ssyncset.done $0x0  }
0x38b: {  	[sflag:s30] =	ssyncadd.s32 $0xFFFFE000  }
0x38c: {  	_ =	swait.ge [sflag:s30], $0x2000  }
0x38d: {  	[sflag:s30] =	ssyncset.done $0x0  }
0x38e: {  	[sflag:s30] =	ssyncadd.s32 $0xFFFFE000  }
0x38f: {  	v2 =	vor.u32 $0x700, v1;
	v0 =	vld.idx.msk [tilespmem:v0+s3+$0x0], $0xffff  }
0x390: {  	v3 =	vor.u32 s23, v7;
	_ =	sdelay $0x3  }
0x391: {  	[tilespmem:v2+s17+$0x0] =	vst.idx.msk $0xffff, v0  }
0x392: {  	v0 =	vld.idx.msk [tilespmem:v3+s3+$0x0], $0xffff;
	v3 =	vor.u32 $0x710, v1  }
0x393: {  	v4 =	vor.u32 s23, v8;
	_ =	sdelay $0x3  }
0x394: {  	[tilespmem:v3+s17+$0x0] =	vst.idx.msk $0xffff, v0  }
0x395: {  	v0 =	vld.idx.msk [tilespmem:v4+s3+$0x0], $0xffff;
	v4 =	vor.u32 $0x720, v1  }
0x396: {  	v5 =	vor.u32 s23, v9;
	_ =	sdelay $0x3  }
0x397: {  	[tilespmem:v4+s17+$0x0] =	vst.idx.msk $0xffff, v0  }
0x398: {  	s25 =	sand.u32 $0x7F, s25;
	v0 =	vld.idx.msk [tilespmem:v5+s3+$0x0], $0xffff;
	v5 =	vor.u32 $0x730, v1  }
0x399: {  	v6 =	vor.u32 s25, v43;
	_ =	sdelay $0x3  }
0x39a: {  	[tilespmem:v5+s17+$0x0] =	vst.idx.msk $0xffff, v0  }
0x39b: {  	v0 =	vld.idx.msk [tilespmem:v6+s5+$0x0], $0xffff  }
0x39c: {  	v6 =	vor.u32 s25, v7;
	_ =	sdelay $0x3  }
0x39d: {  	[tilespmem:v2+s18+$0x0] =	vst.idx.msk $0xffff, v0  }
0x39e: {  	v0 =	vld.idx.msk [tilespmem:v6+s5+$0x0], $0xffff  }
0x39f: {  	v2 =	vor.u32 s25, v8;
	_ =	sdelay $0x3  }
0x3a0: {  	[tilespmem:v3+s18+$0x0] =	vst.idx.msk $0xffff, v0  }
0x3a1: {  	v0 =	vld.idx.msk [tilespmem:v2+s5+$0x0], $0xffff  }
0x3a2: {  	v2 =	vor.u32 s25, v9;
	_ =	sdelay $0x3  }
0x3a3: {  	[tilespmem:v4+s18+$0x0] =	vst.idx.msk $0xffff, v0  }
0x3a4: {  	v0 =	vld.idx.msk [tilespmem:v2+s5+$0x0], $0xffff;
	_ =	sdelay $0x4  }
0x3a5: {  	[tilespmem:v5+s18+$0x0] =	vst.idx.msk $0xffff, v0  }
0x3a6: {  	s28 =	sand.u32 $0x7F, s24;
	_ =	swait.ge [sflag:s30], $0x2000  }
0x3a7: {  	v0 =	vor.u32 s28, v10;
	[sflag:s30] =	ssyncset.done $0x0  }
0x3a8: {  	[sflag:s30] =	ssyncadd.s32 $0xFFFFE000  }
0x3a9: {  	_ =	swait.ge [sflag:s30], $0x2000  }
0x3aa: {  	[sflag:s30] =	ssyncset.done $0x0  }
0x3ab: {  	[sflag:s30] =	ssyncadd.s32 $0xFFFFE000  }
0x3ac: {  	v2 =	vor.u32 $0x780, v1;
	v0 =	vld.idx.msk [tilespmem:v0+s3+$0x0], $0xffff  }
0x3ad: {  	v3 =	vor.u32 s28, v12;
	_ =	sdelay $0x3  }
0x3ae: {  	[tilespmem:v2+s17+$0x0] =	vst.idx.msk $0xffff, v0  }
0x3af: {  	v0 =	vld.idx.msk [tilespmem:v3+s3+$0x0], $0xffff;
	v3 =	vor.u32 $0x790, v1  }
0x3b0: {  	v4 =	vor.u32 s28, v14;
	_ =	sdelay $0x3  }
0x3b1: {  	[tilespmem:v3+s17+$0x0] =	vst.idx.msk $0xffff, v0  }
0x3b2: {  	v0 =	vld.idx.msk [tilespmem:v4+s3+$0x0], $0xffff;
	v4 =	vor.u32 $0x7A0, v1  }
0x3b3: {  	v5 =	vor.u32 s28, v16;
	_ =	sdelay $0x3  }
0x3b4: {  	[tilespmem:v4+s17+$0x0] =	vst.idx.msk $0xffff, v0  }
0x3b5: {  	s29 =	sand.u32 $0x7F, s26;
	v0 =	vld.idx.msk [tilespmem:v5+s3+$0x0], $0xffff;
	v5 =	vor.u32 $0x7B0, v1  }
0x3b6: {  	v6 =	vor.u32 s29, v10;
	_ =	sdelay $0x3  }
0x3b7: {  	[tilespmem:v5+s17+$0x0] =	vst.idx.msk $0xffff, v0  }
0x3b8: {  	v0 =	vld.idx.msk [tilespmem:v6+s5+$0x0], $0xffff  }
0x3b9: {  	v6 =	vor.u32 s29, v12;
	_ =	sdelay $0x3  }
0x3ba: {  	[tilespmem:v2+s18+$0x0] =	vst.idx.msk $0xffff, v0  }
0x3bb: {  	v0 =	vld.idx.msk [tilespmem:v6+s5+$0x0], $0xffff  }
0x3bc: {  	v2 =	vor.u32 s29, v14;
	_ =	sdelay $0x3  }
0x3bd: {  	[tilespmem:v3+s18+$0x0] =	vst.idx.msk $0xffff, v0  }
0x3be: {  	v0 =	vld.idx.msk [tilespmem:v2+s5+$0x0], $0xffff  }
0x3bf: {  	v2 =	vor.u32 s29, v16;
	_ =	sdelay $0x3  }
0x3c0: {  	[tilespmem:v4+s18+$0x0] =	vst.idx.msk $0xffff, v0  }
0x3c1: {  	v0 =	vld.idx.msk [tilespmem:v2+s5+$0x0], $0xffff  }
0x3c2: {  	v12 =	vor.u32 $0x9, v43;
	_ =	sdelay $0x1  }
0x3c3: {  	v14 =	vor.u32 $0xA, v43  }
0x3c4: {  	v17 =	vor.u32 $0xB, v43  }
0x3c5: {  	[tilespmem:v5+s18+$0x0] =	vst.idx.msk $0xffff, v0  }
0x3c6: {  	v21 =	vor.u32 $0xE, v43;
	v45 =	vld.idx.msk [tilespmem:v12+s17+$0x0], $0xffff  }
0x3c7: {  	v22 =	vor.u32 $0xF, v43;
	v23 =	vld.idx.msk [tilespmem:v12+s18+$0x0], $0xffff  }
0x3c8: {  	v5 =	vor.u32 $0x5, v43;
	v15 =	vld.idx.msk [tilespmem:v14+s17+$0x0], $0xffff  }
0x3c9: {  	v18 =	vld.idx.msk [tilespmem:v17+s17+$0x0], $0xffff  }
0x3ca: {  	v0 =	vor.u32 $0x3, v43;
	v10 =	vld.idx.msk [tilespmem:v17+s18+$0x0], $0xffff  }
0x3cb: {  	v39 =	vmov v49;
	v49 =	vld.idx.msk [tilespmem:v21+s18+$0x0], $0xffff  }
0x3cc: {  	v29 =	vld.idx.msk [tilespmem:v22+s17+$0x0], $0xffff  }
0x3cd: {  	v12 =	vor.u32 $0xC, v43;
	v9 =	vld.idx.msk [tilespmem:v5+s17+$0x0], $0xffff  }
0x3ce: {  	v7 =	vld.idx.msk [tilespmem:v5+s18+$0x0], $0xffff;
	v5 =	vor.u32 $0x8, v43  }
0x3cf: {  	v19 =	vld.idx.msk [tilespmem:v0+s17+$0x0], $0xffff  }
0x3d0: {  	v11 =	vld.idx.msk [tilespmem:v0+s18+$0x0], $0xffff  }
0x3d1: {  	v0 =	vld.idx.msk [tilespmem:v21+s17+$0x0], $0xffff  }
0x3d2: {  	v46 =	vld.idx.msk [tilespmem:v12+s17+$0x0], $0xffff  }
0x3d3: {  	v21 =	vor.u32 $0x11, v43;
	v26 =	vld.idx.msk [tilespmem:v5+s17+$0x0], $0xffff  }
0x3d4: {  	v27 =	vor.u32 $0x10, v43;
	v16 =	vld.idx.msk [tilespmem:v5+s18+$0x0], $0xffff  }
0x3d5: {  	v5 =	vld.idx.msk [tilespmem:v14+s18+$0x0], $0xffff;
	v14 =	vor.u32 $0xD, v43  }
0x3d6: {  	v17 =	vld.idx.msk [tilespmem:v12+s18+$0x0], $0xffff  }
0x3d7: {  	v12 =	vld.idx.msk [tilespmem:v22+s18+$0x0], $0xffff  }
0x3d8: {  	v22 =	vor.u32 $0x12, v43;
	[tilespmem:$0x1FA90] =	vst v0;
	v0 =	vld.idx.msk [tilespmem:v21+s17+$0x0], $0xffff  }
0x3d9: {  	v25 =	vld.idx.msk [tilespmem:v27+s17+$0x0], $0xffff  }
0x3da: {  	v48 =	vld.idx.msk [tilespmem:v14+s17+$0x0], $0xffff  }
0x3db: {  	v28 =	vld.idx.msk [tilespmem:v14+s18+$0x0], $0xffff  }
0x3dc: {  	v14 =	vld.idx.msk [tilespmem:v27+s18+$0x0], $0xffff  }
0x3dd: {  	v27 =	vor.u32 $0x13, v43;
	[tilespmem:$0x1FAA0] =	vst v0;
	v0 =	vld.idx.msk [tilespmem:v22+s17+$0x0], $0xffff;
	_ =	sdelay $0x4  }
0x3de: {  	[tilespmem:$0x1FAB0] =	vst v0;
	v0 =	vld.idx.msk [tilespmem:v27+s17+$0x0], $0xffff;
	_ =	sdelay $0x3  }
0x3df: {  	v42 =	vmov v51;
	v51 =	vld.idx.msk [tilespmem:v22+s18+$0x0], $0xffff  }
0x3e0: {  	v22 =	vor.u32 $0x15, v43;
	[tilespmem:$0x1FAC0] =	vst v0;
	v0 =	vld.idx.msk [tilespmem:v27+s18+$0x0], $0xffff;
	_ =	sdelay $0x4  }
0x3e1: {  	v27 =	vor.u32 $0x16, v43;
	[tilespmem:$0x1FAD0] =	vst v0;
	v0 =	vld.idx.msk [tilespmem:v22+s17+$0x0], $0xffff;
	_ =	sdelay $0x4  }
0x3e2: {  	[tilespmem:$0x1FAE0] =	vst v0;
	v0 =	vld.idx.msk [tilespmem:v27+s17+$0x0], $0xffff;
	_ =	sdelay $0x4  }
0x3e3: {  	v31 =	vor.u32 $0x17, v43;
	[tilespmem:$0x1FAF0] =	vst v0;
	v0 =	vld.idx.msk [tilespmem:v27+s18+$0x0], $0xffff;
	_ =	sdelay $0x4  }
0x3e4: {  	[tilespmem:$0x1FB00] =	vst v0;
	v0 =	vld.idx.msk [tilespmem:v31+s17+$0x0], $0xffff;
	_ =	sdelay $0x4  }
0x3e5: {  	v37 =	vor.u32 $0x18, v43;
	[tilespmem:$0x1FB10] =	vst v0;
	v0 =	vld.idx.msk [tilespmem:v31+s18+$0x0], $0xffff;
	_ =	sdelay $0x4  }
0x3e6: {  	[tilespmem:$0x1FB20] =	vst v0;
	v0 =	vld.idx.msk [tilespmem:v37+s17+$0x0], $0xffff;
	_ =	sdelay $0x4  }
0x3e7: {  	v27 =	vor.u32 $0x19, v43;
	[tilespmem:$0x1FB30] =	vst v0;
	v0 =	vld.idx.msk [tilespmem:v37+s18+$0x0], $0xffff;
	_ =	sdelay $0x4  }
0x3e8: {  	v38 =	vor.u32 $0x1A, v43;
	[tilespmem:$0x1FB40] =	vst v0;
	v0 =	vld.idx.msk [tilespmem:v27+s17+$0x0], $0xffff;
	_ =	sdelay $0x4  }
0x3e9: {  	v41 =	vor.u32 $0x1B, v43;
	[tilespmem:$0x1FB50] =	vst v0;
	v0 =	vld.idx.msk [tilespmem:v38+s17+$0x0], $0xffff;
	_ =	sdelay $0x4  }
0x3ea: {  	[tilespmem:$0x1FB60] =	vst v0;
	v0 =	vld.idx.msk [tilespmem:v41+s17+$0x0], $0xffff;
	_ =	sdelay $0x4  }
0x3eb: {  	v34 =	vor.u32 $0x1C, v43;
	[tilespmem:$0x1FB70] =	vst v0;
	v0 =	vld.idx.msk [tilespmem:v41+s18+$0x0], $0xffff;
	_ =	sdelay $0x4  }
0x3ec: {  	[tilespmem:$0x1FB80] =	vst v0;
	v0 =	vld.idx.msk [tilespmem:v34+s17+$0x0], $0xffff;
	_ =	sdelay $0x4  }
0x3ed: {  	v52 =	vor.u32 $0x1D, v43;
	[tilespmem:$0x1FB90] =	vst v0;
	v0 =	vld.idx.msk [tilespmem:v34+s18+$0x0], $0xffff;
	_ =	sdelay $0x4  }
0x3ee: {  	[tilespmem:$0x1FBA0] =	vst v0;
	v0 =	vld.idx.msk [tilespmem:v52+s17+$0x0], $0xffff;
	_ =	sdelay $0x4  }
0x3ef: {  	v41 =	vor.u32 $0x1E, v43;
	[tilespmem:$0x1FBB0] =	vst v0;
	v0 =	vld.idx.msk [tilespmem:v52+s18+$0x0], $0xffff;
	_ =	sdelay $0x4  }
0x3f0: {  	v37 =	vor.u32 $0x1F, v43;
	[tilespmem:$0x1FBC0] =	vst v0;
	v0 =	vld.idx.msk [tilespmem:v41+s17+$0x0], $0xffff;
	_ =	sdelay $0x4  }
0x3f1: {  	v52 =	vor.u32 $0x20, v43;
	[tilespmem:$0x1FBD0] =	vst v0;
	v0 =	vld.idx.msk [tilespmem:v37+s17+$0x0], $0xffff;
	_ =	sdelay $0x4  }
0x3f2: {  	[tilespmem:$0x1FBE0] =	vst v0;
	v0 =	vld.idx.msk [tilespmem:v52+s17+$0x0], $0xffff;
	_ =	sdelay $0x3  }
0x3f3: {  	v32 =	vld.idx.msk [tilespmem:v41+s18+$0x0], $0xffff  }
0x3f4: {  	v41 =	vor.u32 $0x21, v43;
	[tilespmem:$0x1FBF0] =	vst v0;
	v0 =	vld.idx.msk [tilespmem:v52+s18+$0x0], $0xffff;
	_ =	sdelay $0x4  }
0x3f5: {  	[tilespmem:$0x1FC00] =	vst v0;
	v0 =	vld.idx.msk [tilespmem:v41+s17+$0x0], $0xffff;
	_ =	sdelay $0x3  }
0x3f6: {  	v35 =	vld.idx.msk [tilespmem:v37+s18+$0x0], $0xffff  }
0x3f7: {  	v37 =	vor.u32 $0x22, v43;
	[tilespmem:$0x1FC10] =	vst v0;
	v0 =	vld.idx.msk [tilespmem:v41+s18+$0x0], $0xffff;
	_ =	sdelay $0x4  }
0x3f8: {  	[tilespmem:$0x1FC20] =	vst v0;
	v0 =	vld.idx.msk [tilespmem:v37+s17+$0x0], $0xffff;
	_ =	sdelay $0x2  }
0x3f9: {  	v31 =	vmov v62;
	v62 =	vld.idx.msk [tilespmem:v27+s18+$0x0], $0xffff  }
0x3fa: {  	v27 =	vld.idx.msk [tilespmem:v38+s18+$0x0], $0xffff  }
0x3fb: {  	v38 =	vor.u32 $0x23, v43;
	[tilespmem:$0x1FC30] =	vst v0;
	v0 =	vld.idx.msk [tilespmem:v37+s18+$0x0], $0xffff;
	_ =	sdelay $0x4  }
0x3fc: {  	v52 =	vor.u32 $0x24, v43;
	[tilespmem:$0x1FC40] =	vst v0;
	v0 =	vld.idx.msk [tilespmem:v38+s17+$0x0], $0xffff;
	_ =	sdelay $0x3  }
0x3fd: {  	v40 =	vmov v50  }
0x3fe: {  	v34 =	vmov v40;
	v40 =	vor.u32 $0x25, v43;
	[tilespmem:$0x1FC50] =	vst v0;
	v0 =	vld.idx.msk [tilespmem:v52+s17+$0x0], $0xffff;
	_ =	sdelay $0x4  }
0x3ff: {  	[tilespmem:$0x1FC60] =	vst v0;
	v0 =	vld.idx.msk [tilespmem:v40+s17+$0x0], $0xffff;
	_ =	sdelay $0x3  }
0x400: {  	v36 =	vld.idx.msk [tilespmem:v38+s18+$0x0], $0xffff  }
0x401: {  	v38 =	vor.u32 $0x26, v43;
	[tilespmem:$0x1FC70] =	vst v0;
	v0 =	vld.idx.msk [tilespmem:v40+s18+$0x0], $0xffff;
	_ =	sdelay $0x4  }
0x402: {  	[tilespmem:$0x1FC80] =	vst v0;
	v0 =	vld.idx.msk [tilespmem:v38+s17+$0x0], $0xffff;
	_ =	sdelay $0x3  }
0x403: {  	v37 =	vld.idx.msk [tilespmem:v52+s18+$0x0], $0xffff  }
0x404: {  	v52 =	vor.u32 $0x27, v43;
	[tilespmem:$0x1FC90] =	vst v0;
	v0 =	vld.idx.msk [tilespmem:v38+s18+$0x0], $0xffff;
	_ =	sdelay $0x1  }
0x405: {  	v3 =	vor.u32 $0x1, v43;
	_ =	sdelay $0x1  }
0x406: {  	v4 =	vor.u32 $0x2, v43  }
0x407: {  	[tilespmem:$0x1FCA0] =	vst v0;
	v0 =	vld.idx.msk [tilespmem:v52+s17+$0x0], $0xffff;
	_ =	sdelay $0x1  }
0x408: {  	v6 =	vor.u32 $0x6, v43;
	v30 =	vld.idx.msk [tilespmem:v3+s17+$0x0], $0xffff  }
0x409: {  	v20 =	vld.idx.msk [tilespmem:v3+s18+$0x0], $0xffff  }
0x40a: {  	v44 =	vld.idx.msk [tilespmem:v4+s17+$0x0], $0xffff  }
0x40b: {  	[tilespmem:$0x1FCB0] =	vst v0;
	v0 =	vld.idx.msk [tilespmem:v52+s18+$0x0], $0xffff  }
0x40c: {  	v3 =	vor.u32 $0x4, v43;
	v24 =	vld.idx.msk [tilespmem:v4+s18+$0x0], $0xffff  }
0x40d: {  	v8 =	vld.idx.msk [tilespmem:v6+s17+$0x0], $0xffff  }
0x40e: {  	v6 =	vld.idx.msk [tilespmem:v6+s18+$0x0], $0xffff  }
0x40f: {  	v1 =	vld.idx.msk [tilespmem:v43+s18+$0x0], $0xffff  }
0x410: {  	[tilespmem:$0x1FCC0] =	vst v0;
	v0 =	vld.idx.msk [tilespmem:v43+s17+$0x0], $0xffff  }
0x411: {  	v4 =	vld.idx.msk [tilespmem:v3+s17+$0x0], $0xffff  }
0x412: {  	v2 =	vld.idx.msk [tilespmem:v3+s18+$0x0], $0xffff;
	v3 =	vor.u32 $0x7, v43;
	_ =	sdelay $0x1  }
0x413: {  	v24 =	vmul.f32 v24, v44  }
0x414: {  	v20 =	vmul.f32 v20, v30;
	v0 =	vmul.f32 v1, v0  }
0x415: {  	v6 =	vmul.f32 v6, v8;
	v8 =	vadd.f32 $0.0e+00, v24;
	v50 =	vld.idx.msk [tilespmem:v21+s18+$0x0], $0xffff;
	v21 =	vor.u32 $0x14, v43  }
0x416: {  	v30 =	vor.u32 $0x2E, v43;
	v13 =	vld.idx.msk [tilespmem:v3+s17+$0x0], $0xffff;
	v2 =	vmul.f32 v2, v4;
	v4 =	vadd.f32 $0.0e+00, v0  }
0x417: {  	v24 =	vor.u32 $0x2F, v43;
	v6 =	vadd.f32 v6, v8;
	v3 =	vld.idx.msk [tilespmem:v3+s18+$0x0], $0xffff;
	v5 =	vmul.f32 v5, v15  }
0x418: {  	v11 =	vmul.f32 v11, v19;
	v8 =	vmul.f32 v16, v26;
	v2 =	vadd.f32 v2, v4  }
0x419: {  	v44 =	vld [tilespmem:$0x1FFF0];
	v5 =	vadd.f32 v5, v6;
	v4 =	vmul.f32 v7, v9;
	v7 =	vadd.f32 $0.0e+00, v20  }
0x41a: {  	v63 =	vld.idx.msk [tilespmem:v21+s17+$0x0], $0xffff;
	v6 =	vmul.f32 v17, v46;
	v40 =	vor.u32 $0x28, v43;
	v2 =	vadd.f32 v8, v2  }
0x41b: {  	v21 =	vld.idx.msk [tilespmem:v21+s18+$0x0], $0xffff;
	v4 =	vadd.f32 v4, v7  }
0x41c: {  	v3 =	vmul.f32 v3, v13;
	v7 =	vadd.f32 $0.0e+00, v11;
	v2 =	vadd.f32 v6, v2;
	v6 =	vld [tilespmem:$0x1FA90]  }
0x41d: {  	v15 =	vld.idx.msk [tilespmem:v30+s17+$0x0], $0xffff  }
0x41e: {  	v17 =	vld.idx.msk [tilespmem:v24+s18+$0x0], $0xffff;
	v3 =	vadd.f32 v3, v7;
	v7 =	vmul.f32 v23, v45  }
0x41f: {  	v38 =	vld.idx.msk [tilespmem:v40+s17+$0x0], $0xffff;
	v8 =	vmul.f32 v10, v18  }
0x420: {  	v46 =	vld [tilespmem:$0x1FFD0];
	v4 =	vadd.f32 v7, v4  }
0x421: {  	v22 =	vld.idx.msk [tilespmem:v22+s18+$0x0], $0xffff;
	v3 =	vadd.f32 v8, v3;
	v8 =	vmul.f32 v28, v48;
	v6 =	vmul.f32 v49, v6  }
0x422: {  	v21 =	vmul.f32 v21, v63;
	v63 =	vld [tilespmem:$0x1FBD0]  }
0x423: {  	v4 =	vadd.f32 v8, v4;
	v8 =	vmul.f32 v14, v25;
	v5 =	vadd.f32 v6, v5;
	v6 =	vld [tilespmem:$0x1FAA0]  }
0x424: {  	[tilespmem:$0x1FCD0] =	vst v38;
	v38 =	vld.idx.msk [tilespmem:v40+s18+$0x0], $0xffff;
	v40 =	vor.u32 $0x2B, v43  }
0x425: {  	v2 =	vadd.f32 v8, v2;
	v8 =	vld [tilespmem:$0x1FAB0]  }
0x426: {  	v26 =	vld [tilespmem:$0x1FAD0];
	v52 =	vor.u32 $0x29, v43  }
0x427: {  	v12 =	vmul.f32 v12, v29;
	v29 =	vld [tilespmem:$0x1FB40]  }
0x428: {  	v32 =	vmul.f32 v32, v63;
	v63 =	vld [tilespmem:$0x1FC50];
	v6 =	vmul.f32 v50, v6  }
0x429: {  	v19 =	vld.idx.msk [tilespmem:v40+s18+$0x0], $0xffff  }
0x42a: {  	v41 =	vor.u32 $0x2A, v43;
	v8 =	vmul.f32 v51, v8;
	v4 =	vadd.f32 v6, v4;
	v6 =	vld [tilespmem:$0x1FAC0]  }
0x42b: {  	v33 =	vmov v39;
	v39 =	vmov v42;
	v42 =	vld.idx.msk [tilespmem:v52+s17+$0x0], $0xffff  }
0x42c: {  	v5 =	vadd.f32 v8, v5;
	v8 =	vld [tilespmem:$0x1FAE0]  }
0x42d: {  	v52 =	vld.idx.msk [tilespmem:v52+s18+$0x0], $0xffff  }
0x42e: {  	v36 =	vmul.f32 v36, v63;
	v63 =	vld [tilespmem:$0x1FCC0]  }
0x42f: {  	v1 =	vld.idx.msk [tilespmem:v41+s17+$0x0], $0xffff;
	v3 =	vadd.f32 v12, v3;
	v6 =	vmul.f32 v26, v6  }
0x430: {  	v2 =	vadd.f32 v21, v2;
	v21 =	vld [tilespmem:$0x1FB00]  }
0x431: {  	[tilespmem:$0x1FCE0] =	vst v42;
	v42 =	vor.u32 $0x2C, v43;
	v8 =	vmul.f32 v22, v8;
	v3 =	vadd.f32 v6, v3;
	v6 =	vld [tilespmem:$0x1FAF0]  }
0x432: {  	v28 =	vld [tilespmem:$0x1FB20]  }
0x433: {  	v4 =	vadd.f32 v8, v4;
	v8 =	vld [tilespmem:$0x1FB10]  }
0x434: {  	v0 =	vld.idx.msk [tilespmem:v40+s17+$0x0], $0xffff  }
0x435: {  	[tilespmem:$0x1FCF0] =	vst v1;
	v1 =	vld.idx.msk [tilespmem:v41+s18+$0x0], $0xffff  }
0x436: {  	v9 =	vld.idx.msk [tilespmem:v42+s17+$0x0], $0xffff;
	v6 =	vmul.f32 v21, v6  }
0x437: {  	v20 =	vld.idx.msk [tilespmem:v42+s18+$0x0], $0xffff  }
0x438: {  	v8 =	vmul.f32 v28, v8;
	v5 =	vadd.f32 v6, v5;
	v6 =	vld [tilespmem:$0x1FB30]  }
0x439: {  	v41 =	vor.u32 $0x2D, v43;
	v42 =	vld [tilespmem:$0x1FC20]  }
0x43a: {  	v3 =	vadd.f32 v8, v3;
	v8 =	vld [tilespmem:$0x1FB60]  }
0x43b: {  	v10 =	vld.idx.msk [tilespmem:v30+s18+$0x0], $0xffff  }
0x43c: {  	v45 =	vld [tilespmem:$0x1FFC0]  }
0x43d: {  	v6 =	vmul.f32 v29, v6;
	v29 =	vld [tilespmem:$0x1FB50]  }
0x43e: {  	v11 =	vld.idx.msk [tilespmem:v41+s17+$0x0], $0xffff  }
0x43f: {  	v13 =	vld.idx.msk [tilespmem:v41+s18+$0x0], $0xffff;
	v8 =	vmul.f32 v27, v8  }
0x440: {  	v16 =	vor.u32 $0x30, v43;
	v7 =	vld.idx.msk [tilespmem:v24+s17+$0x0], $0xffff  }
0x441: {  	v5 =	vadd.f32 v8, v5;
	v8 =	vld [tilespmem:$0x1FB90]  }
0x442: {  	v2 =	vadd.f32 v6, v2;
	v6 =	vld [tilespmem:$0x1FB70];
	v29 =	vmul.f32 v62, v29  }
0x443: {  	v62 =	vmov v31;
	v31 =	vld [tilespmem:$0x1FBA0]  }
0x444: {  	v4 =	vadd.f32 v29, v4;
	v29 =	vld [tilespmem:$0x1FB80]  }
0x445: {  	v24 =	vld.idx.msk [tilespmem:v16+s17+$0x0], $0xffff  }
0x446: {  	v48 =	vld [tilespmem:$0x1FFE0]  }
0x447: {  	v18 =	vor.u32 $0x31, v43;
	v41 =	vld [tilespmem:$0x1FC00]  }
0x448: {  	v14 =	vld.idx.msk [tilespmem:v16+s18+$0x0], $0xffff;
	v8 =	vmul.f32 v31, v8  }
0x449: {  	v25 =	vor.u32 $0x34, v43;
	v51 =	vld [tilespmem:$0x1FBC0];
	v6 =	vmul.f32 v29, v6  }
0x44a: {  	v2 =	vadd.f32 v8, v2;
	v8 =	vld [tilespmem:$0x1FBE0]  }
0x44b: {  	v23 =	vor.u32 $0x32, v43;
	v3 =	vadd.f32 v6, v3;
	v6 =	vld [tilespmem:$0x1FBB0]  }
0x44c: {  	v12 =	vld.idx.msk [tilespmem:v18+s17+$0x0], $0xffff  }
0x44d: {  	v18 =	vld.idx.msk [tilespmem:v18+s18+$0x0], $0xffff  }
0x44e: {  	v30 =	vld.idx.msk [tilespmem:v25+s17+$0x0], $0xffff  }
0x44f: {  	v16 =	vor.u32 $0x33, v43;
	v25 =	vld.idx.msk [tilespmem:v25+s18+$0x0], $0xffff;
	v8 =	vmul.f32 v35, v8  }
0x450: {  	v22 =	vld.idx.msk [tilespmem:v23+s18+$0x0], $0xffff;
	v6 =	vmul.f32 v51, v6  }
0x451: {  	v28 =	vor.u32 $0x36, v43;
	v3 =	vadd.f32 v8, v3;
	v8 =	vld [tilespmem:$0x1FC10]  }
0x452: {  	v4 =	vadd.f32 v6, v4;
	v6 =	vld [tilespmem:$0x1FBF0]  }
0x453: {  	v26 =	vld.idx.msk [tilespmem:v23+s17+$0x0], $0xffff  }
0x454: {  	v21 =	vld.idx.msk [tilespmem:v16+s17+$0x0], $0xffff  }
0x455: {  	v16 =	vld.idx.msk [tilespmem:v16+s18+$0x0], $0xffff  }
0x456: {  	v49 =	vmov v33;
	v33 =	vld.idx.msk [tilespmem:v28+s17+$0x0], $0xffff;
	v27 =	vor.u32 $0x37, v43;
	v8 =	vmul.f32 v42, v8  }
0x457: {  	v51 =	vld [tilespmem:$0x1FC40];
	v6 =	vmul.f32 v41, v6  }
0x458: {  	v23 =	vor.u32 $0x35, v43;
	v4 =	vadd.f32 v8, v4;
	v8 =	vld [tilespmem:$0x1FC60]  }
0x459: {  	v2 =	vadd.f32 v6, v2;
	v6 =	vld [tilespmem:$0x1FC30]  }
0x45a: {  	v28 =	vld.idx.msk [tilespmem:v28+s18+$0x0], $0xffff  }
0x45b: {  	v5 =	vadd.f32 v32, v5;
	v32 =	vld.idx.msk [tilespmem:v27+s17+$0x0], $0xffff  }
0x45c: {  	v27 =	vld.idx.msk [tilespmem:v27+s18+$0x0], $0xffff  }
0x45d: {  	v29 =	vld.idx.msk [tilespmem:v23+s17+$0x0], $0xffff;
	v8 =	vmul.f32 v37, v8  }
0x45e: {  	v31 =	vor.u32 $0x38, v43;
	v42 =	vld [tilespmem:$0x1FC80];
	v6 =	vmul.f32 v51, v6  }
0x45f: {  	v2 =	vadd.f32 v8, v2;
	v8 =	vld [tilespmem:$0x1FC90]  }
0x460: {  	v50 =	vmov v34;
	v34 =	vor.u32 $0x39, v43;
	v5 =	vadd.f32 v6, v5;
	v6 =	vld [tilespmem:$0x1FC70]  }
0x461: {  	v51 =	vld [tilespmem:$0x1FCA0]  }
0x462: {  	v23 =	vld.idx.msk [tilespmem:v23+s18+$0x0], $0xffff  }
0x463: {  	v40 =	vld.idx.msk [tilespmem:v31+s17+$0x0], $0xffff  }
0x464: {  	v31 =	vld.idx.msk [tilespmem:v31+s18+$0x0], $0xffff  }
0x465: {  	v35 =	vor.u32 $0x3A, v43;
	v3 =	vadd.f32 v36, v3;
	v36 =	vld.idx.msk [tilespmem:v34+s17+$0x0], $0xffff;
	v6 =	vmul.f32 v42, v6  }
0x466: {  	v8 =	vmul.f32 v51, v8;
	v51 =	vld [tilespmem:$0x1FCD0]  }
0x467: {  	v4 =	vadd.f32 v6, v4;
	v6 =	vld [tilespmem:$0x1FCB0]  }
0x468: {  	v5 =	vadd.f32 v8, v5;
	v8 =	vld [tilespmem:$0x1FCE0]  }
0x469: {  	v34 =	vld.idx.msk [tilespmem:v34+s18+$0x0], $0xffff  }
0x46a: {  	v42 =	vld.idx.msk [tilespmem:v35+s17+$0x0], $0xffff  }
0x46b: {  	v37 =	vor.u32 $0x3B, v43;
	v35 =	vld.idx.msk [tilespmem:v35+s18+$0x0], $0xffff  }
0x46c: {  	v41 =	vor.u32 $0x3C, v43;
	v38 =	vmul.f32 v38, v51;
	v51 =	vmovc v39;
	v39 =	vld [tilespmem:$0x1FF70];
	v6 =	vmul.f32 v63, v6  }
0x46d: {  	v0 =	vmul.f32 v19, v0;
	v19 =	vor.u32 $0x3E, v43;
	v8 =	vmul.f32 v52, v8;
	v52 =	vld [tilespmem:$0x1FFB0]  }
0x46e: {  	v3 =	vadd.f32 v6, v3;
	v6 =	vld [tilespmem:$0x1FCF0]  }
0x46f: {  	v2 =	vadd.f32 v38, v2;
	v38 =	vld [tilespmem:$0x1FF60]  }
0x470: {  	v4 =	vadd.f32 v8, v4;
	v8 =	vld.idx.msk [tilespmem:v37+s18+$0x0], $0xffff  }
0x471: {  	v0 =	vadd.f32 v0, v3;
	v3 =	vmul.f32 v10, v15;
	v10 =	vld.idx.msk [tilespmem:v41+s18+$0x0], $0xffff  }
0x472: {  	v15 =	vld.idx.msk [tilespmem:v19+s17+$0x0], $0xffff  }
0x473: {  	v63 =	vor.u32 $0x3D, v43;
	v1 =	vmul.f32 v1, v6;
	v6 =	vld.idx.msk [tilespmem:v37+s17+$0x0], $0xffff  }
0x474: {  	v37 =	vld [tilespmem:$0x1FF50]  }
0x475: {  	v1 =	vadd.f32 v1, v5;
	v5 =	vmul.f32 v20, v9;
	v20 =	vld [tilespmem:$0x1FE40]  }
0x476: {  	v9 =	vmul.f32 v13, v11;
	v11 =	vld.idx.msk [tilespmem:v41+s17+$0x0], $0xffff  }
0x477: {  	v41 =	vld [tilespmem:$0x1FF90]  }
0x478: {  	v2 =	vadd.f32 v5, v2;
	v5 =	vmul.f32 v17, v7;
	v7 =	vld.idx.msk [tilespmem:v63+s17+$0x0], $0xffff  }
0x479: {  	v1 =	vadd.f32 v3, v1;
	v3 =	vmul.f32 v14, v24;
	v24 =	vld [tilespmem:$0x1FE80]  }
0x47a: {  	v4 =	vadd.f32 v9, v4;
	v9 =	vmul.f32 v18, v12;
	v18 =	vld [tilespmem:$0x1FE20]  }
0x47b: {  	v12 =	vld.idx.msk [tilespmem:v63+s18+$0x0], $0xffff  }
0x47c: {  	v14 =	vmul.f32 v16, v21;
	v21 =	vld [tilespmem:$0x1FE50]  }
0x47d: {  	v16 =	vmul.f32 v27, v32;
	v32 =	vld [tilespmem:$0x1FF00]  }
0x47e: {  	v27 =	vld [tilespmem:$0x1FEB0]  }
0x47f: {  	v17 =	vmul.f32 v34, v36;
	v36 =	vld [tilespmem:$0x1FF40]  }
0x480: {  	v34 =	vld [tilespmem:$0x1FF20]  }
0x481: {  	v0 =	vadd.f32 v5, v0;
	v5 =	vmul.f32 v22, v26;
	v26 =	vld [tilespmem:$0x1FEA0]  }
0x482: {  	v22 =	vld [tilespmem:$0x1FE60]  }
0x483: {  	v2 =	vadd.f32 v3, v2;
	v3 =	vadd.f32 v9, v4;
	v4 =	vmul.f32 v25, v30;
	v30 =	vld [tilespmem:$0x1FEE0]  }
0x484: {  	v13 =	vor.u32 $0x3F, v43;
	v25 =	vld [tilespmem:$0x1FE90]  }
0x485: {  	v9 =	vld.idx.msk [tilespmem:v19+s18+$0x0], $0xffff  }
0x486: {  	v19 =	vld [tilespmem:$0x1FE30]  }
0x487: {  	v1 =	vadd.f32 v5, v1;
	v5 =	vmul.f32 v23, v29;
	v29 =	vld [tilespmem:$0x1FED0]  }
0x488: {  	v23 =	vld [tilespmem:$0x1FE70]  }
0x489: {  	v0 =	vadd.f32 v14, v0;
	v14 =	vld.idx.msk [tilespmem:v13+s17+$0x0], $0xffff  }
0x48a: {  	v2 =	vadd.f32 v4, v2;
	v4 =	vmul.f32 v28, v33;
	v33 =	vld [tilespmem:$0x1FF10]  }
0x48b: {  	v28 =	vld [tilespmem:$0x1FEC0]  }
0x48c: {  	v13 =	vld.idx.msk [tilespmem:v13+s18+$0x0], $0xffff  }
0x48d: {  	v3 =	vadd.f32 v5, v3;
	v5 =	vmul.f32 v31, v40;
	v40 =	vld [tilespmem:$0x1FF80]  }
0x48e: {  	v31 =	vld [tilespmem:$0x1FEF0]  }
0x48f: {  	v0 =	vadd.f32 v16, v0;
	v16 =	vld [tilespmem:$0x1FE00]  }
0x490: {  	v1 =	vadd.f32 v4, v1;
	v4 =	vmul.f32 v35, v42;
	v42 =	vld [tilespmem:$0x1FFA0]  }
0x491: {  	v35 =	vld [tilespmem:$0x1FF30];
	v2 =	vadd.f32 v5, v2;
	v3 =	vadd.f32 v17, v3;
	v5 =	vmul.f32 v8, v6  }
0x492: {  	v17 =	vld [tilespmem:$0x1FE10];
	v1 =	vadd.f32 v4, v1;
	v4 =	vmul.f32 v10, v11;
	v6 =	vmul.f32 v12, v7  }
0x493: {  	v8 =	vld [tilespmem:$0x1FD60];
	v7 =	vmul.f32 v13, v14;
	v0 =	vadd.f32 v5, v0;
	v5 =	vmul.f32 v9, v15  }
0x494: {  	v11 =	vld [tilespmem:$0x1FDB0];
	v2 =	vadd.f32 v4, v2;
	v3 =	vadd.f32 v6, v3  }
0x495: {  	v10 =	vld [tilespmem:$0x1FDA0];
	v1 =	vadd.f32 v5, v1;
	v0 =	vadd.f32 v7, v0  }
0x496: {  	v4 =	vld [tilespmem:s22+$0x9400]  }
0x497: {  	v12 =	vld [tilespmem:$0x1FDC0];
	v2 =	vadd.f32 v3, v2;
	v0 =	vadd.f32 v0, v1  }
0x498: {  	v1 =	vld [tilespmem:s22+$0x9600]  }
0x499: {  	v14 =	vld [tilespmem:$0x1FDE0];
	v0 =	vadd.f32 v0, v2  }
0x49a: {  	v2 =	vld [tilespmem:$0x1FD00]  }
0x49b: {  	v13 =	vld [tilespmem:$0x1FDD0];
	v0 =	vadd.f32 v0, v4  }
0x49c: {  	p0 =	sne.s32 s21, $0x7C0;
	v15 =	vld [tilespmem:$0x1FDF0]  }
.Ltmp0:
0x49d: {  	v9 =	vld [tilespmem:$0x1FD80];
	v0 =	vadd.f32 v0, v1;
	(pc) =	sbr.rel @p0 .LBB2_2-.Ltmp0, $4  }
0x49e: {  	v6 =	vld [tilespmem:$0x1FD90]  }
0x49f: {  	v5 =	vld [tilespmem:$0x1FD70];
	v0 =	vadd.f32 v0, v2  }
0x4a0: {  	v7 =	vld [tilespmem:$0x1FD40]  }
0x4a1: {  	s21 =	sadd.s32 $0x40, s21;
	v4 =	vld [tilespmem:$0x1FD50];
	v1 =	vlaneseq.u32;
	[tilespmem:s22+$0x9880] =	vst v0  }
0x4a2: {  	s20 =	sadd.s32 $0x1, s20  }
0x4a3: {  	p0 =	sne.s32 s20, s11  }
.Ltmp1:
0x4a4: {  	_ = 	snop;
	(pc) =	sbr.rel @p0 .LBB2_1-.Ltmp1, $4  }
0x4a5: {  	[hbm4b:s10+s4] =	stream.linear.scatter [tilespmem:s19], [sflag:$0x2], $0x200, $0x38;
	[tilespmem:$0x9A80] =	vst v63  }
0x4a6: {  	_ =	swait.ge [sflag:s12], $0x200  }
0x4a7: {  	[sflag:s12] =	ssyncset.done $0x0  }
0x4a8: {  	[sflag:s12] =	ssyncadd.s32 $0xFFFFFE00  }
0x4a9: {  	_ =	sfence.sel $0x180000  }
0x4aa: {  	[bflag:$0x0] =	sbarrier.arrive $0xFFFF  }
0x4ab: {  	_ =	strace $0x90000047  }
0x4ac: {  	s0 =	stileid.u32;
	[bflag:$0x2] =	sbarrier.arrive $0xFFFF  }
0x4ad: {  	p0 =	sne.s32 s0, $0x0;
	s0 =	rddreg [dreg:$0x6]  }
0x4ae: {  	s0 =	sadd.s32 @!p0 $0x100000, s0  }
0x4af: {  	[sflag:s0] =	ssyncadd.tile.s32 @!p0 $0x1;
	_ =	shalt  }
.Lfunc_end2:
_tile_overlayer_lowered:
.L_overlay_start_2:
0x4b0: {  	(tag) =	ssettag $0x2  }
0x4b1: {  	s0 =	rddreg [dreg:$0x0];
	s2 =	stileid.u32  }
0x4b2: {  	s1 =	rddreg [dreg:$0x1];
	p0 =	sne.s32 s2, $0x0  }
0x4b3: {  	s3 =	rddreg [dreg:$0x2];
	[bflag:$0x3] =	sbarrier.arrive $0xFFFF;
	s2 =	simm.s32 @!p0 $0x1C02  }
0x4b4: {  	[timem:s3], [sflag:s2] =	dma.local @!p0 [hbm:s0], s1  }
0x4b5: {  	s0 =	simm.s32 @!p0 $0x2  }
0x4b6: {  	_ =	swait.ge @!p0 [sflag:s0], s1  }
0x4b7: {  	s1 =	ssub.s32 @!p0 $0x0, s1;
	[sflag:s0] =	ssyncset.done @!p0 $0x0  }
0x4b8: {  	[sflag:s0] =	ssyncadd.s32 @!p0 s1  }
0x4b9: {  	[bflag:$0x3] =	sbarrier.arrive $0xFFFF  }
0x4ba: {  	_ =	shalt  }

</sc_bundles>
